<compile_context>
chip_gen: v7x
topology: tpu7x:2x2x1
jax: 0.10.2.dev20260603
libtpu: 0.0.44.dev20260713+nightly
codegen_flags: <defaults>
</compile_context>

<pallas_src>
import functools

import jax
import jax.numpy as jnp
import numpy as np
from jax import lax
from jax.experimental import pallas as pl
from jax.experimental.pallas import tpu as pltpu
from jax.experimental.pallas import tpu_sc as plsc

N_NODE = 10000
E_EDGE = 320000
D = 128

NUM_CORES = 2
NUM_SUBCORES = 16
CHUNK = 80
EPT = E_EDGE // NUM_SUBCORES
NCHUNK = EPT // CHUNK
NBINS = 64
ROWS_MAIN = 624

DP = D // 2


def _proj_body(xc, xg, wscg, wdcg, wsgc, wdgc, bscg, bdcg, bsgc, bdgc,
               wccg, bccg, wcgc, bcgc, eat, eas,
               hs_cg, hd_cg, hs_gc, hd_gc, gcg, ggc):
    xcv = xc[...]
    xgv = xg[...]
    f32 = jnp.float32

    def pack(v):
        h = lax.bitcast_convert_type(v.astype(jnp.bfloat16), jnp.uint16)
        lo = h[:, :DP].astype(jnp.uint32)
        hi = h[:, DP:].astype(jnp.uint32) << 16
        return lax.bitcast_convert_type(lo | hi, jnp.int32)

    hs_cg[...] = pack(jnp.dot(xcv, wscg[...], preferred_element_type=f32)
                      + bscg[...])
    hd_cg[...] = pack(jnp.dot(xgv, wdcg[...], preferred_element_type=f32)
                      + bdcg[...])
    hs_gc[...] = pack(jnp.dot(xgv, wsgc[...], preferred_element_type=f32)
                      + bsgc[...])
    hd_gc[...] = pack(jnp.dot(xcv, wdgc[...], preferred_element_type=f32)
                      + bdgc[...])
    for wc, bc, gout in ((wccg, bccg, gcg), (wcgc, bcgc, ggc)):
        tp = jnp.dot(eat[...], wc[0:32, :], preferred_element_type=f32)[0:10]
        sp = jnp.dot(eas[...], wc[32:64, :], preferred_element_type=f32)[0:5]
        z = tp[:, None, :] + sp[None, :, :] + bc[...][None, :, :]
        g50 = jax.nn.sigmoid(z.reshape(50, D)) * 0.25
        gout[...] = jnp.concatenate(
            [g50, jnp.zeros((NBINS - 50, D), f32)], axis=0)


def _project(xc, xg, wscg, wdcg, wsgc, wdgc, bscg, bdcg, bsgc, bdgc,
             wccg, bccg, wcgc, bcgc, eat, eas):
    nb = 25
    br = N_NODE // nb
    row = pl.BlockSpec((br, D), lambda i: (i, 0))
    full = lambda s: pl.BlockSpec(s, lambda i: tuple(0 for _ in s))
    return pl.pallas_call(
        _proj_body,
        grid=(nb,),
        in_specs=[row, row] + [full((D, D))] * 4 + [full((1, D))] * 4
        + [full((64, D)), full((1, D)), full((64, D)), full((1, D)),
           full((16, 32)), full((8, 32))],
        out_specs=[pl.BlockSpec((br, DP), lambda i: (i, 0))] * 4
        + [full((NBINS, D))] * 2,
        out_shape=[jax.ShapeDtypeStruct((N_NODE, DP), jnp.int32)] * 4
        + [jax.ShapeDtypeStruct((NBINS, D), jnp.float32)] * 2,
    )(xc, xg, wscg, wdcg, wsgc, wdgc, bscg, bdcg, bsgc, bdgc,
      wccg, bccg, wcgc, bcgc, eat, eas)


def _sc_body(hs0, hd0, gt0, si0, di0, gi0, hs1, hd1, gt1, si1, di1, gi1,
             out0, out1,
             acc, gts,
             sib0, sib1, dib0, dib1, gib0, gib1,
             hsb0, hsb1, hdb0, hdb1, gb0, gb1,
             sem_i0, sem_i1, sem_h0, sem_h1, sem_d0, sem_d1, sem_g0, sem_g1):
    cid = lax.axis_index("c")
    sid = lax.axis_index("s")
    zero16 = jnp.zeros((16,), jnp.float32)

    def zrow(i, carry):
        for j in range(8):
            gb0[i, pl.ds(j * 16, 16)] = zero16
        return carry

    lax.fori_loop(0, CHUNK, zrow, 0)
    rbase = pl.multiple_of(sid * ROWS_MAIN, 8)

    def zfill(rstart, n80, tail):
        for t in range(n80):
            pltpu.sync_copy(gb0.at[:, :],
                            acc.at[pl.ds(rstart + t * CHUNK, CHUNK), :])
        if tail:
            pltpu.sync_copy(gb0.at[pl.ds(0, tail), :],
                            acc.at[pl.ds(rstart + n80 * CHUNK, tail), :])

    @pl.when(sid < 15)
    def _():
        zfill(rbase, 7, 64)

    @pl.when(sid == 15)
    def _():
        zfill(15 * ROWS_MAIN, 8, 0)

    @pl.when(sid == 0)
    def _():
        @pl.when(cid == 0)
        def _():
            pltpu.sync_copy(gt0, gts)

        @pl.when(cid == 1)
        def _():
            pltpu.sync_copy(gt1, gts)

    plsc.subcore_barrier()

    def run_type(hs, hd, si, di, gi, out):
        ebase0 = sid * EPT
        ibufs = ((sib0, dib0, gib0, sem_i0), (sib1, dib1, gib1, sem_i1))
        dbufs = ((hsb0, hdb0, gb0, sem_h0, sem_d0, sem_g0),
                 (hsb1, hdb1, gb1, sem_h1, sem_d1, sem_g1))

        def fire_idx(c, p):
            sb, db, gb_, sm = ibufs[p]
            eb = pl.multiple_of(ebase0 + c * CHUNK, 8)
            pltpu.async_copy(si.at[pl.ds(eb, CHUNK)], sb, sm)
            pltpu.async_copy(di.at[pl.ds(eb, CHUNK)], db, sm)
            pltpu.async_copy(gi.at[pl.ds(eb, CHUNK)], gb_, sm)

        def wait_idx(p):
            sb, db, gb_, sm = ibufs[p]
            pltpu.make_async_copy(si.at[pl.ds(0, CHUNK)], sb, sm).wait()
            pltpu.make_async_copy(si.at[pl.ds(0, CHUNK)], db, sm).wait()
            pltpu.make_async_copy(si.at[pl.ds(0, CHUNK)], gb_, sm).wait()

        def fire_rows(p):
            sb, db, gb_, _ = ibufs[p]
            hb, hdb, gb2, sh, sd, sg = dbufs[p]
            pltpu.async_copy(hs.at[sb], hb, sh)
            pltpu.async_copy(hd.at[db], hdb, sd)
            pltpu.async_copy(gts.at[gb_], gb2, sg)

        def wait_rows(p):
            sb, db, gb_, _ = ibufs[p]
            hb, hdb, gb2, sh, sd, sg = dbufs[p]
            pltpu.make_async_copy(hs.at[sb], hb, sh).wait()
            pltpu.make_async_copy(hd.at[db], hdb, sd).wait()
            pltpu.make_async_copy(gts.at[gb_], gb2, sg).wait()

        fire_idx(0, 0)
        fire_idx(1, 1)
        wait_idx(0)
        fire_rows(0)

        himask = jnp.full((16,), -65536, jnp.int32)

        def step(t, carry):
            for p in (0, 1):
                c = 2 * t + p
                wait_rows(p)
                hb, hdb, gb2, _, _, _ = dbufs[p]

                @pl.when(c + 1 < NCHUNK)
                def _():
                    wait_idx(1 - p)
                    fire_rows(1 - p)

                def crow(i):
                    for j in range(4):
                        s16 = pl.ds(j * 16, 16)
                        hv = hb[i, s16]
                        dv = hdb[i, s16]
                        hlo = lax.bitcast_convert_type(hv << 16, jnp.float32)
                        dlo = lax.bitcast_convert_type(dv << 16, jnp.float32)
                        hhi = lax.bitcast_convert_type(hv & himask, jnp.float32)
                        dhi = lax.bitcast_convert_type(dv & himask, jnp.float32)
                        sb2 = pl.ds(j * 16 + DP, 16)
                        gb2[i, s16] = (hlo + dlo) * gb2[i, s16]
                        gb2[i, sb2] = (hhi + dhi) * gb2[i, sb2]

                plsc.parallel_loop(0, CHUNK, unroll=4)(crow)

                db = ibufs[p][1]
                pltpu.sync_copy(gb2, acc.at[db], add=True)

                @pl.when(c + 2 < NCHUNK)
                def _():
                    fire_idx(c + 2, p)
            return carry

        lax.fori_loop(0, NCHUNK // 2, step, 0)
        plsc.subcore_barrier()

        @pl.when(sid < 15)
        def _():
            pltpu.sync_copy(acc.at[pl.ds(rbase, ROWS_MAIN), :],
                            out.at[pl.ds(rbase, ROWS_MAIN), :])

        @pl.when(sid == 15)
        def _():
            pltpu.sync_copy(acc.at[pl.ds(15 * ROWS_MAIN, 640), :],
                            out.at[pl.ds(15 * ROWS_MAIN, 640), :])

    @pl.when(cid == 0)
    def _():
        run_type(hs0, hd0, si0, di0, gi0, out0)

    @pl.when(cid == 1)
    def _():
        run_type(hs1, hd1, si1, di1, gi1, out1)


def _sc_edge_pass(hs0, hd0, gt0, si0, di0, gi0, hs1, hd1, gt1, si1, di1, gi1):
    mesh = plsc.VectorSubcoreMesh(core_axis_name="c", subcore_axis_name="s",
                                  num_cores=NUM_CORES, num_subcores=NUM_SUBCORES)
    f = pl.kernel(
        _sc_body,
        out_type=(jax.ShapeDtypeStruct((N_NODE, D), jnp.float32),
                  jax.ShapeDtypeStruct((N_NODE, D), jnp.float32)),
        mesh=mesh,
        compiler_params=pltpu.CompilerParams(use_tc_tiling_on_sc=False),
        scratch_types=[
            pltpu.VMEM_SHARED((N_NODE, D), jnp.float32),
            pltpu.VMEM_SHARED((NBINS, D), jnp.float32),
            pltpu.VMEM((CHUNK,), jnp.int32),
            pltpu.VMEM((CHUNK,), jnp.int32),
            pltpu.VMEM((CHUNK,), jnp.int32),
            pltpu.VMEM((CHUNK,), jnp.int32),
            pltpu.VMEM((CHUNK,), jnp.int32),
            pltpu.VMEM((CHUNK,), jnp.int32),
            pltpu.VMEM((CHUNK, DP), jnp.int32),
            pltpu.VMEM((CHUNK, DP), jnp.int32),
            pltpu.VMEM((CHUNK, DP), jnp.int32),
            pltpu.VMEM((CHUNK, DP), jnp.int32),
            pltpu.VMEM((CHUNK, D), jnp.float32),
            pltpu.VMEM((CHUNK, D), jnp.float32),
            pltpu.SemaphoreType.DMA,
            pltpu.SemaphoreType.DMA,
            pltpu.SemaphoreType.DMA,
            pltpu.SemaphoreType.DMA,
            pltpu.SemaphoreType.DMA,
            pltpu.SemaphoreType.DMA,
            pltpu.SemaphoreType.DMA,
            pltpu.SemaphoreType.DMA,
        ],
    )
    return f(hs0, hd0, gt0, si0, di0, gi0, hs1, hd1, gt1, si1, di1, gi1)


def _out_body(ac, ag, wc, bc, wg, bg, oc, og):
    f32 = jnp.float32
    oc[...] = jnp.dot(ac[...], wc[...], preferred_element_type=f32) + bc[...]
    og[...] = jnp.dot(ag[...], wg[...], preferred_element_type=f32) + bg[...]


def _out_proj(ac, ag, wc, bc, wg, bg):
    nb = 10
    br = N_NODE // nb
    row = pl.BlockSpec((br, D), lambda i: (i, 0))
    full = lambda s: pl.BlockSpec(s, lambda i: tuple(0 for _ in s))
    return pl.pallas_call(
        _out_body,
        grid=(nb,),
        in_specs=[row, row, full((D, D)), full((1, D)), full((D, D)), full((1, D))],
        out_specs=[row, row],
        out_shape=[jax.ShapeDtypeStruct((N_NODE, D), jnp.float32)] * 2,
    )(ac, ag, wc, bc, wg, bg)


@jax.jit
def kernel(x_chemical, x_gene, edge_index_cg, edge_index_gc, edge_attr_cg,
           edge_attr_gc, W_src_cg, b_src_cg, W_dst_cg, b_dst_cg, W_cat_cg,
           b_cat_cg, attn_cg, W_src_gc, b_src_gc, W_dst_gc, b_dst_gc, W_cat_gc,
           b_cat_gc, attn_gc, emb_action_type, emb_action_subject,
           W_out_chemical, b_out_chemical, W_out_gene, b_out_gene):
    del attn_cg, attn_gc
    eat = jnp.zeros((16, 32), jnp.float32).at[:10, :].set(emb_action_type)
    eas = jnp.zeros((8, 32), jnp.float32).at[:5, :].set(emb_action_subject)
    r1 = lambda b: b.reshape(1, D)

    hs_cg, hd_cg, hs_gc, hd_gc, gcg, ggc = _project(
        x_chemical, x_gene, W_src_cg, W_dst_cg, W_src_gc, W_dst_gc,
        r1(b_src_cg), r1(b_dst_cg), r1(b_src_gc), r1(b_dst_gc),
        W_cat_cg, r1(b_cat_cg), W_cat_gc, r1(b_cat_gc), eat, eas)

    i32 = jnp.int32
    gi_cg = (edge_attr_cg[:, 0] * 5 + edge_attr_cg[:, 1]).astype(i32)
    gi_gc = (edge_attr_gc[:, 0] * 5 + edge_attr_gc[:, 1]).astype(i32)

    aggr_gene, aggr_chem = _sc_edge_pass(
        hs_cg, hd_cg, gcg,
        edge_index_cg[0].astype(i32), edge_index_cg[1].astype(i32), gi_cg,
        hs_gc, hd_gc, ggc,
        edge_index_gc[0].astype(i32), edge_index_gc[1].astype(i32), gi_gc)

    out_chem, out_gene = _out_proj(
        aggr_chem, aggr_gene, W_out_chemical, r1(b_out_chemical),
        W_out_gene, r1(b_out_gene))
    return (out_chem, out_gene)

# --- scband reference (transcript-rebuilt; emitter-appended) ---
"""Pipeline reference for scband-edge-attr-hetero-conv-13091060318486 (READ-ONLY COPY).

The authoritative reference and input builder live on the scoring server;
editing this copy changes nothing except your own understanding.
"""

import jax, jax.numpy as jnp
import numpy as np

N_CHEM = 10000
N_GENE = 10000
E = 320000
D_IN = 128
D_OUT = 128
HEADS = 4
DH = D_OUT // HEADS
EA = 32
NUM_AT = 10
NUM_AS = 5


def setup_inputs(seed: int = 0) -> dict:
    key = jax.random.key(seed)
    ks = jax.random.split(key, 24)
    s = 0.05
    inp = {}
    inp["x_chemical"] = jax.random.normal(ks[0], (N_CHEM, D_IN), dtype=jnp.float32)
    inp["x_gene"] = jax.random.normal(ks[1], (N_GENE, D_IN), dtype=jnp.float32)
    inp["edge_index_cg"] = jax.random.randint(ks[2], (2, E), 0, N_GENE)
    inp["edge_index_gc"] = jax.random.randint(ks[3], (2, E), 0, N_CHEM)
    inp["edge_attr_cg"] = jax.random.randint(ks[4], (E, 2), 0, NUM_AS)
    inp["edge_attr_gc"] = jax.random.randint(ks[5], (E, 2), 0, NUM_AS)
    i = 6
    for nme in ["cg", "gc"]:
        inp["W_src_" + nme] = jax.random.normal(ks[i], (D_IN, D_OUT), dtype=jnp.float32) * s; i += 1
        inp["b_src_" + nme] = jnp.zeros((D_OUT,), jnp.float32)
        inp["W_dst_" + nme] = jax.random.normal(ks[i], (D_IN, D_OUT), dtype=jnp.float32) * s; i += 1
        inp["b_dst_" + nme] = jnp.zeros((D_OUT,), jnp.float32)
        inp["W_cat_" + nme] = jax.random.normal(ks[i], (2 * EA, D_OUT), dtype=jnp.float32) * s; i += 1
        inp["b_cat_" + nme] = jnp.zeros((D_OUT,), jnp.float32)
        inp["attn_" + nme] = jax.random.normal(ks[i], (1, HEADS, DH), dtype=jnp.float32) * s; i += 1
    inp["emb_action_type"] = jax.random.normal(ks[i], (NUM_AT, EA), dtype=jnp.float32); i += 1
    inp["emb_action_subject"] = jax.random.normal(ks[i], (NUM_AS, EA), dtype=jnp.float32); i += 1
    inp["W_out_chemical"] = jax.random.normal(ks[i], (D_OUT, D_OUT), dtype=jnp.float32) * s; i += 1
    inp["b_out_chemical"] = jnp.zeros((D_OUT,), jnp.float32)
    inp["W_out_gene"] = jax.random.normal(ks[i], (D_OUT, D_OUT), dtype=jnp.float32) * s; i += 1
    inp["b_out_gene"] = jnp.zeros((D_OUT,), jnp.float32)
    return inp


def reference(x_chemical, x_gene, edge_index_cg, edge_index_gc, edge_attr_cg, edge_attr_gc,
              W_src_cg, b_src_cg, W_dst_cg, b_dst_cg, W_cat_cg, b_cat_cg, attn_cg,
              W_src_gc, b_src_gc, W_dst_gc, b_dst_gc, W_cat_gc, b_cat_gc, attn_gc,
              emb_action_type, emb_action_subject,
              W_out_chemical, b_out_chemical, W_out_gene, b_out_gene):
    def edge_pass(src_x, dst_x, ei, ea, Ws, bs, Wd, bd, Wc, bc, attn, num_dst):
        si = ei[0]
        di = ei[1]
        msg_src = src_x[si] @ Ws + bs
        msg_dst = dst_x[di] @ Wd + bd
        msg = msg_src + msg_dst
        te = emb_action_type[ea[:, 0]]
        se = emb_action_subject[ea[:, 1]]
        edge_emb = jnp.concatenate([te, se], axis=-1)
        gate = jax.nn.sigmoid(edge_emb @ Wc + bc)
        msg = msg * gate
        aw = (msg.reshape(-1, HEADS, DH) * attn).sum(axis=-1)
        aw = jax.nn.softmax(aw, axis=-1)
        msg = msg * aw.mean(axis=-1, keepdims=True)
        return jax.ops.segment_sum(msg, di, num_segments=num_dst)

    aggr_gene = edge_pass(x_chemical, x_gene, edge_index_cg, edge_attr_cg,
                          W_src_cg, b_src_cg, W_dst_cg, b_dst_cg, W_cat_cg, b_cat_cg, attn_cg, N_GENE)
    aggr_chem = edge_pass(x_gene, x_chemical, edge_index_gc, edge_attr_gc,
                          W_src_gc, b_src_gc, W_dst_gc, b_dst_gc, W_cat_gc, b_cat_gc, attn_gc, N_CHEM)
    # each node type receives exactly one message tensor, so stack+mean is identity
    out_chem = aggr_chem @ W_out_chemical + b_out_chemical
    out_gene = aggr_gene @ W_out_gene + b_out_gene
    return (out_chem, out_gene)

if __name__ == "__main__":
    import jax
    _d = setup_inputs()
    print(jax.jit(kernel)(*tuple(_d.values())))

</pallas_src>

<mosaic_0001>
#map = affine_map<(d0, d1) -> (0, 0)>
#map1 = affine_map<(d0, d1) -> (0)>
module attributes {stable_mosaic.version = 14 : i64} {
  func.func @_sc_body(%arg0: i32, %arg1: i32, %arg2: memref<10000x64xi32, #tpu.memory_space<hbm>>, %arg3: memref<10000x64xi32, #tpu.memory_space<hbm>>, %arg4: memref<64x128xf32, #tpu.memory_space<hbm>>, %arg5: memref<320000xi32, #tpu.memory_space<hbm>>, %arg6: memref<320000xi32, #tpu.memory_space<hbm>>, %arg7: memref<320000xi32, #tpu.memory_space<hbm>>, %arg8: memref<10000x64xi32, #tpu.memory_space<hbm>>, %arg9: memref<10000x64xi32, #tpu.memory_space<hbm>>, %arg10: memref<64x128xf32, #tpu.memory_space<hbm>>, %arg11: memref<320000xi32, #tpu.memory_space<hbm>>, %arg12: memref<320000xi32, #tpu.memory_space<hbm>>, %arg13: memref<320000xi32, #tpu.memory_space<hbm>>, %arg14: memref<10000x128xf32, #tpu.memory_space<hbm>>, %arg15: memref<10000x128xf32, #tpu.memory_space<hbm>>, %arg16: memref<10000x128xf32, #tpu.memory_space<vmem_shared>>, %arg17: memref<64x128xf32, #tpu.memory_space<vmem_shared>>, %arg18: memref<80xi32, #tpu.memory_space<vmem>>, %arg19: memref<80xi32, #tpu.memory_space<vmem>>, %arg20: memref<80xi32, #tpu.memory_space<vmem>>, %arg21: memref<80xi32, #tpu.memory_space<vmem>>, %arg22: memref<80xi32, #tpu.memory_space<vmem>>, %arg23: memref<80xi32, #tpu.memory_space<vmem>>, %arg24: memref<80x64xi32, #tpu.memory_space<vmem>>, %arg25: memref<80x64xi32, #tpu.memory_space<vmem>>, %arg26: memref<80x64xi32, #tpu.memory_space<vmem>>, %arg27: memref<80x64xi32, #tpu.memory_space<vmem>>, %arg28: memref<80x128xf32, #tpu.memory_space<vmem>>, %arg29: memref<80x128xf32, #tpu.memory_space<vmem>>, %arg30: memref<!tpu.dma_semaphore, #tpu.memory_space<semaphore_mem>>, %arg31: memref<!tpu.dma_semaphore, #tpu.memory_space<semaphore_mem>>, %arg32: memref<!tpu.dma_semaphore, #tpu.memory_space<semaphore_mem>>, %arg33: memref<!tpu.dma_semaphore, #tpu.memory_space<semaphore_mem>>, %arg34: memref<!tpu.dma_semaphore, #tpu.memory_space<semaphore_mem>>, %arg35: memref<!tpu.dma_semaphore, #tpu.memory_space<semaphore_mem>>, %arg36: memref<!tpu.dma_semaphore, #tpu.memory_space<semaphore_mem>>, %arg37: memref<!tpu.dma_semaphore, #tpu.memory_space<semaphore_mem>>) attributes {dimension_semantics = [#tpu.dimension_semantics<core_parallel>, #tpu.dimension_semantics<subcore_parallel>], iteration_bounds = array<i64: 2, 16>, scalar_prefetch = 0 : i64, scratch_operands = 22 : i64, tpu.core_type = #tpu.core_type<sc_vector_subcore>, window_params = [{transform_indices = #map}, {transform_indices = #map}, {transform_indices = #map}, {transform_indices = #map1}, {transform_indices = #map1}, {transform_indices = #map1}, {transform_indices = #map}, {transform_indices = #map}, {transform_indices = #map}, {transform_indices = #map1}, {transform_indices = #map1}, {transform_indices = #map1}, {transform_indices = #map}, {transform_indices = #map}]} {
    %broadcast_in_dim3A = arith.constant 0.000000e+00 : f32
    %broadcast_in_dim3A_0 = vector.broadcast %broadcast_in_dim3A : f32 to vector<16xf32>
    %scan3A = arith.constant 0 : i32
    %scan3A_1 = arith.constant 0 : i32
    %scan3A_2 = arith.constant 80 : i32
    %scan3A_3 = arith.addi %scan3A_1, %scan3A_2 : i32
    %scan3A_4 = arith.constant 1 : i32
    scf.for %scan3A_28 = %scan3A_1 to %scan3A_3 step %scan3A_4  : i32 {
      %swap3A = arith.index_cast %scan3A_28 : i32 to index
      %swap3A_29 = arith.constant 0 : index
      %swap3A_30 = tpu.vector_load %arg28[%swap3A, %swap3A_29] {strides = array<i32>} : memref<80x128xf32, #tpu.memory_space<vmem>>, vector<1x16xf32>,
      %swap3A_31 = vector.shape_cast %swap3A_30 : vector<1x16xf32> to vector<16xf32>
      %swap3A_32 = vector.shape_cast %broadcast_in_dim3A_0 : vector<16xf32> to vector<1x16xf32>
      tpu.vector_store %arg28[%swap3A, %swap3A_29], %swap3A_32 {strides = array<i32>} : memref<80x128xf32, #tpu.memory_space<vmem>>, vector<1x16xf32>,
      %swap3A_33 = arith.index_cast %scan3A_28 : i32 to index
      %swap3A_34 = arith.constant 16 : index
      %swap3A_35 = tpu.vector_load %arg28[%swap3A_33, %swap3A_34] {strides = array<i32>} : memref<80x128xf32, #tpu.memory_space<vmem>>, vector<1x16xf32>,
      %swap3A_36 = vector.shape_cast %swap3A_35 : vector<1x16xf32> to vector<16xf32>
      %swap3A_37 = vector.shape_cast %broadcast_in_dim3A_0 : vector<16xf32> to vector<1x16xf32>
      tpu.vector_store %arg28[%swap3A_33, %swap3A_34], %swap3A_37 {strides = array<i32>} : memref<80x128xf32, #tpu.memory_space<vmem>>, vector<1x16xf32>,
      %swap3A_38 = arith.index_cast %scan3A_28 : i32 to index
      %swap3A_39 = arith.constant 32 : index
      %swap3A_40 = tpu.vector_load %arg28[%swap3A_38, %swap3A_39] {strides = array<i32>} : memref<80x128xf32, #tpu.memory_space<vmem>>, vector<1x16xf32>,
      %swap3A_41 = vector.shape_cast %swap3A_40 : vector<1x16xf32> to vector<16xf32>
      %swap3A_42 = vector.shape_cast %broadcast_in_dim3A_0 : vector<16xf32> to vector<1x16xf32>
      tpu.vector_store %arg28[%swap3A_38, %swap3A_39], %swap3A_42 {strides = array<i32>} : memref<80x128xf32, #tpu.memory_space<vmem>>, vector<1x16xf32>,
      %swap3A_43 = arith.index_cast %scan3A_28 : i32 to index
      %swap3A_44 = arith.constant 48 : index
      %swap3A_45 = tpu.vector_load %arg28[%swap3A_43, %swap3A_44] {strides = array<i32>} : memref<80x128xf32, #tpu.memory_space<vmem>>, vector<1x16xf32>,
      %swap3A_46 = vector.shape_cast %swap3A_45 : vector<1x16xf32> to vector<16xf32>
      %swap3A_47 = vector.shape_cast %broadcast_in_dim3A_0 : vector<16xf32> to vector<1x16xf32>
      tpu.vector_store %arg28[%swap3A_43, %swap3A_44], %swap3A_47 {strides = array<i32>} : memref<80x128xf32, #tpu.memory_space<vmem>>, vector<1x16xf32>,
      %swap3A_48 = arith.index_cast %scan3A_28 : i32 to index
      %swap3A_49 = arith.constant 64 : index
      %swap3A_50 = tpu.vector_load %arg28[%swap3A_48, %swap3A_49] {strides = array<i32>} : memref<80x128xf32, #tpu.memory_space<vmem>>, vector<1x16xf32>,
      %swap3A_51 = vector.shape_cast %swap3A_50 : vector<1x16xf32> to vector<16xf32>
      %swap3A_52 = vector.shape_cast %broadcast_in_dim3A_0 : vector<16xf32> to vector<1x16xf32>
      tpu.vector_store %arg28[%swap3A_48, %swap3A_49], %swap3A_52 {strides = array<i32>} : memref<80x128xf32, #tpu.memory_space<vmem>>, vector<1x16xf32>,
      %swap3A_53 = arith.index_cast %scan3A_28 : i32 to index
      %swap3A_54 = arith.constant 80 : index
      %swap3A_55 = tpu.vector_load %arg28[%swap3A_53, %swap3A_54] {strides = array<i32>} : memref<80x128xf32, #tpu.memory_space<vmem>>, vector<1x16xf32>,
      %swap3A_56 = vector.shape_cast %swap3A_55 : vector<1x16xf32> to vector<16xf32>
      %swap3A_57 = vector.shape_cast %broadcast_in_dim3A_0 : vector<16xf32> to vector<1x16xf32>
      tpu.vector_store %arg28[%swap3A_53, %swap3A_54], %swap3A_57 {strides = array<i32>} : memref<80x128xf32, #tpu.memory_space<vmem>>, vector<1x16xf32>,
      %swap3A_58 = arith.index_cast %scan3A_28 : i32 to index
      %swap3A_59 = arith.constant 96 : index
      %swap3A_60 = tpu.vector_load %arg28[%swap3A_58, %swap3A_59] {strides = array<i32>} : memref<80x128xf32, #tpu.memory_space<vmem>>, vector<1x16xf32>,
      %swap3A_61 = vector.shape_cast %swap3A_60 : vector<1x16xf32> to vector<16xf32>
      %swap3A_62 = vector.shape_cast %broadcast_in_dim3A_0 : vector<16xf32> to vector<1x16xf32>
      tpu.vector_store %arg28[%swap3A_58, %swap3A_59], %swap3A_62 {strides = array<i32>} : memref<80x128xf32, #tpu.memory_space<vmem>>, vector<1x16xf32>,
      %swap3A_63 = arith.index_cast %scan3A_28 : i32 to index
      %swap3A_64 = arith.constant 112 : index
      %swap3A_65 = tpu.vector_load %arg28[%swap3A_63, %swap3A_64] {strides = array<i32>} : memref<80x128xf32, #tpu.memory_space<vmem>>, vector<1x16xf32>,
      %swap3A_66 = vector.shape_cast %swap3A_65 : vector<1x16xf32> to vector<16xf32>
      %swap3A_67 = vector.shape_cast %broadcast_in_dim3A_0 : vector<16xf32> to vector<1x16xf32>
      tpu.vector_store %arg28[%swap3A_63, %swap3A_64], %swap3A_67 {strides = array<i32>} : memref<80x128xf32, #tpu.memory_space<vmem>>, vector<1x16xf32>,
    }
    %scan3A_5 = arith.constant 80 : i32
    %mul3A = arith.constant 624 : i32
    %mul3A_6 = arith.muli %arg1, %mul3A : i32
    %multiple_of3A = tpu.assume_multiple %mul3A_6, 8 : i32
    %lt3A = arith.constant 15 : i32
    %lt3A_7 = arith.cmpi slt, %arg1, %lt3A : i32
    %convert_element_type3A = arith.extui %lt3A_7 : i1 to i32
    %cond3A = arith.constant 0 : i32
    %cond3A_8 = arith.cmpi ne, %convert_element_type3A, %cond3A : i32
    scf.if %cond3A_8 {
      %add3A = arith.constant 0 : i32
      %add3A_28 = arith.addi %multiple_of3A, %add3A : i32
      "tpu.region"() ({
        %run_scoped3A = tpu.sem_alloc : memref<!tpu.dma_semaphore, #tpu.memory_space<semaphore_mem>>
        %dma_start3A = arith.constant 0 : i32
        %dma_start3A_43 = arith.constant 0 : i32
        %dma_start3A_44 = tpu.memref_slice %arg28[%dma_start3A, %dma_start3A_43] : memref<80x128xf32, #tpu.memory_space<vmem>> -> memref<80x128xf32, #tpu.memory_space<vmem>>
        %dma_start3A_45 = arith.constant 0 : i32
        %dma_start3A_46 = tpu.memref_slice %arg16[%add3A_28, %dma_start3A_45] : memref<10000x128xf32, #tpu.memory_space<vmem_shared>> -> memref<80x128xf32, #tpu.memory_space<vmem_shared>>
        %dma_start3A_47 = arith.constant 0 : i32
        %dma_start3A_48 = tpu.memref_slice %arg16[%add3A_28, %dma_start3A_47] : memref<10000x128xf32, #tpu.memory_space<vmem_shared>> -> memref<80x128xf32, #tpu.memory_space<vmem_shared>>
        %dma_start3A_49 = arith.constant 0 : i32
        %dma_start3A_50 = arith.constant 0 : i32
        %dma_start3A_51 = tpu.memref_slice %arg28[%dma_start3A_49, %dma_start3A_50] : memref<80x128xf32, #tpu.memory_space<vmem>> -> memref<80x128xf32, #tpu.memory_space<vmem>>
        tpu.enqueue_dma source(%dma_start3A_51 : memref<80x128xf32, #tpu.memory_space<vmem>>) target(%dma_start3A_48 : memref<80x128xf32, #tpu.memory_space<vmem_shared>>) target_semaphore(%run_scoped3A : memref<!tpu.dma_semaphore, #tpu.memory_space<semaphore_mem>>)
        %dma_wait3A = arith.constant 0 : i32
        %dma_wait3A_52 = arith.constant 0 : i32
        %dma_wait3A_53 = tpu.memref_slice %arg28[%dma_wait3A, %dma_wait3A_52] : memref<80x128xf32, #tpu.memory_space<vmem>> -> memref<80x128xf32, #tpu.memory_space<vmem>>
        %dma_wait3A_54 = arith.constant 0 : i32
        %dma_wait3A_55 = tpu.memref_slice %arg16[%add3A_28, %dma_wait3A_54] : memref<10000x128xf32, #tpu.memory_space<vmem_shared>> -> memref<80x128xf32, #tpu.memory_space<vmem_shared>>
        %dma_wait3A_56 = arith.constant 0 : i32
        %dma_wait3A_57 = tpu.memref_slice %arg16[%add3A_28, %dma_wait3A_56] : memref<10000x128xf32, #tpu.memory_space<vmem_shared>> -> memref<80x128xf32, #tpu.memory_space<vmem_shared>>
        %dma_wait3A_58 = arith.constant 0 : i32
        %dma_wait3A_59 = arith.constant 0 : i32
        %dma_wait3A_60 = tpu.memref_slice %arg28[%dma_wait3A_58, %dma_wait3A_59] : memref<80x128xf32, #tpu.memory_space<vmem>> -> memref<80x128xf32, #tpu.memory_space<vmem>>
        tpu.wait_dma2 semaphore(%run_scoped3A : memref<!tpu.dma_semaphore, #tpu.memory_space<semaphore_mem>>) src(%dma_wait3A_60 : memref<80x128xf32, #tpu.memory_space<vmem>>) dst(%dma_wait3A_57 : memref<80x128xf32, #tpu.memory_space<vmem_shared>>)
        tpu.yield
      }) : () -> ()
      %add3A_29 = arith.constant 80 : i32
      %add3A_30 = arith.addi %multiple_of3A, %add3A_29 : i32
      "tpu.region"() ({
        %run_scoped3A = tpu.sem_alloc : memref<!tpu.dma_semaphore, #tpu.memory_space<semaphore_mem>>
        %dma_start3A = arith.constant 0 : i32
        %dma_start3A_43 = arith.constant 0 : i32
        %dma_start3A_44 = tpu.memref_slice %arg28[%dma_start3A, %dma_start3A_43] : memref<80x128xf32, #tpu.memory_space<vmem>> -> memref<80x128xf32, #tpu.memory_space<vmem>>
        %dma_start3A_45 = arith.constant 0 : i32
        %dma_start3A_46 = tpu.memref_slice %arg16[%add3A_30, %dma_start3A_45] : memref<10000x128xf32, #tpu.memory_space<vmem_shared>> -> memref<80x128xf32, #tpu.memory_space<vmem_shared>>
        %dma_start3A_47 = arith.constant 0 : i32
        %dma_start3A_48 = tpu.memref_slice %arg16[%add3A_30, %dma_start3A_47] : memref<10000x128xf32, #tpu.memory_space<vmem_shared>> -> memref<80x128xf32, #tpu.memory_space<vmem_shared>>
        %dma_start3A_49 = arith.constant 0 : i32
        %dma_start3A_50 = arith.constant 0 : i32
        %dma_start3A_51 = tpu.memref_slice %arg28[%dma_start3A_49, %dma_start3A_50] : memref<80x128xf32, #tpu.memory_space<vmem>> -> memref<80x128xf32, #tpu.memory_space<vmem>>
        tpu.enqueue_dma source(%dma_start3A_51 : memref<80x128xf32, #tpu.memory_space<vmem>>) target(%dma_start3A_48 : memref<80x128xf32, #tpu.memory_space<vmem_shared>>) target_semaphore(%run_scoped3A : memref<!tpu.dma_semaphore, #tpu.memory_space<semaphore_mem>>)
        %dma_wait3A = arith.constant 0 : i32
        %dma_wait3A_52 = arith.constant 0 : i32
        %dma_wait3A_53 = tpu.memref_slice %arg28[%dma_wait3A, %dma_wait3A_52] : memref<80x128xf32, #tpu.memory_space<vmem>> -> memref<80x128xf32, #tpu.memory_space<vmem>>
        %dma_wait3A_54 = arith.constant 0 : i32
        %dma_wait3A_55 = tpu.memref_slice %arg16[%add3A_30, %dma_wait3A_54] : memref<10000x128xf32, #tpu.memory_space<vmem_shared>> -> memref<80x128xf32, #tpu.memory_space<vmem_shared>>
        %dma_wait3A_56 = arith.constant 0 : i32
        %dma_wait3A_57 = tpu.memref_slice %arg16[%add3A_30, %dma_wait3A_56] : memref<10000x128xf32, #tpu.memory_space<vmem_shared>> -> memref<80x128xf32, #tpu.memory_space<vmem_shared>>
        %dma_wait3A_58 = arith.constant 0 : i32
        %dma_wait3A_59 = arith.constant 0 : i32
        %dma_wait3A_60 = tpu.memref_slice %arg28[%dma_wait3A_58, %dma_wait3A_59] : memref<80x128xf32, #tpu.memory_space<vmem>> -> memref<80x128xf32, #tpu.memory_space<vmem>>
        tpu.wait_dma2 semaphore(%run_scoped3A : memref<!tpu.dma_semaphore, #tpu.memory_space<semaphore_mem>>) src(%dma_wait3A_60 : memref<80x128xf32, #tpu.memory_space<vmem>>) dst(%dma_wait3A_57 : memref<80x128xf32, #tpu.memory_space<vmem_shared>>)
        tpu.yield
      }) : () -> ()
      %add3A_31 = arith.constant 160 : i32
      %add3A_32 = arith.addi %multiple_of3A, %add3A_31 : i32
      "tpu.region"() ({
        %run_scoped3A = tpu.sem_alloc : memref<!tpu.dma_semaphore, #tpu.memory_space<semaphore_mem>>
        %dma_start3A = arith.constant 0 : i32
        %dma_start3A_43 = arith.constant 0 : i32
        %dma_start3A_44 = tpu.memref_slice %arg28[%dma_start3A, %dma_start3A_43] : memref<80x128xf32, #tpu.memory_space<vmem>> -> memref<80x128xf32, #tpu.memory_space<vmem>>
        %dma_start3A_45 = arith.constant 0 : i32
        %dma_start3A_46 = tpu.memref_slice %arg16[%add3A_32, %dma_start3A_45] : memref<10000x128xf32, #tpu.memory_space<vmem_shared>> -> memref<80x128xf32, #tpu.memory_space<vmem_shared>>
        %dma_start3A_47 = arith.constant 0 : i32
        %dma_start3A_48 = tpu.memref_slice %arg16[%add3A_32, %dma_start3A_47] : memref<10000x128xf32, #tpu.memory_space<vmem_shared>> -> memref<80x128xf32, #tpu.memory_space<vmem_shared>>
        %dma_start3A_49 = arith.constant 0 : i32
        %dma_start3A_50 = arith.constant 0 : i32
        %dma_start3A_51 = tpu.memref_slice %arg28[%dma_start3A_49, %dma_start3A_50] : memref<80x128xf32, #tpu.memory_space<vmem>> -> memref<80x128xf32, #tpu.memory_space<vmem>>
        tpu.enqueue_dma source(%dma_start3A_51 : memref<80x128xf32, #tpu.memory_space<vmem>>) target(%dma_start3A_48 : memref<80x128xf32, #tpu.memory_space<vmem_shared>>) target_semaphore(%run_scoped3A : memref<!tpu.dma_semaphore, #tpu.memory_space<semaphore_mem>>)
        %dma_wait3A = arith.constant 0 : i32
        %dma_wait3A_52 = arith.constant 0 : i32
        %dma_wait3A_53 = tpu.memref_slice %arg28[%dma_wait3A, %dma_wait3A_52] : memref<80x128xf32, #tpu.memory_space<vmem>> -> memref<80x128xf32, #tpu.memory_space<vmem>>
        %dma_wait3A_54 = arith.constant 0 : i32
        %dma_wait3A_55 = tpu.memref_slice %arg16[%add3A_32, %dma_wait3A_54] : memref<10000x128xf32, #tpu.memory_space<vmem_shared>> -> memref<80x128xf32, #tpu.memory_space<vmem_shared>>
        %dma_wait3A_56 = arith.constant 0 : i32
        %dma_wait3A_57 = tpu.memref_slice %arg16[%add3A_32, %dma_wait3A_56] : memref<10000x128xf32, #tpu.memory_space<vmem_shared>> -> memref<80x128xf32, #tpu.memory_space<vmem_shared>>
        %dma_wait3A_58 = arith.constant 0 : i32
        %dma_wait3A_59 = arith.constant 0 : i32
        %dma_wait3A_60 = tpu.memref_slice %arg28[%dma_wait3A_58, %dma_wait3A_59] : memref<80x128xf32, #tpu.memory_space<vmem>> -> memref<80x128xf32, #tpu.memory_space<vmem>>
        tpu.wait_dma2 semaphore(%run_scoped3A : memref<!tpu.dma_semaphore, #tpu.memory_space<semaphore_mem>>) src(%dma_wait3A_60 : memref<80x128xf32, #tpu.memory_space<vmem>>) dst(%dma_wait3A_57 : memref<80x128xf32, #tpu.memory_space<vmem_shared>>)
        tpu.yield
      }) : () -> ()
      %add3A_33 = arith.constant 240 : i32
      %add3A_34 = arith.addi %multiple_of3A, %add3A_33 : i32
      "tpu.region"() ({
        %run_scoped3A = tpu.sem_alloc : memref<!tpu.dma_semaphore, #tpu.memory_space<semaphore_mem>>
        %dma_start3A = arith.constant 0 : i32
        %dma_start3A_43 = arith.constant 0 : i32
        %dma_start3A_44 = tpu.memref_slice %arg28[%dma_start3A, %dma_start3A_43] : memref<80x128xf32, #tpu.memory_space<vmem>> -> memref<80x128xf32, #tpu.memory_space<vmem>>
        %dma_start3A_45 = arith.constant 0 : i32
        %dma_start3A_46 = tpu.memref_slice %arg16[%add3A_34, %dma_start3A_45] : memref<10000x128xf32, #tpu.memory_space<vmem_shared>> -> memref<80x128xf32, #tpu.memory_space<vmem_shared>>
        %dma_start3A_47 = arith.constant 0 : i32
        %dma_start3A_48 = tpu.memref_slice %arg16[%add3A_34, %dma_start3A_47] : memref<10000x128xf32, #tpu.memory_space<vmem_shared>> -> memref<80x128xf32, #tpu.memory_space<vmem_shared>>
        %dma_start3A_49 = arith.constant 0 : i32
        %dma_start3A_50 = arith.constant 0 : i32
        %dma_start3A_51 = tpu.memref_slice %arg28[%dma_start3A_49, %dma_start3A_50] : memref<80x128xf32, #tpu.memory_space<vmem>> -> memref<80x128xf32, #tpu.memory_space<vmem>>
        tpu.enqueue_dma source(%dma_start3A_51 : memref<80x128xf32, #tpu.memory_space<vmem>>) target(%dma_start3A_48 : memref<80x128xf32, #tpu.memory_space<vmem_shared>>) target_semaphore(%run_scoped3A : memref<!tpu.dma_semaphore, #tpu.memory_space<semaphore_mem>>)
        %dma_wait3A = arith.constant 0 : i32
        %dma_wait3A_52 = arith.constant 0 : i32
        %dma_wait3A_53 = tpu.memref_slice %arg28[%dma_wait3A, %dma_wait3A_52] : memref<80x128xf32, #tpu.memory_space<vmem>> -> memref<80x128xf32, #tpu.memory_space<vmem>>
        %dma_wait3A_54 = arith.constant 0 : i32
        %dma_wait3A_55 = tpu.memref_slice %arg16[%add3A_34, %dma_wait3A_54] : memref<10000x128xf32, #tpu.memory_space<vmem_shared>> -> memref<80x128xf32, #tpu.memory_space<vmem_shared>>
        %dma_wait3A_56 = arith.constant 0 : i32
        %dma_wait3A_57 = tpu.memref_slice %arg16[%add3A_34, %dma_wait3A_56] : memref<10000x128xf32, #tpu.memory_space<vmem_shared>> -> memref<80x128xf32, #tpu.memory_space<vmem_shared>>
        %dma_wait3A_58 = arith.constant 0 : i32
        %dma_wait3A_59 = arith.constant 0 : i32
        %dma_wait3A_60 = tpu.memref_slice %arg28[%dma_wait3A_58, %dma_wait3A_59] : memref<80x128xf32, #tpu.memory_space<vmem>> -> memref<80x128xf32, #tpu.memory_space<vmem>>
        tpu.wait_dma2 semaphore(%run_scoped3A : memref<!tpu.dma_semaphore, #tpu.memory_space<semaphore_mem>>) src(%dma_wait3A_60 : memref<80x128xf32, #tpu.memory_space<vmem>>) dst(%dma_wait3A_57 : memref<80x128xf32, #tpu.memory_space<vmem_shared>>)
        tpu.yield
      }) : () -> ()
      %add3A_35 = arith.constant 320 : i32
      %add3A_36 = arith.addi %multiple_of3A, %add3A_35 : i32
      "tpu.region"() ({
        %run_scoped3A = tpu.sem_alloc : memref<!tpu.dma_semaphore, #tpu.memory_space<semaphore_mem>>
        %dma_start3A = arith.constant 0 : i32
        %dma_start3A_43 = arith.constant 0 : i32
        %dma_start3A_44 = tpu.memref_slice %arg28[%dma_start3A, %dma_start3A_43] : memref<80x128xf32, #tpu.memory_space<vmem>> -> memref<80x128xf32, #tpu.memory_space<vmem>>
        %dma_start3A_45 = arith.constant 0 : i32
        %dma_start3A_46 = tpu.memref_slice %arg16[%add3A_36, %dma_start3A_45] : memref<10000x128xf32, #tpu.memory_space<vmem_shared>> -> memref<80x128xf32, #tpu.memory_space<vmem_shared>>
        %dma_start3A_47 = arith.constant 0 : i32
        %dma_start3A_48 = tpu.memref_slice %arg16[%add3A_36, %dma_start3A_47] : memref<10000x128xf32, #tpu.memory_space<vmem_shared>> -> memref<80x128xf32, #tpu.memory_space<vmem_shared>>
        %dma_start3A_49 = arith.constant 0 : i32
        %dma_start3A_50 = arith.constant 0 : i32
        %dma_start3A_51 = tpu.memref_slice %arg28[%dma_start3A_49, %dma_start3A_50] : memref<80x128xf32, #tpu.memory_space<vmem>> -> memref<80x128xf32, #tpu.memory_space<vmem>>
        tpu.enqueue_dma source(%dma_start3A_51 : memref<80x128xf32, #tpu.memory_space<vmem>>) target(%dma_start3A_48 : memref<80x128xf32, #tpu.memory_space<vmem_shared>>) target_semaphore(%run_scoped3A : memref<!tpu.dma_semaphore, #tpu.memory_space<semaphore_mem>>)
        %dma_wait3A = arith.constant 0 : i32
        %dma_wait3A_52 = arith.constant 0 : i32
        %dma_wait3A_53 = tpu.memref_slice %arg28[%dma_wait3A, %dma_wait3A_52] : memref<80x128xf32, #tpu.memory_space<vmem>> -> memref<80x128xf32, #tpu.memory_space<vmem>>
        %dma_wait3A_54 = arith.constant 0 : i32
        %dma_wait3A_55 = tpu.memref_slice %arg16[%add3A_36, %dma_wait3A_54] : memref<10000x128xf32, #tpu.memory_space<vmem_shared>> -> memref<80x128xf32, #tpu.memory_space<vmem_shared>>
        %dma_wait3A_56 = arith.constant 0 : i32
        %dma_wait3A_57 = tpu.memref_slice %arg16[%add3A_36, %dma_wait3A_56] : memref<10000x128xf32, #tpu.memory_space<vmem_shared>> -> memref<80x128xf32, #tpu.memory_space<vmem_shared>>
        %dma_wait3A_58 = arith.constant 0 : i32
        %dma_wait3A_59 = arith.constant 0 : i32
        %dma_wait3A_60 = tpu.memref_slice %arg28[%dma_wait3A_58, %dma_wait3A_59] : memref<80x128xf32, #tpu.memory_space<vmem>> -> memref<80x128xf32, #tpu.memory_space<vmem>>
        tpu.wait_dma2 semaphore(%run_scoped3A : memref<!tpu.dma_semaphore, #tpu.memory_space<semaphore_mem>>) src(%dma_wait3A_60 : memref<80x128xf32, #tpu.memory_space<vmem>>) dst(%dma_wait3A_57 : memref<80x128xf32, #tpu.memory_space<vmem_shared>>)
        tpu.yield
      }) : () -> ()
      %add3A_37 = arith.constant 400 : i32
      %add3A_38 = arith.addi %multiple_of3A, %add3A_37 : i32
      "tpu.region"() ({
        %run_scoped3A = tpu.sem_alloc : memref<!tpu.dma_semaphore, #tpu.memory_space<semaphore_mem>>
        %dma_start3A = arith.constant 0 : i32
        %dma_start3A_43 = arith.constant 0 : i32
        %dma_start3A_44 = tpu.memref_slice %arg28[%dma_start3A, %dma_start3A_43] : memref<80x128xf32, #tpu.memory_space<vmem>> -> memref<80x128xf32, #tpu.memory_space<vmem>>
        %dma_start3A_45 = arith.constant 0 : i32
        %dma_start3A_46 = tpu.memref_slice %arg16[%add3A_38, %dma_start3A_45] : memref<10000x128xf32, #tpu.memory_space<vmem_shared>> -> memref<80x128xf32, #tpu.memory_space<vmem_shared>>
        %dma_start3A_47 = arith.constant 0 : i32
        %dma_start3A_48 = tpu.memref_slice %arg16[%add3A_38, %dma_start3A_47] : memref<10000x128xf32, #tpu.memory_space<vmem_shared>> -> memref<80x128xf32, #tpu.memory_space<vmem_shared>>
        %dma_start3A_49 = arith.constant 0 : i32
        %dma_start3A_50 = arith.constant 0 : i32
        %dma_start3A_51 = tpu.memref_slice %arg28[%dma_start3A_49, %dma_start3A_50] : memref<80x128xf32, #tpu.memory_space<vmem>> -> memref<80x128xf32, #tpu.memory_space<vmem>>
        tpu.enqueue_dma source(%dma_start3A_51 : memref<80x128xf32, #tpu.memory_space<vmem>>) target(%dma_start3A_48 : memref<80x128xf32, #tpu.memory_space<vmem_shared>>) target_semaphore(%run_scoped3A : memref<!tpu.dma_semaphore, #tpu.memory_space<semaphore_mem>>)
        %dma_wait3A = arith.constant 0 : i32
        %dma_wait3A_52 = arith.constant 0 : i32
        %dma_wait3A_53 = tpu.memref_slice %arg28[%dma_wait3A, %dma_wait3A_52] : memref<80x128xf32, #tpu.memory_space<vmem>> -> memref<80x128xf32, #tpu.memory_space<vmem>>
        %dma_wait3A_54 = arith.constant 0 : i32
        %dma_wait3A_55 = tpu.memref_slice %arg16[%add3A_38, %dma_wait3A_54] : memref<10000x128xf32, #tpu.memory_space<vmem_shared>> -> memref<80x128xf32, #tpu.memory_space<vmem_shared>>
        %dma_wait3A_56 = arith.constant 0 : i32
        %dma_wait3A_57 = tpu.memref_slice %arg16[%add3A_38, %dma_wait3A_56] : memref<10000x128xf32, #tpu.memory_space<vmem_shared>> -> memref<80x128xf32, #tpu.memory_space<vmem_shared>>
        %dma_wait3A_58 = arith.constant 0 : i32
        %dma_wait3A_59 = arith.constant 0 : i32
        %dma_wait3A_60 = tpu.memref_slice %arg28[%dma_wait3A_58, %dma_wait3A_59] : memref<80x128xf32, #tpu.memory_space<vmem>> -> memref<80x128xf32, #tpu.memory_space<vmem>>
        tpu.wait_dma2 semaphore(%run_scoped3A : memref<!tpu.dma_semaphore, #tpu.memory_space<semaphore_mem>>) src(%dma_wait3A_60 : memref<80x128xf32, #tpu.memory_space<vmem>>) dst(%dma_wait3A_57 : memref<80x128xf32, #tpu.memory_space<vmem_shared>>)
        tpu.yield
      }) : () -> ()
      %add3A_39 = arith.constant 480 : i32
      %add3A_40 = arith.addi %multiple_of3A, %add3A_39 : i32
      "tpu.region"() ({
        %run_scoped3A = tpu.sem_alloc : memref<!tpu.dma_semaphore, #tpu.memory_space<semaphore_mem>>
        %dma_start3A = arith.constant 0 : i32
        %dma_start3A_43 = arith.constant 0 : i32
        %dma_start3A_44 = tpu.memref_slice %arg28[%dma_start3A, %dma_start3A_43] : memref<80x128xf32, #tpu.memory_space<vmem>> -> memref<80x128xf32, #tpu.memory_space<vmem>>
        %dma_start3A_45 = arith.constant 0 : i32
        %dma_start3A_46 = tpu.memref_slice %arg16[%add3A_40, %dma_start3A_45] : memref<10000x128xf32, #tpu.memory_space<vmem_shared>> -> memref<80x128xf32, #tpu.memory_space<vmem_shared>>
        %dma_start3A_47 = arith.constant 0 : i32
        %dma_start3A_48 = tpu.memref_slice %arg16[%add3A_40, %dma_start3A_47] : memref<10000x128xf32, #tpu.memory_space<vmem_shared>> -> memref<80x128xf32, #tpu.memory_space<vmem_shared>>
        %dma_start3A_49 = arith.constant 0 : i32
        %dma_start3A_50 = arith.constant 0 : i32
        %dma_start3A_51 = tpu.memref_slice %arg28[%dma_start3A_49, %dma_start3A_50] : memref<80x128xf32, #tpu.memory_space<vmem>> -> memref<80x128xf32, #tpu.memory_space<vmem>>
        tpu.enqueue_dma source(%dma_start3A_51 : memref<80x128xf32, #tpu.memory_space<vmem>>) target(%dma_start3A_48 : memref<80x128xf32, #tpu.memory_space<vmem_shared>>) target_semaphore(%run_scoped3A : memref<!tpu.dma_semaphore, #tpu.memory_space<semaphore_mem>>)
        %dma_wait3A = arith.constant 0 : i32
        %dma_wait3A_52 = arith.constant 0 : i32
        %dma_wait3A_53 = tpu.memref_slice %arg28[%dma_wait3A, %dma_wait3A_52] : memref<80x128xf32, #tpu.memory_space<vmem>> -> memref<80x128xf32, #tpu.memory_space<vmem>>
        %dma_wait3A_54 = arith.constant 0 : i32
        %dma_wait3A_55 = tpu.memref_slice %arg16[%add3A_40, %dma_wait3A_54] : memref<10000x128xf32, #tpu.memory_space<vmem_shared>> -> memref<80x128xf32, #tpu.memory_space<vmem_shared>>
        %dma_wait3A_56 = arith.constant 0 : i32
        %dma_wait3A_57 = tpu.memref_slice %arg16[%add3A_40, %dma_wait3A_56] : memref<10000x128xf32, #tpu.memory_space<vmem_shared>> -> memref<80x128xf32, #tpu.memory_space<vmem_shared>>
        %dma_wait3A_58 = arith.constant 0 : i32
        %dma_wait3A_59 = arith.constant 0 : i32
        %dma_wait3A_60 = tpu.memref_slice %arg28[%dma_wait3A_58, %dma_wait3A_59] : memref<80x128xf32, #tpu.memory_space<vmem>> -> memref<80x128xf32, #tpu.memory_space<vmem>>
        tpu.wait_dma2 semaphore(%run_scoped3A : memref<!tpu.dma_semaphore, #tpu.memory_space<semaphore_mem>>) src(%dma_wait3A_60 : memref<80x128xf32, #tpu.memory_space<vmem>>) dst(%dma_wait3A_57 : memref<80x128xf32, #tpu.memory_space<vmem_shared>>)
        tpu.yield
      }) : () -> ()
      %add3A_41 = arith.constant 560 : i32
      %add3A_42 = arith.addi %multiple_of3A, %add3A_41 : i32
      "tpu.region"() ({
        %run_scoped3A = tpu.sem_alloc : memref<!tpu.dma_semaphore, #tpu.memory_space<semaphore_mem>>
        %dma_start3A = arith.constant 0 : i32
        %dma_start3A_43 = arith.constant 0 : i32
        %dma_start3A_44 = tpu.memref_slice %arg28[%dma_start3A, %dma_start3A_43] : memref<80x128xf32, #tpu.memory_space<vmem>> -> memref<64x128xf32, #tpu.memory_space<vmem>>
        %dma_start3A_45 = arith.constant 0 : i32
        %dma_start3A_46 = tpu.memref_slice %arg16[%add3A_42, %dma_start3A_45] : memref<10000x128xf32, #tpu.memory_space<vmem_shared>> -> memref<64x128xf32, #tpu.memory_space<vmem_shared>>
        %dma_start3A_47 = arith.constant 0 : i32
        %dma_start3A_48 = tpu.memref_slice %arg16[%add3A_42, %dma_start3A_47] : memref<10000x128xf32, #tpu.memory_space<vmem_shared>> -> memref<64x128xf32, #tpu.memory_space<vmem_shared>>
        %dma_start3A_49 = arith.constant 0 : i32
        %dma_start3A_50 = arith.constant 0 : i32
        %dma_start3A_51 = tpu.memref_slice %arg28[%dma_start3A_49, %dma_start3A_50] : memref<80x128xf32, #tpu.memory_space<vmem>> -> memref<64x128xf32, #tpu.memory_space<vmem>>
        tpu.enqueue_dma source(%dma_start3A_51 : memref<64x128xf32, #tpu.memory_space<vmem>>) target(%dma_start3A_48 : memref<64x128xf32, #tpu.memory_space<vmem_shared>>) target_semaphore(%run_scoped3A : memref<!tpu.dma_semaphore, #tpu.memory_space<semaphore_mem>>)
        %dma_wait3A = arith.constant 0 : i32
        %dma_wait3A_52 = arith.constant 0 : i32
        %dma_wait3A_53 = tpu.memref_slice %arg28[%dma_wait3A, %dma_wait3A_52] : memref<80x128xf32, #tpu.memory_space<vmem>> -> memref<64x128xf32, #tpu.memory_space<vmem>>
        %dma_wait3A_54 = arith.constant 0 : i32
        %dma_wait3A_55 = tpu.memref_slice %arg16[%add3A_42, %dma_wait3A_54] : memref<10000x128xf32, #tpu.memory_space<vmem_shared>> -> memref<64x128xf32, #tpu.memory_space<vmem_shared>>
        %dma_wait3A_56 = arith.constant 0 : i32
        %dma_wait3A_57 = tpu.memref_slice %arg16[%add3A_42, %dma_wait3A_56] : memref<10000x128xf32, #tpu.memory_space<vmem_shared>> -> memref<64x128xf32, #tpu.memory_space<vmem_shared>>
        %dma_wait3A_58 = arith.constant 0 : i32
        %dma_wait3A_59 = arith.constant 0 : i32
        %dma_wait3A_60 = tpu.memref_slice %arg28[%dma_wait3A_58, %dma_wait3A_59] : memref<80x128xf32, #tpu.memory_space<vmem>> -> memref<64x128xf32, #tpu.memory_space<vmem>>
        tpu.wait_dma2 semaphore(%run_scoped3A : memref<!tpu.dma_semaphore, #tpu.memory_space<semaphore_mem>>) src(%dma_wait3A_60 : memref<64x128xf32, #tpu.memory_space<vmem>>) dst(%dma_wait3A_57 : memref<64x128xf32, #tpu.memory_space<vmem_shared>>)
        tpu.yield
      }) : () -> ()
    } else {
    }
    %eq3A = arith.constant 15 : i32
    %eq3A_9 = arith.cmpi eq, %arg1, %eq3A : i32
    %convert_element_type3A_10 = arith.extui %eq3A_9 : i1 to i32
    %cond3A_11 = arith.constant 0 : i32
    %cond3A_12 = arith.cmpi ne, %convert_element_type3A_10, %cond3A_11 : i32
    scf.if %cond3A_12 {
      "tpu.region"() ({
        %run_scoped3A = tpu.sem_alloc : memref<!tpu.dma_semaphore, #tpu.memory_space<semaphore_mem>>
        %dma_start3A = arith.constant 0 : i32
        %dma_start3A_28 = arith.constant 0 : i32
        %dma_start3A_29 = tpu.memref_slice %arg28[%dma_start3A, %dma_start3A_28] : memref<80x128xf32, #tpu.memory_space<vmem>> -> memref<80x128xf32, #tpu.memory_space<vmem>>
        %dma_start3A_30 = arith.constant 9360 : i32
        %dma_start3A_31 = arith.constant 0 : i32
        %dma_start3A_32 = tpu.memref_slice %arg16[%dma_start3A_30, %dma_start3A_31] : memref<10000x128xf32, #tpu.memory_space<vmem_shared>> -> memref<80x128xf32, #tpu.memory_space<vmem_shared>>
        %dma_start3A_33 = arith.constant 9360 : i32
        %dma_start3A_34 = arith.constant 0 : i32
        %dma_start3A_35 = tpu.memref_slice %arg16[%dma_start3A_33, %dma_start3A_34] : memref<10000x128xf32, #tpu.memory_space<vmem_shared>> -> memref<80x128xf32, #tpu.memory_space<vmem_shared>>
        %dma_start3A_36 = arith.constant 0 : i32
        %dma_start3A_37 = arith.constant 0 : i32
        %dma_start3A_38 = tpu.memref_slice %arg28[%dma_start3A_36, %dma_start3A_37] : memref<80x128xf32, #tpu.memory_space<vmem>> -> memref<80x128xf32, #tpu.memory_space<vmem>>
        tpu.enqueue_dma source(%dma_start3A_38 : memref<80x128xf32, #tpu.memory_space<vmem>>) target(%dma_start3A_35 : memref<80x128xf32, #tpu.memory_space<vmem_shared>>) target_semaphore(%run_scoped3A : memref<!tpu.dma_semaphore, #tpu.memory_space<semaphore_mem>>)
        %dma_wait3A = arith.constant 0 : i32
        %dma_wait3A_39 = arith.constant 0 : i32
        %dma_wait3A_40 = tpu.memref_slice %arg28[%dma_wait3A, %dma_wait3A_39] : memref<80x128xf32, #tpu.memory_space<vmem>> -> memref<80x128xf32, #tpu.memory_space<vmem>>
        %dma_wait3A_41 = arith.constant 9360 : i32
        %dma_wait3A_42 = arith.constant 0 : i32
        %dma_wait3A_43 = tpu.memref_slice %arg16[%dma_wait3A_41, %dma_wait3A_42] : memref<10000x128xf32, #tpu.memory_space<vmem_shared>> -> memref<80x128xf32, #tpu.memory_space<vmem_shared>>
        %dma_wait3A_44 = arith.constant 9360 : i32
        %dma_wait3A_45 = arith.constant 0 : i32
        %dma_wait3A_46 = tpu.memref_slice %arg16[%dma_wait3A_44, %dma_wait3A_45] : memref<10000x128xf32, #tpu.memory_space<vmem_shared>> -> memref<80x128xf32, #tpu.memory_space<vmem_shared>>
        %dma_wait3A_47 = arith.constant 0 : i32
        %dma_wait3A_48 = arith.constant 0 : i32
        %dma_wait3A_49 = tpu.memref_slice %arg28[%dma_wait3A_47, %dma_wait3A_48] : memref<80x128xf32, #tpu.memory_space<vmem>> -> memref<80x128xf32, #tpu.memory_space<vmem>>
        tpu.wait_dma2 semaphore(%run_scoped3A : memref<!tpu.dma_semaphore, #tpu.memory_space<semaphore_mem>>) src(%dma_wait3A_49 : memref<80x128xf32, #tpu.memory_space<vmem>>) dst(%dma_wait3A_46 : memref<80x128xf32, #tpu.memory_space<vmem_shared>>)
        tpu.yield
      }) : () -> ()
      "tpu.region"() ({
        %run_scoped3A = tpu.sem_alloc : memref<!tpu.dma_semaphore, #tpu.memory_space<semaphore_mem>>
        %dma_start3A = arith.constant 0 : i32
        %dma_start3A_28 = arith.constant 0 : i32
        %dma_start3A_29 = tpu.memref_slice %arg28[%dma_start3A, %dma_start3A_28] : memref<80x128xf32, #tpu.memory_space<vmem>> -> memref<80x128xf32, #tpu.memory_space<vmem>>
        %dma_start3A_30 = arith.constant 9440 : i32
        %dma_start3A_31 = arith.constant 0 : i32
        %dma_start3A_32 = tpu.memref_slice %arg16[%dma_start3A_30, %dma_start3A_31] : memref<10000x128xf32, #tpu.memory_space<vmem_shared>> -> memref<80x128xf32, #tpu.memory_space<vmem_shared>>
        %dma_start3A_33 = arith.constant 9440 : i32
        %dma_start3A_34 = arith.constant 0 : i32
        %dma_start3A_35 = tpu.memref_slice %arg16[%dma_start3A_33, %dma_start3A_34] : memref<10000x128xf32, #tpu.memory_space<vmem_shared>> -> memref<80x128xf32, #tpu.memory_space<vmem_shared>>
        %dma_start3A_36 = arith.constant 0 : i32
        %dma_start3A_37 = arith.constant 0 : i32
        %dma_start3A_38 = tpu.memref_slice %arg28[%dma_start3A_36, %dma_start3A_37] : memref<80x128xf32, #tpu.memory_space<vmem>> -> memref<80x128xf32, #tpu.memory_space<vmem>>
        tpu.enqueue_dma source(%dma_start3A_38 : memref<80x128xf32, #tpu.memory_space<vmem>>) target(%dma_start3A_35 : memref<80x128xf32, #tpu.memory_space<vmem_shared>>) target_semaphore(%run_scoped3A : memref<!tpu.dma_semaphore, #tpu.memory_space<semaphore_mem>>)
        %dma_wait3A = arith.constant 0 : i32
        %dma_wait3A_39 = arith.constant 0 : i32
        %dma_wait3A_40 = tpu.memref_slice %arg28[%dma_wait3A, %dma_wait3A_39] : memref<80x128xf32, #tpu.memory_space<vmem>> -> memref<80x128xf32, #tpu.memory_space<vmem>>
        %dma_wait3A_41 = arith.constant 9440 : i32
        %dma_wait3A_42 = arith.constant 0 : i32
        %dma_wait3A_43 = tpu.memref_slice %arg16[%dma_wait3A_41, %dma_wait3A_42] : memref<10000x128xf32, #tpu.memory_space<vmem_shared>> -> memref<80x128xf32, #tpu.memory_space<vmem_shared>>
        %dma_wait3A_44 = arith.constant 9440 : i32
        %dma_wait3A_45 = arith.constant 0 : i32
        %dma_wait3A_46 = tpu.memref_slice %arg16[%dma_wait3A_44, %dma_wait3A_45] : memref<10000x128xf32, #tpu.memory_space<vmem_shared>> -> memref<80x128xf32, #tpu.memory_space<vmem_shared>>
        %dma_wait3A_47 = arith.constant 0 : i32
        %dma_wait3A_48 = arith.constant 0 : i32
        %dma_wait3A_49 = tpu.memref_slice %arg28[%dma_wait3A_47, %dma_wait3A_48] : memref<80x128xf32, #tpu.memory_space<vmem>> -> memref<80x128xf32, #tpu.memory_space<vmem>>
        tpu.wait_dma2 semaphore(%run_scoped3A : memref<!tpu.dma_semaphore, #tpu.memory_space<semaphore_mem>>) src(%dma_wait3A_49 : memref<80x128xf32, #tpu.memory_space<vmem>>) dst(%dma_wait3A_46 : memref<80x128xf32, #tpu.memory_space<vmem_shared>>)
        tpu.yield
      }) : () -> ()
      "tpu.region"() ({
        %run_scoped3A = tpu.sem_alloc : memref<!tpu.dma_semaphore, #tpu.memory_space<semaphore_mem>>
        %dma_start3A = arith.constant 0 : i32
        %dma_start3A_28 = arith.constant 0 : i32
        %dma_start3A_29 = tpu.memref_slice %arg28[%dma_start3A, %dma_start3A_28] : memref<80x128xf32, #tpu.memory_space<vmem>> -> memref<80x128xf32, #tpu.memory_space<vmem>>
        %dma_start3A_30 = arith.constant 9520 : i32
        %dma_start3A_31 = arith.constant 0 : i32
        %dma_start3A_32 = tpu.memref_slice %arg16[%dma_start3A_30, %dma_start3A_31] : memref<10000x128xf32, #tpu.memory_space<vmem_shared>> -> memref<80x128xf32, #tpu.memory_space<vmem_shared>>
        %dma_start3A_33 = arith.constant 9520 : i32
        %dma_start3A_34 = arith.constant 0 : i32
        %dma_start3A_35 = tpu.memref_slice %arg16[%dma_start3A_33, %dma_start3A_34] : memref<10000x128xf32, #tpu.memory_space<vmem_shared>> -> memref<80x128xf32, #tpu.memory_space<vmem_shared>>
        %dma_start3A_36 = arith.constant 0 : i32
        %dma_start3A_37 = arith.constant 0 : i32
        %dma_start3A_38 = tpu.memref_slice %arg28[%dma_start3A_36, %dma_start3A_37] : memref<80x128xf32, #tpu.memory_space<vmem>> -> memref<80x128xf32, #tpu.memory_space<vmem>>
        tpu.enqueue_dma source(%dma_start3A_38 : memref<80x128xf32, #tpu.memory_space<vmem>>) target(%dma_start3A_35 : memref<80x128xf32, #tpu.memory_space<vmem_shared>>) target_semaphore(%run_scoped3A : memref<!tpu.dma_semaphore, #tpu.memory_space<semaphore_mem>>)
        %dma_wait3A = arith.constant 0 : i32
        %dma_wait3A_39 = arith.constant 0 : i32
        %dma_wait3A_40 = tpu.memref_slice %arg28[%dma_wait3A, %dma_wait3A_39] : memref<80x128xf32, #tpu.memory_space<vmem>> -> memref<80x128xf32, #tpu.memory_space<vmem>>
        %dma_wait3A_41 = arith.constant 9520 : i32
        %dma_wait3A_42 = arith.constant 0 : i32
        %dma_wait3A_43 = tpu.memref_slice %arg16[%dma_wait3A_41, %dma_wait3A_42] : memref<10000x128xf32, #tpu.memory_space<vmem_shared>> -> memref<80x128xf32, #tpu.memory_space<vmem_shared>>
        %dma_wait3A_44 = arith.constant 9520 : i32
        %dma_wait3A_45 = arith.constant 0 : i32
        %dma_wait3A_46 = tpu.memref_slice %arg16[%dma_wait3A_44, %dma_wait3A_45] : memref<10000x128xf32, #tpu.memory_space<vmem_shared>> -> memref<80x128xf32, #tpu.memory_space<vmem_shared>>
        %dma_wait3A_47 = arith.constant 0 : i32
        %dma_wait3A_48 = arith.constant 0 : i32
        %dma_wait3A_49 = tpu.memref_slice %arg28[%dma_wait3A_47, %dma_wait3A_48] : memref<80x128xf32, #tpu.memory_space<vmem>> -> memref<80x128xf32, #tpu.memory_space<vmem>>
        tpu.wait_dma2 semaphore(%run_scoped3A : memref<!tpu.dma_semaphore, #tpu.memory_space<semaphore_mem>>) src(%dma_wait3A_49 : memref<80x128xf32, #tpu.memory_space<vmem>>) dst(%dma_wait3A_46 : memref<80x128xf32, #tpu.memory_space<vmem_shared>>)
        tpu.yield
      }) : () -> ()
      "tpu.region"() ({
        %run_scoped3A = tpu.sem_alloc : memref<!tpu.dma_semaphore, #tpu.memory_space<semaphore_mem>>
        %dma_start3A = arith.constant 0 : i32
        %dma_start3A_28 = arith.constant 0 : i32
        %dma_start3A_29 = tpu.memref_slice %arg28[%dma_start3A, %dma_start3A_28] : memref<80x128xf32, #tpu.memory_space<vmem>> -> memref<80x128xf32, #tpu.memory_space<vmem>>
        %dma_start3A_30 = arith.constant 9600 : i32
        %dma_start3A_31 = arith.constant 0 : i32
        %dma_start3A_32 = tpu.memref_slice %arg16[%dma_start3A_30, %dma_start3A_31] : memref<10000x128xf32, #tpu.memory_space<vmem_shared>> -> memref<80x128xf32, #tpu.memory_space<vmem_shared>>
        %dma_start3A_33 = arith.constant 9600 : i32
        %dma_start3A_34 = arith.constant 0 : i32
        %dma_start3A_35 = tpu.memref_slice %arg16[%dma_start3A_33, %dma_start3A_34] : memref<10000x128xf32, #tpu.memory_space<vmem_shared>> -> memref<80x128xf32, #tpu.memory_space<vmem_shared>>
        %dma_start3A_36 = arith.constant 0 : i32
        %dma_start3A_37 = arith.constant 0 : i32
        %dma_start3A_38 = tpu.memref_slice %arg28[%dma_start3A_36, %dma_start3A_37] : memref<80x128xf32, #tpu.memory_space<vmem>> -> memref<80x128xf32, #tpu.memory_space<vmem>>
        tpu.enqueue_dma source(%dma_start3A_38 : memref<80x128xf32, #tpu.memory_space<vmem>>) target(%dma_start3A_35 : memref<80x128xf32, #tpu.memory_space<vmem_shared>>) target_semaphore(%run_scoped3A : memref<!tpu.dma_semaphore, #tpu.memory_space<semaphore_mem>>)
        %dma_wait3A = arith.constant 0 : i32
        %dma_wait3A_39 = arith.constant 0 : i32
        %dma_wait3A_40 = tpu.memref_slice %arg28[%dma_wait3A, %dma_wait3A_39] : memref<80x128xf32, #tpu.memory_space<vmem>> -> memref<80x128xf32, #tpu.memory_space<vmem>>
        %dma_wait3A_41 = arith.constant 9600 : i32
        %dma_wait3A_42 = arith.constant 0 : i32
        %dma_wait3A_43 = tpu.memref_slice %arg16[%dma_wait3A_41, %dma_wait3A_42] : memref<10000x128xf32, #tpu.memory_space<vmem_shared>> -> memref<80x128xf32, #tpu.memory_space<vmem_shared>>
        %dma_wait3A_44 = arith.constant 9600 : i32
        %dma_wait3A_45 = arith.constant 0 : i32
        %dma_wait3A_46 = tpu.memref_slice %arg16[%dma_wait3A_44, %dma_wait3A_45] : memref<10000x128xf32, #tpu.memory_space<vmem_shared>> -> memref<80x128xf32, #tpu.memory_space<vmem_shared>>
        %dma_wait3A_47 = arith.constant 0 : i32
        %dma_wait3A_48 = arith.constant 0 : i32
        %dma_wait3A_49 = tpu.memref_slice %arg28[%dma_wait3A_47, %dma_wait3A_48] : memref<80x128xf32, #tpu.memory_space<vmem>> -> memref<80x128xf32, #tpu.memory_space<vmem>>
        tpu.wait_dma2 semaphore(%run_scoped3A : memref<!tpu.dma_semaphore, #tpu.memory_space<semaphore_mem>>) src(%dma_wait3A_49 : memref<80x128xf32, #tpu.memory_space<vmem>>) dst(%dma_wait3A_46 : memref<80x128xf32, #tpu.memory_space<vmem_shared>>)
        tpu.yield
      }) : () -> ()
      "tpu.region"() ({
        %run_scoped3A = tpu.sem_alloc : memref<!tpu.dma_semaphore, #tpu.memory_space<semaphore_mem>>
        %dma_start3A = arith.constant 0 : i32
        %dma_start3A_28 = arith.constant 0 : i32
        %dma_start3A_29 = tpu.memref_slice %arg28[%dma_start3A, %dma_start3A_28] : memref<80x128xf32, #tpu.memory_space<vmem>> -> memref<80x128xf32, #tpu.memory_space<vmem>>
        %dma_start3A_30 = arith.constant 9680 : i32
        %dma_start3A_31 = arith.constant 0 : i32
        %dma_start3A_32 = tpu.memref_slice %arg16[%dma_start3A_30, %dma_start3A_31] : memref<10000x128xf32, #tpu.memory_space<vmem_shared>> -> memref<80x128xf32, #tpu.memory_space<vmem_shared>>
        %dma_start3A_33 = arith.constant 9680 : i32
        %dma_start3A_34 = arith.constant 0 : i32
        %dma_start3A_35 = tpu.memref_slice %arg16[%dma_start3A_33, %dma_start3A_34] : memref<10000x128xf32, #tpu.memory_space<vmem_shared>> -> memref<80x128xf32, #tpu.memory_space<vmem_shared>>
        %dma_start3A_36 = arith.constant 0 : i32
        %dma_start3A_37 = arith.constant 0 : i32
        %dma_start3A_38 = tpu.memref_slice %arg28[%dma_start3A_36, %dma_start3A_37] : memref<80x128xf32, #tpu.memory_space<vmem>> -> memref<80x128xf32, #tpu.memory_space<vmem>>
        tpu.enqueue_dma source(%dma_start3A_38 : memref<80x128xf32, #tpu.memory_space<vmem>>) target(%dma_start3A_35 : memref<80x128xf32, #tpu.memory_space<vmem_shared>>) target_semaphore(%run_scoped3A : memref<!tpu.dma_semaphore, #tpu.memory_space<semaphore_mem>>)
        %dma_wait3A = arith.constant 0 : i32
        %dma_wait3A_39 = arith.constant 0 : i32
        %dma_wait3A_40 = tpu.memref_slice %arg28[%dma_wait3A, %dma_wait3A_39] : memref<80x128xf32, #tpu.memory_space<vmem>> -> memref<80x128xf32, #tpu.memory_space<vmem>>
        %dma_wait3A_41 = arith.constant 9680 : i32
        %dma_wait3A_42 = arith.constant 0 : i32
        %dma_wait3A_43 = tpu.memref_slice %arg16[%dma_wait3A_41, %dma_wait3A_42] : memref<10000x128xf32, #tpu.memory_space<vmem_shared>> -> memref<80x128xf32, #tpu.memory_space<vmem_shared>>
        %dma_wait3A_44 = arith.constant 9680 : i32
        %dma_wait3A_45 = arith.constant 0 : i32
        %dma_wait3A_46 = tpu.memref_slice %arg16[%dma_wait3A_44, %dma_wait3A_45] : memref<10000x128xf32, #tpu.memory_space<vmem_shared>> -> memref<80x128xf32, #tpu.memory_space<vmem_shared>>
        %dma_wait3A_47 = arith.constant 0 : i32
        %dma_wait3A_48 = arith.constant 0 : i32
        %dma_wait3A_49 = tpu.memref_slice %arg28[%dma_wait3A_47, %dma_wait3A_48] : memref<80x128xf32, #tpu.memory_space<vmem>> -> memref<80x128xf32, #tpu.memory_space<vmem>>
        tpu.wait_dma2 semaphore(%run_scoped3A : memref<!tpu.dma_semaphore, #tpu.memory_space<semaphore_mem>>) src(%dma_wait3A_49 : memref<80x128xf32, #tpu.memory_space<vmem>>) dst(%dma_wait3A_46 : memref<80x128xf32, #tpu.memory_space<vmem_shared>>)
        tpu.yield
      }) : () -> ()
      "tpu.region"() ({
        %run_scoped3A = tpu.sem_alloc : memref<!tpu.dma_semaphore, #tpu.memory_space<semaphore_mem>>
        %dma_start3A = arith.constant 0 : i32
        %dma_start3A_28 = arith.constant 0 : i32
        %dma_start3A_29 = tpu.memref_slice %arg28[%dma_start3A, %dma_start3A_28] : memref<80x128xf32, #tpu.memory_space<vmem>> -> memref<80x128xf32, #tpu.memory_space<vmem>>
        %dma_start3A_30 = arith.constant 9760 : i32
        %dma_start3A_31 = arith.constant 0 : i32
        %dma_start3A_32 = tpu.memref_slice %arg16[%dma_start3A_30, %dma_start3A_31] : memref<10000x128xf32, #tpu.memory_space<vmem_shared>> -> memref<80x128xf32, #tpu.memory_space<vmem_shared>>
        %dma_start3A_33 = arith.constant 9760 : i32
        %dma_start3A_34 = arith.constant 0 : i32
        %dma_start3A_35 = tpu.memref_slice %arg16[%dma_start3A_33, %dma_start3A_34] : memref<10000x128xf32, #tpu.memory_space<vmem_shared>> -> memref<80x128xf32, #tpu.memory_space<vmem_shared>>
        %dma_start3A_36 = arith.constant 0 : i32
        %dma_start3A_37 = arith.constant 0 : i32
        %dma_start3A_38 = tpu.memref_slice %arg28[%dma_start3A_36, %dma_start3A_37] : memref<80x128xf32, #tpu.memory_space<vmem>> -> memref<80x128xf32, #tpu.memory_space<vmem>>
        tpu.enqueue_dma source(%dma_start3A_38 : memref<80x128xf32, #tpu.memory_space<vmem>>) target(%dma_start3A_35 : memref<80x128xf32, #tpu.memory_space<vmem_shared>>) target_semaphore(%run_scoped3A : memref<!tpu.dma_semaphore, #tpu.memory_space<semaphore_mem>>)
        %dma_wait3A = arith.constant 0 : i32
        %dma_wait3A_39 = arith.constant 0 : i32
        %dma_wait3A_40 = tpu.memref_slice %arg28[%dma_wait3A, %dma_wait3A_39] : memref<80x128xf32, #tpu.memory_space<vmem>> -> memref<80x128xf32, #tpu.memory_space<vmem>>
        %dma_wait3A_41 = arith.constant 9760 : i32
        %dma_wait3A_42 = arith.constant 0 : i32
        %dma_wait3A_43 = tpu.memref_slice %arg16[%dma_wait3A_41, %dma_wait3A_42] : memref<10000x128xf32, #tpu.memory_space<vmem_shared>> -> memref<80x128xf32, #tpu.memory_space<vmem_shared>>
        %dma_wait3A_44 = arith.constant 9760 : i32
        %dma_wait3A_45 = arith.constant 0 : i32
        %dma_wait3A_46 = tpu.memref_slice %arg16[%dma_wait3A_44, %dma_wait3A_45] : memref<10000x128xf32, #tpu.memory_space<vmem_shared>> -> memref<80x128xf32, #tpu.memory_space<vmem_shared>>
        %dma_wait3A_47 = arith.constant 0 : i32
        %dma_wait3A_48 = arith.constant 0 : i32
        %dma_wait3A_49 = tpu.memref_slice %arg28[%dma_wait3A_47, %dma_wait3A_48] : memref<80x128xf32, #tpu.memory_space<vmem>> -> memref<80x128xf32, #tpu.memory_space<vmem>>
        tpu.wait_dma2 semaphore(%run_scoped3A : memref<!tpu.dma_semaphore, #tpu.memory_space<semaphore_mem>>) src(%dma_wait3A_49 : memref<80x128xf32, #tpu.memory_space<vmem>>) dst(%dma_wait3A_46 : memref<80x128xf32, #tpu.memory_space<vmem_shared>>)
        tpu.yield
      }) : () -> ()
      "tpu.region"() ({
        %run_scoped3A = tpu.sem_alloc : memref<!tpu.dma_semaphore, #tpu.memory_space<semaphore_mem>>
        %dma_start3A = arith.constant 0 : i32
        %dma_start3A_28 = arith.constant 0 : i32
        %dma_start3A_29 = tpu.memref_slice %arg28[%dma_start3A, %dma_start3A_28] : memref<80x128xf32, #tpu.memory_space<vmem>> -> memref<80x128xf32, #tpu.memory_space<vmem>>
        %dma_start3A_30 = arith.constant 9840 : i32
        %dma_start3A_31 = arith.constant 0 : i32
        %dma_start3A_32 = tpu.memref_slice %arg16[%dma_start3A_30, %dma_start3A_31] : memref<10000x128xf32, #tpu.memory_space<vmem_shared>> -> memref<80x128xf32, #tpu.memory_space<vmem_shared>>
        %dma_start3A_33 = arith.constant 9840 : i32
        %dma_start3A_34 = arith.constant 0 : i32
        %dma_start3A_35 = tpu.memref_slice %arg16[%dma_start3A_33, %dma_start3A_34] : memref<10000x128xf32, #tpu.memory_space<vmem_shared>> -> memref<80x128xf32, #tpu.memory_space<vmem_shared>>
        %dma_start3A_36 = arith.constant 0 : i32
        %dma_start3A_37 = arith.constant 0 : i32
        %dma_start3A_38 = tpu.memref_slice %arg28[%dma_start3A_36, %dma_start3A_37] : memref<80x128xf32, #tpu.memory_space<vmem>> -> memref<80x128xf32, #tpu.memory_space<vmem>>
        tpu.enqueue_dma source(%dma_start3A_38 : memref<80x128xf32, #tpu.memory_space<vmem>>) target(%dma_start3A_35 : memref<80x128xf32, #tpu.memory_space<vmem_shared>>) target_semaphore(%run_scoped3A : memref<!tpu.dma_semaphore, #tpu.memory_space<semaphore_mem>>)
        %dma_wait3A = arith.constant 0 : i32
        %dma_wait3A_39 = arith.constant 0 : i32
        %dma_wait3A_40 = tpu.memref_slice %arg28[%dma_wait3A, %dma_wait3A_39] : memref<80x128xf32, #tpu.memory_space<vmem>> -> memref<80x128xf32, #tpu.memory_space<vmem>>
        %dma_wait3A_41 = arith.constant 9840 : i32
        %dma_wait3A_42 = arith.constant 0 : i32
        %dma_wait3A_43 = tpu.memref_slice %arg16[%dma_wait3A_41, %dma_wait3A_42] : memref<10000x128xf32, #tpu.memory_space<vmem_shared>> -> memref<80x128xf32, #tpu.memory_space<vmem_shared>>
        %dma_wait3A_44 = arith.constant 9840 : i32
        %dma_wait3A_45 = arith.constant 0 : i32
        %dma_wait3A_46 = tpu.memref_slice %arg16[%dma_wait3A_44, %dma_wait3A_45] : memref<10000x128xf32, #tpu.memory_space<vmem_shared>> -> memref<80x128xf32, #tpu.memory_space<vmem_shared>>
        %dma_wait3A_47 = arith.constant 0 : i32
        %dma_wait3A_48 = arith.constant 0 : i32
        %dma_wait3A_49 = tpu.memref_slice %arg28[%dma_wait3A_47, %dma_wait3A_48] : memref<80x128xf32, #tpu.memory_space<vmem>> -> memref<80x128xf32, #tpu.memory_space<vmem>>
        tpu.wait_dma2 semaphore(%run_scoped3A : memref<!tpu.dma_semaphore, #tpu.memory_space<semaphore_mem>>) src(%dma_wait3A_49 : memref<80x128xf32, #tpu.memory_space<vmem>>) dst(%dma_wait3A_46 : memref<80x128xf32, #tpu.memory_space<vmem_shared>>)
        tpu.yield
      }) : () -> ()
      "tpu.region"() ({
        %run_scoped3A = tpu.sem_alloc : memref<!tpu.dma_semaphore, #tpu.memory_space<semaphore_mem>>
        %dma_start3A = arith.constant 0 : i32
        %dma_start3A_28 = arith.constant 0 : i32
        %dma_start3A_29 = tpu.memref_slice %arg28[%dma_start3A, %dma_start3A_28] : memref<80x128xf32, #tpu.memory_space<vmem>> -> memref<80x128xf32, #tpu.memory_space<vmem>>
        %dma_start3A_30 = arith.constant 9920 : i32
        %dma_start3A_31 = arith.constant 0 : i32
        %dma_start3A_32 = tpu.memref_slice %arg16[%dma_start3A_30, %dma_start3A_31] : memref<10000x128xf32, #tpu.memory_space<vmem_shared>> -> memref<80x128xf32, #tpu.memory_space<vmem_shared>>
        %dma_start3A_33 = arith.constant 9920 : i32
        %dma_start3A_34 = arith.constant 0 : i32
        %dma_start3A_35 = tpu.memref_slice %arg16[%dma_start3A_33, %dma_start3A_34] : memref<10000x128xf32, #tpu.memory_space<vmem_shared>> -> memref<80x128xf32, #tpu.memory_space<vmem_shared>>
        %dma_start3A_36 = arith.constant 0 : i32
        %dma_start3A_37 = arith.constant 0 : i32
        %dma_start3A_38 = tpu.memref_slice %arg28[%dma_start3A_36, %dma_start3A_37] : memref<80x128xf32, #tpu.memory_space<vmem>> -> memref<80x128xf32, #tpu.memory_space<vmem>>
        tpu.enqueue_dma source(%dma_start3A_38 : memref<80x128xf32, #tpu.memory_space<vmem>>) target(%dma_start3A_35 : memref<80x128xf32, #tpu.memory_space<vmem_shared>>) target_semaphore(%run_scoped3A : memref<!tpu.dma_semaphore, #tpu.memory_space<semaphore_mem>>)
        %dma_wait3A = arith.constant 0 : i32
        %dma_wait3A_39 = arith.constant 0 : i32
        %dma_wait3A_40 = tpu.memref_slice %arg28[%dma_wait3A, %dma_wait3A_39] : memref<80x128xf32, #tpu.memory_space<vmem>> -> memref<80x128xf32, #tpu.memory_space<vmem>>
        %dma_wait3A_41 = arith.constant 9920 : i32
        %dma_wait3A_42 = arith.constant 0 : i32
        %dma_wait3A_43 = tpu.memref_slice %arg16[%dma_wait3A_41, %dma_wait3A_42] : memref<10000x128xf32, #tpu.memory_space<vmem_shared>> -> memref<80x128xf32, #tpu.memory_space<vmem_shared>>
        %dma_wait3A_44 = arith.constant 9920 : i32
        %dma_wait3A_45 = arith.constant 0 : i32
        %dma_wait3A_46 = tpu.memref_slice %arg16[%dma_wait3A_44, %dma_wait3A_45] : memref<10000x128xf32, #tpu.memory_space<vmem_shared>> -> memref<80x128xf32, #tpu.memory_space<vmem_shared>>
        %dma_wait3A_47 = arith.constant 0 : i32
        %dma_wait3A_48 = arith.constant 0 : i32
        %dma_wait3A_49 = tpu.memref_slice %arg28[%dma_wait3A_47, %dma_wait3A_48] : memref<80x128xf32, #tpu.memory_space<vmem>> -> memref<80x128xf32, #tpu.memory_space<vmem>>
        tpu.wait_dma2 semaphore(%run_scoped3A : memref<!tpu.dma_semaphore, #tpu.memory_space<semaphore_mem>>) src(%dma_wait3A_49 : memref<80x128xf32, #tpu.memory_space<vmem>>) dst(%dma_wait3A_46 : memref<80x128xf32, #tpu.memory_space<vmem_shared>>)
        tpu.yield
      }) : () -> ()
    } else {
    }
    %eq3A_13 = arith.constant 0 : i32
    %eq3A_14 = arith.cmpi eq, %arg1, %eq3A_13 : i32
    %convert_element_type3A_15 = arith.extui %eq3A_14 : i1 to i32
    %cond3A_16 = arith.constant 0 : i32
    %cond3A_17 = arith.cmpi ne, %convert_element_type3A_15, %cond3A_16 : i32
    scf.if %cond3A_17 {
      %eq3A_28 = arith.constant 0 : i32
      %eq3A_29 = arith.cmpi eq, %arg0, %eq3A_28 : i32
      %convert_element_type3A_30 = arith.extui %eq3A_29 : i1 to i32
      %cond3A_31 = arith.constant 0 : i32
      %cond3A_32 = arith.cmpi ne, %convert_element_type3A_30, %cond3A_31 : i32
      scf.if %cond3A_32 {
        "tpu.region"() ({
          %run_scoped3A = tpu.sem_alloc : memref<!tpu.dma_semaphore, #tpu.memory_space<semaphore_mem>>
          tpu.enqueue_dma source(%arg4 : memref<64x128xf32, #tpu.memory_space<hbm>>) target(%arg17 : memref<64x128xf32, #tpu.memory_space<vmem_shared>>) target_semaphore(%run_scoped3A : memref<!tpu.dma_semaphore, #tpu.memory_space<semaphore_mem>>)
          tpu.wait_dma2 semaphore(%run_scoped3A : memref<!tpu.dma_semaphore, #tpu.memory_space<semaphore_mem>>) src(%arg4 : memref<64x128xf32, #tpu.memory_space<hbm>>) dst(%arg17 : memref<64x128xf32, #tpu.memory_space<vmem_shared>>)
          tpu.yield
        }) : () -> ()
      } else {
      }
      %eq3A_33 = arith.constant 1 : i32
      %eq3A_34 = arith.cmpi eq, %arg0, %eq3A_33 : i32
      %convert_element_type3A_35 = arith.extui %eq3A_34 : i1 to i32
      %cond3A_36 = arith.constant 0 : i32
      %cond3A_37 = arith.cmpi ne, %convert_element_type3A_35, %cond3A_36 : i32
      scf.if %cond3A_37 {
        "tpu.region"() ({
          %run_scoped3A = tpu.sem_alloc : memref<!tpu.dma_semaphore, #tpu.memory_space<semaphore_mem>>
          tpu.enqueue_dma source(%arg10 : memref<64x128xf32, #tpu.memory_space<hbm>>) target(%arg17 : memref<64x128xf32, #tpu.memory_space<vmem_shared>>) target_semaphore(%run_scoped3A : memref<!tpu.dma_semaphore, #tpu.memory_space<semaphore_mem>>)
          tpu.wait_dma2 semaphore(%run_scoped3A : memref<!tpu.dma_semaphore, #tpu.memory_space<semaphore_mem>>) src(%arg10 : memref<64x128xf32, #tpu.memory_space<hbm>>) dst(%arg17 : memref<64x128xf32, #tpu.memory_space<vmem_shared>>)
          tpu.yield
        }) : () -> ()
      } else {
      }
    } else {
    }
    %barrier3A = arith.constant 0 : index
    tpu.barrier barrier_id(%barrier3A)
    %eq3A_18 = arith.constant 0 : i32
    %eq3A_19 = arith.cmpi eq, %arg0, %eq3A_18 : i32
    %convert_element_type3A_20 = arith.extui %eq3A_19 : i1 to i32
    %cond3A_21 = arith.constant 0 : i32
    %cond3A_22 = arith.cmpi ne, %convert_element_type3A_20, %cond3A_21 : i32
    scf.if %cond3A_22 {
      %mul3A_28 = arith.constant 20000 : i32
      %mul3A_29 = arith.muli %arg1, %mul3A_28 : i32
      %add3A = arith.constant 0 : i32
      %add3A_30 = arith.addi %mul3A_29, %add3A : i32
      %multiple_of3A_31 = tpu.assume_multiple %add3A_30, 8 : i32
      %dma_start3A = tpu.memref_slice %arg5[%multiple_of3A_31] : memref<320000xi32, #tpu.memory_space<hbm>> -> memref<80xi32, #tpu.memory_space<hbm>>
      %dma_start3A_32 = tpu.memref_slice %arg5[%multiple_of3A_31] : memref<320000xi32, #tpu.memory_space<hbm>> -> memref<80xi32, #tpu.memory_space<hbm>>
      tpu.enqueue_dma source(%dma_start3A_32 : memref<80xi32, #tpu.memory_space<hbm>>) target(%arg18 : memref<80xi32, #tpu.memory_space<vmem>>) target_semaphore(%arg30 : memref<!tpu.dma_semaphore, #tpu.memory_space<semaphore_mem>>)
      %dma_start3A_33 = tpu.memref_slice %arg6[%multiple_of3A_31] : memref<320000xi32, #tpu.memory_space<hbm>> -> memref<80xi32, #tpu.memory_space<hbm>>
      %dma_start3A_34 = tpu.memref_slice %arg6[%multiple_of3A_31] : memref<320000xi32, #tpu.memory_space<hbm>> -> memref<80xi32, #tpu.memory_space<hbm>>
      tpu.enqueue_dma source(%dma_start3A_34 : memref<80xi32, #tpu.memory_space<hbm>>) target(%arg20 : memref<80xi32, #tpu.memory_space<vmem>>) target_semaphore(%arg30 : memref<!tpu.dma_semaphore, #tpu.memory_space<semaphore_mem>>)
      %dma_start3A_35 = tpu.memref_slice %arg7[%multiple_of3A_31] : memref<320000xi32, #tpu.memory_space<hbm>> -> memref<80xi32, #tpu.memory_space<hbm>>
      %dma_start3A_36 = tpu.memref_slice %arg7[%multiple_of3A_31] : memref<320000xi32, #tpu.memory_space<hbm>> -> memref<80xi32, #tpu.memory_space<hbm>>
      tpu.enqueue_dma source(%dma_start3A_36 : memref<80xi32, #tpu.memory_space<hbm>>) target(%arg22 : memref<80xi32, #tpu.memory_space<vmem>>) target_semaphore(%arg30 : memref<!tpu.dma_semaphore, #tpu.memory_space<semaphore_mem>>)
      %add3A_37 = arith.constant 80 : i32
      %add3A_38 = arith.addi %mul3A_29, %add3A_37 : i32
      %multiple_of3A_39 = tpu.assume_multiple %add3A_38, 8 : i32
      %dma_start3A_40 = tpu.memref_slice %arg5[%multiple_of3A_39] : memref<320000xi32, #tpu.memory_space<hbm>> -> memref<80xi32, #tpu.memory_space<hbm>>
      %dma_start3A_41 = tpu.memref_slice %arg5[%multiple_of3A_39] : memref<320000xi32, #tpu.memory_space<hbm>> -> memref<80xi32, #tpu.memory_space<hbm>>
      tpu.enqueue_dma source(%dma_start3A_41 : memref<80xi32, #tpu.memory_space<hbm>>) target(%arg19 : memref<80xi32, #tpu.memory_space<vmem>>) target_semaphore(%arg31 : memref<!tpu.dma_semaphore, #tpu.memory_space<semaphore_mem>>)
      %dma_start3A_42 = tpu.memref_slice %arg6[%multiple_of3A_39] : memref<320000xi32, #tpu.memory_space<hbm>> -> memref<80xi32, #tpu.memory_space<hbm>>
      %dma_start3A_43 = tpu.memref_slice %arg6[%multiple_of3A_39] : memref<320000xi32, #tpu.memory_space<hbm>> -> memref<80xi32, #tpu.memory_space<hbm>>
      tpu.enqueue_dma source(%dma_start3A_43 : memref<80xi32, #tpu.memory_space<hbm>>) target(%arg21 : memref<80xi32, #tpu.memory_space<vmem>>) target_semaphore(%arg31 : memref<!tpu.dma_semaphore, #tpu.memory_space<semaphore_mem>>)
      %dma_start3A_44 = tpu.memref_slice %arg7[%multiple_of3A_39] : memref<320000xi32, #tpu.memory_space<hbm>> -> memref<80xi32, #tpu.memory_space<hbm>>
      %dma_start3A_45 = tpu.memref_slice %arg7[%multiple_of3A_39] : memref<320000xi32, #tpu.memory_space<hbm>> -> memref<80xi32, #tpu.memory_space<hbm>>
      tpu.enqueue_dma source(%dma_start3A_45 : memref<80xi32, #tpu.memory_space<hbm>>) target(%arg23 : memref<80xi32, #tpu.memory_space<vmem>>) target_semaphore(%arg31 : memref<!tpu.dma_semaphore, #tpu.memory_space<semaphore_mem>>)
      %dma_wait3A = arith.constant 0 : i32
      %dma_wait3A_46 = tpu.memref_slice %arg5[%dma_wait3A] : memref<320000xi32, #tpu.memory_space<hbm>> -> memref<80xi32, #tpu.memory_space<hbm>>
      %dma_wait3A_47 = arith.constant 0 : i32
      %dma_wait3A_48 = tpu.memref_slice %arg5[%dma_wait3A_47] : memref<320000xi32, #tpu.memory_space<hbm>> -> memref<80xi32, #tpu.memory_space<hbm>>
      tpu.wait_dma2 semaphore(%arg30 : memref<!tpu.dma_semaphore, #tpu.memory_space<semaphore_mem>>) src(%dma_wait3A_48 : memref<80xi32, #tpu.memory_space<hbm>>) dst(%arg18 : memref<80xi32, #tpu.memory_space<vmem>>)
      %dma_wait3A_49 = arith.constant 0 : i32
      %dma_wait3A_50 = tpu.memref_slice %arg5[%dma_wait3A_49] : memref<320000xi32, #tpu.memory_space<hbm>> -> memref<80xi32, #tpu.memory_space<hbm>>
      %dma_wait3A_51 = arith.constant 0 : i32
      %dma_wait3A_52 = tpu.memref_slice %arg5[%dma_wait3A_51] : memref<320000xi32, #tpu.memory_space<hbm>> -> memref<80xi32, #tpu.memory_space<hbm>>
      tpu.wait_dma2 semaphore(%arg30 : memref<!tpu.dma_semaphore, #tpu.memory_space<semaphore_mem>>) src(%dma_wait3A_52 : memref<80xi32, #tpu.memory_space<hbm>>) dst(%arg20 : memref<80xi32, #tpu.memory_space<vmem>>)
      %dma_wait3A_53 = arith.constant 0 : i32
      %dma_wait3A_54 = tpu.memref_slice %arg5[%dma_wait3A_53] : memref<320000xi32, #tpu.memory_space<hbm>> -> memref<80xi32, #tpu.memory_space<hbm>>
      %dma_wait3A_55 = arith.constant 0 : i32
      %dma_wait3A_56 = tpu.memref_slice %arg5[%dma_wait3A_55] : memref<320000xi32, #tpu.memory_space<hbm>> -> memref<80xi32, #tpu.memory_space<hbm>>
      tpu.wait_dma2 semaphore(%arg30 : memref<!tpu.dma_semaphore, #tpu.memory_space<semaphore_mem>>) src(%dma_wait3A_56 : memref<80xi32, #tpu.memory_space<hbm>>) dst(%arg22 : memref<80xi32, #tpu.memory_space<vmem>>)
      %dma_start3A_57 = arith.constant 0 : i32
      %dma_start3A_58 = arith.constant 0 : i32
      %dma_start3A_59 = tpu.memref_slice %arg2[%dma_start3A_57, %dma_start3A_58] : memref<10000x64xi32, #tpu.memory_space<hbm>> -> memref<10000x64xi32, #tpu.memory_space<hbm>>
      tpu.enqueue_indirect_dma source(%dma_start3A_59 : memref<10000x64xi32, #tpu.memory_space<hbm>>) target(%arg24 : memref<80x64xi32, #tpu.memory_space<vmem>>) offsets(%arg18 : memref<80xi32, #tpu.memory_space<vmem>>) semaphore(%arg32 : memref<!tpu.dma_semaphore, #tpu.memory_space<semaphore_mem>>)
      %dma_start3A_60 = arith.constant 0 : i32
      %dma_start3A_61 = arith.constant 0 : i32
      %dma_start3A_62 = tpu.memref_slice %arg3[%dma_start3A_60, %dma_start3A_61] : memref<10000x64xi32, #tpu.memory_space<hbm>> -> memref<10000x64xi32, #tpu.memory_space<hbm>>
      tpu.enqueue_indirect_dma source(%dma_start3A_62 : memref<10000x64xi32, #tpu.memory_space<hbm>>) target(%arg26 : memref<80x64xi32, #tpu.memory_space<vmem>>) offsets(%arg20 : memref<80xi32, #tpu.memory_space<vmem>>) semaphore(%arg34 : memref<!tpu.dma_semaphore, #tpu.memory_space<semaphore_mem>>)
      %dma_start3A_63 = arith.constant 0 : i32
      %dma_start3A_64 = arith.constant 0 : i32
      %dma_start3A_65 = tpu.memref_slice %arg17[%dma_start3A_63, %dma_start3A_64] : memref<64x128xf32, #tpu.memory_space<vmem_shared>> -> memref<64x128xf32, #tpu.memory_space<vmem_shared>>
      tpu.enqueue_indirect_dma source(%dma_start3A_65 : memref<64x128xf32, #tpu.memory_space<vmem_shared>>) target(%arg28 : memref<80x128xf32, #tpu.memory_space<vmem>>) offsets(%arg22 : memref<80xi32, #tpu.memory_space<vmem>>) semaphore(%arg36 : memref<!tpu.dma_semaphore, #tpu.memory_space<semaphore_mem>>)
      %broadcast_in_dim3A_66 = arith.constant -65536 : i32
      %broadcast_in_dim3A_67 = vector.broadcast %broadcast_in_dim3A_66 : i32 to vector<16xi32>
      %scan3A_68 = arith.constant 0 : i32
      %scan3A_69 = arith.constant 0 : i32
      %scan3A_70 = arith.constant 125 : i32
      %scan3A_71 = arith.addi %scan3A_69, %scan3A_70 : i32
      %scan3A_72 = arith.constant 1 : i32
      scf.for %scan3A_85 = %scan3A_69 to %scan3A_71 step %scan3A_72  : i32 {
        %mul3A_86 = arith.constant 2 : i32
        %mul3A_87 = arith.muli %mul3A_86, %scan3A_85 : i32
        %add3A_88 = arith.constant 0 : i32
        %add3A_89 = arith.addi %mul3A_87, %add3A_88 : i32
        %dma_wait3A_90 = arith.constant 0 : i32
        %dma_wait3A_91 = arith.constant 0 : i32
        %dma_wait3A_92 = tpu.memref_slice %arg2[%dma_wait3A_90, %dma_wait3A_91] : memref<10000x64xi32, #tpu.memory_space<hbm>> -> memref<10000x64xi32, #tpu.memory_space<hbm>>
        tpu.wait_indirect_dma semaphore(%arg32 : memref<!tpu.dma_semaphore, #tpu.memory_space<semaphore_mem>>) src(%dma_wait3A_92 : memref<10000x64xi32, #tpu.memory_space<hbm>>) dst(%arg24 : memref<80x64xi32, #tpu.memory_space<vmem>>)
        %dma_wait3A_93 = arith.constant 0 : i32
        %dma_wait3A_94 = arith.constant 0 : i32
        %dma_wait3A_95 = tpu.memref_slice %arg3[%dma_wait3A_93, %dma_wait3A_94] : memref<10000x64xi32, #tpu.memory_space<hbm>> -> memref<10000x64xi32, #tpu.memory_space<hbm>>
        tpu.wait_indirect_dma semaphore(%arg34 : memref<!tpu.dma_semaphore, #tpu.memory_space<semaphore_mem>>) src(%dma_wait3A_95 : memref<10000x64xi32, #tpu.memory_space<hbm>>) dst(%arg26 : memref<80x64xi32, #tpu.memory_space<vmem>>)
        %dma_wait3A_96 = arith.constant 0 : i32
        %dma_wait3A_97 = arith.constant 0 : i32
        %dma_wait3A_98 = tpu.memref_slice %arg17[%dma_wait3A_96, %dma_wait3A_97] : memref<64x128xf32, #tpu.memory_space<vmem_shared>> -> memref<64x128xf32, #tpu.memory_space<vmem_shared>>
        tpu.wait_indirect_dma semaphore(%arg36 : memref<!tpu.dma_semaphore, #tpu.memory_space<semaphore_mem>>) src(%dma_wait3A_98 : memref<64x128xf32, #tpu.memory_space<vmem_shared>>) dst(%arg28 : memref<80x128xf32, #tpu.memory_space<vmem>>)
        %add3A_99 = arith.constant 1 : i32
        %add3A_100 = arith.addi %add3A_89, %add3A_99 : i32
        %lt3A_101 = arith.constant 250 : i32
        %lt3A_102 = arith.cmpi slt, %add3A_100, %lt3A_101 : i32
        %convert_element_type3A_103 = arith.extui %lt3A_102 : i1 to i32
        %cond3A_104 = arith.constant 0 : i32
        %cond3A_105 = arith.cmpi ne, %convert_element_type3A_103, %cond3A_104 : i32
        scf.if %cond3A_105 {
          %dma_wait3A_145 = arith.constant 0 : i32
          %dma_wait3A_146 = tpu.memref_slice %arg5[%dma_wait3A_145] : memref<320000xi32, #tpu.memory_space<hbm>> -> memref<80xi32, #tpu.memory_space<hbm>>
          %dma_wait3A_147 = arith.constant 0 : i32
          %dma_wait3A_148 = tpu.memref_slice %arg5[%dma_wait3A_147] : memref<320000xi32, #tpu.memory_space<hbm>> -> memref<80xi32, #tpu.memory_space<hbm>>
          tpu.wait_dma2 semaphore(%arg31 : memref<!tpu.dma_semaphore, #tpu.memory_space<semaphore_mem>>) src(%dma_wait3A_148 : memref<80xi32, #tpu.memory_space<hbm>>) dst(%arg19 : memref<80xi32, #tpu.memory_space<vmem>>)
          %dma_wait3A_149 = arith.constant 0 : i32
          %dma_wait3A_150 = tpu.memref_slice %arg5[%dma_wait3A_149] : memref<320000xi32, #tpu.memory_space<hbm>> -> memref<80xi32, #tpu.memory_space<hbm>>
          %dma_wait3A_151 = arith.constant 0 : i32
          %dma_wait3A_152 = tpu.memref_slice %arg5[%dma_wait3A_151] : memref<320000xi32, #tpu.memory_space<hbm>> -> memref<80xi32, #tpu.memory_space<hbm>>
          tpu.wait_dma2 semaphore(%arg31 : memref<!tpu.dma_semaphore, #tpu.memory_space<semaphore_mem>>) src(%dma_wait3A_152 : memref<80xi32, #tpu.memory_space<hbm>>) dst(%arg21 : memref<80xi32, #tpu.memory_space<vmem>>)
          %dma_wait3A_153 = arith.constant 0 : i32
          %dma_wait3A_154 = tpu.memref_slice %arg5[%dma_wait3A_153] : memref<320000xi32, #tpu.memory_space<hbm>> -> memref<80xi32, #tpu.memory_space<hbm>>
          %dma_wait3A_155 = arith.constant 0 : i32
          %dma_wait3A_156 = tpu.memref_slice %arg5[%dma_wait3A_155] : memref<320000xi32, #tpu.memory_space<hbm>> -> memref<80xi32, #tpu.memory_space<hbm>>
          tpu.wait_dma2 semaphore(%arg31 : memref<!tpu.dma_semaphore, #tpu.memory_space<semaphore_mem>>) src(%dma_wait3A_156 : memref<80xi32, #tpu.memory_space<hbm>>) dst(%arg23 : memref<80xi32, #tpu.memory_space<vmem>>)
          %dma_start3A_157 = arith.constant 0 : i32
          %dma_start3A_158 = arith.constant 0 : i32
          %dma_start3A_159 = tpu.memref_slice %arg2[%dma_start3A_157, %dma_start3A_158] : memref<10000x64xi32, #tpu.memory_space<hbm>> -> memref<10000x64xi32, #tpu.memory_space<hbm>>
          tpu.enqueue_indirect_dma source(%dma_start3A_159 : memref<10000x64xi32, #tpu.memory_space<hbm>>) target(%arg25 : memref<80x64xi32, #tpu.memory_space<vmem>>) offsets(%arg19 : memref<80xi32, #tpu.memory_space<vmem>>) semaphore(%arg33 : memref<!tpu.dma_semaphore, #tpu.memory_space<semaphore_mem>>)
          %dma_start3A_160 = arith.constant 0 : i32
          %dma_start3A_161 = arith.constant 0 : i32
          %dma_start3A_162 = tpu.memref_slice %arg3[%dma_start3A_160, %dma_start3A_161] : memref<10000x64xi32, #tpu.memory_space<hbm>> -> memref<10000x64xi32, #tpu.memory_space<hbm>>
          tpu.enqueue_indirect_dma source(%dma_start3A_162 : memref<10000x64xi32, #tpu.memory_space<hbm>>) target(%arg27 : memref<80x64xi32, #tpu.memory_space<vmem>>) offsets(%arg21 : memref<80xi32, #tpu.memory_space<vmem>>) semaphore(%arg35 : memref<!tpu.dma_semaphore, #tpu.memory_space<semaphore_mem>>)
          %dma_start3A_163 = arith.constant 0 : i32
          %dma_start3A_164 = arith.constant 0 : i32
          %dma_start3A_165 = tpu.memref_slice %arg17[%dma_start3A_163, %dma_start3A_164] : memref<64x128xf32, #tpu.memory_space<vmem_shared>> -> memref<64x128xf32, #tpu.memory_space<vmem_shared>>
          tpu.enqueue_indirect_dma source(%dma_start3A_165 : memref<64x128xf32, #tpu.memory_space<vmem_shared>>) target(%arg29 : memref<80x128xf32, #tpu.memory_space<vmem>>) offsets(%arg23 : memref<80xi32, #tpu.memory_space<vmem>>) semaphore(%arg37 : memref<!tpu.dma_semaphore, #tpu.memory_space<semaphore_mem>>)
        } else {
        }
        %parallel_loop3A = arith.constant 0 : i32
        %parallel_loop3A_106 = arith.constant 80 : i32
        %parallel_loop3A_107 = arith.constant 1 : i32
        scf.for %parallel_loop3A_145 = %parallel_loop3A to %parallel_loop3A_106 step %parallel_loop3A_107  : i32 {
          %parallel_loop3A_146 = arith.index_cast %parallel_loop3A_145 : i32 to index
          %parallel_loop3A_147 = arith.constant 0 : index
          %parallel_loop3A_148 = tpu.vector_load %arg24[%parallel_loop3A_146, %parallel_loop3A_147] {strides = array<i32>} : memref<80x64xi32, #tpu.memory_space<vmem>>, vector<1x16xi32>,
          %parallel_loop3A_149 = vector.shape_cast %parallel_loop3A_148 : vector<1x16xi32> to vector<16xi32>
          %parallel_loop3A_150 = arith.index_cast %parallel_loop3A_145 : i32 to index
          %parallel_loop3A_151 = arith.constant 0 : index
          %parallel_loop3A_152 = tpu.vector_load %arg26[%parallel_loop3A_150, %parallel_loop3A_151] {strides = array<i32>} : memref<80x64xi32, #tpu.memory_space<vmem>>, vector<1x16xi32>,
          %parallel_loop3A_153 = vector.shape_cast %parallel_loop3A_152 : vector<1x16xi32> to vector<16xi32>
          %parallel_loop3A_154 = arith.constant 16 : i32
          %parallel_loop3A_155 = vector.broadcast %parallel_loop3A_154 : i32 to vector<16xi32>
          %parallel_loop3A_156 = arith.shli %parallel_loop3A_149, %parallel_loop3A_155 : vector<16xi32>
          %parallel_loop3A_157 = tpu.bitcast %parallel_loop3A_156 : vector<16xi32> -> vector<16xf32>
          %parallel_loop3A_158 = arith.constant 16 : i32
          %parallel_loop3A_159 = vector.broadcast %parallel_loop3A_158 : i32 to vector<16xi32>
          %parallel_loop3A_160 = arith.shli %parallel_loop3A_153, %parallel_loop3A_159 : vector<16xi32>
          %parallel_loop3A_161 = tpu.bitcast %parallel_loop3A_160 : vector<16xi32> -> vector<16xf32>
          %parallel_loop3A_162 = arith.andi %parallel_loop3A_149, %broadcast_in_dim3A_67 : vector<16xi32>
          %parallel_loop3A_163 = tpu.bitcast %parallel_loop3A_162 : vector<16xi32> -> vector<16xf32>
          %parallel_loop3A_164 = arith.andi %parallel_loop3A_153, %broadcast_in_dim3A_67 : vector<16xi32>
          %parallel_loop3A_165 = tpu.bitcast %parallel_loop3A_164 : vector<16xi32> -> vector<16xf32>
          %parallel_loop3A_166 = arith.addf %parallel_loop3A_157, %parallel_loop3A_161 : vector<16xf32>
          %parallel_loop3A_167 = arith.index_cast %parallel_loop3A_145 : i32 to index
          %parallel_loop3A_168 = arith.constant 0 : index
          %parallel_loop3A_169 = tpu.vector_load %arg28[%parallel_loop3A_167, %parallel_loop3A_168] {strides = array<i32>} : memref<80x128xf32, #tpu.memory_space<vmem>>, vector<1x16xf32>,
          %parallel_loop3A_170 = vector.shape_cast %parallel_loop3A_169 : vector<1x16xf32> to vector<16xf32>
          %parallel_loop3A_171 = arith.mulf %parallel_loop3A_166, %parallel_loop3A_170 : vector<16xf32>
          %parallel_loop3A_172 = arith.index_cast %parallel_loop3A_145 : i32 to index
          %parallel_loop3A_173 = arith.constant 0 : index
          %parallel_loop3A_174 = tpu.vector_load %arg28[%parallel_loop3A_172, %parallel_loop3A_173] {strides = array<i32>} : memref<80x128xf32, #tpu.memory_space<vmem>>, vector<1x16xf32>,
          %parallel_loop3A_175 = vector.shape_cast %parallel_loop3A_174 : vector<1x16xf32> to vector<16xf32>
          %parallel_loop3A_176 = vector.shape_cast %parallel_loop3A_171 : vector<16xf32> to vector<1x16xf32>
          tpu.vector_store %arg28[%parallel_loop3A_172, %parallel_loop3A_173], %parallel_loop3A_176 {strides = array<i32>} : memref<80x128xf32, #tpu.memory_space<vmem>>, vector<1x16xf32>,
          %parallel_loop3A_177 = arith.addf %parallel_loop3A_163, %parallel_loop3A_165 : vector<16xf32>
          %parallel_loop3A_178 = arith.index_cast %parallel_loop3A_145 : i32 to index
          %parallel_loop3A_179 = arith.constant 64 : index
          %parallel_loop3A_180 = tpu.vector_load %arg28[%parallel_loop3A_178, %parallel_loop3A_179] {strides = array<i32>} : memref<80x128xf32, #tpu.memory_space<vmem>>, vector<1x16xf32>,
          %parallel_loop3A_181 = vector.shape_cast %parallel_loop3A_180 : vector<1x16xf32> to vector<16xf32>
          %parallel_loop3A_182 = arith.mulf %parallel_loop3A_177, %parallel_loop3A_181 : vector<16xf32>
          %parallel_loop3A_183 = arith.index_cast %parallel_loop3A_145 : i32 to index
          %parallel_loop3A_184 = arith.constant 64 : index
          %parallel_loop3A_185 = tpu.vector_load %arg28[%parallel_loop3A_183, %parallel_loop3A_184] {strides = array<i32>} : memref<80x128xf32, #tpu.memory_space<vmem>>, vector<1x16xf32>,
          %parallel_loop3A_186 = vector.shape_cast %parallel_loop3A_185 : vector<1x16xf32> to vector<16xf32>
          %parallel_loop3A_187 = vector.shape_cast %parallel_loop3A_182 : vector<16xf32> to vector<1x16xf32>
          tpu.vector_store %arg28[%parallel_loop3A_183, %parallel_loop3A_184], %parallel_loop3A_187 {strides = array<i32>} : memref<80x128xf32, #tpu.memory_space<vmem>>, vector<1x16xf32>,
          %parallel_loop3A_188 = arith.index_cast %parallel_loop3A_145 : i32 to index
          %parallel_loop3A_189 = arith.constant 16 : index
          %parallel_loop3A_190 = tpu.vector_load %arg24[%parallel_loop3A_188, %parallel_loop3A_189] {strides = array<i32>} : memref<80x64xi32, #tpu.memory_space<vmem>>, vector<1x16xi32>,
          %parallel_loop3A_191 = vector.shape_cast %parallel_loop3A_190 : vector<1x16xi32> to vector<16xi32>
          %parallel_loop3A_192 = arith.index_cast %parallel_loop3A_145 : i32 to index
          %parallel_loop3A_193 = arith.constant 16 : index
          %parallel_loop3A_194 = tpu.vector_load %arg26[%parallel_loop3A_192, %parallel_loop3A_193] {strides = array<i32>} : memref<80x64xi32, #tpu.memory_space<vmem>>, vector<1x16xi32>,
          %parallel_loop3A_195 = vector.shape_cast %parallel_loop3A_194 : vector<1x16xi32> to vector<16xi32>
          %parallel_loop3A_196 = arith.constant 16 : i32
          %parallel_loop3A_197 = vector.broadcast %parallel_loop3A_196 : i32 to vector<16xi32>
          %parallel_loop3A_198 = arith.shli %parallel_loop3A_191, %parallel_loop3A_197 : vector<16xi32>
          %parallel_loop3A_199 = tpu.bitcast %parallel_loop3A_198 : vector<16xi32> -> vector<16xf32>
          %parallel_loop3A_200 = arith.constant 16 : i32
          %parallel_loop3A_201 = vector.broadcast %parallel_loop3A_200 : i32 to vector<16xi32>
          %parallel_loop3A_202 = arith.shli %parallel_loop3A_195, %parallel_loop3A_201 : vector<16xi32>
          %parallel_loop3A_203 = tpu.bitcast %parallel_loop3A_202 : vector<16xi32> -> vector<16xf32>
          %parallel_loop3A_204 = arith.andi %parallel_loop3A_191, %broadcast_in_dim3A_67 : vector<16xi32>
          %parallel_loop3A_205 = tpu.bitcast %parallel_loop3A_204 : vector<16xi32> -> vector<16xf32>
          %parallel_loop3A_206 = arith.andi %parallel_loop3A_195, %broadcast_in_dim3A_67 : vector<16xi32>
          %parallel_loop3A_207 = tpu.bitcast %parallel_loop3A_206 : vector<16xi32> -> vector<16xf32>
          %parallel_loop3A_208 = arith.addf %parallel_loop3A_199, %parallel_loop3A_203 : vector<16xf32>
          %parallel_loop3A_209 = arith.index_cast %parallel_loop3A_145 : i32 to index
          %parallel_loop3A_210 = arith.constant 16 : index
          %parallel_loop3A_211 = tpu.vector_load %arg28[%parallel_loop3A_209, %parallel_loop3A_210] {strides = array<i32>} : memref<80x128xf32, #tpu.memory_space<vmem>>, vector<1x16xf32>,
          %parallel_loop3A_212 = vector.shape_cast %parallel_loop3A_211 : vector<1x16xf32> to vector<16xf32>
          %parallel_loop3A_213 = arith.mulf %parallel_loop3A_208, %parallel_loop3A_212 : vector<16xf32>
          %parallel_loop3A_214 = arith.index_cast %parallel_loop3A_145 : i32 to index
          %parallel_loop3A_215 = arith.constant 16 : index
          %parallel_loop3A_216 = tpu.vector_load %arg28[%parallel_loop3A_214, %parallel_loop3A_215] {strides = array<i32>} : memref<80x128xf32, #tpu.memory_space<vmem>>, vector<1x16xf32>,
          %parallel_loop3A_217 = vector.shape_cast %parallel_loop3A_216 : vector<1x16xf32> to vector<16xf32>
          %parallel_loop3A_218 = vector.shape_cast %parallel_loop3A_213 : vector<16xf32> to vector<1x16xf32>
          tpu.vector_store %arg28[%parallel_loop3A_214, %parallel_loop3A_215], %parallel_loop3A_218 {strides = array<i32>} : memref<80x128xf32, #tpu.memory_space<vmem>>, vector<1x16xf32>,
          %parallel_loop3A_219 = arith.addf %parallel_loop3A_205, %parallel_loop3A_207 : vector<16xf32>
          %parallel_loop3A_220 = arith.index_cast %parallel_loop3A_145 : i32 to index
          %parallel_loop3A_221 = arith.constant 80 : index
          %parallel_loop3A_222 = tpu.vector_load %arg28[%parallel_loop3A_220, %parallel_loop3A_221] {strides = array<i32>} : memref<80x128xf32, #tpu.memory_space<vmem>>, vector<1x16xf32>,
          %parallel_loop3A_223 = vector.shape_cast %parallel_loop3A_222 : vector<1x16xf32> to vector<16xf32>
          %parallel_loop3A_224 = arith.mulf %parallel_loop3A_219, %parallel_loop3A_223 : vector<16xf32>
          %parallel_loop3A_225 = arith.index_cast %parallel_loop3A_145 : i32 to index
          %parallel_loop3A_226 = arith.constant 80 : index
          %parallel_loop3A_227 = tpu.vector_load %arg28[%parallel_loop3A_225, %parallel_loop3A_226] {strides = array<i32>} : memref<80x128xf32, #tpu.memory_space<vmem>>, vector<1x16xf32>,
          %parallel_loop3A_228 = vector.shape_cast %parallel_loop3A_227 : vector<1x16xf32> to vector<16xf32>
          %parallel_loop3A_229 = vector.shape_cast %parallel_loop3A_224 : vector<16xf32> to vector<1x16xf32>
          tpu.vector_store %arg28[%parallel_loop3A_225, %parallel_loop3A_226], %parallel_loop3A_229 {strides = array<i32>} : memref<80x128xf32, #tpu.memory_space<vmem>>, vector<1x16xf32>,
          %parallel_loop3A_230 = arith.index_cast %parallel_loop3A_145 : i32 to index
          %parallel_loop3A_231 = arith.constant 32 : index
          %parallel_loop3A_232 = tpu.vector_load %arg24[%parallel_loop3A_230, %parallel_loop3A_231] {strides = array<i32>} : memref<80x64xi32, #tpu.memory_space<vmem>>, vector<1x16xi32>,
          %parallel_loop3A_233 = vector.shape_cast %parallel_loop3A_232 : vector<1x16xi32> to vector<16xi32>
          %parallel_loop3A_234 = arith.index_cast %parallel_loop3A_145 : i32 to index
          %parallel_loop3A_235 = arith.constant 32 : index
          %parallel_loop3A_236 = tpu.vector_load %arg26[%parallel_loop3A_234, %parallel_loop3A_235] {strides = array<i32>} : memref<80x64xi32, #tpu.memory_space<vmem>>, vector<1x16xi32>,
          %parallel_loop3A_237 = vector.shape_cast %parallel_loop3A_236 : vector<1x16xi32> to vector<16xi32>
          %parallel_loop3A_238 = arith.constant 16 : i32
          %parallel_loop3A_239 = vector.broadcast %parallel_loop3A_238 : i32 to vector<16xi32>
          %parallel_loop3A_240 = arith.shli %parallel_loop3A_233, %parallel_loop3A_239 : vector<16xi32>
          %parallel_loop3A_241 = tpu.bitcast %parallel_loop3A_240 : vector<16xi32> -> vector<16xf32>
          %parallel_loop3A_242 = arith.constant 16 : i32
          %parallel_loop3A_243 = vector.broadcast %parallel_loop3A_242 : i32 to vector<16xi32>
          %parallel_loop3A_244 = arith.shli %parallel_loop3A_237, %parallel_loop3A_243 : vector<16xi32>
          %parallel_loop3A_245 = tpu.bitcast %parallel_loop3A_244 : vector<16xi32> -> vector<16xf32>
          %parallel_loop3A_246 = arith.andi %parallel_loop3A_233, %broadcast_in_dim3A_67 : vector<16xi32>
          %parallel_loop3A_247 = tpu.bitcast %parallel_loop3A_246 : vector<16xi32> -> vector<16xf32>
          %parallel_loop3A_248 = arith.andi %parallel_loop3A_237, %broadcast_in_dim3A_67 : vector<16xi32>
          %parallel_loop3A_249 = tpu.bitcast %parallel_loop3A_248 : vector<16xi32> -> vector<16xf32>
          %parallel_loop3A_250 = arith.addf %parallel_loop3A_241, %parallel_loop3A_245 : vector<16xf32>
          %parallel_loop3A_251 = arith.index_cast %parallel_loop3A_145 : i32 to index
          %parallel_loop3A_252 = arith.constant 32 : index
          %parallel_loop3A_253 = tpu.vector_load %arg28[%parallel_loop3A_251, %parallel_loop3A_252] {strides = array<i32>} : memref<80x128xf32, #tpu.memory_space<vmem>>, vector<1x16xf32>,
          %parallel_loop3A_254 = vector.shape_cast %parallel_loop3A_253 : vector<1x16xf32> to vector<16xf32>
          %parallel_loop3A_255 = arith.mulf %parallel_loop3A_250, %parallel_loop3A_254 : vector<16xf32>
          %parallel_loop3A_256 = arith.index_cast %parallel_loop3A_145 : i32 to index
          %parallel_loop3A_257 = arith.constant 32 : index
          %parallel_loop3A_258 = tpu.vector_load %arg28[%parallel_loop3A_256, %parallel_loop3A_257] {strides = array<i32>} : memref<80x128xf32, #tpu.memory_space<vmem>>, vector<1x16xf32>,
          %parallel_loop3A_259 = vector.shape_cast %parallel_loop3A_258 : vector<1x16xf32> to vector<16xf32>
          %parallel_loop3A_260 = vector.shape_cast %parallel_loop3A_255 : vector<16xf32> to vector<1x16xf32>
          tpu.vector_store %arg28[%parallel_loop3A_256, %parallel_loop3A_257], %parallel_loop3A_260 {strides = array<i32>} : memref<80x128xf32, #tpu.memory_space<vmem>>, vector<1x16xf32>,
          %parallel_loop3A_261 = arith.addf %parallel_loop3A_247, %parallel_loop3A_249 : vector<16xf32>
          %parallel_loop3A_262 = arith.index_cast %parallel_loop3A_145 : i32 to index
          %parallel_loop3A_263 = arith.constant 96 : index
          %parallel_loop3A_264 = tpu.vector_load %arg28[%parallel_loop3A_262, %parallel_loop3A_263] {strides = array<i32>} : memref<80x128xf32, #tpu.memory_space<vmem>>, vector<1x16xf32>,
          %parallel_loop3A_265 = vector.shape_cast %parallel_loop3A_264 : vector<1x16xf32> to vector<16xf32>
          %parallel_loop3A_266 = arith.mulf %parallel_loop3A_261, %parallel_loop3A_265 : vector<16xf32>
          %parallel_loop3A_267 = arith.index_cast %parallel_loop3A_145 : i32 to index
          %parallel_loop3A_268 = arith.constant 96 : index
          %parallel_loop3A_269 = tpu.vector_load %arg28[%parallel_loop3A_267, %parallel_loop3A_268] {strides = array<i32>} : memref<80x128xf32, #tpu.memory_space<vmem>>, vector<1x16xf32>,
          %parallel_loop3A_270 = vector.shape_cast %parallel_loop3A_269 : vector<1x16xf32> to vector<16xf32>
          %parallel_loop3A_271 = vector.shape_cast %parallel_loop3A_266 : vector<16xf32> to vector<1x16xf32>
          tpu.vector_store %arg28[%parallel_loop3A_267, %parallel_loop3A_268], %parallel_loop3A_271 {strides = array<i32>} : memref<80x128xf32, #tpu.memory_space<vmem>>, vector<1x16xf32>,
          %parallel_loop3A_272 = arith.index_cast %parallel_loop3A_145 : i32 to index
          %parallel_loop3A_273 = arith.constant 48 : index
          %parallel_loop3A_274 = tpu.vector_load %arg24[%parallel_loop3A_272, %parallel_loop3A_273] {strides = array<i32>} : memref<80x64xi32, #tpu.memory_space<vmem>>, vector<1x16xi32>,
          %parallel_loop3A_275 = vector.shape_cast %parallel_loop3A_274 : vector<1x16xi32> to vector<16xi32>
          %parallel_loop3A_276 = arith.index_cast %parallel_loop3A_145 : i32 to index
          %parallel_loop3A_277 = arith.constant 48 : index
          %parallel_loop3A_278 = tpu.vector_load %arg26[%parallel_loop3A_276, %parallel_loop3A_277] {strides = array<i32>} : memref<80x64xi32, #tpu.memory_space<vmem>>, vector<1x16xi32>,
          %parallel_loop3A_279 = vector.shape_cast %parallel_loop3A_278 : vector<1x16xi32> to vector<16xi32>
          %parallel_loop3A_280 = arith.constant 16 : i32
          %parallel_loop3A_281 = vector.broadcast %parallel_loop3A_280 : i32 to vector<16xi32>
          %parallel_loop3A_282 = arith.shli %parallel_loop3A_275, %parallel_loop3A_281 : vector<16xi32>
          %parallel_loop3A_283 = tpu.bitcast %parallel_loop3A_282 : vector<16xi32> -> vector<16xf32>
          %parallel_loop3A_284 = arith.constant 16 : i32
          %parallel_loop3A_285 = vector.broadcast %parallel_loop3A_284 : i32 to vector<16xi32>
          %parallel_loop3A_286 = arith.shli %parallel_loop3A_279, %parallel_loop3A_285 : vector<16xi32>
          %parallel_loop3A_287 = tpu.bitcast %parallel_loop3A_286 : vector<16xi32> -> vector<16xf32>
          %parallel_loop3A_288 = arith.andi %parallel_loop3A_275, %broadcast_in_dim3A_67 : vector<16xi32>
          %parallel_loop3A_289 = tpu.bitcast %parallel_loop3A_288 : vector<16xi32> -> vector<16xf32>
          %parallel_loop3A_290 = arith.andi %parallel_loop3A_279, %broadcast_in_dim3A_67 : vector<16xi32>
          %parallel_loop3A_291 = tpu.bitcast %parallel_loop3A_290 : vector<16xi32> -> vector<16xf32>
          %parallel_loop3A_292 = arith.addf %parallel_loop3A_283, %parallel_loop3A_287 : vector<16xf32>
          %parallel_loop3A_293 = arith.index_cast %parallel_loop3A_145 : i32 to index
          %parallel_loop3A_294 = arith.constant 48 : index
          %parallel_loop3A_295 = tpu.vector_load %arg28[%parallel_loop3A_293, %parallel_loop3A_294] {strides = array<i32>} : memref<80x128xf32, #tpu.memory_space<vmem>>, vector<1x16xf32>,
          %parallel_loop3A_296 = vector.shape_cast %parallel_loop3A_295 : vector<1x16xf32> to vector<16xf32>
          %parallel_loop3A_297 = arith.mulf %parallel_loop3A_292, %parallel_loop3A_296 : vector<16xf32>
          %parallel_loop3A_298 = arith.index_cast %parallel_loop3A_145 : i32 to index
          %parallel_loop3A_299 = arith.constant 48 : index
          %parallel_loop3A_300 = tpu.vector_load %arg28[%parallel_loop3A_298, %parallel_loop3A_299] {strides = array<i32>} : memref<80x128xf32, #tpu.memory_space<vmem>>, vector<1x16xf32>,
          %parallel_loop3A_301 = vector.shape_cast %parallel_loop3A_300 : vector<1x16xf32> to vector<16xf32>
          %parallel_loop3A_302 = vector.shape_cast %parallel_loop3A_297 : vector<16xf32> to vector<1x16xf32>
          tpu.vector_store %arg28[%parallel_loop3A_298, %parallel_loop3A_299], %parallel_loop3A_302 {strides = array<i32>} : memref<80x128xf32, #tpu.memory_space<vmem>>, vector<1x16xf32>,
          %parallel_loop3A_303 = arith.addf %parallel_loop3A_289, %parallel_loop3A_291 : vector<16xf32>
          %parallel_loop3A_304 = arith.index_cast %parallel_loop3A_145 : i32 to index
          %parallel_loop3A_305 = arith.constant 112 : index
          %parallel_loop3A_306 = tpu.vector_load %arg28[%parallel_loop3A_304, %parallel_loop3A_305] {strides = array<i32>} : memref<80x128xf32, #tpu.memory_space<vmem>>, vector<1x16xf32>,
          %parallel_loop3A_307 = vector.shape_cast %parallel_loop3A_306 : vector<1x16xf32> to vector<16xf32>
          %parallel_loop3A_308 = arith.mulf %parallel_loop3A_303, %parallel_loop3A_307 : vector<16xf32>
          %parallel_loop3A_309 = arith.index_cast %parallel_loop3A_145 : i32 to index
          %parallel_loop3A_310 = arith.constant 112 : index
          %parallel_loop3A_311 = tpu.vector_load %arg28[%parallel_loop3A_309, %parallel_loop3A_310] {strides = array<i32>} : memref<80x128xf32, #tpu.memory_space<vmem>>, vector<1x16xf32>,
          %parallel_loop3A_312 = vector.shape_cast %parallel_loop3A_311 : vector<1x16xf32> to vector<16xf32>
          %parallel_loop3A_313 = vector.shape_cast %parallel_loop3A_308 : vector<16xf32> to vector<1x16xf32>
          tpu.vector_store %arg28[%parallel_loop3A_309, %parallel_loop3A_310], %parallel_loop3A_313 {strides = array<i32>} : memref<80x128xf32, #tpu.memory_space<vmem>>, vector<1x16xf32>,
        } {sc.loop_unroll_factor = 4 : i64, sc.parallel_access}
        "tpu.region"() ({
          %run_scoped3A = tpu.sem_alloc : memref<!tpu.dma_semaphore, #tpu.memory_space<semaphore_mem>>
          %dma_start3A_145 = arith.constant 0 : i32
          %dma_start3A_146 = arith.constant 0 : i32
          %dma_start3A_147 = tpu.memref_slice %arg16[%dma_start3A_145, %dma_start3A_146] : memref<10000x128xf32, #tpu.memory_space<vmem_shared>> -> memref<10000x128xf32, #tpu.memory_space<vmem_shared>>
          tpu.enqueue_indirect_dma source(%arg28 : memref<80x128xf32, #tpu.memory_space<vmem>>) target(%dma_start3A_147 : memref<10000x128xf32, #tpu.memory_space<vmem_shared>>) offsets(%arg20 : memref<80xi32, #tpu.memory_space<vmem>>) semaphore(%run_scoped3A : memref<!tpu.dma_semaphore, #tpu.memory_space<semaphore_mem>>) {add = true}
          %dma_wait3A_148 = arith.constant 0 : i32
          %dma_wait3A_149 = arith.constant 0 : i32
          %dma_wait3A_150 = tpu.memref_slice %arg16[%dma_wait3A_148, %dma_wait3A_149] : memref<10000x128xf32, #tpu.memory_space<vmem_shared>> -> memref<10000x128xf32, #tpu.memory_space<vmem_shared>>
          tpu.wait_indirect_dma semaphore(%run_scoped3A : memref<!tpu.dma_semaphore, #tpu.memory_space<semaphore_mem>>) src(%arg28 : memref<80x128xf32, #tpu.memory_space<vmem>>) dst(%dma_wait3A_150 : memref<10000x128xf32, #tpu.memory_space<vmem_shared>>)
          tpu.yield
        }) : () -> ()
        %add3A_108 = arith.constant 2 : i32
        %add3A_109 = arith.addi %add3A_89, %add3A_108 : i32
        %lt3A_110 = arith.constant 250 : i32
        %lt3A_111 = arith.cmpi slt, %add3A_109, %lt3A_110 : i32
        %convert_element_type3A_112 = arith.extui %lt3A_111 : i1 to i32
        %cond3A_113 = arith.constant 0 : i32
        %cond3A_114 = arith.cmpi ne, %convert_element_type3A_112, %cond3A_113 : i32
        scf.if %cond3A_114 {
          %add3A_145 = arith.constant 2 : i32
          %add3A_146 = arith.addi %add3A_89, %add3A_145 : i32
          %mul3A_147 = arith.constant 80 : i32
          %mul3A_148 = arith.muli %add3A_146, %mul3A_147 : i32
          %add3A_149 = arith.addi %mul3A_29, %mul3A_148 : i32
          %multiple_of3A_150 = tpu.assume_multiple %add3A_149, 8 : i32
          %dma_start3A_151 = tpu.memref_slice %arg5[%multiple_of3A_150] : memref<320000xi32, #tpu.memory_space<hbm>> -> memref<80xi32, #tpu.memory_space<hbm>>
          %dma_start3A_152 = tpu.memref_slice %arg5[%multiple_of3A_150] : memref<320000xi32, #tpu.memory_space<hbm>> -> memref<80xi32, #tpu.memory_space<hbm>>
          tpu.enqueue_dma source(%dma_start3A_152 : memref<80xi32, #tpu.memory_space<hbm>>) target(%arg18 : memref<80xi32, #tpu.memory_space<vmem>>) target_semaphore(%arg30 : memref<!tpu.dma_semaphore, #tpu.memory_space<semaphore_mem>>)
          %dma_start3A_153 = tpu.memref_slice %arg6[%multiple_of3A_150] : memref<320000xi32, #tpu.memory_space<hbm>> -> memref<80xi32, #tpu.memory_space<hbm>>
          %dma_start3A_154 = tpu.memref_slice %arg6[%multiple_of3A_150] : memref<320000xi32, #tpu.memory_space<hbm>> -> memref<80xi32, #tpu.memory_space<hbm>>
          tpu.enqueue_dma source(%dma_start3A_154 : memref<80xi32, #tpu.memory_space<hbm>>) target(%arg20 : memref<80xi32, #tpu.memory_space<vmem>>) target_semaphore(%arg30 : memref<!tpu.dma_semaphore, #tpu.memory_space<semaphore_mem>>)
          %dma_start3A_155 = tpu.memref_slice %arg7[%multiple_of3A_150] : memref<320000xi32, #tpu.memory_space<hbm>> -> memref<80xi32, #tpu.memory_space<hbm>>
          %dma_start3A_156 = tpu.memref_slice %arg7[%multiple_of3A_150] : memref<320000xi32, #tpu.memory_space<hbm>> -> memref<80xi32, #tpu.memory_space<hbm>>
          tpu.enqueue_dma source(%dma_start3A_156 : memref<80xi32, #tpu.memory_space<hbm>>) target(%arg22 : memref<80xi32, #tpu.memory_space<vmem>>) target_semaphore(%arg30 : memref<!tpu.dma_semaphore, #tpu.memory_space<semaphore_mem>>)
        } else {
        }
        %mul3A_115 = arith.constant 2 : i32
        %mul3A_116 = arith.muli %mul3A_115, %scan3A_85 : i32
        %add3A_117 = arith.constant 1 : i32
        %add3A_118 = arith.addi %mul3A_116, %add3A_117 : i32
        %dma_wait3A_119 = arith.constant 0 : i32
        %dma_wait3A_120 = arith.constant 0 : i32
        %dma_wait3A_121 = tpu.memref_slice %arg2[%dma_wait3A_119, %dma_wait3A_120] : memref<10000x64xi32, #tpu.memory_space<hbm>> -> memref<10000x64xi32, #tpu.memory_space<hbm>>
        tpu.wait_indirect_dma semaphore(%arg33 : memref<!tpu.dma_semaphore, #tpu.memory_space<semaphore_mem>>) src(%dma_wait3A_121 : memref<10000x64xi32, #tpu.memory_space<hbm>>) dst(%arg25 : memref<80x64xi32, #tpu.memory_space<vmem>>)
        %dma_wait3A_122 = arith.constant 0 : i32
        %dma_wait3A_123 = arith.constant 0 : i32
        %dma_wait3A_124 = tpu.memref_slice %arg3[%dma_wait3A_122, %dma_wait3A_123] : memref<10000x64xi32, #tpu.memory_space<hbm>> -> memref<10000x64xi32, #tpu.memory_space<hbm>>
        tpu.wait_indirect_dma semaphore(%arg35 : memref<!tpu.dma_semaphore, #tpu.memory_space<semaphore_mem>>) src(%dma_wait3A_124 : memref<10000x64xi32, #tpu.memory_space<hbm>>) dst(%arg27 : memref<80x64xi32, #tpu.memory_space<vmem>>)
        %dma_wait3A_125 = arith.constant 0 : i32
        %dma_wait3A_126 = arith.constant 0 : i32
        %dma_wait3A_127 = tpu.memref_slice %arg17[%dma_wait3A_125, %dma_wait3A_126] : memref<64x128xf32, #tpu.memory_space<vmem_shared>> -> memref<64x128xf32, #tpu.memory_space<vmem_shared>>
        tpu.wait_indirect_dma semaphore(%arg37 : memref<!tpu.dma_semaphore, #tpu.memory_space<semaphore_mem>>) src(%dma_wait3A_127 : memref<64x128xf32, #tpu.memory_space<vmem_shared>>) dst(%arg29 : memref<80x128xf32, #tpu.memory_space<vmem>>)
        %add3A_128 = arith.constant 1 : i32
        %add3A_129 = arith.addi %add3A_118, %add3A_128 : i32
        %lt3A_130 = arith.constant 250 : i32
        %lt3A_131 = arith.cmpi slt, %add3A_129, %lt3A_130 : i32
        %convert_element_type3A_132 = arith.extui %lt3A_131 : i1 to i32
        %cond3A_133 = arith.constant 0 : i32
        %cond3A_134 = arith.cmpi ne, %convert_element_type3A_132, %cond3A_133 : i32
        scf.if %cond3A_134 {
          %dma_wait3A_145 = arith.constant 0 : i32
          %dma_wait3A_146 = tpu.memref_slice %arg5[%dma_wait3A_145] : memref<320000xi32, #tpu.memory_space<hbm>> -> memref<80xi32, #tpu.memory_space<hbm>>
          %dma_wait3A_147 = arith.constant 0 : i32
          %dma_wait3A_148 = tpu.memref_slice %arg5[%dma_wait3A_147] : memref<320000xi32, #tpu.memory_space<hbm>> -> memref<80xi32, #tpu.memory_space<hbm>>
          tpu.wait_dma2 semaphore(%arg30 : memref<!tpu.dma_semaphore, #tpu.memory_space<semaphore_mem>>) src(%dma_wait3A_148 : memref<80xi32, #tpu.memory_space<hbm>>) dst(%arg18 : memref<80xi32, #tpu.memory_space<vmem>>)
          %dma_wait3A_149 = arith.constant 0 : i32
          %dma_wait3A_150 = tpu.memref_slice %arg5[%dma_wait3A_149] : memref<320000xi32, #tpu.memory_space<hbm>> -> memref<80xi32, #tpu.memory_space<hbm>>
          %dma_wait3A_151 = arith.constant 0 : i32
          %dma_wait3A_152 = tpu.memref_slice %arg5[%dma_wait3A_151] : memref<320000xi32, #tpu.memory_space<hbm>> -> memref<80xi32, #tpu.memory_space<hbm>>
          tpu.wait_dma2 semaphore(%arg30 : memref<!tpu.dma_semaphore, #tpu.memory_space<semaphore_mem>>) src(%dma_wait3A_152 : memref<80xi32, #tpu.memory_space<hbm>>) dst(%arg20 : memref<80xi32, #tpu.memory_space<vmem>>)
          %dma_wait3A_153 = arith.constant 0 : i32
          %dma_wait3A_154 = tpu.memref_slice %arg5[%dma_wait3A_153] : memref<320000xi32, #tpu.memory_space<hbm>> -> memref<80xi32, #tpu.memory_space<hbm>>
          %dma_wait3A_155 = arith.constant 0 : i32
          %dma_wait3A_156 = tpu.memref_slice %arg5[%dma_wait3A_155] : memref<320000xi32, #tpu.memory_space<hbm>> -> memref<80xi32, #tpu.memory_space<hbm>>
          tpu.wait_dma2 semaphore(%arg30 : memref<!tpu.dma_semaphore, #tpu.memory_space<semaphore_mem>>) src(%dma_wait3A_156 : memref<80xi32, #tpu.memory_space<hbm>>) dst(%arg22 : memref<80xi32, #tpu.memory_space<vmem>>)
          %dma_start3A_157 = arith.constant 0 : i32
          %dma_start3A_158 = arith.constant 0 : i32
          %dma_start3A_159 = tpu.memref_slice %arg2[%dma_start3A_157, %dma_start3A_158] : memref<10000x64xi32, #tpu.memory_space<hbm>> -> memref<10000x64xi32, #tpu.memory_space<hbm>>
          tpu.enqueue_indirect_dma source(%dma_start3A_159 : memref<10000x64xi32, #tpu.memory_space<hbm>>) target(%arg24 : memref<80x64xi32, #tpu.memory_space<vmem>>) offsets(%arg18 : memref<80xi32, #tpu.memory_space<vmem>>) semaphore(%arg32 : memref<!tpu.dma_semaphore, #tpu.memory_space<semaphore_mem>>)
          %dma_start3A_160 = arith.constant 0 : i32
          %dma_start3A_161 = arith.constant 0 : i32
          %dma_start3A_162 = tpu.memref_slice %arg3[%dma_start3A_160, %dma_start3A_161] : memref<10000x64xi32, #tpu.memory_space<hbm>> -> memref<10000x64xi32, #tpu.memory_space<hbm>>
          tpu.enqueue_indirect_dma source(%dma_start3A_162 : memref<10000x64xi32, #tpu.memory_space<hbm>>) target(%arg26 : memref<80x64xi32, #tpu.memory_space<vmem>>) offsets(%arg20 : memref<80xi32, #tpu.memory_space<vmem>>) semaphore(%arg34 : memref<!tpu.dma_semaphore, #tpu.memory_space<semaphore_mem>>)
          %dma_start3A_163 = arith.constant 0 : i32
          %dma_start3A_164 = arith.constant 0 : i32
          %dma_start3A_165 = tpu.memref_slice %arg17[%dma_start3A_163, %dma_start3A_164] : memref<64x128xf32, #tpu.memory_space<vmem_shared>> -> memref<64x128xf32, #tpu.memory_space<vmem_shared>>
          tpu.enqueue_indirect_dma source(%dma_start3A_165 : memref<64x128xf32, #tpu.memory_space<vmem_shared>>) target(%arg28 : memref<80x128xf32, #tpu.memory_space<vmem>>) offsets(%arg22 : memref<80xi32, #tpu.memory_space<vmem>>) semaphore(%arg36 : memref<!tpu.dma_semaphore, #tpu.memory_space<semaphore_mem>>)
        } else {
        }
        %parallel_loop3A_135 = arith.constant 0 : i32
        %parallel_loop3A_136 = arith.constant 80 : i32
        %parallel_loop3A_137 = arith.constant 1 : i32
        scf.for %parallel_loop3A_145 = %parallel_loop3A_135 to %parallel_loop3A_136 step %parallel_loop3A_137  : i32 {
          %parallel_loop3A_146 = arith.index_cast %parallel_loop3A_145 : i32 to index
          %parallel_loop3A_147 = arith.constant 0 : index
          %parallel_loop3A_148 = tpu.vector_load %arg25[%parallel_loop3A_146, %parallel_loop3A_147] {strides = array<i32>} : memref<80x64xi32, #tpu.memory_space<vmem>>, vector<1x16xi32>,
          %parallel_loop3A_149 = vector.shape_cast %parallel_loop3A_148 : vector<1x16xi32> to vector<16xi32>
          %parallel_loop3A_150 = arith.index_cast %parallel_loop3A_145 : i32 to index
          %parallel_loop3A_151 = arith.constant 0 : index
          %parallel_loop3A_152 = tpu.vector_load %arg27[%parallel_loop3A_150, %parallel_loop3A_151] {strides = array<i32>} : memref<80x64xi32, #tpu.memory_space<vmem>>, vector<1x16xi32>,
          %parallel_loop3A_153 = vector.shape_cast %parallel_loop3A_152 : vector<1x16xi32> to vector<16xi32>
          %parallel_loop3A_154 = arith.constant 16 : i32
          %parallel_loop3A_155 = vector.broadcast %parallel_loop3A_154 : i32 to vector<16xi32>
          %parallel_loop3A_156 = arith.shli %parallel_loop3A_149, %parallel_loop3A_155 : vector<16xi32>
          %parallel_loop3A_157 = tpu.bitcast %parallel_loop3A_156 : vector<16xi32> -> vector<16xf32>
          %parallel_loop3A_158 = arith.constant 16 : i32
          %parallel_loop3A_159 = vector.broadcast %parallel_loop3A_158 : i32 to vector<16xi32>
          %parallel_loop3A_160 = arith.shli %parallel_loop3A_153, %parallel_loop3A_159 : vector<16xi32>
          %parallel_loop3A_161 = tpu.bitcast %parallel_loop3A_160 : vector<16xi32> -> vector<16xf32>
          %parallel_loop3A_162 = arith.andi %parallel_loop3A_149, %broadcast_in_dim3A_67 : vector<16xi32>
          %parallel_loop3A_163 = tpu.bitcast %parallel_loop3A_162 : vector<16xi32> -> vector<16xf32>
          %parallel_loop3A_164 = arith.andi %parallel_loop3A_153, %broadcast_in_dim3A_67 : vector<16xi32>
          %parallel_loop3A_165 = tpu.bitcast %parallel_loop3A_164 : vector<16xi32> -> vector<16xf32>
          %parallel_loop3A_166 = arith.addf %parallel_loop3A_157, %parallel_loop3A_161 : vector<16xf32>
          %parallel_loop3A_167 = arith.index_cast %parallel_loop3A_145 : i32 to index
          %parallel_loop3A_168 = arith.constant 0 : index
          %parallel_loop3A_169 = tpu.vector_load %arg29[%parallel_loop3A_167, %parallel_loop3A_168] {strides = array<i32>} : memref<80x128xf32, #tpu.memory_space<vmem>>, vector<1x16xf32>,
          %parallel_loop3A_170 = vector.shape_cast %parallel_loop3A_169 : vector<1x16xf32> to vector<16xf32>
          %parallel_loop3A_171 = arith.mulf %parallel_loop3A_166, %parallel_loop3A_170 : vector<16xf32>
          %parallel_loop3A_172 = arith.index_cast %parallel_loop3A_145 : i32 to index
          %parallel_loop3A_173 = arith.constant 0 : index
          %parallel_loop3A_174 = tpu.vector_load %arg29[%parallel_loop3A_172, %parallel_loop3A_173] {strides = array<i32>} : memref<80x128xf32, #tpu.memory_space<vmem>>, vector<1x16xf32>,
          %parallel_loop3A_175 = vector.shape_cast %parallel_loop3A_174 : vector<1x16xf32> to vector<16xf32>
          %parallel_loop3A_176 = vector.shape_cast %parallel_loop3A_171 : vector<16xf32> to vector<1x16xf32>
          tpu.vector_store %arg29[%parallel_loop3A_172, %parallel_loop3A_173], %parallel_loop3A_176 {strides = array<i32>} : memref<80x128xf32, #tpu.memory_space<vmem>>, vector<1x16xf32>,
          %parallel_loop3A_177 = arith.addf %parallel_loop3A_163, %parallel_loop3A_165 : vector<16xf32>
          %parallel_loop3A_178 = arith.index_cast %parallel_loop3A_145 : i32 to index
          %parallel_loop3A_179 = arith.constant 64 : index
          %parallel_loop3A_180 = tpu.vector_load %arg29[%parallel_loop3A_178, %parallel_loop3A_179] {strides = array<i32>} : memref<80x128xf32, #tpu.memory_space<vmem>>, vector<1x16xf32>,
          %parallel_loop3A_181 = vector.shape_cast %parallel_loop3A_180 : vector<1x16xf32> to vector<16xf32>
          %parallel_loop3A_182 = arith.mulf %parallel_loop3A_177, %parallel_loop3A_181 : vector<16xf32>
          %parallel_loop3A_183 = arith.index_cast %parallel_loop3A_145 : i32 to index
          %parallel_loop3A_184 = arith.constant 64 : index
          %parallel_loop3A_185 = tpu.vector_load %arg29[%parallel_loop3A_183, %parallel_loop3A_184] {strides = array<i32>} : memref<80x128xf32, #tpu.memory_space<vmem>>, vector<1x16xf32>,
          %parallel_loop3A_186 = vector.shape_cast %parallel_loop3A_185 : vector<1x16xf32> to vector<16xf32>
          %parallel_loop3A_187 = vector.shape_cast %parallel_loop3A_182 : vector<16xf32> to vector<1x16xf32>
          tpu.vector_store %arg29[%parallel_loop3A_183, %parallel_loop3A_184], %parallel_loop3A_187 {strides = array<i32>} : memref<80x128xf32, #tpu.memory_space<vmem>>, vector<1x16xf32>,
          %parallel_loop3A_188 = arith.index_cast %parallel_loop3A_145 : i32 to index
          %parallel_loop3A_189 = arith.constant 16 : index
          %parallel_loop3A_190 = tpu.vector_load %arg25[%parallel_loop3A_188, %parallel_loop3A_189] {strides = array<i32>} : memref<80x64xi32, #tpu.memory_space<vmem>>, vector<1x16xi32>,
          %parallel_loop3A_191 = vector.shape_cast %parallel_loop3A_190 : vector<1x16xi32> to vector<16xi32>
          %parallel_loop3A_192 = arith.index_cast %parallel_loop3A_145 : i32 to index
          %parallel_loop3A_193 = arith.constant 16 : index
          %parallel_loop3A_194 = tpu.vector_load %arg27[%parallel_loop3A_192, %parallel_loop3A_193] {strides = array<i32>} : memref<80x64xi32, #tpu.memory_space<vmem>>, vector<1x16xi32>,
          %parallel_loop3A_195 = vector.shape_cast %parallel_loop3A_194 : vector<1x16xi32> to vector<16xi32>
          %parallel_loop3A_196 = arith.constant 16 : i32
          %parallel_loop3A_197 = vector.broadcast %parallel_loop3A_196 : i32 to vector<16xi32>
          %parallel_loop3A_198 = arith.shli %parallel_loop3A_191, %parallel_loop3A_197 : vector<16xi32>
          %parallel_loop3A_199 = tpu.bitcast %parallel_loop3A_198 : vector<16xi32> -> vector<16xf32>
          %parallel_loop3A_200 = arith.constant 16 : i32
          %parallel_loop3A_201 = vector.broadcast %parallel_loop3A_200 : i32 to vector<16xi32>
          %parallel_loop3A_202 = arith.shli %parallel_loop3A_195, %parallel_loop3A_201 : vector<16xi32>
          %parallel_loop3A_203 = tpu.bitcast %parallel_loop3A_202 : vector<16xi32> -> vector<16xf32>
          %parallel_loop3A_204 = arith.andi %parallel_loop3A_191, %broadcast_in_dim3A_67 : vector<16xi32>
          %parallel_loop3A_205 = tpu.bitcast %parallel_loop3A_204 : vector<16xi32> -> vector<16xf32>
          %parallel_loop3A_206 = arith.andi %parallel_loop3A_195, %broadcast_in_dim3A_67 : vector<16xi32>
          %parallel_loop3A_207 = tpu.bitcast %parallel_loop3A_206 : vector<16xi32> -> vector<16xf32>
          %parallel_loop3A_208 = arith.addf %parallel_loop3A_199, %parallel_loop3A_203 : vector<16xf32>
          %parallel_loop3A_209 = arith.index_cast %parallel_loop3A_145 : i32 to index
          %parallel_loop3A_210 = arith.constant 16 : index
          %parallel_loop3A_211 = tpu.vector_load %arg29[%parallel_loop3A_209, %parallel_loop3A_210] {strides = array<i32>} : memref<80x128xf32, #tpu.memory_space<vmem>>, vector<1x16xf32>,
          %parallel_loop3A_212 = vector.shape_cast %parallel_loop3A_211 : vector<1x16xf32> to vector<16xf32>
          %parallel_loop3A_213 = arith.mulf %parallel_loop3A_208, %parallel_loop3A_212 : vector<16xf32>
          %parallel_loop3A_214 = arith.index_cast %parallel_loop3A_145 : i32 to index
          %parallel_loop3A_215 = arith.constant 16 : index
          %parallel_loop3A_216 = tpu.vector_load %arg29[%parallel_loop3A_214, %parallel_loop3A_215] {strides = array<i32>} : memref<80x128xf32, #tpu.memory_space<vmem>>, vector<1x16xf32>,
          %parallel_loop3A_217 = vector.shape_cast %parallel_loop3A_216 : vector<1x16xf32> to vector<16xf32>
          %parallel_loop3A_218 = vector.shape_cast %parallel_loop3A_213 : vector<16xf32> to vector<1x16xf32>
          tpu.vector_store %arg29[%parallel_loop3A_214, %parallel_loop3A_215], %parallel_loop3A_218 {strides = array<i32>} : memref<80x128xf32, #tpu.memory_space<vmem>>, vector<1x16xf32>,
          %parallel_loop3A_219 = arith.addf %parallel_loop3A_205, %parallel_loop3A_207 : vector<16xf32>
          %parallel_loop3A_220 = arith.index_cast %parallel_loop3A_145 : i32 to index
          %parallel_loop3A_221 = arith.constant 80 : index
          %parallel_loop3A_222 = tpu.vector_load %arg29[%parallel_loop3A_220, %parallel_loop3A_221] {strides = array<i32>} : memref<80x128xf32, #tpu.memory_space<vmem>>, vector<1x16xf32>,
          %parallel_loop3A_223 = vector.shape_cast %parallel_loop3A_222 : vector<1x16xf32> to vector<16xf32>
          %parallel_loop3A_224 = arith.mulf %parallel_loop3A_219, %parallel_loop3A_223 : vector<16xf32>
          %parallel_loop3A_225 = arith.index_cast %parallel_loop3A_145 : i32 to index
          %parallel_loop3A_226 = arith.constant 80 : index
          %parallel_loop3A_227 = tpu.vector_load %arg29[%parallel_loop3A_225, %parallel_loop3A_226] {strides = array<i32>} : memref<80x128xf32, #tpu.memory_space<vmem>>, vector<1x16xf32>,
          %parallel_loop3A_228 = vector.shape_cast %parallel_loop3A_227 : vector<1x16xf32> to vector<16xf32>
          %parallel_loop3A_229 = vector.shape_cast %parallel_loop3A_224 : vector<16xf32> to vector<1x16xf32>
          tpu.vector_store %arg29[%parallel_loop3A_225, %parallel_loop3A_226], %parallel_loop3A_229 {strides = array<i32>} : memref<80x128xf32, #tpu.memory_space<vmem>>, vector<1x16xf32>,
          %parallel_loop3A_230 = arith.index_cast %parallel_loop3A_145 : i32 to index
          %parallel_loop3A_231 = arith.constant 32 : index
          %parallel_loop3A_232 = tpu.vector_load %arg25[%parallel_loop3A_230, %parallel_loop3A_231] {strides = array<i32>} : memref<80x64xi32, #tpu.memory_space<vmem>>, vector<1x16xi32>,
          %parallel_loop3A_233 = vector.shape_cast %parallel_loop3A_232 : vector<1x16xi32> to vector<16xi32>
          %parallel_loop3A_234 = arith.index_cast %parallel_loop3A_145 : i32 to index
          %parallel_loop3A_235 = arith.constant 32 : index
          %parallel_loop3A_236 = tpu.vector_load %arg27[%parallel_loop3A_234, %parallel_loop3A_235] {strides = array<i32>} : memref<80x64xi32, #tpu.memory_space<vmem>>, vector<1x16xi32>,
          %parallel_loop3A_237 = vector.shape_cast %parallel_loop3A_236 : vector<1x16xi32> to vector<16xi32>
          %parallel_loop3A_238 = arith.constant 16 : i32
          %parallel_loop3A_239 = vector.broadcast %parallel_loop3A_238 : i32 to vector<16xi32>
          %parallel_loop3A_240 = arith.shli %parallel_loop3A_233, %parallel_loop3A_239 : vector<16xi32>
          %parallel_loop3A_241 = tpu.bitcast %parallel_loop3A_240 : vector<16xi32> -> vector<16xf32>
          %parallel_loop3A_242 = arith.constant 16 : i32
          %parallel_loop3A_243 = vector.broadcast %parallel_loop3A_242 : i32 to vector<16xi32>
          %parallel_loop3A_244 = arith.shli %parallel_loop3A_237, %parallel_loop3A_243 : vector<16xi32>
          %parallel_loop3A_245 = tpu.bitcast %parallel_loop3A_244 : vector<16xi32> -> vector<16xf32>
          %parallel_loop3A_246 = arith.andi %parallel_loop3A_233, %broadcast_in_dim3A_67 : vector<16xi32>
          %parallel_loop3A_247 = tpu.bitcast %parallel_loop3A_246 : vector<16xi32> -> vector<16xf32>
          %parallel_loop3A_248 = arith.andi %parallel_loop3A_237, %broadcast_in_dim3A_67 : vector<16xi32>
          %parallel_loop3A_249 = tpu.bitcast %parallel_loop3A_248 : vector<16xi32> -> vector<16xf32>
          %parallel_loop3A_250 = arith.addf %parallel_loop3A_241, %parallel_loop3A_245 : vector<16xf32>
          %parallel_loop3A_251 = arith.index_cast %parallel_loop3A_145 : i32 to index
          %parallel_loop3A_252 = arith.constant 32 : index
          %parallel_loop3A_253 = tpu.vector_load %arg29[%parallel_loop3A_251, %parallel_loop3A_252] {strides = array<i32>} : memref<80x128xf32, #tpu.memory_space<vmem>>, vector<1x16xf32>,
          %parallel_loop3A_254 = vector.shape_cast %parallel_loop3A_253 : vector<1x16xf32> to vector<16xf32>
          %parallel_loop3A_255 = arith.mulf %parallel_loop3A_250, %parallel_loop3A_254 : vector<16xf32>
          %parallel_loop3A_256 = arith.index_cast %parallel_loop3A_145 : i32 to index
          %parallel_loop3A_257 = arith.constant 32 : index
          %parallel_loop3A_258 = tpu.vector_load %arg29[%parallel_loop3A_256, %parallel_loop3A_257] {strides = array<i32>} : memref<80x128xf32, #tpu.memory_space<vmem>>, vector<1x16xf32>,
          %parallel_loop3A_259 = vector.shape_cast %parallel_loop3A_258 : vector<1x16xf32> to vector<16xf32>
          %parallel_loop3A_260 = vector.shape_cast %parallel_loop3A_255 : vector<16xf32> to vector<1x16xf32>
          tpu.vector_store %arg29[%parallel_loop3A_256, %parallel_loop3A_257], %parallel_loop3A_260 {strides = array<i32>} : memref<80x128xf32, #tpu.memory_space<vmem>>, vector<1x16xf32>,
          %parallel_loop3A_261 = arith.addf %parallel_loop3A_247, %parallel_loop3A_249 : vector<16xf32>
          %parallel_loop3A_262 = arith.index_cast %parallel_loop3A_145 : i32 to index
          %parallel_loop3A_263 = arith.constant 96 : index
          %parallel_loop3A_264 = tpu.vector_load %arg29[%parallel_loop3A_262, %parallel_loop3A_263] {strides = array<i32>} : memref<80x128xf32, #tpu.memory_space<vmem>>, vector<1x16xf32>,
          %parallel_loop3A_265 = vector.shape_cast %parallel_loop3A_264 : vector<1x16xf32> to vector<16xf32>
          %parallel_loop3A_266 = arith.mulf %parallel_loop3A_261, %parallel_loop3A_265 : vector<16xf32>
          %parallel_loop3A_267 = arith.index_cast %parallel_loop3A_145 : i32 to index
          %parallel_loop3A_268 = arith.constant 96 : index
          %parallel_loop3A_269 = tpu.vector_load %arg29[%parallel_loop3A_267, %parallel_loop3A_268] {strides = array<i32>} : memref<80x128xf32, #tpu.memory_space<vmem>>, vector<1x16xf32>,
          %parallel_loop3A_270 = vector.shape_cast %parallel_loop3A_269 : vector<1x16xf32> to vector<16xf32>
          %parallel_loop3A_271 = vector.shape_cast %parallel_loop3A_266 : vector<16xf32> to vector<1x16xf32>
          tpu.vector_store %arg29[%parallel_loop3A_267, %parallel_loop3A_268], %parallel_loop3A_271 {strides = array<i32>} : memref<80x128xf32, #tpu.memory_space<vmem>>, vector<1x16xf32>,
          %parallel_loop3A_272 = arith.index_cast %parallel_loop3A_145 : i32 to index
          %parallel_loop3A_273 = arith.constant 48 : index
          %parallel_loop3A_274 = tpu.vector_load %arg25[%parallel_loop3A_272, %parallel_loop3A_273] {strides = array<i32>} : memref<80x64xi32, #tpu.memory_space<vmem>>, vector<1x16xi32>,
          %parallel_loop3A_275 = vector.shape_cast %parallel_loop3A_274 : vector<1x16xi32> to vector<16xi32>
          %parallel_loop3A_276 = arith.index_cast %parallel_loop3A_145 : i32 to index
          %parallel_loop3A_277 = arith.constant 48 : index
          %parallel_loop3A_278 = tpu.vector_load %arg27[%parallel_loop3A_276, %parallel_loop3A_277] {strides = array<i32>} : memref<80x64xi32, #tpu.memory_space<vmem>>, vector<1x16xi32>,
          %parallel_loop3A_279 = vector.shape_cast %parallel_loop3A_278 : vector<1x16xi32> to vector<16xi32>
          %parallel_loop3A_280 = arith.constant 16 : i32
          %parallel_loop3A_281 = vector.broadcast %parallel_loop3A_280 : i32 to vector<16xi32>
          %parallel_loop3A_282 = arith.shli %parallel_loop3A_275, %parallel_loop3A_281 : vector<16xi32>
          %parallel_loop3A_283 = tpu.bitcast %parallel_loop3A_282 : vector<16xi32> -> vector<16xf32>
          %parallel_loop3A_284 = arith.constant 16 : i32
          %parallel_loop3A_285 = vector.broadcast %parallel_loop3A_284 : i32 to vector<16xi32>
          %parallel_loop3A_286 = arith.shli %parallel_loop3A_279, %parallel_loop3A_285 : vector<16xi32>
          %parallel_loop3A_287 = tpu.bitcast %parallel_loop3A_286 : vector<16xi32> -> vector<16xf32>
          %parallel_loop3A_288 = arith.andi %parallel_loop3A_275, %broadcast_in_dim3A_67 : vector<16xi32>
          %parallel_loop3A_289 = tpu.bitcast %parallel_loop3A_288 : vector<16xi32> -> vector<16xf32>
          %parallel_loop3A_290 = arith.andi %parallel_loop3A_279, %broadcast_in_dim3A_67 : vector<16xi32>
          %parallel_loop3A_291 = tpu.bitcast %parallel_loop3A_290 : vector<16xi32> -> vector<16xf32>
          %parallel_loop3A_292 = arith.addf %parallel_loop3A_283, %parallel_loop3A_287 : vector<16xf32>
          %parallel_loop3A_293 = arith.index_cast %parallel_loop3A_145 : i32 to index
          %parallel_loop3A_294 = arith.constant 48 : index
          %parallel_loop3A_295 = tpu.vector_load %arg29[%parallel_loop3A_293, %parallel_loop3A_294] {strides = array<i32>} : memref<80x128xf32, #tpu.memory_space<vmem>>, vector<1x16xf32>,
          %parallel_loop3A_296 = vector.shape_cast %parallel_loop3A_295 : vector<1x16xf32> to vector<16xf32>
          %parallel_loop3A_297 = arith.mulf %parallel_loop3A_292, %parallel_loop3A_296 : vector<16xf32>
          %parallel_loop3A_298 = arith.index_cast %parallel_loop3A_145 : i32 to index
          %parallel_loop3A_299 = arith.constant 48 : index
          %parallel_loop3A_300 = tpu.vector_load %arg29[%parallel_loop3A_298, %parallel_loop3A_299] {strides = array<i32>} : memref<80x128xf32, #tpu.memory_space<vmem>>, vector<1x16xf32>,
          %parallel_loop3A_301 = vector.shape_cast %parallel_loop3A_300 : vector<1x16xf32> to vector<16xf32>
          %parallel_loop3A_302 = vector.shape_cast %parallel_loop3A_297 : vector<16xf32> to vector<1x16xf32>
          tpu.vector_store %arg29[%parallel_loop3A_298, %parallel_loop3A_299], %parallel_loop3A_302 {strides = array<i32>} : memref<80x128xf32, #tpu.memory_space<vmem>>, vector<1x16xf32>,
          %parallel_loop3A_303 = arith.addf %parallel_loop3A_289, %parallel_loop3A_291 : vector<16xf32>
          %parallel_loop3A_304 = arith.index_cast %parallel_loop3A_145 : i32 to index
          %parallel_loop3A_305 = arith.constant 112 : index
          %parallel_loop3A_306 = tpu.vector_load %arg29[%parallel_loop3A_304, %parallel_loop3A_305] {strides = array<i32>} : memref<80x128xf32, #tpu.memory_space<vmem>>, vector<1x16xf32>,
          %parallel_loop3A_307 = vector.shape_cast %parallel_loop3A_306 : vector<1x16xf32> to vector<16xf32>
          %parallel_loop3A_308 = arith.mulf %parallel_loop3A_303, %parallel_loop3A_307 : vector<16xf32>
          %parallel_loop3A_309 = arith.index_cast %parallel_loop3A_145 : i32 to index
          %parallel_loop3A_310 = arith.constant 112 : index
          %parallel_loop3A_311 = tpu.vector_load %arg29[%parallel_loop3A_309, %parallel_loop3A_310] {strides = array<i32>} : memref<80x128xf32, #tpu.memory_space<vmem>>, vector<1x16xf32>,
          %parallel_loop3A_312 = vector.shape_cast %parallel_loop3A_311 : vector<1x16xf32> to vector<16xf32>
          %parallel_loop3A_313 = vector.shape_cast %parallel_loop3A_308 : vector<16xf32> to vector<1x16xf32>
          tpu.vector_store %arg29[%parallel_loop3A_309, %parallel_loop3A_310], %parallel_loop3A_313 {strides = array<i32>} : memref<80x128xf32, #tpu.memory_space<vmem>>, vector<1x16xf32>,
        } {sc.loop_unroll_factor = 4 : i64, sc.parallel_access}
        "tpu.region"() ({
          %run_scoped3A = tpu.sem_alloc : memref<!tpu.dma_semaphore, #tpu.memory_space<semaphore_mem>>
          %dma_start3A_145 = arith.constant 0 : i32
          %dma_start3A_146 = arith.constant 0 : i32
          %dma_start3A_147 = tpu.memref_slice %arg16[%dma_start3A_145, %dma_start3A_146] : memref<10000x128xf32, #tpu.memory_space<vmem_shared>> -> memref<10000x128xf32, #tpu.memory_space<vmem_shared>>
          tpu.enqueue_indirect_dma source(%arg29 : memref<80x128xf32, #tpu.memory_space<vmem>>) target(%dma_start3A_147 : memref<10000x128xf32, #tpu.memory_space<vmem_shared>>) offsets(%arg21 : memref<80xi32, #tpu.memory_space<vmem>>) semaphore(%run_scoped3A : memref<!tpu.dma_semaphore, #tpu.memory_space<semaphore_mem>>) {add = true}
          %dma_wait3A_148 = arith.constant 0 : i32
          %dma_wait3A_149 = arith.constant 0 : i32
          %dma_wait3A_150 = tpu.memref_slice %arg16[%dma_wait3A_148, %dma_wait3A_149] : memref<10000x128xf32, #tpu.memory_space<vmem_shared>> -> memref<10000x128xf32, #tpu.memory_space<vmem_shared>>
          tpu.wait_indirect_dma semaphore(%run_scoped3A : memref<!tpu.dma_semaphore, #tpu.memory_space<semaphore_mem>>) src(%arg29 : memref<80x128xf32, #tpu.memory_space<vmem>>) dst(%dma_wait3A_150 : memref<10000x128xf32, #tpu.memory_space<vmem_shared>>)
          tpu.yield
        }) : () -> ()
        %add3A_138 = arith.constant 2 : i32
        %add3A_139 = arith.addi %add3A_118, %add3A_138 : i32
        %lt3A_140 = arith.constant 250 : i32
        %lt3A_141 = arith.cmpi slt, %add3A_139, %lt3A_140 : i32
        %convert_element_type3A_142 = arith.extui %lt3A_141 : i1 to i32
        %cond3A_143 = arith.constant 0 : i32
        %cond3A_144 = arith.cmpi ne, %convert_element_type3A_142, %cond3A_143 : i32
        scf.if %cond3A_144 {
          %add3A_145 = arith.constant 2 : i32
          %add3A_146 = arith.addi %add3A_118, %add3A_145 : i32
          %mul3A_147 = arith.constant 80 : i32
          %mul3A_148 = arith.muli %add3A_146, %mul3A_147 : i32
          %add3A_149 = arith.addi %mul3A_29, %mul3A_148 : i32
          %multiple_of3A_150 = tpu.assume_multiple %add3A_149, 8 : i32
          %dma_start3A_151 = tpu.memref_slice %arg5[%multiple_of3A_150] : memref<320000xi32, #tpu.memory_space<hbm>> -> memref<80xi32, #tpu.memory_space<hbm>>
          %dma_start3A_152 = tpu.memref_slice %arg5[%multiple_of3A_150] : memref<320000xi32, #tpu.memory_space<hbm>> -> memref<80xi32, #tpu.memory_space<hbm>>
          tpu.enqueue_dma source(%dma_start3A_152 : memref<80xi32, #tpu.memory_space<hbm>>) target(%arg19 : memref<80xi32, #tpu.memory_space<vmem>>) target_semaphore(%arg31 : memref<!tpu.dma_semaphore, #tpu.memory_space<semaphore_mem>>)
          %dma_start3A_153 = tpu.memref_slice %arg6[%multiple_of3A_150] : memref<320000xi32, #tpu.memory_space<hbm>> -> memref<80xi32, #tpu.memory_space<hbm>>
          %dma_start3A_154 = tpu.memref_slice %arg6[%multiple_of3A_150] : memref<320000xi32, #tpu.memory_space<hbm>> -> memref<80xi32, #tpu.memory_space<hbm>>
          tpu.enqueue_dma source(%dma_start3A_154 : memref<80xi32, #tpu.memory_space<hbm>>) target(%arg21 : memref<80xi32, #tpu.memory_space<vmem>>) target_semaphore(%arg31 : memref<!tpu.dma_semaphore, #tpu.memory_space<semaphore_mem>>)
          %dma_start3A_155 = tpu.memref_slice %arg7[%multiple_of3A_150] : memref<320000xi32, #tpu.memory_space<hbm>> -> memref<80xi32, #tpu.memory_space<hbm>>
          %dma_start3A_156 = tpu.memref_slice %arg7[%multiple_of3A_150] : memref<320000xi32, #tpu.memory_space<hbm>> -> memref<80xi32, #tpu.memory_space<hbm>>
          tpu.enqueue_dma source(%dma_start3A_156 : memref<80xi32, #tpu.memory_space<hbm>>) target(%arg23 : memref<80xi32, #tpu.memory_space<vmem>>) target_semaphore(%arg31 : memref<!tpu.dma_semaphore, #tpu.memory_space<semaphore_mem>>)
        } else {
        }
      }
      %scan3A_73 = arith.constant 125 : i32
      %barrier3A_74 = arith.constant 0 : index
      tpu.barrier barrier_id(%barrier3A_74)
      %lt3A_75 = arith.constant 15 : i32
      %lt3A_76 = arith.cmpi slt, %arg1, %lt3A_75 : i32
      %convert_element_type3A_77 = arith.extui %lt3A_76 : i1 to i32
      %cond3A_78 = arith.constant 0 : i32
      %cond3A_79 = arith.cmpi ne, %convert_element_type3A_77, %cond3A_78 : i32
      scf.if %cond3A_79 {
        "tpu.region"() ({
          %run_scoped3A = tpu.sem_alloc : memref<!tpu.dma_semaphore, #tpu.memory_space<semaphore_mem>>
          %dma_start3A_85 = arith.constant 0 : i32
          %dma_start3A_86 = tpu.memref_slice %arg14[%multiple_of3A, %dma_start3A_85] : memref<10000x128xf32, #tpu.memory_space<hbm>> -> memref<624x128xf32, #tpu.memory_space<hbm>>
          %dma_start3A_87 = arith.constant 0 : i32
          %dma_start3A_88 = tpu.memref_slice %arg16[%multiple_of3A, %dma_start3A_87] : memref<10000x128xf32, #tpu.memory_space<vmem_shared>> -> memref<624x128xf32, #tpu.memory_space<vmem_shared>>
          tpu.enqueue_dma source(%dma_start3A_88 : memref<624x128xf32, #tpu.memory_space<vmem_shared>>) target(%dma_start3A_86 : memref<624x128xf32, #tpu.memory_space<hbm>>) target_semaphore(%run_scoped3A : memref<!tpu.dma_semaphore, #tpu.memory_space<semaphore_mem>>)
          %dma_wait3A_89 = arith.constant 0 : i32
          %dma_wait3A_90 = tpu.memref_slice %arg14[%multiple_of3A, %dma_wait3A_89] : memref<10000x128xf32, #tpu.memory_space<hbm>> -> memref<624x128xf32, #tpu.memory_space<hbm>>
          %dma_wait3A_91 = arith.constant 0 : i32
          %dma_wait3A_92 = tpu.memref_slice %arg16[%multiple_of3A, %dma_wait3A_91] : memref<10000x128xf32, #tpu.memory_space<vmem_shared>> -> memref<624x128xf32, #tpu.memory_space<vmem_shared>>
          tpu.wait_dma2 semaphore(%run_scoped3A : memref<!tpu.dma_semaphore, #tpu.memory_space<semaphore_mem>>) src(%dma_wait3A_92 : memref<624x128xf32, #tpu.memory_space<vmem_shared>>) dst(%dma_wait3A_90 : memref<624x128xf32, #tpu.memory_space<hbm>>)
          tpu.yield
        }) : () -> ()
      } else {
      }
      %eq3A_80 = arith.constant 15 : i32
      %eq3A_81 = arith.cmpi eq, %arg1, %eq3A_80 : i32
      %convert_element_type3A_82 = arith.extui %eq3A_81 : i1 to i32
      %cond3A_83 = arith.constant 0 : i32
      %cond3A_84 = arith.cmpi ne, %convert_element_type3A_82, %cond3A_83 : i32
      scf.if %cond3A_84 {
        "tpu.region"() ({
          %run_scoped3A = tpu.sem_alloc : memref<!tpu.dma_semaphore, #tpu.memory_space<semaphore_mem>>
          %dma_start3A_85 = arith.constant 9360 : i32
          %dma_start3A_86 = arith.constant 0 : i32
          %dma_start3A_87 = tpu.memref_slice %arg14[%dma_start3A_85, %dma_start3A_86] : memref<10000x128xf32, #tpu.memory_space<hbm>> -> memref<640x128xf32, #tpu.memory_space<hbm>>
          %dma_start3A_88 = arith.constant 9360 : i32
          %dma_start3A_89 = arith.constant 0 : i32
          %dma_start3A_90 = tpu.memref_slice %arg16[%dma_start3A_88, %dma_start3A_89] : memref<10000x128xf32, #tpu.memory_space<vmem_shared>> -> memref<640x128xf32, #tpu.memory_space<vmem_shared>>
          tpu.enqueue_dma source(%dma_start3A_90 : memref<640x128xf32, #tpu.memory_space<vmem_shared>>) target(%dma_start3A_87 : memref<640x128xf32, #tpu.memory_space<hbm>>) target_semaphore(%run_scoped3A : memref<!tpu.dma_semaphore, #tpu.memory_space<semaphore_mem>>)
          %dma_wait3A_91 = arith.constant 9360 : i32
          %dma_wait3A_92 = arith.constant 0 : i32
          %dma_wait3A_93 = tpu.memref_slice %arg14[%dma_wait3A_91, %dma_wait3A_92] : memref<10000x128xf32, #tpu.memory_space<hbm>> -> memref<640x128xf32, #tpu.memory_space<hbm>>
          %dma_wait3A_94 = arith.constant 9360 : i32
          %dma_wait3A_95 = arith.constant 0 : i32
          %dma_wait3A_96 = tpu.memref_slice %arg16[%dma_wait3A_94, %dma_wait3A_95] : memref<10000x128xf32, #tpu.memory_space<vmem_shared>> -> memref<640x128xf32, #tpu.memory_space<vmem_shared>>
          tpu.wait_dma2 semaphore(%run_scoped3A : memref<!tpu.dma_semaphore, #tpu.memory_space<semaphore_mem>>) src(%dma_wait3A_96 : memref<640x128xf32, #tpu.memory_space<vmem_shared>>) dst(%dma_wait3A_93 : memref<640x128xf32, #tpu.memory_space<hbm>>)
          tpu.yield
        }) : () -> ()
      } else {
      }
    } else {
    }
    %eq3A_23 = arith.constant 1 : i32
    %eq3A_24 = arith.cmpi eq, %arg0, %eq3A_23 : i32
    %convert_element_type3A_25 = arith.extui %eq3A_24 : i1 to i32
    %cond3A_26 = arith.constant 0 : i32
    %cond3A_27 = arith.cmpi ne, %convert_element_type3A_25, %cond3A_26 : i32
    scf.if %cond3A_27 {
      %mul3A_28 = arith.constant 20000 : i32
      %mul3A_29 = arith.muli %arg1, %mul3A_28 : i32
      %add3A = arith.constant 0 : i32
      %add3A_30 = arith.addi %mul3A_29, %add3A : i32
      %multiple_of3A_31 = tpu.assume_multiple %add3A_30, 8 : i32
      %dma_start3A = tpu.memref_slice %arg11[%multiple_of3A_31] : memref<320000xi32, #tpu.memory_space<hbm>> -> memref<80xi32, #tpu.memory_space<hbm>>
      %dma_start3A_32 = tpu.memref_slice %arg11[%multiple_of3A_31] : memref<320000xi32, #tpu.memory_space<hbm>> -> memref<80xi32, #tpu.memory_space<hbm>>
      tpu.enqueue_dma source(%dma_start3A_32 : memref<80xi32, #tpu.memory_space<hbm>>) target(%arg18 : memref<80xi32, #tpu.memory_space<vmem>>) target_semaphore(%arg30 : memref<!tpu.dma_semaphore, #tpu.memory_space<semaphore_mem>>)
      %dma_start3A_33 = tpu.memref_slice %arg12[%multiple_of3A_31] : memref<320000xi32, #tpu.memory_space<hbm>> -> memref<80xi32, #tpu.memory_space<hbm>>
      %dma_start3A_34 = tpu.memref_slice %arg12[%multiple_of3A_31] : memref<320000xi32, #tpu.memory_space<hbm>> -> memref<80xi32, #tpu.memory_space<hbm>>
      tpu.enqueue_dma source(%dma_start3A_34 : memref<80xi32, #tpu.memory_space<hbm>>) target(%arg20 : memref<80xi32, #tpu.memory_space<vmem>>) target_semaphore(%arg30 : memref<!tpu.dma_semaphore, #tpu.memory_space<semaphore_mem>>)
      %dma_start3A_35 = tpu.memref_slice %arg13[%multiple_of3A_31] : memref<320000xi32, #tpu.memory_space<hbm>> -> memref<80xi32, #tpu.memory_space<hbm>>
      %dma_start3A_36 = tpu.memref_slice %arg13[%multiple_of3A_31] : memref<320000xi32, #tpu.memory_space<hbm>> -> memref<80xi32, #tpu.memory_space<hbm>>
      tpu.enqueue_dma source(%dma_start3A_36 : memref<80xi32, #tpu.memory_space<hbm>>) target(%arg22 : memref<80xi32, #tpu.memory_space<vmem>>) target_semaphore(%arg30 : memref<!tpu.dma_semaphore, #tpu.memory_space<semaphore_mem>>)
      %add3A_37 = arith.constant 80 : i32
      %add3A_38 = arith.addi %mul3A_29, %add3A_37 : i32
      %multiple_of3A_39 = tpu.assume_multiple %add3A_38, 8 : i32
      %dma_start3A_40 = tpu.memref_slice %arg11[%multiple_of3A_39] : memref<320000xi32, #tpu.memory_space<hbm>> -> memref<80xi32, #tpu.memory_space<hbm>>
      %dma_start3A_41 = tpu.memref_slice %arg11[%multiple_of3A_39] : memref<320000xi32, #tpu.memory_space<hbm>> -> memref<80xi32, #tpu.memory_space<hbm>>
      tpu.enqueue_dma source(%dma_start3A_41 : memref<80xi32, #tpu.memory_space<hbm>>) target(%arg19 : memref<80xi32, #tpu.memory_space<vmem>>) target_semaphore(%arg31 : memref<!tpu.dma_semaphore, #tpu.memory_space<semaphore_mem>>)
      %dma_start3A_42 = tpu.memref_slice %arg12[%multiple_of3A_39] : memref<320000xi32, #tpu.memory_space<hbm>> -> memref<80xi32, #tpu.memory_space<hbm>>
      %dma_start3A_43 = tpu.memref_slice %arg12[%multiple_of3A_39] : memref<320000xi32, #tpu.memory_space<hbm>> -> memref<80xi32, #tpu.memory_space<hbm>>
      tpu.enqueue_dma source(%dma_start3A_43 : memref<80xi32, #tpu.memory_space<hbm>>) target(%arg21 : memref<80xi32, #tpu.memory_space<vmem>>) target_semaphore(%arg31 : memref<!tpu.dma_semaphore, #tpu.memory_space<semaphore_mem>>)
      %dma_start3A_44 = tpu.memref_slice %arg13[%multiple_of3A_39] : memref<320000xi32, #tpu.memory_space<hbm>> -> memref<80xi32, #tpu.memory_space<hbm>>
      %dma_start3A_45 = tpu.memref_slice %arg13[%multiple_of3A_39] : memref<320000xi32, #tpu.memory_space<hbm>> -> memref<80xi32, #tpu.memory_space<hbm>>
      tpu.enqueue_dma source(%dma_start3A_45 : memref<80xi32, #tpu.memory_space<hbm>>) target(%arg23 : memref<80xi32, #tpu.memory_space<vmem>>) target_semaphore(%arg31 : memref<!tpu.dma_semaphore, #tpu.memory_space<semaphore_mem>>)
      %dma_wait3A = arith.constant 0 : i32
      %dma_wait3A_46 = tpu.memref_slice %arg11[%dma_wait3A] : memref<320000xi32, #tpu.memory_space<hbm>> -> memref<80xi32, #tpu.memory_space<hbm>>
      %dma_wait3A_47 = arith.constant 0 : i32
      %dma_wait3A_48 = tpu.memref_slice %arg11[%dma_wait3A_47] : memref<320000xi32, #tpu.memory_space<hbm>> -> memref<80xi32, #tpu.memory_space<hbm>>
      tpu.wait_dma2 semaphore(%arg30 : memref<!tpu.dma_semaphore, #tpu.memory_space<semaphore_mem>>) src(%dma_wait3A_48 : memref<80xi32, #tpu.memory_space<hbm>>) dst(%arg18 : memref<80xi32, #tpu.memory_space<vmem>>)
      %dma_wait3A_49 = arith.constant 0 : i32
      %dma_wait3A_50 = tpu.memref_slice %arg11[%dma_wait3A_49] : memref<320000xi32, #tpu.memory_space<hbm>> -> memref<80xi32, #tpu.memory_space<hbm>>
      %dma_wait3A_51 = arith.constant 0 : i32
      %dma_wait3A_52 = tpu.memref_slice %arg11[%dma_wait3A_51] : memref<320000xi32, #tpu.memory_space<hbm>> -> memref<80xi32, #tpu.memory_space<hbm>>
      tpu.wait_dma2 semaphore(%arg30 : memref<!tpu.dma_semaphore, #tpu.memory_space<semaphore_mem>>) src(%dma_wait3A_52 : memref<80xi32, #tpu.memory_space<hbm>>) dst(%arg20 : memref<80xi32, #tpu.memory_space<vmem>>)
      %dma_wait3A_53 = arith.constant 0 : i32
      %dma_wait3A_54 = tpu.memref_slice %arg11[%dma_wait3A_53] : memref<320000xi32, #tpu.memory_space<hbm>> -> memref<80xi32, #tpu.memory_space<hbm>>
      %dma_wait3A_55 = arith.constant 0 : i32
      %dma_wait3A_56 = tpu.memref_slice %arg11[%dma_wait3A_55] : memref<320000xi32, #tpu.memory_space<hbm>> -> memref<80xi32, #tpu.memory_space<hbm>>
      tpu.wait_dma2 semaphore(%arg30 : memref<!tpu.dma_semaphore, #tpu.memory_space<semaphore_mem>>) src(%dma_wait3A_56 : memref<80xi32, #tpu.memory_space<hbm>>) dst(%arg22 : memref<80xi32, #tpu.memory_space<vmem>>)
      %dma_start3A_57 = arith.constant 0 : i32
      %dma_start3A_58 = arith.constant 0 : i32
      %dma_start3A_59 = tpu.memref_slice %arg8[%dma_start3A_57, %dma_start3A_58] : memref<10000x64xi32, #tpu.memory_space<hbm>> -> memref<10000x64xi32, #tpu.memory_space<hbm>>
      tpu.enqueue_indirect_dma source(%dma_start3A_59 : memref<10000x64xi32, #tpu.memory_space<hbm>>) target(%arg24 : memref<80x64xi32, #tpu.memory_space<vmem>>) offsets(%arg18 : memref<80xi32, #tpu.memory_space<vmem>>) semaphore(%arg32 : memref<!tpu.dma_semaphore, #tpu.memory_space<semaphore_mem>>)
      %dma_start3A_60 = arith.constant 0 : i32
      %dma_start3A_61 = arith.constant 0 : i32
      %dma_start3A_62 = tpu.memref_slice %arg9[%dma_start3A_60, %dma_start3A_61] : memref<10000x64xi32, #tpu.memory_space<hbm>> -> memref<10000x64xi32, #tpu.memory_space<hbm>>
      tpu.enqueue_indirect_dma source(%dma_start3A_62 : memref<10000x64xi32, #tpu.memory_space<hbm>>) target(%arg26 : memref<80x64xi32, #tpu.memory_space<vmem>>) offsets(%arg20 : memref<80xi32, #tpu.memory_space<vmem>>) semaphore(%arg34 : memref<!tpu.dma_semaphore, #tpu.memory_space<semaphore_mem>>)
      %dma_start3A_63 = arith.constant 0 : i32
      %dma_start3A_64 = arith.constant 0 : i32
      %dma_start3A_65 = tpu.memref_slice %arg17[%dma_start3A_63, %dma_start3A_64] : memref<64x128xf32, #tpu.memory_space<vmem_shared>> -> memref<64x128xf32, #tpu.memory_space<vmem_shared>>
      tpu.enqueue_indirect_dma source(%dma_start3A_65 : memref<64x128xf32, #tpu.memory_space<vmem_shared>>) target(%arg28 : memref<80x128xf32, #tpu.memory_space<vmem>>) offsets(%arg22 : memref<80xi32, #tpu.memory_space<vmem>>) semaphore(%arg36 : memref<!tpu.dma_semaphore, #tpu.memory_space<semaphore_mem>>)
      %broadcast_in_dim3A_66 = arith.constant -65536 : i32
      %broadcast_in_dim3A_67 = vector.broadcast %broadcast_in_dim3A_66 : i32 to vector<16xi32>
      %scan3A_68 = arith.constant 0 : i32
      %scan3A_69 = arith.constant 0 : i32
      %scan3A_70 = arith.constant 125 : i32
      %scan3A_71 = arith.addi %scan3A_69, %scan3A_70 : i32
      %scan3A_72 = arith.constant 1 : i32
      scf.for %scan3A_85 = %scan3A_69 to %scan3A_71 step %scan3A_72  : i32 {
        %mul3A_86 = arith.constant 2 : i32
        %mul3A_87 = arith.muli %mul3A_86, %scan3A_85 : i32
        %add3A_88 = arith.constant 0 : i32
        %add3A_89 = arith.addi %mul3A_87, %add3A_88 : i32
        %dma_wait3A_90 = arith.constant 0 : i32
        %dma_wait3A_91 = arith.constant 0 : i32
        %dma_wait3A_92 = tpu.memref_slice %arg8[%dma_wait3A_90, %dma_wait3A_91] : memref<10000x64xi32, #tpu.memory_space<hbm>> -> memref<10000x64xi32, #tpu.memory_space<hbm>>
        tpu.wait_indirect_dma semaphore(%arg32 : memref<!tpu.dma_semaphore, #tpu.memory_space<semaphore_mem>>) src(%dma_wait3A_92 : memref<10000x64xi32, #tpu.memory_space<hbm>>) dst(%arg24 : memref<80x64xi32, #tpu.memory_space<vmem>>)
        %dma_wait3A_93 = arith.constant 0 : i32
        %dma_wait3A_94 = arith.constant 0 : i32
        %dma_wait3A_95 = tpu.memref_slice %arg9[%dma_wait3A_93, %dma_wait3A_94] : memref<10000x64xi32, #tpu.memory_space<hbm>> -> memref<10000x64xi32, #tpu.memory_space<hbm>>
        tpu.wait_indirect_dma semaphore(%arg34 : memref<!tpu.dma_semaphore, #tpu.memory_space<semaphore_mem>>) src(%dma_wait3A_95 : memref<10000x64xi32, #tpu.memory_space<hbm>>) dst(%arg26 : memref<80x64xi32, #tpu.memory_space<vmem>>)
        %dma_wait3A_96 = arith.constant 0 : i32
        %dma_wait3A_97 = arith.constant 0 : i32
        %dma_wait3A_98 = tpu.memref_slice %arg17[%dma_wait3A_96, %dma_wait3A_97] : memref<64x128xf32, #tpu.memory_space<vmem_shared>> -> memref<64x128xf32, #tpu.memory_space<vmem_shared>>
        tpu.wait_indirect_dma semaphore(%arg36 : memref<!tpu.dma_semaphore, #tpu.memory_space<semaphore_mem>>) src(%dma_wait3A_98 : memref<64x128xf32, #tpu.memory_space<vmem_shared>>) dst(%arg28 : memref<80x128xf32, #tpu.memory_space<vmem>>)
        %add3A_99 = arith.constant 1 : i32
        %add3A_100 = arith.addi %add3A_89, %add3A_99 : i32
        %lt3A_101 = arith.constant 250 : i32
        %lt3A_102 = arith.cmpi slt, %add3A_100, %lt3A_101 : i32
        %convert_element_type3A_103 = arith.extui %lt3A_102 : i1 to i32
        %cond3A_104 = arith.constant 0 : i32
        %cond3A_105 = arith.cmpi ne, %convert_element_type3A_103, %cond3A_104 : i32
        scf.if %cond3A_105 {
          %dma_wait3A_145 = arith.constant 0 : i32
          %dma_wait3A_146 = tpu.memref_slice %arg11[%dma_wait3A_145] : memref<320000xi32, #tpu.memory_space<hbm>> -> memref<80xi32, #tpu.memory_space<hbm>>
          %dma_wait3A_147 = arith.constant 0 : i32
          %dma_wait3A_148 = tpu.memref_slice %arg11[%dma_wait3A_147] : memref<320000xi32, #tpu.memory_space<hbm>> -> memref<80xi32, #tpu.memory_space<hbm>>
          tpu.wait_dma2 semaphore(%arg31 : memref<!tpu.dma_semaphore, #tpu.memory_space<semaphore_mem>>) src(%dma_wait3A_148 : memref<80xi32, #tpu.memory_space<hbm>>) dst(%arg19 : memref<80xi32, #tpu.memory_space<vmem>>)
          %dma_wait3A_149 = arith.constant 0 : i32
          %dma_wait3A_150 = tpu.memref_slice %arg11[%dma_wait3A_149] : memref<320000xi32, #tpu.memory_space<hbm>> -> memref<80xi32, #tpu.memory_space<hbm>>
          %dma_wait3A_151 = arith.constant 0 : i32
          %dma_wait3A_152 = tpu.memref_slice %arg11[%dma_wait3A_151] : memref<320000xi32, #tpu.memory_space<hbm>> -> memref<80xi32, #tpu.memory_space<hbm>>
          tpu.wait_dma2 semaphore(%arg31 : memref<!tpu.dma_semaphore, #tpu.memory_space<semaphore_mem>>) src(%dma_wait3A_152 : memref<80xi32, #tpu.memory_space<hbm>>) dst(%arg21 : memref<80xi32, #tpu.memory_space<vmem>>)
          %dma_wait3A_153 = arith.constant 0 : i32
          %dma_wait3A_154 = tpu.memref_slice %arg11[%dma_wait3A_153] : memref<320000xi32, #tpu.memory_space<hbm>> -> memref<80xi32, #tpu.memory_space<hbm>>
          %dma_wait3A_155 = arith.constant 0 : i32
          %dma_wait3A_156 = tpu.memref_slice %arg11[%dma_wait3A_155] : memref<320000xi32, #tpu.memory_space<hbm>> -> memref<80xi32, #tpu.memory_space<hbm>>
          tpu.wait_dma2 semaphore(%arg31 : memref<!tpu.dma_semaphore, #tpu.memory_space<semaphore_mem>>) src(%dma_wait3A_156 : memref<80xi32, #tpu.memory_space<hbm>>) dst(%arg23 : memref<80xi32, #tpu.memory_space<vmem>>)
          %dma_start3A_157 = arith.constant 0 : i32
          %dma_start3A_158 = arith.constant 0 : i32
          %dma_start3A_159 = tpu.memref_slice %arg8[%dma_start3A_157, %dma_start3A_158] : memref<10000x64xi32, #tpu.memory_space<hbm>> -> memref<10000x64xi32, #tpu.memory_space<hbm>>
          tpu.enqueue_indirect_dma source(%dma_start3A_159 : memref<10000x64xi32, #tpu.memory_space<hbm>>) target(%arg25 : memref<80x64xi32, #tpu.memory_space<vmem>>) offsets(%arg19 : memref<80xi32, #tpu.memory_space<vmem>>) semaphore(%arg33 : memref<!tpu.dma_semaphore, #tpu.memory_space<semaphore_mem>>)
          %dma_start3A_160 = arith.constant 0 : i32
          %dma_start3A_161 = arith.constant 0 : i32
          %dma_start3A_162 = tpu.memref_slice %arg9[%dma_start3A_160, %dma_start3A_161] : memref<10000x64xi32, #tpu.memory_space<hbm>> -> memref<10000x64xi32, #tpu.memory_space<hbm>>
          tpu.enqueue_indirect_dma source(%dma_start3A_162 : memref<10000x64xi32, #tpu.memory_space<hbm>>) target(%arg27 : memref<80x64xi32, #tpu.memory_space<vmem>>) offsets(%arg21 : memref<80xi32, #tpu.memory_space<vmem>>) semaphore(%arg35 : memref<!tpu.dma_semaphore, #tpu.memory_space<semaphore_mem>>)
          %dma_start3A_163 = arith.constant 0 : i32
          %dma_start3A_164 = arith.constant 0 : i32
          %dma_start3A_165 = tpu.memref_slice %arg17[%dma_start3A_163, %dma_start3A_164] : memref<64x128xf32, #tpu.memory_space<vmem_shared>> -> memref<64x128xf32, #tpu.memory_space<vmem_shared>>
          tpu.enqueue_indirect_dma source(%dma_start3A_165 : memref<64x128xf32, #tpu.memory_space<vmem_shared>>) target(%arg29 : memref<80x128xf32, #tpu.memory_space<vmem>>) offsets(%arg23 : memref<80xi32, #tpu.memory_space<vmem>>) semaphore(%arg37 : memref<!tpu.dma_semaphore, #tpu.memory_space<semaphore_mem>>)
        } else {
        }
        %parallel_loop3A = arith.constant 0 : i32
        %parallel_loop3A_106 = arith.constant 80 : i32
        %parallel_loop3A_107 = arith.constant 1 : i32
        scf.for %parallel_loop3A_145 = %parallel_loop3A to %parallel_loop3A_106 step %parallel_loop3A_107  : i32 {
          %parallel_loop3A_146 = arith.index_cast %parallel_loop3A_145 : i32 to index
          %parallel_loop3A_147 = arith.constant 0 : index
          %parallel_loop3A_148 = tpu.vector_load %arg24[%parallel_loop3A_146, %parallel_loop3A_147] {strides = array<i32>} : memref<80x64xi32, #tpu.memory_space<vmem>>, vector<1x16xi32>,
          %parallel_loop3A_149 = vector.shape_cast %parallel_loop3A_148 : vector<1x16xi32> to vector<16xi32>
          %parallel_loop3A_150 = arith.index_cast %parallel_loop3A_145 : i32 to index
          %parallel_loop3A_151 = arith.constant 0 : index
          %parallel_loop3A_152 = tpu.vector_load %arg26[%parallel_loop3A_150, %parallel_loop3A_151] {strides = array<i32>} : memref<80x64xi32, #tpu.memory_space<vmem>>, vector<1x16xi32>,
          %parallel_loop3A_153 = vector.shape_cast %parallel_loop3A_152 : vector<1x16xi32> to vector<16xi32>
          %parallel_loop3A_154 = arith.constant 16 : i32
          %parallel_loop3A_155 = vector.broadcast %parallel_loop3A_154 : i32 to vector<16xi32>
          %parallel_loop3A_156 = arith.shli %parallel_loop3A_149, %parallel_loop3A_155 : vector<16xi32>
          %parallel_loop3A_157 = tpu.bitcast %parallel_loop3A_156 : vector<16xi32> -> vector<16xf32>
          %parallel_loop3A_158 = arith.constant 16 : i32
          %parallel_loop3A_159 = vector.broadcast %parallel_loop3A_158 : i32 to vector<16xi32>
          %parallel_loop3A_160 = arith.shli %parallel_loop3A_153, %parallel_loop3A_159 : vector<16xi32>
          %parallel_loop3A_161 = tpu.bitcast %parallel_loop3A_160 : vector<16xi32> -> vector<16xf32>
          %parallel_loop3A_162 = arith.andi %parallel_loop3A_149, %broadcast_in_dim3A_67 : vector<16xi32>
          %parallel_loop3A_163 = tpu.bitcast %parallel_loop3A_162 : vector<16xi32> -> vector<16xf32>
          %parallel_loop3A_164 = arith.andi %parallel_loop3A_153, %broadcast_in_dim3A_67 : vector<16xi32>
          %parallel_loop3A_165 = tpu.bitcast %parallel_loop3A_164 : vector<16xi32> -> vector<16xf32>
          %parallel_loop3A_166 = arith.addf %parallel_loop3A_157, %parallel_loop3A_161 : vector<16xf32>
          %parallel_loop3A_167 = arith.index_cast %parallel_loop3A_145 : i32 to index
          %parallel_loop3A_168 = arith.constant 0 : index
          %parallel_loop3A_169 = tpu.vector_load %arg28[%parallel_loop3A_167, %parallel_loop3A_168] {strides = array<i32>} : memref<80x128xf32, #tpu.memory_space<vmem>>, vector<1x16xf32>,
          %parallel_loop3A_170 = vector.shape_cast %parallel_loop3A_169 : vector<1x16xf32> to vector<16xf32>
          %parallel_loop3A_171 = arith.mulf %parallel_loop3A_166, %parallel_loop3A_170 : vector<16xf32>
          %parallel_loop3A_172 = arith.index_cast %parallel_loop3A_145 : i32 to index
          %parallel_loop3A_173 = arith.constant 0 : index
          %parallel_loop3A_174 = tpu.vector_load %arg28[%parallel_loop3A_172, %parallel_loop3A_173] {strides = array<i32>} : memref<80x128xf32, #tpu.memory_space<vmem>>, vector<1x16xf32>,
          %parallel_loop3A_175 = vector.shape_cast %parallel_loop3A_174 : vector<1x16xf32> to vector<16xf32>
          %parallel_loop3A_176 = vector.shape_cast %parallel_loop3A_171 : vector<16xf32> to vector<1x16xf32>
          tpu.vector_store %arg28[%parallel_loop3A_172, %parallel_loop3A_173], %parallel_loop3A_176 {strides = array<i32>} : memref<80x128xf32, #tpu.memory_space<vmem>>, vector<1x16xf32>,
          %parallel_loop3A_177 = arith.addf %parallel_loop3A_163, %parallel_loop3A_165 : vector<16xf32>
          %parallel_loop3A_178 = arith.index_cast %parallel_loop3A_145 : i32 to index
          %parallel_loop3A_179 = arith.constant 64 : index
          %parallel_loop3A_180 = tpu.vector_load %arg28[%parallel_loop3A_178, %parallel_loop3A_179] {strides = array<i32>} : memref<80x128xf32, #tpu.memory_space<vmem>>, vector<1x16xf32>,
          %parallel_loop3A_181 = vector.shape_cast %parallel_loop3A_180 : vector<1x16xf32> to vector<16xf32>
          %parallel_loop3A_182 = arith.mulf %parallel_loop3A_177, %parallel_loop3A_181 : vector<16xf32>
          %parallel_loop3A_183 = arith.index_cast %parallel_loop3A_145 : i32 to index
          %parallel_loop3A_184 = arith.constant 64 : index
          %parallel_loop3A_185 = tpu.vector_load %arg28[%parallel_loop3A_183, %parallel_loop3A_184] {strides = array<i32>} : memref<80x128xf32, #tpu.memory_space<vmem>>, vector<1x16xf32>,
          %parallel_loop3A_186 = vector.shape_cast %parallel_loop3A_185 : vector<1x16xf32> to vector<16xf32>
          %parallel_loop3A_187 = vector.shape_cast %parallel_loop3A_182 : vector<16xf32> to vector<1x16xf32>
          tpu.vector_store %arg28[%parallel_loop3A_183, %parallel_loop3A_184], %parallel_loop3A_187 {strides = array<i32>} : memref<80x128xf32, #tpu.memory_space<vmem>>, vector<1x16xf32>,
          %parallel_loop3A_188 = arith.index_cast %parallel_loop3A_145 : i32 to index
          %parallel_loop3A_189 = arith.constant 16 : index
          %parallel_loop3A_190 = tpu.vector_load %arg24[%parallel_loop3A_188, %parallel_loop3A_189] {strides = array<i32>} : memref<80x64xi32, #tpu.memory_space<vmem>>, vector<1x16xi32>,
          %parallel_loop3A_191 = vector.shape_cast %parallel_loop3A_190 : vector<1x16xi32> to vector<16xi32>
          %parallel_loop3A_192 = arith.index_cast %parallel_loop3A_145 : i32 to index
          %parallel_loop3A_193 = arith.constant 16 : index
          %parallel_loop3A_194 = tpu.vector_load %arg26[%parallel_loop3A_192, %parallel_loop3A_193] {strides = array<i32>} : memref<80x64xi32, #tpu.memory_space<vmem>>, vector<1x16xi32>,
          %parallel_loop3A_195 = vector.shape_cast %parallel_loop3A_194 : vector<1x16xi32> to vector<16xi32>
          %parallel_loop3A_196 = arith.constant 16 : i32
          %parallel_loop3A_197 = vector.broadcast %parallel_loop3A_196 : i32 to vector<16xi32>
          %parallel_loop3A_198 = arith.shli %parallel_loop3A_191, %parallel_loop3A_197 : vector<16xi32>
          %parallel_loop3A_199 = tpu.bitcast %parallel_loop3A_198 : vector<16xi32> -> vector<16xf32>
          %parallel_loop3A_200 = arith.constant 16 : i32
          %parallel_loop3A_201 = vector.broadcast %parallel_loop3A_200 : i32 to vector<16xi32>
          %parallel_loop3A_202 = arith.shli %parallel_loop3A_195, %parallel_loop3A_201 : vector<16xi32>
          %parallel_loop3A_203 = tpu.bitcast %parallel_loop3A_202 : vector<16xi32> -> vector<16xf32>
          %parallel_loop3A_204 = arith.andi %parallel_loop3A_191, %broadcast_in_dim3A_67 : vector<16xi32>
          %parallel_loop3A_205 = tpu.bitcast %parallel_loop3A_204 : vector<16xi32> -> vector<16xf32>
          %parallel_loop3A_206 = arith.andi %parallel_loop3A_195, %broadcast_in_dim3A_67 : vector<16xi32>
          %parallel_loop3A_207 = tpu.bitcast %parallel_loop3A_206 : vector<16xi32> -> vector<16xf32>
          %parallel_loop3A_208 = arith.addf %parallel_loop3A_199, %parallel_loop3A_203 : vector<16xf32>
          %parallel_loop3A_209 = arith.index_cast %parallel_loop3A_145 : i32 to index
          %parallel_loop3A_210 = arith.constant 16 : index
          %parallel_loop3A_211 = tpu.vector_load %arg28[%parallel_loop3A_209, %parallel_loop3A_210] {strides = array<i32>} : memref<80x128xf32, #tpu.memory_space<vmem>>, vector<1x16xf32>,
          %parallel_loop3A_212 = vector.shape_cast %parallel_loop3A_211 : vector<1x16xf32> to vector<16xf32>
          %parallel_loop3A_213 = arith.mulf %parallel_loop3A_208, %parallel_loop3A_212 : vector<16xf32>
          %parallel_loop3A_214 = arith.index_cast %parallel_loop3A_145 : i32 to index
          %parallel_loop3A_215 = arith.constant 16 : index
          %parallel_loop3A_216 = tpu.vector_load %arg28[%parallel_loop3A_214, %parallel_loop3A_215] {strides = array<i32>} : memref<80x128xf32, #tpu.memory_space<vmem>>, vector<1x16xf32>,
          %parallel_loop3A_217 = vector.shape_cast %parallel_loop3A_216 : vector<1x16xf32> to vector<16xf32>
          %parallel_loop3A_218 = vector.shape_cast %parallel_loop3A_213 : vector<16xf32> to vector<1x16xf32>
          tpu.vector_store %arg28[%parallel_loop3A_214, %parallel_loop3A_215], %parallel_loop3A_218 {strides = array<i32>} : memref<80x128xf32, #tpu.memory_space<vmem>>, vector<1x16xf32>,
          %parallel_loop3A_219 = arith.addf %parallel_loop3A_205, %parallel_loop3A_207 : vector<16xf32>
          %parallel_loop3A_220 = arith.index_cast %parallel_loop3A_145 : i32 to index
          %parallel_loop3A_221 = arith.constant 80 : index
          %parallel_loop3A_222 = tpu.vector_load %arg28[%parallel_loop3A_220, %parallel_loop3A_221] {strides = array<i32>} : memref<80x128xf32, #tpu.memory_space<vmem>>, vector<1x16xf32>,
          %parallel_loop3A_223 = vector.shape_cast %parallel_loop3A_222 : vector<1x16xf32> to vector<16xf32>
          %parallel_loop3A_224 = arith.mulf %parallel_loop3A_219, %parallel_loop3A_223 : vector<16xf32>
          %parallel_loop3A_225 = arith.index_cast %parallel_loop3A_145 : i32 to index
          %parallel_loop3A_226 = arith.constant 80 : index
          %parallel_loop3A_227 = tpu.vector_load %arg28[%parallel_loop3A_225, %parallel_loop3A_226] {strides = array<i32>} : memref<80x128xf32, #tpu.memory_space<vmem>>, vector<1x16xf32>,
          %parallel_loop3A_228 = vector.shape_cast %parallel_loop3A_227 : vector<1x16xf32> to vector<16xf32>
          %parallel_loop3A_229 = vector.shape_cast %parallel_loop3A_224 : vector<16xf32> to vector<1x16xf32>
          tpu.vector_store %arg28[%parallel_loop3A_225, %parallel_loop3A_226], %parallel_loop3A_229 {strides = array<i32>} : memref<80x128xf32, #tpu.memory_space<vmem>>, vector<1x16xf32>,
          %parallel_loop3A_230 = arith.index_cast %parallel_loop3A_145 : i32 to index
          %parallel_loop3A_231 = arith.constant 32 : index
          %parallel_loop3A_232 = tpu.vector_load %arg24[%parallel_loop3A_230, %parallel_loop3A_231] {strides = array<i32>} : memref<80x64xi32, #tpu.memory_space<vmem>>, vector<1x16xi32>,
          %parallel_loop3A_233 = vector.shape_cast %parallel_loop3A_232 : vector<1x16xi32> to vector<16xi32>
          %parallel_loop3A_234 = arith.index_cast %parallel_loop3A_145 : i32 to index
          %parallel_loop3A_235 = arith.constant 32 : index
          %parallel_loop3A_236 = tpu.vector_load %arg26[%parallel_loop3A_234, %parallel_loop3A_235] {strides = array<i32>} : memref<80x64xi32, #tpu.memory_space<vmem>>, vector<1x16xi32>,
          %parallel_loop3A_237 = vector.shape_cast %parallel_loop3A_236 : vector<1x16xi32> to vector<16xi32>
          %parallel_loop3A_238 = arith.constant 16 : i32
          %parallel_loop3A_239 = vector.broadcast %parallel_loop3A_238 : i32 to vector<16xi32>
          %parallel_loop3A_240 = arith.shli %parallel_loop3A_233, %parallel_loop3A_239 : vector<16xi32>
          %parallel_loop3A_241 = tpu.bitcast %parallel_loop3A_240 : vector<16xi32> -> vector<16xf32>
          %parallel_loop3A_242 = arith.constant 16 : i32
          %parallel_loop3A_243 = vector.broadcast %parallel_loop3A_242 : i32 to vector<16xi32>
          %parallel_loop3A_244 = arith.shli %parallel_loop3A_237, %parallel_loop3A_243 : vector<16xi32>
          %parallel_loop3A_245 = tpu.bitcast %parallel_loop3A_244 : vector<16xi32> -> vector<16xf32>
          %parallel_loop3A_246 = arith.andi %parallel_loop3A_233, %broadcast_in_dim3A_67 : vector<16xi32>
          %parallel_loop3A_247 = tpu.bitcast %parallel_loop3A_246 : vector<16xi32> -> vector<16xf32>
          %parallel_loop3A_248 = arith.andi %parallel_loop3A_237, %broadcast_in_dim3A_67 : vector<16xi32>
          %parallel_loop3A_249 = tpu.bitcast %parallel_loop3A_248 : vector<16xi32> -> vector<16xf32>
          %parallel_loop3A_250 = arith.addf %parallel_loop3A_241, %parallel_loop3A_245 : vector<16xf32>
          %parallel_loop3A_251 = arith.index_cast %parallel_loop3A_145 : i32 to index
          %parallel_loop3A_252 = arith.constant 32 : index
          %parallel_loop3A_253 = tpu.vector_load %arg28[%parallel_loop3A_251, %parallel_loop3A_252] {strides = array<i32>} : memref<80x128xf32, #tpu.memory_space<vmem>>, vector<1x16xf32>,
          %parallel_loop3A_254 = vector.shape_cast %parallel_loop3A_253 : vector<1x16xf32> to vector<16xf32>
          %parallel_loop3A_255 = arith.mulf %parallel_loop3A_250, %parallel_loop3A_254 : vector<16xf32>
          %parallel_loop3A_256 = arith.index_cast %parallel_loop3A_145 : i32 to index
          %parallel_loop3A_257 = arith.constant 32 : index
          %parallel_loop3A_258 = tpu.vector_load %arg28[%parallel_loop3A_256, %parallel_loop3A_257] {strides = array<i32>} : memref<80x128xf32, #tpu.memory_space<vmem>>, vector<1x16xf32>,
          %parallel_loop3A_259 = vector.shape_cast %parallel_loop3A_258 : vector<1x16xf32> to vector<16xf32>
          %parallel_loop3A_260 = vector.shape_cast %parallel_loop3A_255 : vector<16xf32> to vector<1x16xf32>
          tpu.vector_store %arg28[%parallel_loop3A_256, %parallel_loop3A_257], %parallel_loop3A_260 {strides = array<i32>} : memref<80x128xf32, #tpu.memory_space<vmem>>, vector<1x16xf32>,
          %parallel_loop3A_261 = arith.addf %parallel_loop3A_247, %parallel_loop3A_249 : vector<16xf32>
          %parallel_loop3A_262 = arith.index_cast %parallel_loop3A_145 : i32 to index
          %parallel_loop3A_263 = arith.constant 96 : index
          %parallel_loop3A_264 = tpu.vector_load %arg28[%parallel_loop3A_262, %parallel_loop3A_263] {strides = array<i32>} : memref<80x128xf32, #tpu.memory_space<vmem>>, vector<1x16xf32>,
          %parallel_loop3A_265 = vector.shape_cast %parallel_loop3A_264 : vector<1x16xf32> to vector<16xf32>
          %parallel_loop3A_266 = arith.mulf %parallel_loop3A_261, %parallel_loop3A_265 : vector<16xf32>
          %parallel_loop3A_267 = arith.index_cast %parallel_loop3A_145 : i32 to index
          %parallel_loop3A_268 = arith.constant 96 : index
          %parallel_loop3A_269 = tpu.vector_load %arg28[%parallel_loop3A_267, %parallel_loop3A_268] {strides = array<i32>} : memref<80x128xf32, #tpu.memory_space<vmem>>, vector<1x16xf32>,
          %parallel_loop3A_270 = vector.shape_cast %parallel_loop3A_269 : vector<1x16xf32> to vector<16xf32>
          %parallel_loop3A_271 = vector.shape_cast %parallel_loop3A_266 : vector<16xf32> to vector<1x16xf32>
          tpu.vector_store %arg28[%parallel_loop3A_267, %parallel_loop3A_268], %parallel_loop3A_271 {strides = array<i32>} : memref<80x128xf32, #tpu.memory_space<vmem>>, vector<1x16xf32>,
          %parallel_loop3A_272 = arith.index_cast %parallel_loop3A_145 : i32 to index
          %parallel_loop3A_273 = arith.constant 48 : index
          %parallel_loop3A_274 = tpu.vector_load %arg24[%parallel_loop3A_272, %parallel_loop3A_273] {strides = array<i32>} : memref<80x64xi32, #tpu.memory_space<vmem>>, vector<1x16xi32>,
          %parallel_loop3A_275 = vector.shape_cast %parallel_loop3A_274 : vector<1x16xi32> to vector<16xi32>
          %parallel_loop3A_276 = arith.index_cast %parallel_loop3A_145 : i32 to index
          %parallel_loop3A_277 = arith.constant 48 : index
          %parallel_loop3A_278 = tpu.vector_load %arg26[%parallel_loop3A_276, %parallel_loop3A_277] {strides = array<i32>} : memref<80x64xi32, #tpu.memory_space<vmem>>, vector<1x16xi32>,
          %parallel_loop3A_279 = vector.shape_cast %parallel_loop3A_278 : vector<1x16xi32> to vector<16xi32>
          %parallel_loop3A_280 = arith.constant 16 : i32
          %parallel_loop3A_281 = vector.broadcast %parallel_loop3A_280 : i32 to vector<16xi32>
          %parallel_loop3A_282 = arith.shli %parallel_loop3A_275, %parallel_loop3A_281 : vector<16xi32>
          %parallel_loop3A_283 = tpu.bitcast %parallel_loop3A_282 : vector<16xi32> -> vector<16xf32>
          %parallel_loop3A_284 = arith.constant 16 : i32
          %parallel_loop3A_285 = vector.broadcast %parallel_loop3A_284 : i32 to vector<16xi32>
          %parallel_loop3A_286 = arith.shli %parallel_loop3A_279, %parallel_loop3A_285 : vector<16xi32>
          %parallel_loop3A_287 = tpu.bitcast %parallel_loop3A_286 : vector<16xi32> -> vector<16xf32>
          %parallel_loop3A_288 = arith.andi %parallel_loop3A_275, %broadcast_in_dim3A_67 : vector<16xi32>
          %parallel_loop3A_289 = tpu.bitcast %parallel_loop3A_288 : vector<16xi32> -> vector<16xf32>
          %parallel_loop3A_290 = arith.andi %parallel_loop3A_279, %broadcast_in_dim3A_67 : vector<16xi32>
          %parallel_loop3A_291 = tpu.bitcast %parallel_loop3A_290 : vector<16xi32> -> vector<16xf32>
          %parallel_loop3A_292 = arith.addf %parallel_loop3A_283, %parallel_loop3A_287 : vector<16xf32>
          %parallel_loop3A_293 = arith.index_cast %parallel_loop3A_145 : i32 to index
          %parallel_loop3A_294 = arith.constant 48 : index
          %parallel_loop3A_295 = tpu.vector_load %arg28[%parallel_loop3A_293, %parallel_loop3A_294] {strides = array<i32>} : memref<80x128xf32, #tpu.memory_space<vmem>>, vector<1x16xf32>,
          %parallel_loop3A_296 = vector.shape_cast %parallel_loop3A_295 : vector<1x16xf32> to vector<16xf32>
          %parallel_loop3A_297 = arith.mulf %parallel_loop3A_292, %parallel_loop3A_296 : vector<16xf32>
          %parallel_loop3A_298 = arith.index_cast %parallel_loop3A_145 : i32 to index
          %parallel_loop3A_299 = arith.constant 48 : index
          %parallel_loop3A_300 = tpu.vector_load %arg28[%parallel_loop3A_298, %parallel_loop3A_299] {strides = array<i32>} : memref<80x128xf32, #tpu.memory_space<vmem>>, vector<1x16xf32>,
          %parallel_loop3A_301 = vector.shape_cast %parallel_loop3A_300 : vector<1x16xf32> to vector<16xf32>
          %parallel_loop3A_302 = vector.shape_cast %parallel_loop3A_297 : vector<16xf32> to vector<1x16xf32>
          tpu.vector_store %arg28[%parallel_loop3A_298, %parallel_loop3A_299], %parallel_loop3A_302 {strides = array<i32>} : memref<80x128xf32, #tpu.memory_space<vmem>>, vector<1x16xf32>,
          %parallel_loop3A_303 = arith.addf %parallel_loop3A_289, %parallel_loop3A_291 : vector<16xf32>
          %parallel_loop3A_304 = arith.index_cast %parallel_loop3A_145 : i32 to index
          %parallel_loop3A_305 = arith.constant 112 : index
          %parallel_loop3A_306 = tpu.vector_load %arg28[%parallel_loop3A_304, %parallel_loop3A_305] {strides = array<i32>} : memref<80x128xf32, #tpu.memory_space<vmem>>, vector<1x16xf32>,
          %parallel_loop3A_307 = vector.shape_cast %parallel_loop3A_306 : vector<1x16xf32> to vector<16xf32>
          %parallel_loop3A_308 = arith.mulf %parallel_loop3A_303, %parallel_loop3A_307 : vector<16xf32>
          %parallel_loop3A_309 = arith.index_cast %parallel_loop3A_145 : i32 to index
          %parallel_loop3A_310 = arith.constant 112 : index
          %parallel_loop3A_311 = tpu.vector_load %arg28[%parallel_loop3A_309, %parallel_loop3A_310] {strides = array<i32>} : memref<80x128xf32, #tpu.memory_space<vmem>>, vector<1x16xf32>,
          %parallel_loop3A_312 = vector.shape_cast %parallel_loop3A_311 : vector<1x16xf32> to vector<16xf32>
          %parallel_loop3A_313 = vector.shape_cast %parallel_loop3A_308 : vector<16xf32> to vector<1x16xf32>
          tpu.vector_store %arg28[%parallel_loop3A_309, %parallel_loop3A_310], %parallel_loop3A_313 {strides = array<i32>} : memref<80x128xf32, #tpu.memory_space<vmem>>, vector<1x16xf32>,
        } {sc.loop_unroll_factor = 4 : i64, sc.parallel_access}
        "tpu.region"() ({
          %run_scoped3A = tpu.sem_alloc : memref<!tpu.dma_semaphore, #tpu.memory_space<semaphore_mem>>
          %dma_start3A_145 = arith.constant 0 : i32
          %dma_start3A_146 = arith.constant 0 : i32
          %dma_start3A_147 = tpu.memref_slice %arg16[%dma_start3A_145, %dma_start3A_146] : memref<10000x128xf32, #tpu.memory_space<vmem_shared>> -> memref<10000x128xf32, #tpu.memory_space<vmem_shared>>
          tpu.enqueue_indirect_dma source(%arg28 : memref<80x128xf32, #tpu.memory_space<vmem>>) target(%dma_start3A_147 : memref<10000x128xf32, #tpu.memory_space<vmem_shared>>) offsets(%arg20 : memref<80xi32, #tpu.memory_space<vmem>>) semaphore(%run_scoped3A : memref<!tpu.dma_semaphore, #tpu.memory_space<semaphore_mem>>) {add = true}
          %dma_wait3A_148 = arith.constant 0 : i32
          %dma_wait3A_149 = arith.constant 0 : i32
          %dma_wait3A_150 = tpu.memref_slice %arg16[%dma_wait3A_148, %dma_wait3A_149] : memref<10000x128xf32, #tpu.memory_space<vmem_shared>> -> memref<10000x128xf32, #tpu.memory_space<vmem_shared>>
          tpu.wait_indirect_dma semaphore(%run_scoped3A : memref<!tpu.dma_semaphore, #tpu.memory_space<semaphore_mem>>) src(%arg28 : memref<80x128xf32, #tpu.memory_space<vmem>>) dst(%dma_wait3A_150 : memref<10000x128xf32, #tpu.memory_space<vmem_shared>>)
          tpu.yield
        }) : () -> ()
        %add3A_108 = arith.constant 2 : i32
        %add3A_109 = arith.addi %add3A_89, %add3A_108 : i32
        %lt3A_110 = arith.constant 250 : i32
        %lt3A_111 = arith.cmpi slt, %add3A_109, %lt3A_110 : i32
        %convert_element_type3A_112 = arith.extui %lt3A_111 : i1 to i32
        %cond3A_113 = arith.constant 0 : i32
        %cond3A_114 = arith.cmpi ne, %convert_element_type3A_112, %cond3A_113 : i32
        scf.if %cond3A_114 {
          %add3A_145 = arith.constant 2 : i32
          %add3A_146 = arith.addi %add3A_89, %add3A_145 : i32
          %mul3A_147 = arith.constant 80 : i32
          %mul3A_148 = arith.muli %add3A_146, %mul3A_147 : i32
          %add3A_149 = arith.addi %mul3A_29, %mul3A_148 : i32
          %multiple_of3A_150 = tpu.assume_multiple %add3A_149, 8 : i32
          %dma_start3A_151 = tpu.memref_slice %arg11[%multiple_of3A_150] : memref<320000xi32, #tpu.memory_space<hbm>> -> memref<80xi32, #tpu.memory_space<hbm>>
          %dma_start3A_152 = tpu.memref_slice %arg11[%multiple_of3A_150] : memref<320000xi32, #tpu.memory_space<hbm>> -> memref<80xi32, #tpu.memory_space<hbm>>
          tpu.enqueue_dma source(%dma_start3A_152 : memref<80xi32, #tpu.memory_space<hbm>>) target(%arg18 : memref<80xi32, #tpu.memory_space<vmem>>) target_semaphore(%arg30 : memref<!tpu.dma_semaphore, #tpu.memory_space<semaphore_mem>>)
          %dma_start3A_153 = tpu.memref_slice %arg12[%multiple_of3A_150] : memref<320000xi32, #tpu.memory_space<hbm>> -> memref<80xi32, #tpu.memory_space<hbm>>
          %dma_start3A_154 = tpu.memref_slice %arg12[%multiple_of3A_150] : memref<320000xi32, #tpu.memory_space<hbm>> -> memref<80xi32, #tpu.memory_space<hbm>>
          tpu.enqueue_dma source(%dma_start3A_154 : memref<80xi32, #tpu.memory_space<hbm>>) target(%arg20 : memref<80xi32, #tpu.memory_space<vmem>>) target_semaphore(%arg30 : memref<!tpu.dma_semaphore, #tpu.memory_space<semaphore_mem>>)
          %dma_start3A_155 = tpu.memref_slice %arg13[%multiple_of3A_150] : memref<320000xi32, #tpu.memory_space<hbm>> -> memref<80xi32, #tpu.memory_space<hbm>>
          %dma_start3A_156 = tpu.memref_slice %arg13[%multiple_of3A_150] : memref<320000xi32, #tpu.memory_space<hbm>> -> memref<80xi32, #tpu.memory_space<hbm>>
          tpu.enqueue_dma source(%dma_start3A_156 : memref<80xi32, #tpu.memory_space<hbm>>) target(%arg22 : memref<80xi32, #tpu.memory_space<vmem>>) target_semaphore(%arg30 : memref<!tpu.dma_semaphore, #tpu.memory_space<semaphore_mem>>)
        } else {
        }
        %mul3A_115 = arith.constant 2 : i32
        %mul3A_116 = arith.muli %mul3A_115, %scan3A_85 : i32
        %add3A_117 = arith.constant 1 : i32
        %add3A_118 = arith.addi %mul3A_116, %add3A_117 : i32
        %dma_wait3A_119 = arith.constant 0 : i32
        %dma_wait3A_120 = arith.constant 0 : i32
        %dma_wait3A_121 = tpu.memref_slice %arg8[%dma_wait3A_119, %dma_wait3A_120] : memref<10000x64xi32, #tpu.memory_space<hbm>> -> memref<10000x64xi32, #tpu.memory_space<hbm>>
        tpu.wait_indirect_dma semaphore(%arg33 : memref<!tpu.dma_semaphore, #tpu.memory_space<semaphore_mem>>) src(%dma_wait3A_121 : memref<10000x64xi32, #tpu.memory_space<hbm>>) dst(%arg25 : memref<80x64xi32, #tpu.memory_space<vmem>>)
        %dma_wait3A_122 = arith.constant 0 : i32
        %dma_wait3A_123 = arith.constant 0 : i32
        %dma_wait3A_124 = tpu.memref_slice %arg9[%dma_wait3A_122, %dma_wait3A_123] : memref<10000x64xi32, #tpu.memory_space<hbm>> -> memref<10000x64xi32, #tpu.memory_space<hbm>>
        tpu.wait_indirect_dma semaphore(%arg35 : memref<!tpu.dma_semaphore, #tpu.memory_space<semaphore_mem>>) src(%dma_wait3A_124 : memref<10000x64xi32, #tpu.memory_space<hbm>>) dst(%arg27 : memref<80x64xi32, #tpu.memory_space<vmem>>)
        %dma_wait3A_125 = arith.constant 0 : i32
        %dma_wait3A_126 = arith.constant 0 : i32
        %dma_wait3A_127 = tpu.memref_slice %arg17[%dma_wait3A_125, %dma_wait3A_126] : memref<64x128xf32, #tpu.memory_space<vmem_shared>> -> memref<64x128xf32, #tpu.memory_space<vmem_shared>>
        tpu.wait_indirect_dma semaphore(%arg37 : memref<!tpu.dma_semaphore, #tpu.memory_space<semaphore_mem>>) src(%dma_wait3A_127 : memref<64x128xf32, #tpu.memory_space<vmem_shared>>) dst(%arg29 : memref<80x128xf32, #tpu.memory_space<vmem>>)
        %add3A_128 = arith.constant 1 : i32
        %add3A_129 = arith.addi %add3A_118, %add3A_128 : i32
        %lt3A_130 = arith.constant 250 : i32
        %lt3A_131 = arith.cmpi slt, %add3A_129, %lt3A_130 : i32
        %convert_element_type3A_132 = arith.extui %lt3A_131 : i1 to i32
        %cond3A_133 = arith.constant 0 : i32
        %cond3A_134 = arith.cmpi ne, %convert_element_type3A_132, %cond3A_133 : i32
        scf.if %cond3A_134 {
          %dma_wait3A_145 = arith.constant 0 : i32
          %dma_wait3A_146 = tpu.memref_slice %arg11[%dma_wait3A_145] : memref<320000xi32, #tpu.memory_space<hbm>> -> memref<80xi32, #tpu.memory_space<hbm>>
          %dma_wait3A_147 = arith.constant 0 : i32
          %dma_wait3A_148 = tpu.memref_slice %arg11[%dma_wait3A_147] : memref<320000xi32, #tpu.memory_space<hbm>> -> memref<80xi32, #tpu.memory_space<hbm>>
          tpu.wait_dma2 semaphore(%arg30 : memref<!tpu.dma_semaphore, #tpu.memory_space<semaphore_mem>>) src(%dma_wait3A_148 : memref<80xi32, #tpu.memory_space<hbm>>) dst(%arg18 : memref<80xi32, #tpu.memory_space<vmem>>)
          %dma_wait3A_149 = arith.constant 0 : i32
          %dma_wait3A_150 = tpu.memref_slice %arg11[%dma_wait3A_149] : memref<320000xi32, #tpu.memory_space<hbm>> -> memref<80xi32, #tpu.memory_space<hbm>>
          %dma_wait3A_151 = arith.constant 0 : i32
          %dma_wait3A_152 = tpu.memref_slice %arg11[%dma_wait3A_151] : memref<320000xi32, #tpu.memory_space<hbm>> -> memref<80xi32, #tpu.memory_space<hbm>>
          tpu.wait_dma2 semaphore(%arg30 : memref<!tpu.dma_semaphore, #tpu.memory_space<semaphore_mem>>) src(%dma_wait3A_152 : memref<80xi32, #tpu.memory_space<hbm>>) dst(%arg20 : memref<80xi32, #tpu.memory_space<vmem>>)
          %dma_wait3A_153 = arith.constant 0 : i32
          %dma_wait3A_154 = tpu.memref_slice %arg11[%dma_wait3A_153] : memref<320000xi32, #tpu.memory_space<hbm>> -> memref<80xi32, #tpu.memory_space<hbm>>
          %dma_wait3A_155 = arith.constant 0 : i32
          %dma_wait3A_156 = tpu.memref_slice %arg11[%dma_wait3A_155] : memref<320000xi32, #tpu.memory_space<hbm>> -> memref<80xi32, #tpu.memory_space<hbm>>
          tpu.wait_dma2 semaphore(%arg30 : memref<!tpu.dma_semaphore, #tpu.memory_space<semaphore_mem>>) src(%dma_wait3A_156 : memref<80xi32, #tpu.memory_space<hbm>>) dst(%arg22 : memref<80xi32, #tpu.memory_space<vmem>>)
          %dma_start3A_157 = arith.constant 0 : i32
          %dma_start3A_158 = arith.constant 0 : i32
          %dma_start3A_159 = tpu.memref_slice %arg8[%dma_start3A_157, %dma_start3A_158] : memref<10000x64xi32, #tpu.memory_space<hbm>> -> memref<10000x64xi32, #tpu.memory_space<hbm>>
          tpu.enqueue_indirect_dma source(%dma_start3A_159 : memref<10000x64xi32, #tpu.memory_space<hbm>>) target(%arg24 : memref<80x64xi32, #tpu.memory_space<vmem>>) offsets(%arg18 : memref<80xi32, #tpu.memory_space<vmem>>) semaphore(%arg32 : memref<!tpu.dma_semaphore, #tpu.memory_space<semaphore_mem>>)
          %dma_start3A_160 = arith.constant 0 : i32
          %dma_start3A_161 = arith.constant 0 : i32
          %dma_start3A_162 = tpu.memref_slice %arg9[%dma_start3A_160, %dma_start3A_161] : memref<10000x64xi32, #tpu.memory_space<hbm>> -> memref<10000x64xi32, #tpu.memory_space<hbm>>
          tpu.enqueue_indirect_dma source(%dma_start3A_162 : memref<10000x64xi32, #tpu.memory_space<hbm>>) target(%arg26 : memref<80x64xi32, #tpu.memory_space<vmem>>) offsets(%arg20 : memref<80xi32, #tpu.memory_space<vmem>>) semaphore(%arg34 : memref<!tpu.dma_semaphore, #tpu.memory_space<semaphore_mem>>)
          %dma_start3A_163 = arith.constant 0 : i32
          %dma_start3A_164 = arith.constant 0 : i32
          %dma_start3A_165 = tpu.memref_slice %arg17[%dma_start3A_163, %dma_start3A_164] : memref<64x128xf32, #tpu.memory_space<vmem_shared>> -> memref<64x128xf32, #tpu.memory_space<vmem_shared>>
          tpu.enqueue_indirect_dma source(%dma_start3A_165 : memref<64x128xf32, #tpu.memory_space<vmem_shared>>) target(%arg28 : memref<80x128xf32, #tpu.memory_space<vmem>>) offsets(%arg22 : memref<80xi32, #tpu.memory_space<vmem>>) semaphore(%arg36 : memref<!tpu.dma_semaphore, #tpu.memory_space<semaphore_mem>>)
        } else {
        }
        %parallel_loop3A_135 = arith.constant 0 : i32
        %parallel_loop3A_136 = arith.constant 80 : i32
        %parallel_loop3A_137 = arith.constant 1 : i32
        scf.for %parallel_loop3A_145 = %parallel_loop3A_135 to %parallel_loop3A_136 step %parallel_loop3A_137  : i32 {
          %parallel_loop3A_146 = arith.index_cast %parallel_loop3A_145 : i32 to index
          %parallel_loop3A_147 = arith.constant 0 : index
          %parallel_loop3A_148 = tpu.vector_load %arg25[%parallel_loop3A_146, %parallel_loop3A_147] {strides = array<i32>} : memref<80x64xi32, #tpu.memory_space<vmem>>, vector<1x16xi32>,
          %parallel_loop3A_149 = vector.shape_cast %parallel_loop3A_148 : vector<1x16xi32> to vector<16xi32>
          %parallel_loop3A_150 = arith.index_cast %parallel_loop3A_145 : i32 to index
          %parallel_loop3A_151 = arith.constant 0 : index
          %parallel_loop3A_152 = tpu.vector_load %arg27[%parallel_loop3A_150, %parallel_loop3A_151] {strides = array<i32>} : memref<80x64xi32, #tpu.memory_space<vmem>>, vector<1x16xi32>,
          %parallel_loop3A_153 = vector.shape_cast %parallel_loop3A_152 : vector<1x16xi32> to vector<16xi32>
          %parallel_loop3A_154 = arith.constant 16 : i32
          %parallel_loop3A_155 = vector.broadcast %parallel_loop3A_154 : i32 to vector<16xi32>
          %parallel_loop3A_156 = arith.shli %parallel_loop3A_149, %parallel_loop3A_155 : vector<16xi32>
          %parallel_loop3A_157 = tpu.bitcast %parallel_loop3A_156 : vector<16xi32> -> vector<16xf32>
          %parallel_loop3A_158 = arith.constant 16 : i32
          %parallel_loop3A_159 = vector.broadcast %parallel_loop3A_158 : i32 to vector<16xi32>
          %parallel_loop3A_160 = arith.shli %parallel_loop3A_153, %parallel_loop3A_159 : vector<16xi32>
          %parallel_loop3A_161 = tpu.bitcast %parallel_loop3A_160 : vector<16xi32> -> vector<16xf32>
          %parallel_loop3A_162 = arith.andi %parallel_loop3A_149, %broadcast_in_dim3A_67 : vector<16xi32>
          %parallel_loop3A_163 = tpu.bitcast %parallel_loop3A_162 : vector<16xi32> -> vector<16xf32>
          %parallel_loop3A_164 = arith.andi %parallel_loop3A_153, %broadcast_in_dim3A_67 : vector<16xi32>
          %parallel_loop3A_165 = tpu.bitcast %parallel_loop3A_164 : vector<16xi32> -> vector<16xf32>
          %parallel_loop3A_166 = arith.addf %parallel_loop3A_157, %parallel_loop3A_161 : vector<16xf32>
          %parallel_loop3A_167 = arith.index_cast %parallel_loop3A_145 : i32 to index
          %parallel_loop3A_168 = arith.constant 0 : index
          %parallel_loop3A_169 = tpu.vector_load %arg29[%parallel_loop3A_167, %parallel_loop3A_168] {strides = array<i32>} : memref<80x128xf32, #tpu.memory_space<vmem>>, vector<1x16xf32>,
          %parallel_loop3A_170 = vector.shape_cast %parallel_loop3A_169 : vector<1x16xf32> to vector<16xf32>
          %parallel_loop3A_171 = arith.mulf %parallel_loop3A_166, %parallel_loop3A_170 : vector<16xf32>
          %parallel_loop3A_172 = arith.index_cast %parallel_loop3A_145 : i32 to index
          %parallel_loop3A_173 = arith.constant 0 : index
          %parallel_loop3A_174 = tpu.vector_load %arg29[%parallel_loop3A_172, %parallel_loop3A_173] {strides = array<i32>} : memref<80x128xf32, #tpu.memory_space<vmem>>, vector<1x16xf32>,
          %parallel_loop3A_175 = vector.shape_cast %parallel_loop3A_174 : vector<1x16xf32> to vector<16xf32>
          %parallel_loop3A_176 = vector.shape_cast %parallel_loop3A_171 : vector<16xf32> to vector<1x16xf32>
          tpu.vector_store %arg29[%parallel_loop3A_172, %parallel_loop3A_173], %parallel_loop3A_176 {strides = array<i32>} : memref<80x128xf32, #tpu.memory_space<vmem>>, vector<1x16xf32>,
          %parallel_loop3A_177 = arith.addf %parallel_loop3A_163, %parallel_loop3A_165 : vector<16xf32>
          %parallel_loop3A_178 = arith.index_cast %parallel_loop3A_145 : i32 to index
          %parallel_loop3A_179 = arith.constant 64 : index
          %parallel_loop3A_180 = tpu.vector_load %arg29[%parallel_loop3A_178, %parallel_loop3A_179] {strides = array<i32>} : memref<80x128xf32, #tpu.memory_space<vmem>>, vector<1x16xf32>,
          %parallel_loop3A_181 = vector.shape_cast %parallel_loop3A_180 : vector<1x16xf32> to vector<16xf32>
          %parallel_loop3A_182 = arith.mulf %parallel_loop3A_177, %parallel_loop3A_181 : vector<16xf32>
          %parallel_loop3A_183 = arith.index_cast %parallel_loop3A_145 : i32 to index
          %parallel_loop3A_184 = arith.constant 64 : index
          %parallel_loop3A_185 = tpu.vector_load %arg29[%parallel_loop3A_183, %parallel_loop3A_184] {strides = array<i32>} : memref<80x128xf32, #tpu.memory_space<vmem>>, vector<1x16xf32>,
          %parallel_loop3A_186 = vector.shape_cast %parallel_loop3A_185 : vector<1x16xf32> to vector<16xf32>
          %parallel_loop3A_187 = vector.shape_cast %parallel_loop3A_182 : vector<16xf32> to vector<1x16xf32>
          tpu.vector_store %arg29[%parallel_loop3A_183, %parallel_loop3A_184], %parallel_loop3A_187 {strides = array<i32>} : memref<80x128xf32, #tpu.memory_space<vmem>>, vector<1x16xf32>,
          %parallel_loop3A_188 = arith.index_cast %parallel_loop3A_145 : i32 to index
          %parallel_loop3A_189 = arith.constant 16 : index
          %parallel_loop3A_190 = tpu.vector_load %arg25[%parallel_loop3A_188, %parallel_loop3A_189] {strides = array<i32>} : memref<80x64xi32, #tpu.memory_space<vmem>>, vector<1x16xi32>,
          %parallel_loop3A_191 = vector.shape_cast %parallel_loop3A_190 : vector<1x16xi32> to vector<16xi32>
          %parallel_loop3A_192 = arith.index_cast %parallel_loop3A_145 : i32 to index
          %parallel_loop3A_193 = arith.constant 16 : index
          %parallel_loop3A_194 = tpu.vector_load %arg27[%parallel_loop3A_192, %parallel_loop3A_193] {strides = array<i32>} : memref<80x64xi32, #tpu.memory_space<vmem>>, vector<1x16xi32>,
          %parallel_loop3A_195 = vector.shape_cast %parallel_loop3A_194 : vector<1x16xi32> to vector<16xi32>
          %parallel_loop3A_196 = arith.constant 16 : i32
          %parallel_loop3A_197 = vector.broadcast %parallel_loop3A_196 : i32 to vector<16xi32>
          %parallel_loop3A_198 = arith.shli %parallel_loop3A_191, %parallel_loop3A_197 : vector<16xi32>
          %parallel_loop3A_199 = tpu.bitcast %parallel_loop3A_198 : vector<16xi32> -> vector<16xf32>
          %parallel_loop3A_200 = arith.constant 16 : i32
          %parallel_loop3A_201 = vector.broadcast %parallel_loop3A_200 : i32 to vector<16xi32>
          %parallel_loop3A_202 = arith.shli %parallel_loop3A_195, %parallel_loop3A_201 : vector<16xi32>
          %parallel_loop3A_203 = tpu.bitcast %parallel_loop3A_202 : vector<16xi32> -> vector<16xf32>
          %parallel_loop3A_204 = arith.andi %parallel_loop3A_191, %broadcast_in_dim3A_67 : vector<16xi32>
          %parallel_loop3A_205 = tpu.bitcast %parallel_loop3A_204 : vector<16xi32> -> vector<16xf32>
          %parallel_loop3A_206 = arith.andi %parallel_loop3A_195, %broadcast_in_dim3A_67 : vector<16xi32>
          %parallel_loop3A_207 = tpu.bitcast %parallel_loop3A_206 : vector<16xi32> -> vector<16xf32>
          %parallel_loop3A_208 = arith.addf %parallel_loop3A_199, %parallel_loop3A_203 : vector<16xf32>
          %parallel_loop3A_209 = arith.index_cast %parallel_loop3A_145 : i32 to index
          %parallel_loop3A_210 = arith.constant 16 : index
          %parallel_loop3A_211 = tpu.vector_load %arg29[%parallel_loop3A_209, %parallel_loop3A_210] {strides = array<i32>} : memref<80x128xf32, #tpu.memory_space<vmem>>, vector<1x16xf32>,
          %parallel_loop3A_212 = vector.shape_cast %parallel_loop3A_211 : vector<1x16xf32> to vector<16xf32>
          %parallel_loop3A_213 = arith.mulf %parallel_loop3A_208, %parallel_loop3A_212 : vector<16xf32>
          %parallel_loop3A_214 = arith.index_cast %parallel_loop3A_145 : i32 to index
          %parallel_loop3A_215 = arith.constant 16 : index
          %parallel_loop3A_216 = tpu.vector_load %arg29[%parallel_loop3A_214, %parallel_loop3A_215] {strides = array<i32>} : memref<80x128xf32, #tpu.memory_space<vmem>>, vector<1x16xf32>,
          %parallel_loop3A_217 = vector.shape_cast %parallel_loop3A_216 : vector<1x16xf32> to vector<16xf32>
          %parallel_loop3A_218 = vector.shape_cast %parallel_loop3A_213 : vector<16xf32> to vector<1x16xf32>
          tpu.vector_store %arg29[%parallel_loop3A_214, %parallel_loop3A_215], %parallel_loop3A_218 {strides = array<i32>} : memref<80x128xf32, #tpu.memory_space<vmem>>, vector<1x16xf32>,
          %parallel_loop3A_219 = arith.addf %parallel_loop3A_205, %parallel_loop3A_207 : vector<16xf32>
          %parallel_loop3A_220 = arith.index_cast %parallel_loop3A_145 : i32 to index
          %parallel_loop3A_221 = arith.constant 80 : index
          %parallel_loop3A_222 = tpu.vector_load %arg29[%parallel_loop3A_220, %parallel_loop3A_221] {strides = array<i32>} : memref<80x128xf32, #tpu.memory_space<vmem>>, vector<1x16xf32>,
          %parallel_loop3A_223 = vector.shape_cast %parallel_loop3A_222 : vector<1x16xf32> to vector<16xf32>
          %parallel_loop3A_224 = arith.mulf %parallel_loop3A_219, %parallel_loop3A_223 : vector<16xf32>
          %parallel_loop3A_225 = arith.index_cast %parallel_loop3A_145 : i32 to index
          %parallel_loop3A_226 = arith.constant 80 : index
          %parallel_loop3A_227 = tpu.vector_load %arg29[%parallel_loop3A_225, %parallel_loop3A_226] {strides = array<i32>} : memref<80x128xf32, #tpu.memory_space<vmem>>, vector<1x16xf32>,
          %parallel_loop3A_228 = vector.shape_cast %parallel_loop3A_227 : vector<1x16xf32> to vector<16xf32>
          %parallel_loop3A_229 = vector.shape_cast %parallel_loop3A_224 : vector<16xf32> to vector<1x16xf32>
          tpu.vector_store %arg29[%parallel_loop3A_225, %parallel_loop3A_226], %parallel_loop3A_229 {strides = array<i32>} : memref<80x128xf32, #tpu.memory_space<vmem>>, vector<1x16xf32>,
          %parallel_loop3A_230 = arith.index_cast %parallel_loop3A_145 : i32 to index
          %parallel_loop3A_231 = arith.constant 32 : index
          %parallel_loop3A_232 = tpu.vector_load %arg25[%parallel_loop3A_230, %parallel_loop3A_231] {strides = array<i32>} : memref<80x64xi32, #tpu.memory_space<vmem>>, vector<1x16xi32>,
          %parallel_loop3A_233 = vector.shape_cast %parallel_loop3A_232 : vector<1x16xi32> to vector<16xi32>
          %parallel_loop3A_234 = arith.index_cast %parallel_loop3A_145 : i32 to index
          %parallel_loop3A_235 = arith.constant 32 : index
          %parallel_loop3A_236 = tpu.vector_load %arg27[%parallel_loop3A_234, %parallel_loop3A_235] {strides = array<i32>} : memref<80x64xi32, #tpu.memory_space<vmem>>, vector<1x16xi32>,
          %parallel_loop3A_237 = vector.shape_cast %parallel_loop3A_236 : vector<1x16xi32> to vector<16xi32>
          %parallel_loop3A_238 = arith.constant 16 : i32
          %parallel_loop3A_239 = vector.broadcast %parallel_loop3A_238 : i32 to vector<16xi32>
          %parallel_loop3A_240 = arith.shli %parallel_loop3A_233, %parallel_loop3A_239 : vector<16xi32>
          %parallel_loop3A_241 = tpu.bitcast %parallel_loop3A_240 : vector<16xi32> -> vector<16xf32>
          %parallel_loop3A_242 = arith.constant 16 : i32
          %parallel_loop3A_243 = vector.broadcast %parallel_loop3A_242 : i32 to vector<16xi32>
          %parallel_loop3A_244 = arith.shli %parallel_loop3A_237, %parallel_loop3A_243 : vector<16xi32>
          %parallel_loop3A_245 = tpu.bitcast %parallel_loop3A_244 : vector<16xi32> -> vector<16xf32>
          %parallel_loop3A_246 = arith.andi %parallel_loop3A_233, %broadcast_in_dim3A_67 : vector<16xi32>
          %parallel_loop3A_247 = tpu.bitcast %parallel_loop3A_246 : vector<16xi32> -> vector<16xf32>
          %parallel_loop3A_248 = arith.andi %parallel_loop3A_237, %broadcast_in_dim3A_67 : vector<16xi32>
          %parallel_loop3A_249 = tpu.bitcast %parallel_loop3A_248 : vector<16xi32> -> vector<16xf32>
          %parallel_loop3A_250 = arith.addf %parallel_loop3A_241, %parallel_loop3A_245 : vector<16xf32>
          %parallel_loop3A_251 = arith.index_cast %parallel_loop3A_145 : i32 to index
          %parallel_loop3A_252 = arith.constant 32 : index
          %parallel_loop3A_253 = tpu.vector_load %arg29[%parallel_loop3A_251, %parallel_loop3A_252] {strides = array<i32>} : memref<80x128xf32, #tpu.memory_space<vmem>>, vector<1x16xf32>,
          %parallel_loop3A_254 = vector.shape_cast %parallel_loop3A_253 : vector<1x16xf32> to vector<16xf32>
          %parallel_loop3A_255 = arith.mulf %parallel_loop3A_250, %parallel_loop3A_254 : vector<16xf32>
          %parallel_loop3A_256 = arith.index_cast %parallel_loop3A_145 : i32 to index
          %parallel_loop3A_257 = arith.constant 32 : index
          %parallel_loop3A_258 = tpu.vector_load %arg29[%parallel_loop3A_256, %parallel_loop3A_257] {strides = array<i32>} : memref<80x128xf32, #tpu.memory_space<vmem>>, vector<1x16xf32>,
          %parallel_loop3A_259 = vector.shape_cast %parallel_loop3A_258 : vector<1x16xf32> to vector<16xf32>
          %parallel_loop3A_260 = vector.shape_cast %parallel_loop3A_255 : vector<16xf32> to vector<1x16xf32>
          tpu.vector_store %arg29[%parallel_loop3A_256, %parallel_loop3A_257], %parallel_loop3A_260 {strides = array<i32>} : memref<80x128xf32, #tpu.memory_space<vmem>>, vector<1x16xf32>,
          %parallel_loop3A_261 = arith.addf %parallel_loop3A_247, %parallel_loop3A_249 : vector<16xf32>
          %parallel_loop3A_262 = arith.index_cast %parallel_loop3A_145 : i32 to index
          %parallel_loop3A_263 = arith.constant 96 : index
          %parallel_loop3A_264 = tpu.vector_load %arg29[%parallel_loop3A_262, %parallel_loop3A_263] {strides = array<i32>} : memref<80x128xf32, #tpu.memory_space<vmem>>, vector<1x16xf32>,
          %parallel_loop3A_265 = vector.shape_cast %parallel_loop3A_264 : vector<1x16xf32> to vector<16xf32>
          %parallel_loop3A_266 = arith.mulf %parallel_loop3A_261, %parallel_loop3A_265 : vector<16xf32>
          %parallel_loop3A_267 = arith.index_cast %parallel_loop3A_145 : i32 to index
          %parallel_loop3A_268 = arith.constant 96 : index
          %parallel_loop3A_269 = tpu.vector_load %arg29[%parallel_loop3A_267, %parallel_loop3A_268] {strides = array<i32>} : memref<80x128xf32, #tpu.memory_space<vmem>>, vector<1x16xf32>,
          %parallel_loop3A_270 = vector.shape_cast %parallel_loop3A_269 : vector<1x16xf32> to vector<16xf32>
          %parallel_loop3A_271 = vector.shape_cast %parallel_loop3A_266 : vector<16xf32> to vector<1x16xf32>
          tpu.vector_store %arg29[%parallel_loop3A_267, %parallel_loop3A_268], %parallel_loop3A_271 {strides = array<i32>} : memref<80x128xf32, #tpu.memory_space<vmem>>, vector<1x16xf32>,
          %parallel_loop3A_272 = arith.index_cast %parallel_loop3A_145 : i32 to index
          %parallel_loop3A_273 = arith.constant 48 : index
          %parallel_loop3A_274 = tpu.vector_load %arg25[%parallel_loop3A_272, %parallel_loop3A_273] {strides = array<i32>} : memref<80x64xi32, #tpu.memory_space<vmem>>, vector<1x16xi32>,
          %parallel_loop3A_275 = vector.shape_cast %parallel_loop3A_274 : vector<1x16xi32> to vector<16xi32>
          %parallel_loop3A_276 = arith.index_cast %parallel_loop3A_145 : i32 to index
          %parallel_loop3A_277 = arith.constant 48 : index
          %parallel_loop3A_278 = tpu.vector_load %arg27[%parallel_loop3A_276, %parallel_loop3A_277] {strides = array<i32>} : memref<80x64xi32, #tpu.memory_space<vmem>>, vector<1x16xi32>,
          %parallel_loop3A_279 = vector.shape_cast %parallel_loop3A_278 : vector<1x16xi32> to vector<16xi32>
          %parallel_loop3A_280 = arith.constant 16 : i32
          %parallel_loop3A_281 = vector.broadcast %parallel_loop3A_280 : i32 to vector<16xi32>
          %parallel_loop3A_282 = arith.shli %parallel_loop3A_275, %parallel_loop3A_281 : vector<16xi32>
          %parallel_loop3A_283 = tpu.bitcast %parallel_loop3A_282 : vector<16xi32> -> vector<16xf32>
          %parallel_loop3A_284 = arith.constant 16 : i32
          %parallel_loop3A_285 = vector.broadcast %parallel_loop3A_284 : i32 to vector<16xi32>
          %parallel_loop3A_286 = arith.shli %parallel_loop3A_279, %parallel_loop3A_285 : vector<16xi32>
          %parallel_loop3A_287 = tpu.bitcast %parallel_loop3A_286 : vector<16xi32> -> vector<16xf32>
          %parallel_loop3A_288 = arith.andi %parallel_loop3A_275, %broadcast_in_dim3A_67 : vector<16xi32>
          %parallel_loop3A_289 = tpu.bitcast %parallel_loop3A_288 : vector<16xi32> -> vector<16xf32>
          %parallel_loop3A_290 = arith.andi %parallel_loop3A_279, %broadcast_in_dim3A_67 : vector<16xi32>
          %parallel_loop3A_291 = tpu.bitcast %parallel_loop3A_290 : vector<16xi32> -> vector<16xf32>
          %parallel_loop3A_292 = arith.addf %parallel_loop3A_283, %parallel_loop3A_287 : vector<16xf32>
          %parallel_loop3A_293 = arith.index_cast %parallel_loop3A_145 : i32 to index
          %parallel_loop3A_294 = arith.constant 48 : index
          %parallel_loop3A_295 = tpu.vector_load %arg29[%parallel_loop3A_293, %parallel_loop3A_294] {strides = array<i32>} : memref<80x128xf32, #tpu.memory_space<vmem>>, vector<1x16xf32>,
          %parallel_loop3A_296 = vector.shape_cast %parallel_loop3A_295 : vector<1x16xf32> to vector<16xf32>
          %parallel_loop3A_297 = arith.mulf %parallel_loop3A_292, %parallel_loop3A_296 : vector<16xf32>
          %parallel_loop3A_298 = arith.index_cast %parallel_loop3A_145 : i32 to index
          %parallel_loop3A_299 = arith.constant 48 : index
          %parallel_loop3A_300 = tpu.vector_load %arg29[%parallel_loop3A_298, %parallel_loop3A_299] {strides = array<i32>} : memref<80x128xf32, #tpu.memory_space<vmem>>, vector<1x16xf32>,
          %parallel_loop3A_301 = vector.shape_cast %parallel_loop3A_300 : vector<1x16xf32> to vector<16xf32>
          %parallel_loop3A_302 = vector.shape_cast %parallel_loop3A_297 : vector<16xf32> to vector<1x16xf32>
          tpu.vector_store %arg29[%parallel_loop3A_298, %parallel_loop3A_299], %parallel_loop3A_302 {strides = array<i32>} : memref<80x128xf32, #tpu.memory_space<vmem>>, vector<1x16xf32>,
          %parallel_loop3A_303 = arith.addf %parallel_loop3A_289, %parallel_loop3A_291 : vector<16xf32>
          %parallel_loop3A_304 = arith.index_cast %parallel_loop3A_145 : i32 to index
          %parallel_loop3A_305 = arith.constant 112 : index
          %parallel_loop3A_306 = tpu.vector_load %arg29[%parallel_loop3A_304, %parallel_loop3A_305] {strides = array<i32>} : memref<80x128xf32, #tpu.memory_space<vmem>>, vector<1x16xf32>,
          %parallel_loop3A_307 = vector.shape_cast %parallel_loop3A_306 : vector<1x16xf32> to vector<16xf32>
          %parallel_loop3A_308 = arith.mulf %parallel_loop3A_303, %parallel_loop3A_307 : vector<16xf32>
          %parallel_loop3A_309 = arith.index_cast %parallel_loop3A_145 : i32 to index
          %parallel_loop3A_310 = arith.constant 112 : index
          %parallel_loop3A_311 = tpu.vector_load %arg29[%parallel_loop3A_309, %parallel_loop3A_310] {strides = array<i32>} : memref<80x128xf32, #tpu.memory_space<vmem>>, vector<1x16xf32>,
          %parallel_loop3A_312 = vector.shape_cast %parallel_loop3A_311 : vector<1x16xf32> to vector<16xf32>
          %parallel_loop3A_313 = vector.shape_cast %parallel_loop3A_308 : vector<16xf32> to vector<1x16xf32>
          tpu.vector_store %arg29[%parallel_loop3A_309, %parallel_loop3A_310], %parallel_loop3A_313 {strides = array<i32>} : memref<80x128xf32, #tpu.memory_space<vmem>>, vector<1x16xf32>,
        } {sc.loop_unroll_factor = 4 : i64, sc.parallel_access}
        "tpu.region"() ({
          %run_scoped3A = tpu.sem_alloc : memref<!tpu.dma_semaphore, #tpu.memory_space<semaphore_mem>>
          %dma_start3A_145 = arith.constant 0 : i32
          %dma_start3A_146 = arith.constant 0 : i32
          %dma_start3A_147 = tpu.memref_slice %arg16[%dma_start3A_145, %dma_start3A_146] : memref<10000x128xf32, #tpu.memory_space<vmem_shared>> -> memref<10000x128xf32, #tpu.memory_space<vmem_shared>>
          tpu.enqueue_indirect_dma source(%arg29 : memref<80x128xf32, #tpu.memory_space<vmem>>) target(%dma_start3A_147 : memref<10000x128xf32, #tpu.memory_space<vmem_shared>>) offsets(%arg21 : memref<80xi32, #tpu.memory_space<vmem>>) semaphore(%run_scoped3A : memref<!tpu.dma_semaphore, #tpu.memory_space<semaphore_mem>>) {add = true}
          %dma_wait3A_148 = arith.constant 0 : i32
          %dma_wait3A_149 = arith.constant 0 : i32
          %dma_wait3A_150 = tpu.memref_slice %arg16[%dma_wait3A_148, %dma_wait3A_149] : memref<10000x128xf32, #tpu.memory_space<vmem_shared>> -> memref<10000x128xf32, #tpu.memory_space<vmem_shared>>
          tpu.wait_indirect_dma semaphore(%run_scoped3A : memref<!tpu.dma_semaphore, #tpu.memory_space<semaphore_mem>>) src(%arg29 : memref<80x128xf32, #tpu.memory_space<vmem>>) dst(%dma_wait3A_150 : memref<10000x128xf32, #tpu.memory_space<vmem_shared>>)
          tpu.yield
        }) : () -> ()
        %add3A_138 = arith.constant 2 : i32
        %add3A_139 = arith.addi %add3A_118, %add3A_138 : i32
        %lt3A_140 = arith.constant 250 : i32
        %lt3A_141 = arith.cmpi slt, %add3A_139, %lt3A_140 : i32
        %convert_element_type3A_142 = arith.extui %lt3A_141 : i1 to i32
        %cond3A_143 = arith.constant 0 : i32
        %cond3A_144 = arith.cmpi ne, %convert_element_type3A_142, %cond3A_143 : i32
        scf.if %cond3A_144 {
          %add3A_145 = arith.constant 2 : i32
          %add3A_146 = arith.addi %add3A_118, %add3A_145 : i32
          %mul3A_147 = arith.constant 80 : i32
          %mul3A_148 = arith.muli %add3A_146, %mul3A_147 : i32
          %add3A_149 = arith.addi %mul3A_29, %mul3A_148 : i32
          %multiple_of3A_150 = tpu.assume_multiple %add3A_149, 8 : i32
          %dma_start3A_151 = tpu.memref_slice %arg11[%multiple_of3A_150] : memref<320000xi32, #tpu.memory_space<hbm>> -> memref<80xi32, #tpu.memory_space<hbm>>
          %dma_start3A_152 = tpu.memref_slice %arg11[%multiple_of3A_150] : memref<320000xi32, #tpu.memory_space<hbm>> -> memref<80xi32, #tpu.memory_space<hbm>>
          tpu.enqueue_dma source(%dma_start3A_152 : memref<80xi32, #tpu.memory_space<hbm>>) target(%arg19 : memref<80xi32, #tpu.memory_space<vmem>>) target_semaphore(%arg31 : memref<!tpu.dma_semaphore, #tpu.memory_space<semaphore_mem>>)
          %dma_start3A_153 = tpu.memref_slice %arg12[%multiple_of3A_150] : memref<320000xi32, #tpu.memory_space<hbm>> -> memref<80xi32, #tpu.memory_space<hbm>>
          %dma_start3A_154 = tpu.memref_slice %arg12[%multiple_of3A_150] : memref<320000xi32, #tpu.memory_space<hbm>> -> memref<80xi32, #tpu.memory_space<hbm>>
          tpu.enqueue_dma source(%dma_start3A_154 : memref<80xi32, #tpu.memory_space<hbm>>) target(%arg21 : memref<80xi32, #tpu.memory_space<vmem>>) target_semaphore(%arg31 : memref<!tpu.dma_semaphore, #tpu.memory_space<semaphore_mem>>)
          %dma_start3A_155 = tpu.memref_slice %arg13[%multiple_of3A_150] : memref<320000xi32, #tpu.memory_space<hbm>> -> memref<80xi32, #tpu.memory_space<hbm>>
          %dma_start3A_156 = tpu.memref_slice %arg13[%multiple_of3A_150] : memref<320000xi32, #tpu.memory_space<hbm>> -> memref<80xi32, #tpu.memory_space<hbm>>
          tpu.enqueue_dma source(%dma_start3A_156 : memref<80xi32, #tpu.memory_space<hbm>>) target(%arg23 : memref<80xi32, #tpu.memory_space<vmem>>) target_semaphore(%arg31 : memref<!tpu.dma_semaphore, #tpu.memory_space<semaphore_mem>>)
        } else {
        }
      }
      %scan3A_73 = arith.constant 125 : i32
      %barrier3A_74 = arith.constant 0 : index
      tpu.barrier barrier_id(%barrier3A_74)
      %lt3A_75 = arith.constant 15 : i32
      %lt3A_76 = arith.cmpi slt, %arg1, %lt3A_75 : i32
      %convert_element_type3A_77 = arith.extui %lt3A_76 : i1 to i32
      %cond3A_78 = arith.constant 0 : i32
      %cond3A_79 = arith.cmpi ne, %convert_element_type3A_77, %cond3A_78 : i32
      scf.if %cond3A_79 {
        "tpu.region"() ({
          %run_scoped3A = tpu.sem_alloc : memref<!tpu.dma_semaphore, #tpu.memory_space<semaphore_mem>>
          %dma_start3A_85 = arith.constant 0 : i32
          %dma_start3A_86 = tpu.memref_slice %arg15[%multiple_of3A, %dma_start3A_85] : memref<10000x128xf32, #tpu.memory_space<hbm>> -> memref<624x128xf32, #tpu.memory_space<hbm>>
          %dma_start3A_87 = arith.constant 0 : i32
          %dma_start3A_88 = tpu.memref_slice %arg16[%multiple_of3A, %dma_start3A_87] : memref<10000x128xf32, #tpu.memory_space<vmem_shared>> -> memref<624x128xf32, #tpu.memory_space<vmem_shared>>
          tpu.enqueue_dma source(%dma_start3A_88 : memref<624x128xf32, #tpu.memory_space<vmem_shared>>) target(%dma_start3A_86 : memref<624x128xf32, #tpu.memory_space<hbm>>) target_semaphore(%run_scoped3A : memref<!tpu.dma_semaphore, #tpu.memory_space<semaphore_mem>>)
          %dma_wait3A_89 = arith.constant 0 : i32
          %dma_wait3A_90 = tpu.memref_slice %arg15[%multiple_of3A, %dma_wait3A_89] : memref<10000x128xf32, #tpu.memory_space<hbm>> -> memref<624x128xf32, #tpu.memory_space<hbm>>
          %dma_wait3A_91 = arith.constant 0 : i32
          %dma_wait3A_92 = tpu.memref_slice %arg16[%multiple_of3A, %dma_wait3A_91] : memref<10000x128xf32, #tpu.memory_space<vmem_shared>> -> memref<624x128xf32, #tpu.memory_space<vmem_shared>>
          tpu.wait_dma2 semaphore(%run_scoped3A : memref<!tpu.dma_semaphore, #tpu.memory_space<semaphore_mem>>) src(%dma_wait3A_92 : memref<624x128xf32, #tpu.memory_space<vmem_shared>>) dst(%dma_wait3A_90 : memref<624x128xf32, #tpu.memory_space<hbm>>)
          tpu.yield
        }) : () -> ()
      } else {
      }
      %eq3A_80 = arith.constant 15 : i32
      %eq3A_81 = arith.cmpi eq, %arg1, %eq3A_80 : i32
      %convert_element_type3A_82 = arith.extui %eq3A_81 : i1 to i32
      %cond3A_83 = arith.constant 0 : i32
      %cond3A_84 = arith.cmpi ne, %convert_element_type3A_82, %cond3A_83 : i32
      scf.if %cond3A_84 {
        "tpu.region"() ({
          %run_scoped3A = tpu.sem_alloc : memref<!tpu.dma_semaphore, #tpu.memory_space<semaphore_mem>>
          %dma_start3A_85 = arith.constant 9360 : i32
          %dma_start3A_86 = arith.constant 0 : i32
          %dma_start3A_87 = tpu.memref_slice %arg15[%dma_start3A_85, %dma_start3A_86] : memref<10000x128xf32, #tpu.memory_space<hbm>> -> memref<640x128xf32, #tpu.memory_space<hbm>>
          %dma_start3A_88 = arith.constant 9360 : i32
          %dma_start3A_89 = arith.constant 0 : i32
          %dma_start3A_90 = tpu.memref_slice %arg16[%dma_start3A_88, %dma_start3A_89] : memref<10000x128xf32, #tpu.memory_space<vmem_shared>> -> memref<640x128xf32, #tpu.memory_space<vmem_shared>>
          tpu.enqueue_dma source(%dma_start3A_90 : memref<640x128xf32, #tpu.memory_space<vmem_shared>>) target(%dma_start3A_87 : memref<640x128xf32, #tpu.memory_space<hbm>>) target_semaphore(%run_scoped3A : memref<!tpu.dma_semaphore, #tpu.memory_space<semaphore_mem>>)
          %dma_wait3A_91 = arith.constant 9360 : i32
          %dma_wait3A_92 = arith.constant 0 : i32
          %dma_wait3A_93 = tpu.memref_slice %arg15[%dma_wait3A_91, %dma_wait3A_92] : memref<10000x128xf32, #tpu.memory_space<hbm>> -> memref<640x128xf32, #tpu.memory_space<hbm>>
          %dma_wait3A_94 = arith.constant 9360 : i32
          %dma_wait3A_95 = arith.constant 0 : i32
          %dma_wait3A_96 = tpu.memref_slice %arg16[%dma_wait3A_94, %dma_wait3A_95] : memref<10000x128xf32, #tpu.memory_space<vmem_shared>> -> memref<640x128xf32, #tpu.memory_space<vmem_shared>>
          tpu.wait_dma2 semaphore(%run_scoped3A : memref<!tpu.dma_semaphore, #tpu.memory_space<semaphore_mem>>) src(%dma_wait3A_96 : memref<640x128xf32, #tpu.memory_space<vmem_shared>>) dst(%dma_wait3A_93 : memref<640x128xf32, #tpu.memory_space<hbm>>)
          tpu.yield
        }) : () -> ()
      } else {
      }
    } else {
    }
    return
  }
}

module attributes {stable_mosaic.version = 14 : i64} {
  func.func @_proj_body(%arg0: i32, %arg1: memref<400x128xf32, #tpu.memory_space<vmem>>, %arg2: memref<400x128xf32, #tpu.memory_space<vmem>>, %arg3: memref<128x128xf32, #tpu.memory_space<vmem>>, %arg4: memref<128x128xf32, #tpu.memory_space<vmem>>, %arg5: memref<128x128xf32, #tpu.memory_space<vmem>>, %arg6: memref<128x128xf32, #tpu.memory_space<vmem>>, %arg7: memref<1x128xf32, #tpu.memory_space<vmem>>, %arg8: memref<1x128xf32, #tpu.memory_space<vmem>>, %arg9: memref<1x128xf32, #tpu.memory_space<vmem>>, %arg10: memref<1x128xf32, #tpu.memory_space<vmem>>, %arg11: memref<64x128xf32, #tpu.memory_space<vmem>>, %arg12: memref<1x128xf32, #tpu.memory_space<vmem>>, %arg13: memref<64x128xf32, #tpu.memory_space<vmem>>, %arg14: memref<1x128xf32, #tpu.memory_space<vmem>>, %arg15: memref<16x32xf32, #tpu.memory_space<vmem>>, %arg16: memref<8x32xf32, #tpu.memory_space<vmem>>, %arg17: memref<400x64xi32, #tpu.memory_space<vmem>>, %arg18: memref<400x64xi32, #tpu.memory_space<vmem>>, %arg19: memref<400x64xi32, #tpu.memory_space<vmem>>, %arg20: memref<400x64xi32, #tpu.memory_space<vmem>>, %arg21: memref<64x128xf32, #tpu.memory_space<vmem>>, %arg22: memref<64x128xf32, #tpu.memory_space<vmem>>) attributes {dimension_semantics = [#tpu.dimension_semantics<arbitrary>], iteration_bounds = array<i64: 25>, scalar_prefetch = 0 : i64, scratch_operands = 0 : i64, tpu.core_type = #tpu.core_type<tc>, window_params = [{transform_indices = @transform_0, window_bounds = array<i64: 400, 128>}, {transform_indices = @transform_1, window_bounds = array<i64: 400, 128>}, {pipeline_mode = #tpu.pipeline_mode<synchronous>, transform_indices = @transform_2, window_bounds = array<i64: 128, 128>}, {pipeline_mode = #tpu.pipeline_mode<synchronous>, transform_indices = @transform_3, window_bounds = array<i64: 128, 128>}, {pipeline_mode = #tpu.pipeline_mode<synchronous>, transform_indices = @transform_4, window_bounds = array<i64: 128, 128>}, {pipeline_mode = #tpu.pipeline_mode<synchronous>, transform_indices = @transform_5, window_bounds = array<i64: 128, 128>}, {pipeline_mode = #tpu.pipeline_mode<synchronous>, transform_indices = @transform_6, window_bounds = array<i64: 1, 128>}, {pipeline_mode = #tpu.pipeline_mode<synchronous>, transform_indices = @transform_7, window_bounds = array<i64: 1, 128>}, {pipeline_mode = #tpu.pipeline_mode<synchronous>, transform_indices = @transform_8, window_bounds = array<i64: 1, 128>}, {pipeline_mode = #tpu.pipeline_mode<synchronous>, transform_indices = @transform_9, window_bounds = array<i64: 1, 128>}, {pipeline_mode = #tpu.pipeline_mode<synchronous>, transform_indices = @transform_10, window_bounds = array<i64: 64, 128>}, {pipeline_mode = #tpu.pipeline_mode<synchronous>, transform_indices = @transform_11, window_bounds = array<i64: 1, 128>}, {pipeline_mode = #tpu.pipeline_mode<synchronous>, transform_indices = @transform_12, window_bounds = array<i64: 64, 128>}, {pipeline_mode = #tpu.pipeline_mode<synchronous>, transform_indices = @transform_13, window_bounds = array<i64: 1, 128>}, {pipeline_mode = #tpu.pipeline_mode<synchronous>, transform_indices = @transform_14, window_bounds = array<i64: 16, 32>}, {pipeline_mode = #tpu.pipeline_mode<synchronous>, transform_indices = @transform_15, window_bounds = array<i64: 8, 32>}, {transform_indices = @transform_16, window_bounds = array<i64: 400, 64>}, {transform_indices = @transform_17, window_bounds = array<i64: 400, 64>}, {transform_indices = @transform_18, window_bounds = array<i64: 400, 64>}, {transform_indices = @transform_19, window_bounds = array<i64: 400, 64>}, {pipeline_mode = #tpu.pipeline_mode<synchronous>, transform_indices = @transform_20, window_bounds = array<i64: 64, 128>}, {pipeline_mode = #tpu.pipeline_mode<synchronous>, transform_indices = @transform_21, window_bounds = array<i64: 64, 128>}]} {
    %get3A = arith.constant 0 : index
    %get3A_0 = arith.constant 0 : index
    %get3A_1 = vector.load %arg1[%get3A, %get3A_0] : memref<400x128xf32, #tpu.memory_space<vmem>>, vector<400x128xf32>
    %get3A_2 = arith.constant 0 : index
    %get3A_3 = arith.constant 0 : index
    %get3A_4 = vector.load %arg2[%get3A_2, %get3A_3] : memref<400x128xf32, #tpu.memory_space<vmem>>, vector<400x128xf32>
    %get3A_5 = arith.constant 0 : index
    %get3A_6 = arith.constant 0 : index
    %get3A_7 = vector.load %arg3[%get3A_5, %get3A_6] : memref<128x128xf32, #tpu.memory_space<vmem>>, vector<128x128xf32>
    %dot_general3A = arith.constant dense<0.000000e+00> : vector<400x128xf32>
    %dot_general3A_8 = tpu.matmul %get3A_1, %get3A_7, %dot_general3A {dimension_numbers = #tpu.dot_dimension_numbers<[1], [0], [0], [1], [0, 0, 1, 1], [], []>, transpose_lhs_hint = false} : vector<400x128xf32>, vector<128x128xf32>, vector<400x128xf32> -> vector<400x128xf32>
    %get3A_9 = arith.constant 0 : index
    %get3A_10 = arith.constant 0 : index
    %get3A_11 = vector.load %arg7[%get3A_9, %get3A_10] : memref<1x128xf32, #tpu.memory_space<vmem>>, vector<1x128xf32>
    %add3A = vector.broadcast %get3A_11 : vector<1x128xf32> to vector<400x128xf32>
    %add3A_12 = arith.addf %dot_general3A_8, %add3A : vector<400x128xf32>
    %convert_element_type3A = arith.truncf %add3A_12 : vector<400x128xf32> to vector<400x128xbf16>
    %bitcast_convert_type3A = tpu.bitcast %convert_element_type3A : vector<400x128xbf16> -> vector<400x128xi16>
    %slice3A = vector.extract_strided_slice %bitcast_convert_type3A {offsets = [0, 0], sizes = [400, 64], strides = [1, 1]} : vector<400x128xi16> to vector<400x64xi16>
    %convert_element_type3A_13 = arith.extui %slice3A : vector<400x64xi16> to vector<400x64xi32>
    %slice3A_14 = vector.extract_strided_slice %bitcast_convert_type3A {offsets = [0, 64], sizes = [400, 64], strides = [1, 1]} : vector<400x128xi16> to vector<400x64xi16>
    %convert_element_type3A_15 = arith.extui %slice3A_14 : vector<400x64xi16> to vector<400x64xi32>
    %shift_left3A = arith.constant 16 : i32
    %shift_left3A_16 = vector.broadcast %shift_left3A : i32 to vector<400x64xi32>
    %shift_left3A_17 = arith.shli %convert_element_type3A_15, %shift_left3A_16 : vector<400x64xi32>
    %or3A = arith.ori %convert_element_type3A_13, %shift_left3A_17 : vector<400x64xi32>
    %bitcast_convert_type3A_18 = tpu.bitcast %or3A : vector<400x64xi32> -> vector<400x64xi32>
    %swap3A = arith.constant 0 : index
    %swap3A_19 = arith.constant 0 : index
    %swap3A_20 = vector.load %arg17[%swap3A, %swap3A_19] : memref<400x64xi32, #tpu.memory_space<vmem>>, vector<400x64xi32>
    tpu.vector_store %arg17[%swap3A, %swap3A_19], %bitcast_convert_type3A_18 {strides = array<i32>} : memref<400x64xi32, #tpu.memory_space<vmem>>, vector<400x64xi32>,
    %get3A_21 = arith.constant 0 : index
    %get3A_22 = arith.constant 0 : index
    %get3A_23 = vector.load %arg4[%get3A_21, %get3A_22] : memref<128x128xf32, #tpu.memory_space<vmem>>, vector<128x128xf32>
    %dot_general3A_24 = arith.constant dense<0.000000e+00> : vector<400x128xf32>
    %dot_general3A_25 = tpu.matmul %get3A_4, %get3A_23, %dot_general3A_24 {dimension_numbers = #tpu.dot_dimension_numbers<[1], [0], [0], [1], [0, 0, 1, 1], [], []>, transpose_lhs_hint = false} : vector<400x128xf32>, vector<128x128xf32>, vector<400x128xf32> -> vector<400x128xf32>
    %get3A_26 = arith.constant 0 : index
    %get3A_27 = arith.constant 0 : index
    %get3A_28 = vector.load %arg8[%get3A_26, %get3A_27] : memref<1x128xf32, #tpu.memory_space<vmem>>, vector<1x128xf32>
    %add3A_29 = vector.broadcast %get3A_28 : vector<1x128xf32> to vector<400x128xf32>
    %add3A_30 = arith.addf %dot_general3A_25, %add3A_29 : vector<400x128xf32>
    %convert_element_type3A_31 = arith.truncf %add3A_30 : vector<400x128xf32> to vector<400x128xbf16>
    %bitcast_convert_type3A_32 = tpu.bitcast %convert_element_type3A_31 : vector<400x128xbf16> -> vector<400x128xi16>
    %slice3A_33 = vector.extract_strided_slice %bitcast_convert_type3A_32 {offsets = [0, 0], sizes = [400, 64], strides = [1, 1]} : vector<400x128xi16> to vector<400x64xi16>
    %convert_element_type3A_34 = arith.extui %slice3A_33 : vector<400x64xi16> to vector<400x64xi32>
    %slice3A_35 = vector.extract_strided_slice %bitcast_convert_type3A_32 {offsets = [0, 64], sizes = [400, 64], strides = [1, 1]} : vector<400x128xi16> to vector<400x64xi16>
    %convert_element_type3A_36 = arith.extui %slice3A_35 : vector<400x64xi16> to vector<400x64xi32>
    %shift_left3A_37 = arith.constant 16 : i32
    %shift_left3A_38 = vector.broadcast %shift_left3A_37 : i32 to vector<400x64xi32>
    %shift_left3A_39 = arith.shli %convert_element_type3A_36, %shift_left3A_38 : vector<400x64xi32>
    %or3A_40 = arith.ori %convert_element_type3A_34, %shift_left3A_39 : vector<400x64xi32>
    %bitcast_convert_type3A_41 = tpu.bitcast %or3A_40 : vector<400x64xi32> -> vector<400x64xi32>
    %swap3A_42 = arith.constant 0 : index
    %swap3A_43 = arith.constant 0 : index
    %swap3A_44 = vector.load %arg18[%swap3A_42, %swap3A_43] : memref<400x64xi32, #tpu.memory_space<vmem>>, vector<400x64xi32>
    tpu.vector_store %arg18[%swap3A_42, %swap3A_43], %bitcast_convert_type3A_41 {strides = array<i32>} : memref<400x64xi32, #tpu.memory_space<vmem>>, vector<400x64xi32>,
    %get3A_45 = arith.constant 0 : index
    %get3A_46 = arith.constant 0 : index
    %get3A_47 = vector.load %arg5[%get3A_45, %get3A_46] : memref<128x128xf32, #tpu.memory_space<vmem>>, vector<128x128xf32>
    %dot_general3A_48 = arith.constant dense<0.000000e+00> : vector<400x128xf32>
    %dot_general3A_49 = tpu.matmul %get3A_4, %get3A_47, %dot_general3A_48 {dimension_numbers = #tpu.dot_dimension_numbers<[1], [0], [0], [1], [0, 0, 1, 1], [], []>, transpose_lhs_hint = false} : vector<400x128xf32>, vector<128x128xf32>, vector<400x128xf32> -> vector<400x128xf32>
    %get3A_50 = arith.constant 0 : index
    %get3A_51 = arith.constant 0 : index
    %get3A_52 = vector.load %arg9[%get3A_50, %get3A_51] : memref<1x128xf32, #tpu.memory_space<vmem>>, vector<1x128xf32>
    %add3A_53 = vector.broadcast %get3A_52 : vector<1x128xf32> to vector<400x128xf32>
    %add3A_54 = arith.addf %dot_general3A_49, %add3A_53 : vector<400x128xf32>
    %convert_element_type3A_55 = arith.truncf %add3A_54 : vector<400x128xf32> to vector<400x128xbf16>
    %bitcast_convert_type3A_56 = tpu.bitcast %convert_element_type3A_55 : vector<400x128xbf16> -> vector<400x128xi16>
    %slice3A_57 = vector.extract_strided_slice %bitcast_convert_type3A_56 {offsets = [0, 0], sizes = [400, 64], strides = [1, 1]} : vector<400x128xi16> to vector<400x64xi16>
    %convert_element_type3A_58 = arith.extui %slice3A_57 : vector<400x64xi16> to vector<400x64xi32>
    %slice3A_59 = vector.extract_strided_slice %bitcast_convert_type3A_56 {offsets = [0, 64], sizes = [400, 64], strides = [1, 1]} : vector<400x128xi16> to vector<400x64xi16>
    %convert_element_type3A_60 = arith.extui %slice3A_59 : vector<400x64xi16> to vector<400x64xi32>
    %shift_left3A_61 = arith.constant 16 : i32
    %shift_left3A_62 = vector.broadcast %shift_left3A_61 : i32 to vector<400x64xi32>
    %shift_left3A_63 = arith.shli %convert_element_type3A_60, %shift_left3A_62 : vector<400x64xi32>
    %or3A_64 = arith.ori %convert_element_type3A_58, %shift_left3A_63 : vector<400x64xi32>
    %bitcast_convert_type3A_65 = tpu.bitcast %or3A_64 : vector<400x64xi32> -> vector<400x64xi32>
    %swap3A_66 = arith.constant 0 : index
    %swap3A_67 = arith.constant 0 : index
    %swap3A_68 = vector.load %arg19[%swap3A_66, %swap3A_67] : memref<400x64xi32, #tpu.memory_space<vmem>>, vector<400x64xi32>
    tpu.vector_store %arg19[%swap3A_66, %swap3A_67], %bitcast_convert_type3A_65 {strides = array<i32>} : memref<400x64xi32, #tpu.memory_space<vmem>>, vector<400x64xi32>,
    %get3A_69 = arith.constant 0 : index
    %get3A_70 = arith.constant 0 : index
    %get3A_71 = vector.load %arg6[%get3A_69, %get3A_70] : memref<128x128xf32, #tpu.memory_space<vmem>>, vector<128x128xf32>
    %dot_general3A_72 = arith.constant dense<0.000000e+00> : vector<400x128xf32>
    %dot_general3A_73 = tpu.matmul %get3A_1, %get3A_71, %dot_general3A_72 {dimension_numbers = #tpu.dot_dimension_numbers<[1], [0], [0], [1], [0, 0, 1, 1], [], []>, transpose_lhs_hint = false} : vector<400x128xf32>, vector<128x128xf32>, vector<400x128xf32> -> vector<400x128xf32>
    %get3A_74 = arith.constant 0 : index
    %get3A_75 = arith.constant 0 : index
    %get3A_76 = vector.load %arg10[%get3A_74, %get3A_75] : memref<1x128xf32, #tpu.memory_space<vmem>>, vector<1x128xf32>
    %add3A_77 = vector.broadcast %get3A_76 : vector<1x128xf32> to vector<400x128xf32>
    %add3A_78 = arith.addf %dot_general3A_73, %add3A_77 : vector<400x128xf32>
    %convert_element_type3A_79 = arith.truncf %add3A_78 : vector<400x128xf32> to vector<400x128xbf16>
    %bitcast_convert_type3A_80 = tpu.bitcast %convert_element_type3A_79 : vector<400x128xbf16> -> vector<400x128xi16>
    %slice3A_81 = vector.extract_strided_slice %bitcast_convert_type3A_80 {offsets = [0, 0], sizes = [400, 64], strides = [1, 1]} : vector<400x128xi16> to vector<400x64xi16>
    %convert_element_type3A_82 = arith.extui %slice3A_81 : vector<400x64xi16> to vector<400x64xi32>
    %slice3A_83 = vector.extract_strided_slice %bitcast_convert_type3A_80 {offsets = [0, 64], sizes = [400, 64], strides = [1, 1]} : vector<400x128xi16> to vector<400x64xi16>
    %convert_element_type3A_84 = arith.extui %slice3A_83 : vector<400x64xi16> to vector<400x64xi32>
    %shift_left3A_85 = arith.constant 16 : i32
    %shift_left3A_86 = vector.broadcast %shift_left3A_85 : i32 to vector<400x64xi32>
    %shift_left3A_87 = arith.shli %convert_element_type3A_84, %shift_left3A_86 : vector<400x64xi32>
    %or3A_88 = arith.ori %convert_element_type3A_82, %shift_left3A_87 : vector<400x64xi32>
    %bitcast_convert_type3A_89 = tpu.bitcast %or3A_88 : vector<400x64xi32> -> vector<400x64xi32>
    %swap3A_90 = arith.constant 0 : index
    %swap3A_91 = arith.constant 0 : index
    %swap3A_92 = vector.load %arg20[%swap3A_90, %swap3A_91] : memref<400x64xi32, #tpu.memory_space<vmem>>, vector<400x64xi32>
    tpu.vector_store %arg20[%swap3A_90, %swap3A_91], %bitcast_convert_type3A_89 {strides = array<i32>} : memref<400x64xi32, #tpu.memory_space<vmem>>, vector<400x64xi32>,
    %get3A_93 = arith.constant 0 : index
    %get3A_94 = arith.constant 0 : index
    %get3A_95 = vector.load %arg15[%get3A_93, %get3A_94] : memref<16x32xf32, #tpu.memory_space<vmem>>, vector<16x32xf32>
    %get3A_96 = arith.constant 0 : index
    %get3A_97 = arith.constant 0 : index
    %get3A_98 = vector.load %arg11[%get3A_96, %get3A_97] : memref<64x128xf32, #tpu.memory_space<vmem>>, vector<32x128xf32>
    %dot_general3A_99 = arith.constant dense<0.000000e+00> : vector<16x128xf32>
    %dot_general3A_100 = tpu.matmul %get3A_95, %get3A_98, %dot_general3A_99 {dimension_numbers = #tpu.dot_dimension_numbers<[1], [0], [0], [1], [0, 0, 1, 1], [], []>, transpose_lhs_hint = false} : vector<16x32xf32>, vector<32x128xf32>, vector<16x128xf32> -> vector<16x128xf32>
    %slice3A_101 = vector.extract_strided_slice %dot_general3A_100 {offsets = [0, 0], sizes = [10, 128], strides = [1, 1]} : vector<16x128xf32> to vector<10x128xf32>
    %get3A_102 = arith.constant 0 : index
    %get3A_103 = arith.constant 0 : index
    %get3A_104 = vector.load %arg16[%get3A_102, %get3A_103] : memref<8x32xf32, #tpu.memory_space<vmem>>, vector<8x32xf32>
    %get3A_105 = arith.constant 32 : index
    %get3A_106 = arith.constant 0 : index
    %get3A_107 = vector.load %arg11[%get3A_105, %get3A_106] : memref<64x128xf32, #tpu.memory_space<vmem>>, vector<32x128xf32>
    %dot_general3A_108 = arith.constant dense<0.000000e+00> : vector<8x128xf32>
    %dot_general3A_109 = tpu.matmul %get3A_104, %get3A_107, %dot_general3A_108 {dimension_numbers = #tpu.dot_dimension_numbers<[1], [0], [0], [1], [0, 0, 1, 1], [], []>, transpose_lhs_hint = false} : vector<8x32xf32>, vector<32x128xf32>, vector<8x128xf32> -> vector<8x128xf32>
    %slice3A_110 = vector.extract_strided_slice %dot_general3A_109 {offsets = [0, 0], sizes = [5, 128], strides = [1, 1]} : vector<8x128xf32> to vector<5x128xf32>
    %broadcast_in_dim3A = vector.shape_cast %slice3A_101 : vector<10x128xf32> to vector<10x1x128xf32>
    %broadcast_in_dim3A_111 = vector.shape_cast %slice3A_110 : vector<5x128xf32> to vector<1x5x128xf32>
    %add3A_112 = vector.broadcast %broadcast_in_dim3A : vector<10x1x128xf32> to vector<10x5x128xf32>
    %add3A_113 = vector.broadcast %broadcast_in_dim3A_111 : vector<1x5x128xf32> to vector<10x5x128xf32>
    %add3A_114 = arith.addf %add3A_112, %add3A_113 : vector<10x5x128xf32>
    %get3A_115 = arith.constant 0 : index
    %get3A_116 = arith.constant 0 : index
    %get3A_117 = vector.load %arg12[%get3A_115, %get3A_116] : memref<1x128xf32, #tpu.memory_space<vmem>>, vector<1x128xf32>
    %broadcast_in_dim3A_118 = vector.shape_cast %get3A_117 : vector<1x128xf32> to vector<1x1x128xf32>
    %add3A_119 = vector.broadcast %broadcast_in_dim3A_118 : vector<1x1x128xf32> to vector<10x5x128xf32>
    %add3A_120 = arith.addf %add3A_114, %add3A_119 : vector<10x5x128xf32>
    %reshape3A = vector.shape_cast %add3A_120 : vector<10x5x128xf32> to vector<50x128xf32>
    %logistic3A = arith.negf %reshape3A : vector<50x128xf32>
    %logistic3A_121 = math.exp %logistic3A : vector<50x128xf32>
    %logistic3A_122 = arith.constant 1.000000e+00 : f32
    %logistic3A_123 = vector.broadcast %logistic3A_122 : f32 to vector<50x128xf32>
    %logistic3A_124 = arith.addf %logistic3A_123, %logistic3A_121 : vector<50x128xf32>
    %logistic3A_125 = arith.divf %logistic3A_123, %logistic3A_124 : vector<50x128xf32>
    %mul3A = arith.constant 2.500000e-01 : f32
    %mul3A_126 = vector.broadcast %mul3A : f32 to vector<50x128xf32>
    %mul3A_127 = arith.mulf %logistic3A_125, %mul3A_126 : vector<50x128xf32>
    %broadcast_in_dim3A_128 = arith.constant 0.000000e+00 : f32
    %broadcast_in_dim3A_129 = vector.broadcast %broadcast_in_dim3A_128 : f32 to vector<14x128xf32>
    %concatenate3A = tpu.concatenate %mul3A_127, %broadcast_in_dim3A_129 in 0 : vector<50x128xf32>, vector<14x128xf32> -> vector<64x128xf32>
    %swap3A_130 = arith.constant 0 : index
    %swap3A_131 = arith.constant 0 : index
    %swap3A_132 = vector.load %arg21[%swap3A_130, %swap3A_131] : memref<64x128xf32, #tpu.memory_space<vmem>>, vector<64x128xf32>
    tpu.vector_store %arg21[%swap3A_130, %swap3A_131], %concatenate3A {strides = array<i32>} : memref<64x128xf32, #tpu.memory_space<vmem>>, vector<64x128xf32>,
    %get3A_133 = arith.constant 0 : index
    %get3A_134 = arith.constant 0 : index
    %get3A_135 = vector.load %arg15[%get3A_133, %get3A_134] : memref<16x32xf32, #tpu.memory_space<vmem>>, vector<16x32xf32>
    %get3A_136 = arith.constant 0 : index
    %get3A_137 = arith.constant 0 : index
    %get3A_138 = vector.load %arg13[%get3A_136, %get3A_137] : memref<64x128xf32, #tpu.memory_space<vmem>>, vector<32x128xf32>
    %dot_general3A_139 = arith.constant dense<0.000000e+00> : vector<16x128xf32>
    %dot_general3A_140 = tpu.matmul %get3A_135, %get3A_138, %dot_general3A_139 {dimension_numbers = #tpu.dot_dimension_numbers<[1], [0], [0], [1], [0, 0, 1, 1], [], []>, transpose_lhs_hint = false} : vector<16x32xf32>, vector<32x128xf32>, vector<16x128xf32> -> vector<16x128xf32>
    %slice3A_141 = vector.extract_strided_slice %dot_general3A_140 {offsets = [0, 0], sizes = [10, 128], strides = [1, 1]} : vector<16x128xf32> to vector<10x128xf32>
    %get3A_142 = arith.constant 0 : index
    %get3A_143 = arith.constant 0 : index
    %get3A_144 = vector.load %arg16[%get3A_142, %get3A_143] : memref<8x32xf32, #tpu.memory_space<vmem>>, vector<8x32xf32>
    %get3A_145 = arith.constant 32 : index
    %get3A_146 = arith.constant 0 : index
    %get3A_147 = vector.load %arg13[%get3A_145, %get3A_146] : memref<64x128xf32, #tpu.memory_space<vmem>>, vector<32x128xf32>
    %dot_general3A_148 = arith.constant dense<0.000000e+00> : vector<8x128xf32>
    %dot_general3A_149 = tpu.matmul %get3A_144, %get3A_147, %dot_general3A_148 {dimension_numbers = #tpu.dot_dimension_numbers<[1], [0], [0], [1], [0, 0, 1, 1], [], []>, transpose_lhs_hint = false} : vector<8x32xf32>, vector<32x128xf32>, vector<8x128xf32> -> vector<8x128xf32>
    %slice3A_150 = vector.extract_strided_slice %dot_general3A_149 {offsets = [0, 0], sizes = [5, 128], strides = [1, 1]} : vector<8x128xf32> to vector<5x128xf32>
    %broadcast_in_dim3A_151 = vector.shape_cast %slice3A_141 : vector<10x128xf32> to vector<10x1x128xf32>
    %broadcast_in_dim3A_152 = vector.shape_cast %slice3A_150 : vector<5x128xf32> to vector<1x5x128xf32>
    %add3A_153 = vector.broadcast %broadcast_in_dim3A_151 : vector<10x1x128xf32> to vector<10x5x128xf32>
    %add3A_154 = vector.broadcast %broadcast_in_dim3A_152 : vector<1x5x128xf32> to vector<10x5x128xf32>
    %add3A_155 = arith.addf %add3A_153, %add3A_154 : vector<10x5x128xf32>
    %get3A_156 = arith.constant 0 : index
    %get3A_157 = arith.constant 0 : index
    %get3A_158 = vector.load %arg14[%get3A_156, %get3A_157] : memref<1x128xf32, #tpu.memory_space<vmem>>, vector<1x128xf32>
    %broadcast_in_dim3A_159 = vector.shape_cast %get3A_158 : vector<1x128xf32> to vector<1x1x128xf32>
    %add3A_160 = vector.broadcast %broadcast_in_dim3A_159 : vector<1x1x128xf32> to vector<10x5x128xf32>
    %add3A_161 = arith.addf %add3A_155, %add3A_160 : vector<10x5x128xf32>
    %reshape3A_162 = vector.shape_cast %add3A_161 : vector<10x5x128xf32> to vector<50x128xf32>
    %logistic3A_163 = arith.negf %reshape3A_162 : vector<50x128xf32>
    %logistic3A_164 = math.exp %logistic3A_163 : vector<50x128xf32>
    %logistic3A_165 = arith.constant 1.000000e+00 : f32
    %logistic3A_166 = vector.broadcast %logistic3A_165 : f32 to vector<50x128xf32>
    %logistic3A_167 = arith.addf %logistic3A_166, %logistic3A_164 : vector<50x128xf32>
    %logistic3A_168 = arith.divf %logistic3A_166, %logistic3A_167 : vector<50x128xf32>
    %mul3A_169 = arith.constant 2.500000e-01 : f32
    %mul3A_170 = vector.broadcast %mul3A_169 : f32 to vector<50x128xf32>
    %mul3A_171 = arith.mulf %logistic3A_168, %mul3A_170 : vector<50x128xf32>
    %broadcast_in_dim3A_172 = arith.constant 0.000000e+00 : f32
    %broadcast_in_dim3A_173 = vector.broadcast %broadcast_in_dim3A_172 : f32 to vector<14x128xf32>
    %concatenate3A_174 = tpu.concatenate %mul3A_171, %broadcast_in_dim3A_173 in 0 : vector<50x128xf32>, vector<14x128xf32> -> vector<64x128xf32>
    %swap3A_175 = arith.constant 0 : index
    %swap3A_176 = arith.constant 0 : index
    %swap3A_177 = vector.load %arg22[%swap3A_175, %swap3A_176] : memref<64x128xf32, #tpu.memory_space<vmem>>, vector<64x128xf32>
    tpu.vector_store %arg22[%swap3A_175, %swap3A_176], %concatenate3A_174 {strides = array<i32>} : memref<64x128xf32, #tpu.memory_space<vmem>>, vector<64x128xf32>,
    return
  }
  func.func @transform_0(%arg0: i32) -> (i32, i32) {
    %c0_i32 = arith.constant 0 : i32
    %c0_i32_0 = arith.constant 0 : i32
    return %arg0, %c0_i32 : i32, i32
  }
  func.func @transform_1(%arg0: i32) -> (i32, i32) {
    %c0_i32 = arith.constant 0 : i32
    %c0_i32_0 = arith.constant 0 : i32
    return %arg0, %c0_i32 : i32, i32
  }
  func.func @transform_2(%arg0: i32) -> (i32, i32) {
    %c0_i32 = arith.constant 0 : i32
    %c0_i32_0 = arith.constant 0 : i32
    %c0_i32_1 = arith.constant 0 : i32
    return %c0_i32, %c0_i32_0 : i32, i32
  }
  func.func @transform_3(%arg0: i32) -> (i32, i32) {
    %c0_i32 = arith.constant 0 : i32
    %c0_i32_0 = arith.constant 0 : i32
    %c0_i32_1 = arith.constant 0 : i32
    return %c0_i32, %c0_i32_0 : i32, i32
  }
  func.func @transform_4(%arg0: i32) -> (i32, i32) {
    %c0_i32 = arith.constant 0 : i32
    %c0_i32_0 = arith.constant 0 : i32
    %c0_i32_1 = arith.constant 0 : i32
    return %c0_i32, %c0_i32_0 : i32, i32
  }
  func.func @transform_5(%arg0: i32) -> (i32, i32) {
    %c0_i32 = arith.constant 0 : i32
    %c0_i32_0 = arith.constant 0 : i32
    %c0_i32_1 = arith.constant 0 : i32
    return %c0_i32, %c0_i32_0 : i32, i32
  }
  func.func @transform_6(%arg0: i32) -> (i32, i32) {
    %c0_i32 = arith.constant 0 : i32
    %c0_i32_0 = arith.constant 0 : i32
    %c0_i32_1 = arith.constant 0 : i32
    return %c0_i32, %c0_i32_0 : i32, i32
  }
  func.func @transform_7(%arg0: i32) -> (i32, i32) {
    %c0_i32 = arith.constant 0 : i32
    %c0_i32_0 = arith.constant 0 : i32
    %c0_i32_1 = arith.constant 0 : i32
    return %c0_i32, %c0_i32_0 : i32, i32
  }
  func.func @transform_8(%arg0: i32) -> (i32, i32) {
    %c0_i32 = arith.constant 0 : i32
    %c0_i32_0 = arith.constant 0 : i32
    %c0_i32_1 = arith.constant 0 : i32
    return %c0_i32, %c0_i32_0 : i32, i32
  }
  func.func @transform_9(%arg0: i32) -> (i32, i32) {
    %c0_i32 = arith.constant 0 : i32
    %c0_i32_0 = arith.constant 0 : i32
    %c0_i32_1 = arith.constant 0 : i32
    return %c0_i32, %c0_i32_0 : i32, i32
  }
  func.func @transform_10(%arg0: i32) -> (i32, i32) {
    %c0_i32 = arith.constant 0 : i32
    %c0_i32_0 = arith.constant 0 : i32
    %c0_i32_1 = arith.constant 0 : i32
    return %c0_i32, %c0_i32_0 : i32, i32
  }
  func.func @transform_11(%arg0: i32) -> (i32, i32) {
    %c0_i32 = arith.constant 0 : i32
    %c0_i32_0 = arith.constant 0 : i32
    %c0_i32_1 = arith.constant 0 : i32
    return %c0_i32, %c0_i32_0 : i32, i32
  }
  func.func @transform_12(%arg0: i32) -> (i32, i32) {
    %c0_i32 = arith.constant 0 : i32
    %c0_i32_0 = arith.constant 0 : i32
    %c0_i32_1 = arith.constant 0 : i32
    return %c0_i32, %c0_i32_0 : i32, i32
  }
  func.func @transform_13(%arg0: i32) -> (i32, i32) {
    %c0_i32 = arith.constant 0 : i32
    %c0_i32_0 = arith.constant 0 : i32
    %c0_i32_1 = arith.constant 0 : i32
    return %c0_i32, %c0_i32_0 : i32, i32
  }
  func.func @transform_14(%arg0: i32) -> (i32, i32) {
    %c0_i32 = arith.constant 0 : i32
    %c0_i32_0 = arith.constant 0 : i32
    %c0_i32_1 = arith.constant 0 : i32
    return %c0_i32, %c0_i32_0 : i32, i32
  }
  func.func @transform_15(%arg0: i32) -> (i32, i32) {
    %c0_i32 = arith.constant 0 : i32
    %c0_i32_0 = arith.constant 0 : i32
    %c0_i32_1 = arith.constant 0 : i32
    return %c0_i32, %c0_i32_0 : i32, i32
  }
  func.func @transform_16(%arg0: i32) -> (i32, i32) {
    %c0_i32 = arith.constant 0 : i32
    %c0_i32_0 = arith.constant 0 : i32
    return %arg0, %c0_i32 : i32, i32
  }
  func.func @transform_17(%arg0: i32) -> (i32, i32) {
    %c0_i32 = arith.constant 0 : i32
    %c0_i32_0 = arith.constant 0 : i32
    return %arg0, %c0_i32 : i32, i32
  }
  func.func @transform_18(%arg0: i32) -> (i32, i32) {
    %c0_i32 = arith.constant 0 : i32
    %c0_i32_0 = arith.constant 0 : i32
    return %arg0, %c0_i32 : i32, i32
  }
  func.func @transform_19(%arg0: i32) -> (i32, i32) {
    %c0_i32 = arith.constant 0 : i32
    %c0_i32_0 = arith.constant 0 : i32
    return %arg0, %c0_i32 : i32, i32
  }
  func.func @transform_20(%arg0: i32) -> (i32, i32) {
    %c0_i32 = arith.constant 0 : i32
    %c0_i32_0 = arith.constant 0 : i32
    %c0_i32_1 = arith.constant 0 : i32
    return %c0_i32, %c0_i32_0 : i32, i32
  }
  func.func @transform_21(%arg0: i32) -> (i32, i32) {
    %c0_i32 = arith.constant 0 : i32
    %c0_i32_0 = arith.constant 0 : i32
    %c0_i32_1 = arith.constant 0 : i32
    return %c0_i32, %c0_i32_0 : i32, i32
  }
}

module attributes {stable_mosaic.version = 14 : i64} {
  func.func @_out_body(%arg0: i32, %arg1: memref<1000x128xf32, #tpu.memory_space<vmem>>, %arg2: memref<1000x128xf32, #tpu.memory_space<vmem>>, %arg3: memref<128x128xf32, #tpu.memory_space<vmem>>, %arg4: memref<1x128xf32, #tpu.memory_space<vmem>>, %arg5: memref<128x128xf32, #tpu.memory_space<vmem>>, %arg6: memref<1x128xf32, #tpu.memory_space<vmem>>, %arg7: memref<1000x128xf32, #tpu.memory_space<vmem>>, %arg8: memref<1000x128xf32, #tpu.memory_space<vmem>>) attributes {dimension_semantics = [#tpu.dimension_semantics<arbitrary>], iteration_bounds = array<i64: 10>, scalar_prefetch = 0 : i64, scratch_operands = 0 : i64, tpu.core_type = #tpu.core_type<tc>, window_params = [{transform_indices = @transform_0, window_bounds = array<i64: 1000, 128>}, {transform_indices = @transform_1, window_bounds = array<i64: 1000, 128>}, {pipeline_mode = #tpu.pipeline_mode<synchronous>, transform_indices = @transform_2, window_bounds = array<i64: 128, 128>}, {pipeline_mode = #tpu.pipeline_mode<synchronous>, transform_indices = @transform_3, window_bounds = array<i64: 1, 128>}, {pipeline_mode = #tpu.pipeline_mode<synchronous>, transform_indices = @transform_4, window_bounds = array<i64: 128, 128>}, {pipeline_mode = #tpu.pipeline_mode<synchronous>, transform_indices = @transform_5, window_bounds = array<i64: 1, 128>}, {transform_indices = @transform_6, window_bounds = array<i64: 1000, 128>}, {transform_indices = @transform_7, window_bounds = array<i64: 1000, 128>}]} {
    %get3A = arith.constant 0 : index
    %get3A_0 = arith.constant 0 : index
    %get3A_1 = vector.load %arg1[%get3A, %get3A_0] : memref<1000x128xf32, #tpu.memory_space<vmem>>, vector<1000x128xf32>
    %get3A_2 = arith.constant 0 : index
    %get3A_3 = arith.constant 0 : index
    %get3A_4 = vector.load %arg3[%get3A_2, %get3A_3] : memref<128x128xf32, #tpu.memory_space<vmem>>, vector<128x128xf32>
    %dot_general3A = arith.constant dense<0.000000e+00> : vector<1000x128xf32>
    %dot_general3A_5 = tpu.matmul %get3A_1, %get3A_4, %dot_general3A {dimension_numbers = #tpu.dot_dimension_numbers<[1], [0], [0], [1], [0, 0, 1, 1], [], []>, transpose_lhs_hint = false} : vector<1000x128xf32>, vector<128x128xf32>, vector<1000x128xf32> -> vector<1000x128xf32>
    %get3A_6 = arith.constant 0 : index
    %get3A_7 = arith.constant 0 : index
    %get3A_8 = vector.load %arg4[%get3A_6, %get3A_7] : memref<1x128xf32, #tpu.memory_space<vmem>>, vector<1x128xf32>
    %add3A = vector.broadcast %get3A_8 : vector<1x128xf32> to vector<1000x128xf32>
    %add3A_9 = arith.addf %dot_general3A_5, %add3A : vector<1000x128xf32>
    %swap3A = arith.constant 0 : index
    %swap3A_10 = arith.constant 0 : index
    %swap3A_11 = vector.load %arg7[%swap3A, %swap3A_10] : memref<1000x128xf32, #tpu.memory_space<vmem>>, vector<1000x128xf32>
    tpu.vector_store %arg7[%swap3A, %swap3A_10], %add3A_9 {strides = array<i32>} : memref<1000x128xf32, #tpu.memory_space<vmem>>, vector<1000x128xf32>,
    %get3A_12 = arith.constant 0 : index
    %get3A_13 = arith.constant 0 : index
    %get3A_14 = vector.load %arg2[%get3A_12, %get3A_13] : memref<1000x128xf32, #tpu.memory_space<vmem>>, vector<1000x128xf32>
    %get3A_15 = arith.constant 0 : index
    %get3A_16 = arith.constant 0 : index
    %get3A_17 = vector.load %arg5[%get3A_15, %get3A_16] : memref<128x128xf32, #tpu.memory_space<vmem>>, vector<128x128xf32>
    %dot_general3A_18 = arith.constant dense<0.000000e+00> : vector<1000x128xf32>
    %dot_general3A_19 = tpu.matmul %get3A_14, %get3A_17, %dot_general3A_18 {dimension_numbers = #tpu.dot_dimension_numbers<[1], [0], [0], [1], [0, 0, 1, 1], [], []>, transpose_lhs_hint = false} : vector<1000x128xf32>, vector<128x128xf32>, vector<1000x128xf32> -> vector<1000x128xf32>
    %get3A_20 = arith.constant 0 : index
    %get3A_21 = arith.constant 0 : index
    %get3A_22 = vector.load %arg6[%get3A_20, %get3A_21] : memref<1x128xf32, #tpu.memory_space<vmem>>, vector<1x128xf32>
    %add3A_23 = vector.broadcast %get3A_22 : vector<1x128xf32> to vector<1000x128xf32>
    %add3A_24 = arith.addf %dot_general3A_19, %add3A_23 : vector<1000x128xf32>
    %swap3A_25 = arith.constant 0 : index
    %swap3A_26 = arith.constant 0 : index
    %swap3A_27 = vector.load %arg8[%swap3A_25, %swap3A_26] : memref<1000x128xf32, #tpu.memory_space<vmem>>, vector<1000x128xf32>
    tpu.vector_store %arg8[%swap3A_25, %swap3A_26], %add3A_24 {strides = array<i32>} : memref<1000x128xf32, #tpu.memory_space<vmem>>, vector<1000x128xf32>,
    return
  }
  func.func @transform_0(%arg0: i32) -> (i32, i32) {
    %c0_i32 = arith.constant 0 : i32
    %c0_i32_0 = arith.constant 0 : i32
    return %arg0, %c0_i32 : i32, i32
  }
  func.func @transform_1(%arg0: i32) -> (i32, i32) {
    %c0_i32 = arith.constant 0 : i32
    %c0_i32_0 = arith.constant 0 : i32
    return %arg0, %c0_i32 : i32, i32
  }
  func.func @transform_2(%arg0: i32) -> (i32, i32) {
    %c0_i32 = arith.constant 0 : i32
    %c0_i32_0 = arith.constant 0 : i32
    %c0_i32_1 = arith.constant 0 : i32
    return %c0_i32, %c0_i32_0 : i32, i32
  }
  func.func @transform_3(%arg0: i32) -> (i32, i32) {
    %c0_i32 = arith.constant 0 : i32
    %c0_i32_0 = arith.constant 0 : i32
    %c0_i32_1 = arith.constant 0 : i32
    return %c0_i32, %c0_i32_0 : i32, i32
  }
  func.func @transform_4(%arg0: i32) -> (i32, i32) {
    %c0_i32 = arith.constant 0 : i32
    %c0_i32_0 = arith.constant 0 : i32
    %c0_i32_1 = arith.constant 0 : i32
    return %c0_i32, %c0_i32_0 : i32, i32
  }
  func.func @transform_5(%arg0: i32) -> (i32, i32) {
    %c0_i32 = arith.constant 0 : i32
    %c0_i32_0 = arith.constant 0 : i32
    %c0_i32_1 = arith.constant 0 : i32
    return %c0_i32, %c0_i32_0 : i32, i32
  }
  func.func @transform_6(%arg0: i32) -> (i32, i32) {
    %c0_i32 = arith.constant 0 : i32
    %c0_i32_0 = arith.constant 0 : i32
    return %arg0, %c0_i32 : i32, i32
  }
  func.func @transform_7(%arg0: i32) -> (i32, i32) {
    %c0_i32 = arith.constant 0 : i32
    %c0_i32_0 = arith.constant 0 : i32
    return %arg0, %c0_i32 : i32, i32
  }
}

</mosaic_0001>

<sc_bundles>
// kernel: kernel.5.cloned.1.call-start
scs
__scs_entry_jumppad:
0x0: {  	(pc) =	sbr.rel $0x88, $3  }
0x1: {  	(tag) =	ssettag $0x0;
	lr =	simm.s32 $0x1  }
0x2: {  	[smem:$0x3F89] =	sst lr;
	_ =	strace $0xD0000000  }
0x3: {  	_ = 	snop  }
0x4: {  	_ = 	snop  }
0x5: {  	_ = 	snop  }
0x6: {  	_ = 	snop  }
0x7: {  	_ = 	snop  }
__scs_overlays_trampoline_lowered:
0x8: {  	[smem:$0x3F98] =	sst s0  }
0x9: {  	[smem:$0x3F99] =	sst s1  }
0xa: {  	[smem:$0x3F9A] =	sst s2  }
0xb: {  	[smem:$0x3F9B] =	sst s3  }
0xc: {  	[smem:$0x3F9C] =	sst s4  }
0xd: {  	[smem:$0x3F9D] =	sst s5  }
0xe: {  	[smem:$0x3F9E] =	sst s6  }
0xf: {  	[smem:$0x3F9F] =	sst s7  }
0x10: {  	[smem:$0x3FA0] =	sst s8  }
0x11: {  	[smem:$0x3FA1] =	sst s9;
	s0 =	simm.s32 @!p0 $0x0  }
0x12: {  	s1 =	sld [smem:$0x3F87];
	s0 =	simm.s32 @p0 $0x1  }
0x13: {  	[smem:$0x3FA2] =	sst s0;
	s0 =	simm.s32 @!p1 $0x0  }
0x14: {  	s2 =	sld [smem:$0x3F86];
	s0 =	simm.s32 @p1 $0x1  }
0x15: {  	[smem:$0x3FA3] =	sst s0;
	s0 =	simm.s32 @!p2 $0x0  }
0x16: {  	s3 =	sld [smem:$0x3FDB];
	s0 =	simm.s32 @p2 $0x1  }
0x17: {  	s4 =	simm.s32 $0x1BF5;
	[smem:$0x3FA5] =	sst s0  }
0x18: {  	s0 =	sld [smem:$0x3F88];
	_ =	swait.ge [sflag:s4], $0x0  }
0x19: {  	s7 =	sld [smem:$0x3F89]  }
0x1a: {  	s8 =	sadd.s32 $0xFFFFE003, lr  }
0x1b: {  	s9 =	sadd.s32 $0xFFFFFEF7, lr;
	s5 =	simm.s32 $0xFFFFFFFF;
	p2 =	slt.u32 s8, $0xFFFFF086  }
0x1c: {  	p1 =	slt.u32 s9, $0xF7A;
	s5 =	simm.s32 @!p2 $0x0  }
0x1d: {  	s5 =	simm.s32 @p1 $0x1;
	p0 =	seq.s32 s7, s2  }
0x1e: {  	s7 =	smul.u32 @!p0 $0xF7A, s2;
	p2 =	seq.s32 @!p0 s5, $0x0  }
0x1f: {  	s9 =	smul.u32 $0xF7A, s1;
	s8 =	simm.s32 @!p0 $0x1BF5;
	p2 =	por !p2, p0  }
0x20: {  	[sflag:s8] =	ssyncset.s32 @!p0 $0xFFFFF086;
	s6 =	sadd.s32 @!p0 s3, s7;
	s7 =	simm.s32 @!p0 $0x108  }
0x21: {  	s3 =	sadd.s32 s3, s9;
	s6 =	sadd.s32 @!p0 $0x88, s6;
	s7 =	simm.s32 @p2 $0x1082  }
0x22: {  	[simem:s7], [sflag:s8] =	dma.local @!p0 [hbm:s6], $0xF7A  }
0x23: {  	s9 =	sor.u32 $0xD0000000, s2;
	s6 =	simm.s32 $0x108;
	_ =	swait.ge @!p0 [sflag:s8], $0x0  }
0x24: {  	s3 =	sadd.s32 $0x88, s3;
	s6 =	simm.s32 @!p1 $0x1082;
	[sflag:s4] =	ssyncset.s32 $0xFFFFF086  }
0x25: {  	[simem:s6], [sflag:s4] =	dma.local [hbm:s3], $0xF7A  }
0x26: {  	[smem:$0x3F89] =	sst s1;
	(tag) =	ssettag s2;
	_ =	strace s9  }
0x27: {  	s1 =	sld [smem:$0x3F99]  }
0x28: {  	s2 =	sld [smem:$0x3F9A]  }
0x29: {  	s4 =	sld [smem:$0x3F9C]  }
0x2a: {  	p0 =	seq.s32 s5, $0x0;
	s5 =	sld [smem:$0x3F9D]  }
0x2b: {  	s6 =	sld [smem:$0x3F9E]  }
0x2c: {  	s7 =	sld [smem:$0x3F9F]  }
0x2d: {  	s3 =	simm.s32 $0x108;
	s8 =	sld [smem:$0x3FA0]  }
0x2e: {  	s3 =	simm.s32 @!p0 $0x1082;
	s9 =	sld [smem:$0x3FA1]  }
0x2f: {  	lr =	sadd.s32 s0, s3;
	s0 =	sld [smem:$0x3F98]  }
0x30: {  	s3 =	sld [smem:$0x3F9B]  }
0x31: {  	[smem:$0x3FA4] =	sst s10  }
0x32: {  	s10 =	sld [smem:$0x3FA2];
	_ =	sdelay $0x3  }
0x33: {  	p0 =	seq.s32 s10, $0x1;
	s10 =	sld [smem:$0x3FA4];
	_ =	sdelay $0x3  }
0x34: {  	[smem:$0x3FA4] =	sst s10  }
0x35: {  	s10 =	sld [smem:$0x3FA3];
	_ =	sdelay $0x3  }
0x36: {  	p1 =	seq.s32 s10, $0x1;
	s10 =	sld [smem:$0x3FA4];
	_ =	sdelay $0x3  }
0x37: {  	[smem:$0x3FA4] =	sst s10  }
0x38: {  	s10 =	sld [smem:$0x3FA5]  }
0x39: {  	_ = 	snop;
	(pc) =	sbr.ind lr, $3  }
0x3a: {  	_ = 	snop  }
0x3b: {  	_ = 	snop  }
0x3c: {  	p2 =	seq.s32 s10, $0x1;
	s10 =	sld [smem:$0x3FA4]  }
0x3d: {  	_ =	shalt  }
0x3e: {  	_ =	shalt  }
0x3f: {  	_ =	shalt  }
0x40: {  	_ =	shalt  }
0x41: {  	_ =	shalt  }
0x42: {  	_ =	shalt  }
0x43: {  	_ =	shalt  }
0x44: {  	_ =	shalt  }
0x45: {  	_ =	shalt  }
0x46: {  	_ =	shalt  }
0x47: {  	_ =	shalt  }
0x48: {  	_ =	shalt  }
0x49: {  	_ =	shalt  }
0x4a: {  	_ =	shalt  }
0x4b: {  	_ =	shalt  }
0x4c: {  	_ =	shalt  }
0x4d: {  	_ =	shalt  }
0x4e: {  	_ =	shalt  }
0x4f: {  	_ =	shalt  }
0x50: {  	_ =	shalt  }
0x51: {  	_ =	shalt  }
0x52: {  	_ =	shalt  }
0x53: {  	_ =	shalt  }
0x54: {  	_ =	shalt  }
0x55: {  	_ =	shalt  }
0x56: {  	_ =	shalt  }
0x57: {  	_ =	shalt  }
0x58: {  	_ =	shalt  }
0x59: {  	_ =	shalt  }
0x5a: {  	_ =	shalt  }
0x5b: {  	_ =	shalt  }
0x5c: {  	_ =	shalt  }
0x5d: {  	_ =	shalt  }
0x5e: {  	_ =	shalt  }
0x5f: {  	_ =	shalt  }
0x60: {  	_ =	shalt  }
0x61: {  	_ =	shalt  }
0x62: {  	_ =	shalt  }
0x63: {  	_ =	shalt  }
0x64: {  	_ =	shalt  }
0x65: {  	_ =	shalt  }
0x66: {  	_ =	shalt  }
0x67: {  	_ =	shalt  }
0x68: {  	_ =	shalt  }
0x69: {  	_ =	shalt  }
0x6a: {  	_ =	shalt  }
0x6b: {  	_ =	shalt  }
0x6c: {  	_ =	shalt  }
0x6d: {  	_ =	shalt  }
0x6e: {  	_ =	shalt  }
0x6f: {  	_ =	shalt  }
0x70: {  	_ =	shalt  }
0x71: {  	_ =	shalt  }
0x72: {  	_ =	shalt  }
0x73: {  	_ =	shalt  }
0x74: {  	_ =	shalt  }
0x75: {  	_ =	shalt  }
0x76: {  	_ =	shalt  }
0x77: {  	_ =	shalt  }
0x78: {  	_ =	shalt  }
0x79: {  	_ =	shalt  }
0x7a: {  	_ =	shalt  }
0x7b: {  	_ =	shalt  }
0x7c: {  	_ =	shalt  }
0x7d: {  	_ =	shalt  }
0x7e: {  	_ =	shalt  }
0x7f: {  	_ =	shalt  }
0x80: {  	_ =	shalt  }
0x81: {  	_ =	shalt  }
0x82: {  	_ =	shalt  }
0x83: {  	_ =	shalt  }
0x84: {  	_ =	shalt  }
0x85: {  	_ =	shalt  }
0x86: {  	_ =	shalt  }
0x87: {  	_ =	shalt  }
.Lfunc_end0:
.L_simem_size_0:
called_computation_lowered:
.L_overlay_start_0:
0x88: {  	s2 =	sld [smem:$0x3FD9]  }
0x89: {  	s3 =	sld [smem:$0x3FFE];
	_ =	sdelay $0x1  }
0x8a: {  	s1 =	srdreg.scid  }
0x8b: {  	s0 =	sand.u32 $0x1, s1  }
0x8c: {  	s14 =	sshll.u32 s0, $0xA;
	s2 =	sadd.s32 s3, s2  }
0x8d: {  	s2 =	sadd.s32 s2, s14  }
0x8e: {  	[smem:$0x3FB0] =	sst s2  }
0x8f: {  	_ = 	snop  }
0x90: {  	s2 =	sld [smem:$0x3FD0];
	_ =	sdelay $0x2  }
0x91: {  	s15 =	simm.s32 $0xA;
	s4 =	simm.s32 $0x10  }
0x92: {  	[smem:s4], [sflag:s15] =	dma.local [hbm:s2], $0x1  }
0x93: {  	_ =	swait.eq [sflag:s15], $0x1  }
0x94: {  	[sflag:s15] =	ssyncset.done $0x0  }
0x95: {  	s16 =	sld [smem:$0x10];
	[sflag:s15] =	ssyncadd.s32 $0xFFFFFFFF  }
0x96: {  	s17 =	sld [smem:$0x11];
	(tm) =	ssettm $0x1  }
0x97: {  	s18 =	sld [smem:$0x3FFB];
	_ =	sdelay $0x3  }
0x98: {  	_ =	strace s18  }
0x99: {  	s4 =	sld [smem:$0x3FFC];
	_ =	sdelay $0x3  }
0x9a: {  	_ =	strace s4  }
0x9b: {  	s4 =	sld [smem:$0x3FFD];
	_ =	sdelay $0x3  }
0x9c: {  	_ =	strace s4  }
0x9d: {  	_ =	strace $0x8FFFFFFF  }
0x9e: {  	s19 =	sld [smem:$0x3FDB];
	_ =	sdelay $0x1  }
0x9f: {  	s5 =	simm.s32 $_scs_section_size  }
0xa0: {  	s6 =	simm.s32 $_size__tile_overlayer_lowered;
	s7 =	simm.s32 $_tile_overlayer_lowered  }
0xa1: {  	s22 =	simm.s32 $0x1BFF;
	s21 =	sshll.u32 s7, $0x1;
	s4 =	sadd.s32 s5, s19  }
0xa2: {  	s8 =	simm.s32 $0x0;
	s20 =	sshll.u32 s6, $0x1;
	s6 =	sadd.s32 s21, s4  }
0xa3: {  	[timem:s8], [sflag:s22] =	dma.local [hbm:s6], s20  }
0xa4: {  	_ =	swait.ge [sflag:s22], s20  }
0xa5: {  	s5 =	ssub.s32 $0x0, s20;
	[sflag:s22] =	ssyncset.done $0x0  }
0xa6: {  	[sflag:s22] =	ssyncadd.s32 s5;
	_ =	sdelay $0x1  }
0xa7: {  	s23 =	simm.s32 $0x1B8B  }
0xa8: {  	_ =	swait.ge [sflag:s23], $0x1  }
0xa9: {  	[sflag:s23] =	ssyncset.done $0x0  }
0xaa: {  	s25 =	simm.s32 $0x1B8E;
	s24 =	sld [smem:$0x3FFE];
	[sflag:s23] =	ssyncadd.s32 $0xFFFFFFFF  }
0xab: {  	s26 =	simm.s32 $execute0_lowered;
	[smem:$0x3FD2] =	sst s25  }
0xac: {  	s6 =	sshll.u32 s26, $0x1;
	_ =	strace $0x80000046;
	[dreg:$0x1] =	wrdreg $0xFFFFFFFF  }
0xad: {  	s28 =	simm.s32 $_size_execute0_lowered;
	s4 =	sadd.s32 s4, s6;
	[dreg:$0x0] =	wrdreg $0x0  }
0xae: {  	s6 =	sshll.u32 s28, $0x1;
	[dreg:$0x2] =	wrdreg s4  }
0xaf: {  	[dreg:$0x3] =	wrdreg s6  }
0xb0: {  	[dreg:$0x4] =	wrdreg $0xC0  }
0xb1: {  	_ =	task [dreg:s8], $0x5FFFF  }
0xb2: {  	[dreg:$0x1] =	wrdreg $0xFFFFFFFF  }
0xb3: {  	[dreg:$0x0] =	wrdreg $0x60  }
0xb4: {  	[dreg:$0x2] =	wrdreg s24  }
0xb5: {  	[dreg:$0x3] =	wrdreg s17  }
0xb6: {  	[dreg:$0x4] =	wrdreg s16  }
0xb7: {  	[dreg:$0x5] =	wrdreg $0x0  }
0xb8: {  	[dreg:$0x6] =	wrdreg $0x138800  }
0xb9: {  	[dreg:$0x7] =	wrdreg $0x9  }
0xba: {  	_ =	task.clear_ibuf [dreg:s8], $0x8FFFF;
	_ =	strace $0x90000046  }
0xbb: {  	s29 =	simm.s32 $0x9;
	_ =	strace $0x80000048  }
0xbc: {  	_ =	swait.ge [sflag:s29], $0x1  }
0xbd: {  	[sflag:s29] =	ssyncadd.s32 $0xFFFFFFFF  }
0xbe: {  	_ =	strace $0x90000048  }
0xbf: {  	_ =	sfence  }
0xc0: {  	s30 =	sld [smem:$0x0];
	_ =	sdelay $0x2  }
0xc1: {  	s31 =	sshll.u32 s1, $0xD;
	s1 =	sshrl.u32 s1, $0x2  }
0xc2: {  	s3 =	sand.u32 $0x4000, s31;
	s1 =	sadd.s32 s1, s30  }
0xc3: {  	s0 =	sor.u32 s3, s0;
	s1 =	sshll.u32 s1, $0x11  }
0xc4: {  	s0 =	sor.u32 s1, s0  }
0xc5: {  	s0 =	sadd.s32 $0x8F2B, s0  }
0xc6: {  	[sflag:s0] =	ssyncadd.remote.s32 $0x1  }
0xc7: {  	_ =	sfence.sel $0xFFFF  }
0xc8: {  	[dreg:$0x0] =	wrdreg $0xFFFFFFFF;
	(pc) =	sbr.abs _section_cstart, $3  }
0xc9: {  	[dreg:$0x1] =	wrdreg $0xFFFFFFFF  }
0xca: {  	_ =	task.clear_ibuf [dreg:s8], $0x2FFFF;
	_ =	strace $0x9FFFFFFF  }
0xcb: {  	(tm) =	ssettm $0x7FFFFFFF  }
tec
execute0_lowered:
.L_overlay_start_1:
0x0: {  	(tag) =	ssettag $0x1  }
0x1: {  	s0 =	rddreg [dreg:$0x0]  }
0x2: {  	s6 =	rddreg [dreg:$0x1]  }
0x3: {  	s12 =	rddreg [dreg:$0x2]  }
0x4: {  	s1 =	rddreg [dreg:$0x3]  }
0x5: {  	s2 =	rddreg [dreg:$0x4]  }
0x6: {  	s3 =	simm.s32 $0x0;
	s24 =	srdreg.scid;
	s21 =	stileid.u32  }
0x7: {  	[smem:$0x7FF] =	sst s3;
	s4 =	sadd.s32 $0x15E00, s0;
	s5 =	sadd.s32 $0x2400, s0  }
0x8: {  	s7 =	sadd.s32 $0x1C00, s0;
	s8 =	sadd.s32 $0x50C00, s0;
	s9 =	sadd.s32 $0x82200, s0  }
0x9: {  	s10 =	sadd.s32 $0x3D200, s0;
	s11 =	sadd.s32 $0x29800, s0;
	s17 =	smul.u32 $0x4E000, s21  }
0xa: {  	s13 =	sadd.s32 $0x2000, s0;
	s14 =	sadd.s32 $0x6E600, s0;
	s19 =	smul.u32 $0x4E20, s21  }
0xb: {  	s26 =	smul.u32 $0x13800, s21;
	p1 =	sne.s32 s21, $0xF;
	p2 =	seq.s32 s21, $0xF  }
0xc: {  	p3 =	sne.s32 s21, $0x0;
	_ =	strace $0x80000047;
	[dreg:$0x6] =	wrdreg s7  }
0xd: {  	s21 =	sadd.s32 $0x129800, s1;
	[dreg:$0x7] =	wrdreg s13;
	s13 =	sand.u32 $0x1, s24  }
0xe: {  	[smem:$0x7F6] =	sst s21;
	s25 =	ssub.s32 $0x2, s13;
	s17 =	sshrl.u32 s17, $0x2  }
0xf: {  	s20 =	sshrl.u32 s26, $0x3;
	s22 =	sadd.s32 s17, s1;
	s17 =	sadd.s32 s26, s1  }
0x10: {  	p0 =	seq.s32 s13, $0x1;
	s29 =	sadd.s32 s6, s20;
	[dreg:$0x9] =	wrdreg s17  }
0x11: {  	s13 =	sshrl.u32 s19, $0x3;
	s6 =	sadd.s32 $0x24900, s6;
	[dreg:$0xa] =	wrdreg s29  }
0x12: {  	s15 =	sadd.s32 $0x64800, s0;
	s23 =	sadd.s32 s8, s13;
	[dreg:$0xb] =	wrdreg s6  }
0x13: {  	s16 =	sadd.s32 $0x78400, s0;
	s24 =	sadd.s32 s9, s13;
	[dreg:$0xd] =	wrdreg s23  }
0x14: {  	s18 =	sshrl.u32 s25, $0x1;
	s26 =	sadd.s32 s15, s13;
	[dreg:$0xe] =	wrdreg s24  }
0x15: {  	s7 =	sadd.s32 $0x5AA00, s0;
	s0 =	ssub.s32 s25, s18;
	[dreg:$0x10] =	wrdreg s26  }
0x16: {  	s18 =	sadd.s32 $0xA0, s19;
	s19 =	sadd.s32 $0xF0, s19;
	[dreg:$0x8] =	wrdreg s22  }
0x17: {  	s25 =	sadd.s32 s14, s13;
	[smem:$0x7F3] =	sst s19  }
0x18: {  	s26 =	sadd.s32 $0x24900, s12;
	[dreg:$0xf] =	wrdreg s25  }
0x19: {  	s19 =	sadd.s32 s7, s13;
	[dreg:$0x19] =	wrdreg s26  }
0x1a: {  	s6 =	sadd.s32 $0xA, s13;
	s13 =	sadd.s32 s16, s13;
	[dreg:$0xc] =	wrdreg s19  }
0x1b: {  	s29 =	sadd.s32 s7, s6;
	[dreg:$0x11] =	wrdreg s13  }
0x1c: {  	s17 =	sadd.s32 s8, s6;
	[dreg:$0x12] =	wrdreg s29  }
0x1d: {  	s23 =	sadd.s32 s14, s6;
	[dreg:$0x13] =	wrdreg s17  }
0x1e: {  	s24 =	sadd.s32 s15, s6;
	[dreg:$0x15] =	wrdreg s23  }
0x1f: {  	s25 =	sadd.s32 s12, s20;
	[dreg:$0x16] =	wrdreg s24  }
0x20: {  	s0 =	smax.u32 s0, $0x1;
	[dreg:$0x18] =	wrdreg s25  }
0x21: {  	s12 =	sadd.s32 $0x7800, s22;
	[dreg:$0x1a] =	wrdreg s0  }
0x22: {  	s20 =	sadd.s32 $0x11800, s22;
	[dreg:$0x1d] =	wrdreg s12  }
0x23: {  	s26 =	sadd.s32 $0x133800, s1;
	[smem:$0x7F5] =	sst s20  }
0x24: {  	s19 =	sadd.s32 s9, s6;
	[smem:$0x7FB] =	sst s26  }
0x25: {  	s6 =	sadd.s32 s16, s6;
	[dreg:$0x14] =	wrdreg s19  }
0x26: {  	s29 =	sadd.s32 $0x2800, s22;
	[dreg:$0x17] =	wrdreg s6  }
0x27: {  	s30 =	simm.s32 $0x9;
	s13 =	sadd.s32 $0xA000, s22;
	[dreg:$0x1b] =	wrdreg s29  }
0x28: {  	s28 =	simm.s32 $0x3;
	s17 =	sadd.s32 $0xC800, s22;
	[dreg:$0x1e] =	wrdreg s13  }
0x29: {  	s31 =	simm.s32 $0x2;
	s23 =	sadd.s32 $0x12C000, s1;
	[dreg:$0x1f] =	wrdreg s17  }
0x2a: {  	s21 =	simm.s32 $0x13AD0;
	s24 =	sadd.s32 $0x12E800, s1;
	[smem:$0x7F8] =	sst s23  }
0x2b: {  	s12 =	sadd.s32 $0x124800, s1;
	s25 =	sadd.s32 $0x131000, s1;
	[smem:$0x7F9] =	sst s24  }
0x2c: {  	s26 =	simm.s32 $0x50;
	s6 =	sadd.s32 $0x5000, s22;
	[smem:$0x7FA] =	sst s25  }
.Ltmp0:
0x2d: {  	s19 =	sadd.s32 $0xF000, s22;
	[smem:$0x7FD] =	sst s12;
	(pc) =	sbr.rel .LBB2_1-.Ltmp0, $4  }
0x2e: {  	s22 =	sadd.s32 $0x127000, s1;
	s29 =	sadd.s32 $0x136000, s1;
	[dreg:$0x1c] =	wrdreg s6  }
0x2f: {  	s23 =	simm.s32 $0x13C10;
	s13 =	simm.s32 $0x5;
	[smem:$0x7F4] =	sst s19  }
0x30: {  	s17 =	simm.s32 $0x7;
	s24 =	simm.s32 $0x1B460;
	[smem:$0x7F7] =	sst s22  }
0x31: {  	v0 =	vimm.f32 $0.0e+00;
	[smem:$0x7FC] =	sst s29;
	s22 =	simm.s32 $0x13B70;
	s6 =	simm.s32 $0x0  }
.LBB2_25:
0x32: {  	[bflag:$0x0] =	sbarrier.arrive $0xFFFF  }
0x33: {  	s12 =	sld [smem:$0x7EF];
	_ =	sdelay $0x1  }
0x34: {  	s0 =	simm.s32 @p2 $0x1FC9;
	s6 =	rddreg [dreg:$0x19]  }
0x35: {  	[hbm:s6], [sflag:s0] =	dma.local @p2 [spmem:s12], $0x2800  }
0x36: {  	s0 =	simm.s32 @p2 $0x9  }
0x37: {  	_ =	swait.ge @p2 [sflag:s0], $0x2800  }
0x38: {  	s6 =	sld [smem:$0x7F0]  }
0x39: {  	s12 =	sld [smem:$0x7F1]  }
0x3a: {  	[sflag:s0] =	ssyncset.done @p2 $0x0  }
0x3b: {  	[sflag:s0] =	ssyncadd.s32 @p2 $0xFFFFD800;
	s0 =	rddreg [dreg:$0x18]  }
0x3c: {  	[hbm:s0], [sflag:s12] =	dma.local @!p2 [spmem:s6], $0x2700  }
0x3d: {  	s0 =	simm.s32 @!p2 $0x9  }
0x3e: {  	_ =	swait.ge @!p2 [sflag:s0], $0x2700  }
0x3f: {  	[sflag:s0] =	ssyncset.done @!p2 $0x0  }
0x40: {  	s6 =	sld [smem:$0x7F2];
	[sflag:s0] =	ssyncadd.s32 @!p2 $0xFFFFD900  }
.LBB2_26:
0x41: {  	_ =	sdelay $0x1  }
0x42: {  	s0 =	rddreg [dreg:$0x1a];
	s6 =	sadd.s32 $0x1, s6  }
0x43: {  	p4 =	sne.s32 s6, s0  }
.Ltmp1:
0x44: {  	_ = 	snop;
	(pc) =	sbr.rel @!p4 .LBB2_27-.Ltmp1, $2  }
0x45: {  	_ =	sdelay $0x2  }
0x46: {  	s12 =	sld [smem:$0x7FD]  }
.LBB2_1:
0x47: {  	[smem:$0x7F2] =	sst s6;
	s0 =	simm.s32 $0x0;
	s6 =	simm.s32 $0x200  }
.LBB2_2:
0x48: {  	p4 =	sne.s32 s6, $0x9E00;
	[tilespmem:s0+$0x18CD0] =	vst v0  }
0x49: {  	[tilespmem:s0+$0x18C60] =	vst v0  }
0x4a: {  	[tilespmem:s0+$0x18C70] =	vst v0  }
.Ltmp2:
0x4b: {  	[tilespmem:s0+$0x18C80] =	vst v0;
	(pc) =	sbr.rel @p4 .LBB2_2-.Ltmp2, $4  }
0x4c: {  	[tilespmem:s0+$0x18C90] =	vst v0  }
0x4d: {  	[tilespmem:s0+$0x18CA0] =	vst v0  }
0x4e: {  	[tilespmem:s0+$0x18CB0] =	vst v0  }
0x4f: {  	[tilespmem:s0+$0x18CC0] =	vst v0;
	s0 =	sshra.s32 s6, $0x2;
	s6 =	sadd.s32 $0x200, s6  }
0x50: {  	[tilespmem:s0+$0x18CD0] =	vst v0  }
0x51: {  	[tilespmem:s0+$0x18C60] =	vst v0  }
0x52: {  	[tilespmem:s0+$0x18C70] =	vst v0  }
0x53: {  	[tilespmem:s0+$0x18C80] =	vst v0  }
0x54: {  	[tilespmem:s0+$0x18C90] =	vst v0  }
0x55: {  	[tilespmem:s0+$0x18CA0] =	vst v0  }
0x56: {  	[tilespmem:s0+$0x18CB0] =	vst v0  }
0x57: {  	[tilespmem:s0+$0x18CC0] =	vst v0;
	s0 =	sshrl.u32 @p2 s12, $0x3  }
.Ltmp3:
0x58: {  	[smem:$0x7EF] =	sst s0;
	(pc) =	sbr.rel @p1 .LBB2_6-.Ltmp3, $4  }
0x59: {  	s6 =	stileid.u32;
	s0 =	rddreg [dreg:$0x9]  }
0x5a: {  	s6 =	sshll.u32 @!p2 s6, $0x6;
	s0 =	sshrl.u32 @!p2 s0, $0x3  }
0x5b: {  	[smem:$0x7F0] =	sst s0;
	s0 =	sor.u32 @!p2 $0x1C09, s6  }
0x5c: {  	[smem:$0x7F1] =	sst s0  }
0x5d: {  	s6 =	simm.s32 $0x18C60  }
0x5e: {  	[spmem:s12] =	stream.linear.scatter [tilespmem:s6], [sflag:$0x9], $0x2800, $0x38;
	[tilespmem:$0x1DC60] =	vst v63  }
0x5f: {  	_ =	swait.ge [sflag:s30], $0x2800  }
0x60: {  	s0 =	sld [smem:$0x7F7]  }
0x61: {  	[sflag:s30] =	ssyncset.done $0x0  }
0x62: {  	[sflag:s30] =	ssyncadd.s32 $0xFFFFD800  }
0x63: {  	[spmem:s0] =	stream.linear.scatter [tilespmem:s6], [sflag:$0x9], $0x2800, $0x38;
	[tilespmem:$0x1DC60] =	vst v63  }
0x64: {  	_ =	swait.ge [sflag:s30], $0x2800  }
0x65: {  	s29 =	sld [smem:$0x7F6]  }
0x66: {  	[sflag:s30] =	ssyncset.done $0x0  }
0x67: {  	[sflag:s30] =	ssyncadd.s32 $0xFFFFD800  }
0x68: {  	[spmem:s29] =	stream.linear.scatter [tilespmem:s6], [sflag:$0x9], $0x2800, $0x38;
	[tilespmem:$0x1DC60] =	vst v63  }
0x69: {  	_ =	swait.ge [sflag:s30], $0x2800  }
0x6a: {  	s12 =	sld [smem:$0x7F8]  }
0x6b: {  	[sflag:s30] =	ssyncset.done $0x0  }
0x6c: {  	[sflag:s30] =	ssyncadd.s32 $0xFFFFD800  }
0x6d: {  	[spmem:s12] =	stream.linear.scatter [tilespmem:s6], [sflag:$0x9], $0x2800, $0x38;
	[tilespmem:$0x1DC60] =	vst v63  }
0x6e: {  	_ =	swait.ge [sflag:s30], $0x2800  }
0x6f: {  	s19 =	sld [smem:$0x7F9]  }
0x70: {  	[sflag:s30] =	ssyncset.done $0x0  }
0x71: {  	[sflag:s30] =	ssyncadd.s32 $0xFFFFD800  }
0x72: {  	[spmem:s19] =	stream.linear.scatter [tilespmem:s6], [sflag:$0x9], $0x2800, $0x38;
	[tilespmem:$0x1DC60] =	vst v63  }
0x73: {  	_ =	swait.ge [sflag:s30], $0x2800  }
0x74: {  	s20 =	sld [smem:$0x7FA]  }
0x75: {  	[sflag:s30] =	ssyncset.done $0x0  }
0x76: {  	[sflag:s30] =	ssyncadd.s32 $0xFFFFD800  }
0x77: {  	[spmem:s20] =	stream.linear.scatter [tilespmem:s6], [sflag:$0x9], $0x2800, $0x38;
	[tilespmem:$0x1DC60] =	vst v63  }
0x78: {  	_ =	swait.ge [sflag:s30], $0x2800  }
0x79: {  	s25 =	sld [smem:$0x7FB]  }
0x7a: {  	[sflag:s30] =	ssyncset.done $0x0  }
0x7b: {  	[sflag:s30] =	ssyncadd.s32 $0xFFFFD800  }
0x7c: {  	[spmem:s25] =	stream.linear.scatter [tilespmem:s6], [sflag:$0x9], $0x2800, $0x38;
	[tilespmem:$0x1DC60] =	vst v63  }
0x7d: {  	_ =	swait.ge [sflag:s30], $0x2800  }
0x7e: {  	s29 =	sld [smem:$0x7FC]  }
0x7f: {  	[sflag:s30] =	ssyncset.done $0x0  }
.Ltmp4:
0x80: {  	[sflag:s30] =	ssyncadd.s32 $0xFFFFD800;
	(pc) =	sbr.rel .LBB2_5-.Ltmp4, $4  }
0x81: {  	[spmem:s29] =	stream.linear.scatter [tilespmem:s6], [sflag:$0x9], $0x2800, $0x38;
	[tilespmem:$0x1DC60] =	vst v63  }
0x82: {  	_ =	swait.ge [sflag:s30], $0x2800  }
0x83: {  	[sflag:s30] =	ssyncset.done $0x0  }
0x84: {  	s19 =	simm.s32 $0x18C60;
	[sflag:s30] =	ssyncadd.s32 $0xFFFFD800  }
.LBB2_6:
0x85: {  	s0 =	rddreg [dreg:$0x8];
	s6 =	simm.s32 $0x18C60  }
0x86: {  	[spmem:s0] =	stream.linear.scatter [tilespmem:s6], [sflag:$0x9], $0x2800, $0x38;
	[tilespmem:$0x1DC60] =	vst v63  }
0x87: {  	_ =	swait.ge [sflag:s30], $0x2800  }
0x88: {  	[sflag:s30] =	ssyncset.done $0x0  }
0x89: {  	s25 =	rddreg [dreg:$0x1b];
	[sflag:s30] =	ssyncadd.s32 $0xFFFFD800  }
0x8a: {  	[spmem:s25] =	stream.linear.scatter [tilespmem:s6], [sflag:$0x9], $0x2800, $0x38;
	[tilespmem:$0x1DC60] =	vst v63  }
0x8b: {  	_ =	swait.ge [sflag:s30], $0x2800  }
0x8c: {  	[sflag:s30] =	ssyncset.done $0x0  }
0x8d: {  	s29 =	rddreg [dreg:$0x1c];
	[sflag:s30] =	ssyncadd.s32 $0xFFFFD800  }
0x8e: {  	[spmem:s29] =	stream.linear.scatter [tilespmem:s6], [sflag:$0x9], $0x2800, $0x38;
	[tilespmem:$0x1DC60] =	vst v63  }
0x8f: {  	_ =	swait.ge [sflag:s30], $0x2800  }
0x90: {  	[sflag:s30] =	ssyncset.done $0x0  }
0x91: {  	s12 =	rddreg [dreg:$0x1d];
	[sflag:s30] =	ssyncadd.s32 $0xFFFFD800  }
0x92: {  	[spmem:s12] =	stream.linear.scatter [tilespmem:s6], [sflag:$0x9], $0x2800, $0x38;
	[tilespmem:$0x1DC60] =	vst v63  }
0x93: {  	_ =	swait.ge [sflag:s30], $0x2800  }
0x94: {  	[sflag:s30] =	ssyncset.done $0x0  }
0x95: {  	s19 =	rddreg [dreg:$0x1e];
	[sflag:s30] =	ssyncadd.s32 $0xFFFFD800  }
0x96: {  	[spmem:s19] =	stream.linear.scatter [tilespmem:s6], [sflag:$0x9], $0x2800, $0x38;
	[tilespmem:$0x1DC60] =	vst v63  }
0x97: {  	_ =	swait.ge [sflag:s30], $0x2800  }
0x98: {  	[sflag:s30] =	ssyncset.done $0x0  }
0x99: {  	s20 =	rddreg [dreg:$0x1f];
	[sflag:s30] =	ssyncadd.s32 $0xFFFFD800  }
0x9a: {  	[spmem:s20] =	stream.linear.scatter [tilespmem:s6], [sflag:$0x9], $0x2800, $0x38;
	[tilespmem:$0x1DC60] =	vst v63  }
0x9b: {  	_ =	swait.ge [sflag:s30], $0x2800  }
0x9c: {  	s25 =	sld [smem:$0x7F4]  }
0x9d: {  	[sflag:s30] =	ssyncset.done $0x0  }
0x9e: {  	[sflag:s30] =	ssyncadd.s32 $0xFFFFD800  }
0x9f: {  	[spmem:s25] =	stream.linear.scatter [tilespmem:s6], [sflag:$0x9], $0x2800, $0x38;
	[tilespmem:$0x1DC60] =	vst v63  }
0xa0: {  	_ =	swait.ge [sflag:s30], $0x2800  }
0xa1: {  	s29 =	sld [smem:$0x7F5]  }
0xa2: {  	[sflag:s30] =	ssyncset.done $0x0  }
.Ltmp5:
0xa3: {  	[sflag:s30] =	ssyncadd.s32 $0xFFFFD800;
	(pc) =	sbr.rel @!p3 .LBB2_7-.Ltmp5, $4  }
0xa4: {  	[spmem:s29] =	stream.linear.scatter [tilespmem:s6], [sflag:$0x9], $0x2000, $0x38;
	[tilespmem:$0x1DC60] =	vst v63  }
0xa5: {  	_ =	swait.ge [sflag:s30], $0x2000  }
0xa6: {  	[sflag:s30] =	ssyncset.done $0x0  }
0xa7: {  	s19 =	simm.s32 $0x18C60;
	[sflag:s30] =	ssyncadd.s32 $0xFFFFE000  }
.LBB2_5:
.Ltmp6:
0xa8: {  	(pc) =	sbr.rel @!p0 .LBB2_9-.Ltmp6, $2  }
0xa9: {  	_ =	sdelay $0x1  }
0xaa: {  	[bflag:$0x0] =	sbarrier.arrive $0xFFFF;
	_ =	sdelay $0x1  }
.LBB2_18:
0xab: {  	s25 =	simm.s32 $0x0;
	s0 =	rddreg [dreg:$0xf];
	s6 =	simm.s32 $0x13A80  }
0xac: {  	[tilespmem:s6], [sflag:$0x1] =	stream.linear.gather [hbm4b:s0+s25], $0x50, $0x38;
	[tilespmem:$0x1DC60] =	vst v63  }
0xad: {  	s20 =	rddreg [dreg:$0x10];
	s12 =	simm.s32 $0x13B20  }
0xae: {  	[tilespmem:s12], [sflag:$0x1] =	stream.linear.gather [hbm4b:s20+s25], $0x50, $0x38;
	[tilespmem:$0x1DC60] =	vst v63  }
0xaf: {  	s29 =	rddreg [dreg:$0x11];
	s20 =	simm.s32 $0x13BC0  }
0xb0: {  	[tilespmem:s20], [sflag:$0x1] =	stream.linear.gather [hbm4b:s29+s25], $0x50, $0x38;
	[tilespmem:$0x1DC60] =	vst v63  }
0xb1: {  	s29 =	rddreg [dreg:$0x15]  }
0xb2: {  	[tilespmem:s21], [sflag:$0x2] =	stream.linear.gather [hbm4b:s29+s25], $0x50, $0x38;
	[tilespmem:$0x1DC60] =	vst v63  }
0xb3: {  	s29 =	rddreg [dreg:$0x16]  }
0xb4: {  	[tilespmem:s22], [sflag:$0x2] =	stream.linear.gather [hbm4b:s29+s25], $0x50, $0x38;
	[tilespmem:$0x1DC60] =	vst v63  }
0xb5: {  	s29 =	rddreg [dreg:$0x17]  }
0xb6: {  	[tilespmem:s23], [sflag:$0x2] =	stream.linear.gather [hbm4b:s29+s25], $0x50, $0x38;
	[tilespmem:$0x1DC60] =	vst v63  }
0xb7: {  	s29 =	simm.s32 $0x1  }
0xb8: {  	_ =	swait.ge [sflag:s29], $0x50  }
0xb9: {  	[sflag:s29] =	ssyncset.done $0x0  }
0xba: {  	[sflag:s29] =	ssyncadd.s32 $0xFFFFFFB0  }
0xbb: {  	_ =	swait.ge [sflag:s29], $0x50  }
0xbc: {  	[sflag:s29] =	ssyncset.done $0x0  }
0xbd: {  	[sflag:s29] =	ssyncadd.s32 $0xFFFFFFB0  }
0xbe: {  	_ =	swait.ge [sflag:s29], $0x50  }
0xbf: {  	[sflag:s29] =	ssyncset.done $0x0  }
0xc0: {  	[sflag:s29] =	ssyncadd.s32 $0xFFFFFFB0;
	s29 =	simm.s32 $0x13C60  }
0xc1: {  	[tilespmem:s29], [sflag:$0x3] =	stream.indirect.gather [hbm4b:s10+s26], $0x40, s6, s26, $0xb8;
	[tilespmem:$0x1DC60] =	vst v63  }
0xc2: {  	s29 =	simm.s32 $0x16460  }
0xc3: {  	[tilespmem:s29], [sflag:$0x5] =	stream.indirect.gather [hbm4b:s11+s26], $0x40, s12, s26, $0xb8;
	[tilespmem:$0x1DC60] =	vst v63  }
0xc4: {  	_ = 	snop  }
0xc5: {  	[tilespmem:s19], [sflag:$0x7] =	stream.indirect.gather [spmem:s2], $0x80, s20, s26, $0xb8;
	[tilespmem:$0x1DC60] =	vst v63  }
.LBB2_19:
0xc6: {  	_ =	swait.ge [sflag:s28], $0x1400  }
0xc7: {  	[sflag:s28] =	ssyncset.done $0x0  }
0xc8: {  	[sflag:s28] =	ssyncadd.s32 $0xFFFFEC00  }
0xc9: {  	_ =	swait.ge [sflag:s13], $0x1400  }
0xca: {  	[sflag:s13] =	ssyncset.done $0x0  }
0xcb: {  	[sflag:s13] =	ssyncadd.s32 $0xFFFFEC00  }
0xcc: {  	_ =	swait.ge [sflag:s17], $0x2800  }
0xcd: {  	[sflag:s17] =	ssyncset.done $0x0  }
0xce: {  	[sflag:s17] =	ssyncadd.s32 $0xFFFFD800  }
0xcf: {  	_ =	swait.ge [sflag:s31], $0x50  }
0xd0: {  	[sflag:s31] =	ssyncset.done $0x0  }
0xd1: {  	[sflag:s31] =	ssyncadd.s32 $0xFFFFFFB0  }
0xd2: {  	_ =	swait.ge [sflag:s31], $0x50  }
0xd3: {  	[sflag:s31] =	ssyncset.done $0x0  }
0xd4: {  	[sflag:s31] =	ssyncadd.s32 $0xFFFFFFB0  }
0xd5: {  	_ =	swait.ge [sflag:s31], $0x50  }
0xd6: {  	[sflag:s31] =	ssyncset.done $0x0  }
0xd7: {  	s0 =	simm.s32 $0x15060;
	[sflag:s31] =	ssyncadd.s32 $0xFFFFFFB0  }
0xd8: {  	[tilespmem:s0], [sflag:$0x4] =	stream.indirect.gather [hbm4b:s10+s26], $0x40, s21, s26, $0xb8;
	[tilespmem:$0x1DC60] =	vst v63  }
0xd9: {  	s6 =	simm.s32 $0x17860  }
0xda: {  	[tilespmem:s6], [sflag:$0x6] =	stream.indirect.gather [hbm4b:s11+s26], $0x40, s22, s26, $0xb8;
	[tilespmem:$0x1DC60] =	vst v63  }
0xdb: {  	s12 =	simm.s32 $0x13CE0  }
0xdc: {  	[tilespmem:s24], [sflag:$0x8] =	stream.indirect.gather [spmem:s2], $0x80, s23, s26, $0xb8;
	[tilespmem:$0x1DC60] =	vst v63  }
0xdd: {  	s20 =	simm.s32 $0x164E0;
	v1 =	vld [tilespmem:s12+$0x40]  }
0xde: {  	v2 =	vld [tilespmem:s20+$0x40]  }
0xdf: {  	v3 =	vld [tilespmem:s20+$0xFFFFFF80]  }
0xe0: {  	s6 =	simm.s32 $0x18D60;
	v4 =	vld [tilespmem:s12+$0xFFFFFFC0]  }
0xe1: {  	v5 =	vld [tilespmem:s6+$0x80]  }
0xe2: {  	v6 =	vld [tilespmem:s6+$0xC0]  }
0xe3: {  	v7 =	vld [tilespmem:s20+$0xFFFFFFC0]  }
0xe4: {  	v10 =	vld [tilespmem:s12+$0x0];
	v8 =	vshll.u32 v1, $0x10;
	v9 =	vshll.u32 v2, $0x10  }
0xe5: {  	v15 =	vld [tilespmem:s6+$0x0];
	v1 =	vand.u32 $0xFFFF0000, v1;
	v2 =	vand.u32 $0xFFFF0000, v2;
	v8 =	vadd.f32 v9, v8  }
0xe6: {  	v1 =	vadd.f32 v2, v1;
	v2 =	vld [tilespmem:s12+$0xFFFFFF80]  }
0xe7: {  	v9 =	vld [tilespmem:s20+$0x0];
	v5 =	vmul.f32 v8, v5  }
0xe8: {  	v8 =	vld [tilespmem:s6+$0xFFFFFF00];
	v1 =	vmul.f32 v6, v1  }
0xe9: {  	v6 =	vld [tilespmem:s6+$0xFFFFFF40];
	[tilespmem:s6+$0x80] =	vst v5  }
0xea: {  	v14 =	vshll.u32 v7, $0x10;
	v5 =	vld [tilespmem:s6+$0xFFFFFF80];
	[tilespmem:s6+$0xC0] =	vst v1  }
0xeb: {  	v7 =	vand.u32 $0xFFFF0000, v7;
	v1 =	vshll.u32 v3, $0x10;
	v11 =	vld [tilespmem:s12+$0x50];
	v12 =	vshll.u32 v2, $0x10  }
0xec: {  	v3 =	vand.u32 $0xFFFF0000, v3;
	v2 =	vand.u32 $0xFFFF0000, v2;
	v13 =	vld [tilespmem:s20+$0x50];
	v1 =	vadd.f32 v1, v12  }
0xed: {  	v12 =	vshll.u32 v4, $0x10;
	v2 =	vadd.f32 v3, v2;
	v3 =	vld [tilespmem:s6+$0xFFFFFFC0];
	v4 =	vand.u32 $0xFFFF0000, v4  }
0xee: {  	v4 =	vadd.f32 v7, v4;
	v7 =	vld [tilespmem:s6+$0xD0];
	v1 =	vmul.f32 v1, v8;
	v8 =	vadd.f32 v14, v12  }
0xef: {  	v2 =	vmul.f32 v6, v2;
	v6 =	vld [tilespmem:s6+$0x90]  }
0xf0: {  	v12 =	vshll.u32 v10, $0x10;
	v10 =	vand.u32 $0xFFFF0000, v10;
	[tilespmem:s6+$0xFFFFFF00] =	vst v1;
	v1 =	vmul.f32 v8, v5;
	v5 =	vld [tilespmem:s6+$0x40]  }
0xf1: {  	v8 =	vshll.u32 v11, $0x10;
	v14 =	vshll.u32 v13, $0x10;
	[tilespmem:s6+$0xFFFFFF40] =	vst v2;
	v2 =	vld [tilespmem:s6+$0xFFFFFF10];
	v11 =	vand.u32 $0xFFFF0000, v11  }
0xf2: {  	v13 =	vand.u32 $0xFFFF0000, v13;
	v8 =	vadd.f32 v14, v8;
	v16 =	vld [tilespmem:s12+$0xFFFFFF90];
	v3 =	vmul.f32 v3, v4  }
0xf3: {  	v14 =	vshll.u32 v9, $0x10;
	v4 =	vadd.f32 v13, v11;
	v9 =	vand.u32 $0xFFFF0000, v9;
	[tilespmem:s6+$0xFFFFFF80] =	vst v1;
	v1 =	vld [tilespmem:s20+$0xFFFFFF90]  }
0xf4: {  	v11 =	vadd.f32 v14, v12;
	v6 =	vmul.f32 v8, v6;
	v8 =	vadd.f32 v9, v10;
	v9 =	vld [tilespmem:s6+$0xFFFFFF50];
	[tilespmem:s6+$0xFFFFFFC0] =	vst v3  }
0xf5: {  	v3 =	vmul.f32 v7, v4;
	v7 =	vld [tilespmem:s12+$0xFFFFFFD0]  }
0xf6: {  	v4 =	vmul.f32 v11, v15;
	v15 =	vld [tilespmem:s6+$0xFFFFFFD0];
	[tilespmem:s6+$0x90] =	vst v6  }
0xf7: {  	v5 =	vmul.f32 v5, v8;
	v6 =	vld [tilespmem:s20+$0xFFFFFFD0];
	[tilespmem:s6+$0xD0] =	vst v3  }
0xf8: {  	[tilespmem:s6+$0x0] =	vst v4;
	v3 =	vld [tilespmem:s12+$0x60]  }
0xf9: {  	v4 =	vld [tilespmem:s20+$0x60];
	[tilespmem:s6+$0x40] =	vst v5  }
0xfa: {  	v5 =	vshll.u32 v16, $0x10;
	v8 =	vshll.u32 v1, $0x10;
	v10 =	vld [tilespmem:s12+$0x10]  }
0xfb: {  	v11 =	vand.u32 $0xFFFF0000, v16;
	v1 =	vand.u32 $0xFFFF0000, v1;
	v5 =	vadd.f32 v8, v5;
	v8 =	vld [tilespmem:s20+$0x10]  }
0xfc: {  	v1 =	vadd.f32 v1, v11;
	v11 =	vld [tilespmem:s6+$0xA0]  }
0xfd: {  	v12 =	vshll.u32 v7, $0x10;
	v7 =	vand.u32 $0xFFFF0000, v7;
	v2 =	vmul.f32 v5, v2;
	v5 =	vld [tilespmem:s6+$0xE0]  }
0xfe: {  	v1 =	vmul.f32 v9, v1;
	v9 =	vld [tilespmem:s6+$0xFFFFFF90];
	v13 =	vshll.u32 v3, $0x10;
	v14 =	vshll.u32 v4, $0x10  }
0xff: {  	v3 =	vand.u32 $0xFFFF0000, v3;
	v4 =	vand.u32 $0xFFFF0000, v4;
	v13 =	vadd.f32 v14, v13;
	[tilespmem:s6+$0xFFFFFF10] =	vst v2;
	v2 =	vld [tilespmem:s6+$0x10]  }
0x100: {  	v14 =	vshll.u32 v6, $0x10;
	v3 =	vadd.f32 v4, v3;
	v4 =	vand.u32 $0xFFFF0000, v6;
	[tilespmem:s6+$0xFFFFFF50] =	vst v1;
	v1 =	vld [tilespmem:s6+$0x50]  }
0x101: {  	v6 =	vadd.f32 v14, v12;
	v4 =	vadd.f32 v4, v7;
	v12 =	vld [tilespmem:s12+$0xFFFFFFA0];
	v11 =	vmul.f32 v13, v11  }
0x102: {  	v7 =	vshll.u32 v10, $0x10;
	v13 =	vld [tilespmem:s20+$0xFFFFFFA0];
	v3 =	vmul.f32 v5, v3  }
0x103: {  	v5 =	vshll.u32 v8, $0x10;
	v6 =	vmul.f32 v6, v9;
	v4 =	vmul.f32 v15, v4;
	v15 =	vld [tilespmem:s6+$0x20];
	[tilespmem:s6+$0xA0] =	vst v11  }
0x104: {  	v10 =	vand.u32 $0xFFFF0000, v10;
	v8 =	vand.u32 $0xFFFF0000, v8;
	v5 =	vadd.f32 v5, v7;
	v7 =	vld [tilespmem:s6+$0xFFFFFF20];
	[tilespmem:s6+$0xE0] =	vst v3  }
0x105: {  	v3 =	vadd.f32 v8, v10;
	[tilespmem:s6+$0xFFFFFF90] =	vst v6;
	v6 =	vld [tilespmem:s12+$0x70]  }
0x106: {  	[tilespmem:s6+$0xFFFFFFD0] =	vst v4;
	v2 =	vmul.f32 v5, v2;
	v5 =	vld [tilespmem:s20+$0x70]  }
0x107: {  	v1 =	vmul.f32 v1, v3;
	v3 =	vld [tilespmem:s12+$0xFFFFFFE0]  }
0x108: {  	v8 =	vshll.u32 v12, $0x10;
	v9 =	vshll.u32 v13, $0x10;
	[tilespmem:s6+$0x10] =	vst v2;
	v2 =	vld [tilespmem:s20+$0xFFFFFFE0]  }
0x109: {  	v8 =	vadd.f32 v9, v8;
	v9 =	vld [tilespmem:s6+$0xFFFFFF60];
	[tilespmem:s6+$0x50] =	vst v1  }
0x10a: {  	v4 =	vld [tilespmem:s12+$0x20]  }
0x10b: {  	v10 =	vld [tilespmem:s20+$0x20]  }
0x10c: {  	v11 =	vand.u32 $0xFFFF0000, v12;
	v12 =	vand.u32 $0xFFFF0000, v13;
	v13 =	vld [tilespmem:s6+$0xFFFFFFA0]  }
0x10d: {  	v11 =	vadd.f32 v12, v11;
	v12 =	vld [tilespmem:s6+$0xFFFFFFE0];
	v7 =	vmul.f32 v8, v7;
	v8 =	vshll.u32 v3, $0x10  }
0x10e: {  	v1 =	vld [tilespmem:s6+$0xF0];
	v3 =	vand.u32 $0xFFFF0000, v3;
	v14 =	vshll.u32 v2, $0x10;
	v2 =	vand.u32 $0xFFFF0000, v2  }
0x10f: {  	[tilespmem:s6+$0xFFFFFF20] =	vst v7;
	v9 =	vmul.f32 v9, v11;
	v7 =	vadd.f32 v14, v8;
	v8 =	vadd.f32 v2, v3;
	v14 =	vld [tilespmem:s6+$0x60]  }
0x110: {  	v3 =	vld [tilespmem:s6+$0xFFFFFF30];
	v2 =	vshll.u32 v4, $0x10;
	v4 =	vand.u32 $0xFFFF0000, v4;
	v16 =	vshll.u32 v10, $0x10  }
0x111: {  	v10 =	vand.u32 $0xFFFF0000, v10;
	v11 =	vadd.f32 v16, v2;
	v2 =	vld [tilespmem:s6+$0xFFFFFF70];
	v7 =	vmul.f32 v7, v13  }
0x112: {  	[tilespmem:s6+$0xFFFFFF60] =	vst v9;
	v10 =	vadd.f32 v10, v4;
	v8 =	vmul.f32 v12, v8;
	v4 =	vld [tilespmem:s6+$0xFFFFFFB0]  }
0x113: {  	v9 =	vld [tilespmem:s12+$0xFFFFFFB0];
	[tilespmem:s6+$0xFFFFFFA0] =	vst v7;
	v7 =	vmul.f32 v11, v15  }
0x114: {  	v11 =	vld [tilespmem:s20+$0xFFFFFFB0];
	[tilespmem:s6+$0xFFFFFFE0] =	vst v8;
	v8 =	vmul.f32 v14, v10  }
0x115: {  	v12 =	vand.u32 $0xFFFF0000, v5;
	v10 =	vand.u32 $0xFFFF0000, v6;
	v13 =	vld [tilespmem:s12+$0xFFFFFFF0];
	[tilespmem:s6+$0x20] =	vst v7  }
0x116: {  	v7 =	vadd.f32 v12, v10;
	v12 =	vld [tilespmem:s20+$0xFFFFFFF0];
	[tilespmem:s6+$0x60] =	vst v8  }
0x117: {  	v5 =	vshll.u32 v5, $0x10;
	v6 =	vshll.u32 v6, $0x10;
	v14 =	vld [tilespmem:s12+$0x30]  }
0x118: {  	v7 =	vmul.f32 v1, v7;
	v1 =	vadd.f32 v5, v6;
	v6 =	vshll.u32 v9, $0x10;
	v8 =	vld [tilespmem:s20+$0x30]  }
0x119: {  	v9 =	vand.u32 $0xFFFF0000, v9;
	v5 =	vld [tilespmem:s6+$0xFFFFFFF0];
	v10 =	vshll.u32 v11, $0x10;
	v11 =	vand.u32 $0xFFFF0000, v11  }
0x11a: {  	v10 =	vadd.f32 v10, v6;
	v15 =	vshll.u32 v13, $0x10;
	v13 =	vand.u32 $0xFFFF0000, v13;
	v6 =	vld [tilespmem:s6+$0x30]  }
0x11b: {  	[tilespmem:s6+$0xF0] =	vst v7;
	v11 =	vadd.f32 v11, v9;
	v7 =	vld [tilespmem:s6+$0x70];
	v9 =	vshll.u32 v12, $0x10;
	v16 =	vand.u32 $0xFFFF0000, v12  }
0x11c: {  	s29 =	simm.s32 $0x18D60;
	s0 =	simm.s32 $0x13DE0;
	s12 =	simm.s32 $0x0;
	v12 =	vadd.f32 v9, v15;
	v9 =	vld [tilespmem:s6+$0xB0];
	v15 =	vshll.u32 v14, $0x10;
	v14 =	vand.u32 $0xFFFF0000, v14  }
.LBB2_20:
0x11d: {  	v17 =	vld [tilespmem:s0+$0x40];
	v13 =	vadd.f32 v16, v13;
	v16 =	vshll.u32 v8, $0x10;
	v8 =	vand.u32 $0xFFFF0000, v8;
	s20 =	sadd.s32 $0x100, s20  }
0x11e: {  	v3 =	vmul.f32 v10, v3;
	v18 =	vld [tilespmem:s20+$0x40];
	v10 =	vadd.f32 v16, v15;
	v8 =	vadd.f32 v8, v14  }
0x11f: {  	v2 =	vmul.f32 v2, v11;
	v4 =	vmul.f32 v12, v4;
	v14 =	vld [tilespmem:s20+$0xFFFFFF80]  }
0x120: {  	s29 =	sadd.s32 $0x200, s29;
	v11 =	vld [tilespmem:s0+$0xFFFFFFC0];
	[tilespmem:s6+$0xFFFFFF30] =	vst v3;
	v3 =	vmul.f32 v5, v13;
	v5 =	vmul.f32 v10, v6  }
0x121: {  	v6 =	vld [tilespmem:s29+$0x80];
	[tilespmem:s6+$0xFFFFFF70] =	vst v2;
	v2 =	vmul.f32 v7, v8;
	v1 =	vmul.f32 v1, v9  }
0x122: {  	v7 =	vld [tilespmem:s29+$0xC0];
	[tilespmem:s6+$0xFFFFFFB0] =	vst v4  }
0x123: {  	v8 =	vshll.u32 v17, $0x10;
	v4 =	vld [tilespmem:s20+$0xFFFFFFC0];
	v9 =	vshll.u32 v18, $0x10;
	[tilespmem:s6+$0xFFFFFFF0] =	vst v3  }
0x124: {  	s12 =	sadd.s32 $0x4, s12;
	v10 =	vand.u32 $0xFFFF0000, v17;
	v12 =	vand.u32 $0xFFFF0000, v18;
	v3 =	vld [tilespmem:s0+$0x0];
	v8 =	vadd.f32 v9, v8;
	[tilespmem:s6+$0x30] =	vst v5  }
0x125: {  	p4 =	slt.u32 s12, $0x4C;
	v5 =	vshll.u32 v14, $0x10;
	v9 =	vand.u32 $0xFFFF0000, v14;
	v10 =	vadd.f32 v12, v10;
	v13 =	vld [tilespmem:s20+$0x0];
	[tilespmem:s6+$0x70] =	vst v2  }
0x126: {  	v12 =	vshll.u32 v11, $0x10;
	v11 =	vand.u32 $0xFFFF0000, v11;
	v2 =	vld [tilespmem:s0+$0xFFFFFF80];
	v6 =	vmul.f32 v8, v6;
	[tilespmem:s6+$0xB0] =	vst v1;
	s6 =	smov.u32 s29  }
0x127: {  	v1 =	vld [tilespmem:s29+$0xFFFFFF00];
	v7 =	vmul.f32 v7, v10  }
0x128: {  	v8 =	vld [tilespmem:s29+$0xFFFFFF40];
	v10 =	vshll.u32 v4, $0x10;
	v4 =	vand.u32 $0xFFFF0000, v4;
	[tilespmem:s29+$0x80] =	vst v6  }
0x129: {  	v6 =	vadd.f32 v10, v12;
	v10 =	vld [tilespmem:s29+$0xFFFFFF80];
	v12 =	vshll.u32 v3, $0x10;
	v3 =	vand.u32 $0xFFFF0000, v3;
	[tilespmem:s29+$0xC0] =	vst v7  }
0x12a: {  	v4 =	vadd.f32 v4, v11;
	v7 =	vshll.u32 v13, $0x10;
	v11 =	vand.u32 $0xFFFF0000, v13;
	v13 =	vld [tilespmem:s0+$0x50]  }
0x12b: {  	v14 =	vshll.u32 v2, $0x10;
	v2 =	vand.u32 $0xFFFF0000, v2;
	v7 =	vadd.f32 v7, v12;
	v12 =	vld [tilespmem:s20+$0x50]  }
0x12c: {  	v5 =	vadd.f32 v5, v14;
	v2 =	vadd.f32 v9, v2;
	v9 =	vld [tilespmem:s29+$0xFFFFFFC0]  }
0x12d: {  	v3 =	vadd.f32 v11, v3;
	v14 =	vld [tilespmem:s29+$0x0]  }
0x12e: {  	v1 =	vmul.f32 v5, v1;
	v2 =	vmul.f32 v8, v2;
	v5 =	vld [tilespmem:s29+$0x90]  }
0x12f: {  	v6 =	vmul.f32 v6, v10;
	v8 =	vld [tilespmem:s29+$0xD0]  }
0x130: {  	v10 =	vshll.u32 v13, $0x10;
	[tilespmem:s29+$0xFFFFFF00] =	vst v1;
	v1 =	vld [tilespmem:s29+$0x40];
	v11 =	vshll.u32 v12, $0x10  }
0x131: {  	v13 =	vand.u32 $0xFFFF0000, v13;
	v12 =	vand.u32 $0xFFFF0000, v12;
	[tilespmem:s29+$0xFFFFFF40] =	vst v2;
	v2 =	vld [tilespmem:s29+$0xFFFFFF10];
	v10 =	vadd.f32 v11, v10  }
0x132: {  	v4 =	vmul.f32 v9, v4;
	v11 =	vld [tilespmem:s0+$0xFFFFFF90];
	[tilespmem:s29+$0xFFFFFF80] =	vst v6;
	v6 =	vmul.f32 v7, v14;
	v7 =	vadd.f32 v12, v13  }
0x133: {  	v9 =	vld [tilespmem:s20+$0xFFFFFF90];
	v5 =	vmul.f32 v10, v5  }
0x134: {  	v10 =	vld [tilespmem:s29+$0xFFFFFF50];
	[tilespmem:s29+$0xFFFFFFC0] =	vst v4;
	v4 =	vmul.f32 v8, v7  }
0x135: {  	v7 =	vld [tilespmem:s0+$0xFFFFFFD0];
	v1 =	vmul.f32 v1, v3;
	[tilespmem:s29+$0x90] =	vst v5  }
0x136: {  	v3 =	vld [tilespmem:s20+$0xFFFFFFD0];
	[tilespmem:s29+$0xD0] =	vst v4  }
0x137: {  	v4 =	vshll.u32 v11, $0x10;
	v5 =	vand.u32 $0xFFFF0000, v11;
	[tilespmem:s29+$0x0] =	vst v6;
	v6 =	vld [tilespmem:s0+$0x60]  }
0x138: {  	v8 =	vshll.u32 v9, $0x10;
	v9 =	vand.u32 $0xFFFF0000, v9;
	[tilespmem:s29+$0x40] =	vst v1;
	v1 =	vld [tilespmem:s20+$0x60]  }
0x139: {  	v4 =	vadd.f32 v8, v4;
	v5 =	vadd.f32 v9, v5;
	v8 =	vld [tilespmem:s0+$0x10]  }
0x13a: {  	v9 =	vshll.u32 v7, $0x10;
	v7 =	vand.u32 $0xFFFF0000, v7;
	v11 =	vld [tilespmem:s20+$0x10]  }
0x13b: {  	v2 =	vmul.f32 v4, v2;
	v4 =	vshll.u32 v3, $0x10;
	v3 =	vand.u32 $0xFFFF0000, v3;
	v12 =	vld [tilespmem:s29+$0xA0]  }
0x13c: {  	v5 =	vmul.f32 v10, v5;
	v4 =	vadd.f32 v4, v9;
	v3 =	vadd.f32 v3, v7;
	v7 =	vld [tilespmem:s29+$0xE0]  }
0x13d: {  	v9 =	vshll.u32 v6, $0x10;
	[tilespmem:s29+$0xFFFFFF10] =	vst v2;
	v2 =	vld [tilespmem:s29+$0xFFFFFF90];
	v10 =	vshll.u32 v1, $0x10  }
0x13e: {  	v6 =	vand.u32 $0xFFFF0000, v6;
	v1 =	vand.u32 $0xFFFF0000, v1;
	[tilespmem:s29+$0xFFFFFF50] =	vst v5;
	v5 =	vld [tilespmem:s29+$0xFFFFFFD0];
	v9 =	vadd.f32 v10, v9  }
0x13f: {  	v10 =	vshll.u32 v8, $0x10;
	v1 =	vadd.f32 v1, v6;
	v13 =	vshll.u32 v11, $0x10;
	v14 =	vld [tilespmem:s29+$0x10]  }
0x140: {  	v6 =	vand.u32 $0xFFFF0000, v8;
	v8 =	vand.u32 $0xFFFF0000, v11;
	v11 =	vld [tilespmem:s29+$0x50];
	v9 =	vmul.f32 v9, v12  }
0x141: {  	v10 =	vadd.f32 v13, v10;
	v6 =	vadd.f32 v8, v6;
	v12 =	vld [tilespmem:s0+$0xFFFFFFA0];
	v1 =	vmul.f32 v7, v1  }
0x142: {  	v7 =	vld [tilespmem:s20+$0xFFFFFFA0];
	v2 =	vmul.f32 v4, v2;
	[tilespmem:s29+$0xA0] =	vst v9  }
0x143: {  	v4 =	vld [tilespmem:s29+$0xFFFFFF20];
	v3 =	vmul.f32 v5, v3;
	[tilespmem:s29+$0xE0] =	vst v1  }
0x144: {  	[tilespmem:s29+$0xFFFFFF90] =	vst v2;
	v1 =	vmul.f32 v10, v14;
	v2 =	vld [tilespmem:s0+$0x70]  }
0x145: {  	[tilespmem:s29+$0xFFFFFFD0] =	vst v3;
	v3 =	vmul.f32 v11, v6;
	v5 =	vld [tilespmem:s20+$0x70]  }
0x146: {  	v6 =	vshll.u32 v12, $0x10;
	v8 =	vand.u32 $0xFFFF0000, v12;
	v9 =	vld [tilespmem:s0+$0xFFFFFFE0];
	[tilespmem:s29+$0x10] =	vst v1  }
0x147: {  	v1 =	vshll.u32 v7, $0x10;
	v7 =	vand.u32 $0xFFFF0000, v7;
	v10 =	vld [tilespmem:s20+$0xFFFFFFE0];
	[tilespmem:s29+$0x50] =	vst v3  }
0x148: {  	v1 =	vadd.f32 v1, v6;
	v3 =	vadd.f32 v7, v8;
	v6 =	vld [tilespmem:s29+$0xF0]  }
0x149: {  	v7 =	vld [tilespmem:s0+$0x20];
	v8 =	vshll.u32 v2, $0x10  }
0x14a: {  	v2 =	vand.u32 $0xFFFF0000, v2;
	v1 =	vmul.f32 v1, v4;
	v4 =	vld [tilespmem:s20+$0x20];
	v11 =	vand.u32 $0xFFFF0000, v5  }
0x14b: {  	v12 =	vld [tilespmem:s29+$0xFFFFFF60];
	v13 =	vshll.u32 v9, $0x10;
	v9 =	vand.u32 $0xFFFF0000, v9;
	v2 =	vadd.f32 v11, v2  }
0x14c: {  	v5 =	vshll.u32 v5, $0x10;
	[tilespmem:s29+$0xFFFFFF20] =	vst v1;
	v1 =	vshll.u32 v10, $0x10;
	v10 =	vand.u32 $0xFFFF0000, v10;
	v11 =	vld [tilespmem:s29+$0xFFFFFFA0]  }
0x14d: {  	v13 =	vadd.f32 v1, v13;
	v9 =	vadd.f32 v10, v9;
	v10 =	vld [tilespmem:s29+$0xFFFFFFE0];
	v2 =	vmul.f32 v6, v2  }
0x14e: {  	v1 =	vadd.f32 v5, v8;
	v6 =	vshll.u32 v7, $0x10;
	v7 =	vand.u32 $0xFFFF0000, v7;
	v14 =	vld [tilespmem:s29+$0x20]  }
0x14f: {  	v5 =	vshll.u32 v4, $0x10;
	v4 =	vand.u32 $0xFFFF0000, v4;
	v8 =	vld [tilespmem:s29+$0x60];
	[tilespmem:s29+$0xF0] =	vst v2  }
0x150: {  	v12 =	vmul.f32 v12, v3;
	v3 =	vld [tilespmem:s29+$0xFFFFFF30];
	v5 =	vadd.f32 v5, v6;
	v6 =	vadd.f32 v4, v7  }
0x151: {  	v2 =	vld [tilespmem:s29+$0xFFFFFF70];
	v7 =	vmul.f32 v13, v11  }
0x152: {  	[tilespmem:s29+$0xFFFFFF60] =	vst v12;
	v9 =	vmul.f32 v10, v9;
	v4 =	vld [tilespmem:s29+$0xFFFFFFB0]  }
0x153: {  	v10 =	vld [tilespmem:s0+$0xFFFFFFB0];
	[tilespmem:s29+$0xFFFFFFA0] =	vst v7;
	v5 =	vmul.f32 v5, v14  }
0x154: {  	v7 =	vld [tilespmem:s20+$0xFFFFFFB0];
	[tilespmem:s29+$0xFFFFFFE0] =	vst v9;
	v6 =	vmul.f32 v8, v6  }
0x155: {  	v9 =	vld [tilespmem:s0+$0xFFFFFFF0];
	[tilespmem:s29+$0x20] =	vst v5  }
0x156: {  	v12 =	vld [tilespmem:s20+$0xFFFFFFF0];
	[tilespmem:s29+$0x60] =	vst v6  }
0x157: {  	v14 =	vld [tilespmem:s0+$0x30]  }
.Ltmp7:
0x158: {  	v6 =	vshll.u32 v10, $0x10;
	v11 =	vand.u32 $0xFFFF0000, v10;
	v8 =	vld [tilespmem:s20+$0x30];
	(pc) =	sbr.rel @p4 .LBB2_20-.Ltmp7, $4  }
0x159: {  	v10 =	vshll.u32 v7, $0x10;
	v7 =	vand.u32 $0xFFFF0000, v7;
	v5 =	vld [tilespmem:s29+$0xFFFFFFF0]  }
0x15a: {  	v10 =	vadd.f32 v10, v6;
	v15 =	vshll.u32 v9, $0x10;
	v13 =	vand.u32 $0xFFFF0000, v9;
	v6 =	vld [tilespmem:s29+$0x30]  }
0x15b: {  	v11 =	vadd.f32 v7, v11;
	v9 =	vshll.u32 v12, $0x10;
	v16 =	vand.u32 $0xFFFF0000, v12;
	v7 =	vld [tilespmem:s29+$0x70]  }
0x15c: {  	s0 =	sadd.s32 $0x100, s0;
	v12 =	vadd.f32 v9, v15;
	v15 =	vshll.u32 v14, $0x10;
	v14 =	vand.u32 $0xFFFF0000, v14;
	v9 =	vld [tilespmem:s29+$0xB0]  }
0x15d: {  	v3 =	vmul.f32 v10, v3  }
0x15e: {  	v10 =	vadd.f32 v16, v13;
	v13 =	vshll.u32 v8, $0x10;
	v2 =	vmul.f32 v2, v11  }
0x15f: {  	v8 =	vand.u32 $0xFFFF0000, v8;
	v11 =	vadd.f32 v13, v15;
	v4 =	vmul.f32 v12, v4;
	[tilespmem:s6+$0xFFFFFF30] =	vst v3  }
0x160: {  	v3 =	vadd.f32 v8, v14;
	v5 =	vmul.f32 v5, v10;
	[tilespmem:s6+$0xFFFFFF70] =	vst v2  }
0x161: {  	v2 =	vmul.f32 v11, v6;
	[tilespmem:s6+$0xFFFFFFB0] =	vst v4  }
0x162: {  	v3 =	vmul.f32 v7, v3;
	[tilespmem:s6+$0xFFFFFFF0] =	vst v5  }
0x163: {  	v1 =	vmul.f32 v1, v9;
	[tilespmem:s6+$0x30] =	vst v2  }
0x164: {  	[tilespmem:s6+$0x70] =	vst v3  }
0x165: {  	s0 =	simm.s32 $0x13B20;
	[tilespmem:s6+$0xB0] =	vst v1  }
0x166: {  	[spmem:s1] =	stream.indirect.scatter.add.f32 [tilespmem:s19], [sflag:$0x9], $0x80, s0, s26, $0xb8;
	[tilespmem:$0x1DC60] =	vst v63  }
0x167: {  	_ =	swait.ge [sflag:s30], $0x2800  }
0x168: {  	p4 =	seq.s32 s25, $0x7C;
	[sflag:s30] =	ssyncset.done $0x0  }
0x169: {  	s0 =	simm.s32 @p4 $0x4;
	[sflag:s30] =	ssyncadd.s32 $0xFFFFD800  }
0x16a: {  	_ =	swait.ge @p4 [sflag:s0], $0x1400  }
0x16b: {  	[sflag:s0] =	ssyncset.done @p4 $0x0  }
0x16c: {  	[sflag:s0] =	ssyncadd.s32 @p4 $0xFFFFEC00;
	s0 =	simm.s32 @p4 $0x6  }
0x16d: {  	_ =	swait.ge @p4 [sflag:s0], $0x1400  }
0x16e: {  	[sflag:s0] =	ssyncset.done @p4 $0x0  }
0x16f: {  	s6 =	smul.u32 @!p4 $0xA0, s25;
	[sflag:s0] =	ssyncadd.s32 @p4 $0xFFFFEC00;
	s0 =	simm.s32 @p4 $0x8  }
0x170: {  	_ =	swait.ge @p4 [sflag:s0], $0x2800  }
0x171: {  	s6 =	sadd.s32 @!p4 s6, s18;
	[sflag:s0] =	ssyncset.done @p4 $0x0  }
0x172: {  	[sflag:s0] =	ssyncadd.s32 @p4 $0xFFFFD800;
	s0 =	sshrl.u32 @!p4 s6, $0x3  }
0x173: {  	s12 =	simm.s32 @!p4 $0x0;
	s20 =	simm.s32 @!p4 $0x13A80;
	s6 =	sadd.s32 @!p4 s14, s0  }
0x174: {  	[tilespmem:s20], [sflag:$0x1] =	stream.linear.gather @!p4 [hbm4b:s6+s12], $0x50, $0x38;
	[tilespmem:$0x1DC60] =	vst v63  }
0x175: {  	s29 =	simm.s32 @!p4 $0x13B20;
	s6 =	sadd.s32 @!p4 s15, s0  }
0x176: {  	[tilespmem:s29], [sflag:$0x1] =	stream.linear.gather @!p4 [hbm4b:s6+s12], $0x50, $0x38;
	[tilespmem:$0x1DC60] =	vst v63  }
0x177: {  	s0 =	sadd.s32 @!p4 s16, s0;
	s6 =	simm.s32 @!p4 $0x13BC0  }
0x178: {  	[tilespmem:s6], [sflag:$0x1] =	stream.linear.gather @!p4 [hbm4b:s0+s12], $0x50, $0x38;
	[tilespmem:$0x1DC60] =	vst v63  }
0x179: {  	s0 =	simm.s32 @!p4 $0x4  }
0x17a: {  	_ =	swait.ge @!p4 [sflag:s0], $0x1400  }
0x17b: {  	[sflag:s0] =	ssyncset.done @!p4 $0x0  }
0x17c: {  	[sflag:s0] =	ssyncadd.s32 @!p4 $0xFFFFEC00;
	s0 =	simm.s32 @!p4 $0x6  }
0x17d: {  	_ =	swait.ge @!p4 [sflag:s0], $0x1400  }
0x17e: {  	[sflag:s0] =	ssyncset.done @!p4 $0x0  }
0x17f: {  	[sflag:s0] =	ssyncadd.s32 @!p4 $0xFFFFEC00;
	s0 =	simm.s32 @!p4 $0x8  }
0x180: {  	_ =	swait.ge @!p4 [sflag:s0], $0x2800  }
0x181: {  	[sflag:s0] =	ssyncset.done @!p4 $0x0  }
0x182: {  	[sflag:s0] =	ssyncadd.s32 @!p4 $0xFFFFD800;
	s0 =	simm.s32 @!p4 $0x1  }
0x183: {  	_ =	swait.ge @!p4 [sflag:s0], $0x50  }
0x184: {  	[sflag:s0] =	ssyncset.done @!p4 $0x0  }
0x185: {  	[sflag:s0] =	ssyncadd.s32 @!p4 $0xFFFFFFB0  }
0x186: {  	_ =	swait.ge @!p4 [sflag:s0], $0x50  }
0x187: {  	[sflag:s0] =	ssyncset.done @!p4 $0x0  }
0x188: {  	[sflag:s0] =	ssyncadd.s32 @!p4 $0xFFFFFFB0  }
0x189: {  	_ =	swait.ge @!p4 [sflag:s0], $0x50  }
0x18a: {  	[sflag:s0] =	ssyncset.done @!p4 $0x0  }
0x18b: {  	s12 =	simm.s32 @!p4 $0x13C60;
	[sflag:s0] =	ssyncadd.s32 @!p4 $0xFFFFFFB0;
	s0 =	simm.s32 @!p4 $0x50  }
0x18c: {  	[tilespmem:s12], [sflag:$0x3] =	stream.indirect.gather @!p4 [hbm4b:s10+s0], $0x40, s20, s0, $0xb8;
	[tilespmem:$0x1DC60] =	vst v63  }
0x18d: {  	s12 =	simm.s32 @!p4 $0x16460  }
0x18e: {  	[tilespmem:s12], [sflag:$0x5] =	stream.indirect.gather @!p4 [hbm4b:s11+s0], $0x40, s29, s0, $0xb8;
	[tilespmem:$0x1DC60] =	vst v63  }
0x18f: {  	s12 =	simm.s32 @!p4 $0x18C60  }
0x190: {  	[tilespmem:s12], [sflag:$0x7] =	stream.indirect.gather @!p4 [spmem:s2], $0x80, s6, s0, $0xb8;
	[tilespmem:$0x1DC60] =	vst v63  }
0x191: {  	s12 =	simm.s32 $0x150E0  }
0x192: {  	s20 =	simm.s32 $0x178E0;
	v1 =	vld [tilespmem:s12+$0x40]  }
0x193: {  	v2 =	vld [tilespmem:s20+$0x40]  }
0x194: {  	v3 =	vld [tilespmem:s20+$0xFFFFFF80]  }
0x195: {  	s6 =	simm.s32 $0x1B560;
	v4 =	vld [tilespmem:s12+$0xFFFFFFC0]  }
0x196: {  	v5 =	vld [tilespmem:s6+$0x80]  }
0x197: {  	v6 =	vld [tilespmem:s6+$0xC0]  }
0x198: {  	v7 =	vld [tilespmem:s20+$0xFFFFFFC0]  }
0x199: {  	v10 =	vld [tilespmem:s12+$0x0];
	v8 =	vshll.u32 v1, $0x10;
	v9 =	vshll.u32 v2, $0x10  }
0x19a: {  	v15 =	vld [tilespmem:s6+$0x0];
	v1 =	vand.u32 $0xFFFF0000, v1;
	v2 =	vand.u32 $0xFFFF0000, v2;
	v8 =	vadd.f32 v9, v8  }
0x19b: {  	v1 =	vadd.f32 v2, v1;
	v2 =	vld [tilespmem:s12+$0xFFFFFF80]  }
0x19c: {  	v9 =	vld [tilespmem:s20+$0x0];
	v5 =	vmul.f32 v8, v5  }
0x19d: {  	v8 =	vld [tilespmem:s6+$0xFFFFFF00];
	v1 =	vmul.f32 v6, v1  }
0x19e: {  	v6 =	vld [tilespmem:s6+$0xFFFFFF40];
	[tilespmem:s6+$0x80] =	vst v5  }
0x19f: {  	v14 =	vshll.u32 v7, $0x10;
	v5 =	vld [tilespmem:s6+$0xFFFFFF80];
	[tilespmem:s6+$0xC0] =	vst v1  }
0x1a0: {  	v7 =	vand.u32 $0xFFFF0000, v7;
	v1 =	vshll.u32 v3, $0x10;
	v11 =	vld [tilespmem:s12+$0x50];
	v12 =	vshll.u32 v2, $0x10  }
0x1a1: {  	v3 =	vand.u32 $0xFFFF0000, v3;
	v2 =	vand.u32 $0xFFFF0000, v2;
	v13 =	vld [tilespmem:s20+$0x50];
	v1 =	vadd.f32 v1, v12  }
0x1a2: {  	v12 =	vshll.u32 v4, $0x10;
	v2 =	vadd.f32 v3, v2;
	v3 =	vld [tilespmem:s6+$0xFFFFFFC0];
	v4 =	vand.u32 $0xFFFF0000, v4  }
0x1a3: {  	v4 =	vadd.f32 v7, v4;
	v7 =	vld [tilespmem:s6+$0xD0];
	v1 =	vmul.f32 v1, v8;
	v8 =	vadd.f32 v14, v12  }
0x1a4: {  	v2 =	vmul.f32 v6, v2;
	v6 =	vld [tilespmem:s6+$0x90]  }
0x1a5: {  	v12 =	vshll.u32 v10, $0x10;
	v10 =	vand.u32 $0xFFFF0000, v10;
	[tilespmem:s6+$0xFFFFFF00] =	vst v1;
	v1 =	vmul.f32 v8, v5;
	v5 =	vld [tilespmem:s6+$0x40]  }
0x1a6: {  	v8 =	vshll.u32 v11, $0x10;
	v14 =	vshll.u32 v13, $0x10;
	[tilespmem:s6+$0xFFFFFF40] =	vst v2;
	v2 =	vld [tilespmem:s6+$0xFFFFFF10];
	v11 =	vand.u32 $0xFFFF0000, v11  }
0x1a7: {  	v13 =	vand.u32 $0xFFFF0000, v13;
	v8 =	vadd.f32 v14, v8;
	v16 =	vld [tilespmem:s12+$0xFFFFFF90];
	v3 =	vmul.f32 v3, v4  }
0x1a8: {  	v14 =	vshll.u32 v9, $0x10;
	v4 =	vadd.f32 v13, v11;
	v9 =	vand.u32 $0xFFFF0000, v9;
	[tilespmem:s6+$0xFFFFFF80] =	vst v1;
	v1 =	vld [tilespmem:s20+$0xFFFFFF90]  }
0x1a9: {  	v11 =	vadd.f32 v14, v12;
	v6 =	vmul.f32 v8, v6;
	v8 =	vadd.f32 v9, v10;
	v9 =	vld [tilespmem:s6+$0xFFFFFF50];
	[tilespmem:s6+$0xFFFFFFC0] =	vst v3  }
0x1aa: {  	v3 =	vmul.f32 v7, v4;
	v7 =	vld [tilespmem:s12+$0xFFFFFFD0]  }
0x1ab: {  	v4 =	vmul.f32 v11, v15;
	v15 =	vld [tilespmem:s6+$0xFFFFFFD0];
	[tilespmem:s6+$0x90] =	vst v6  }
0x1ac: {  	v5 =	vmul.f32 v5, v8;
	v6 =	vld [tilespmem:s20+$0xFFFFFFD0];
	[tilespmem:s6+$0xD0] =	vst v3  }
0x1ad: {  	[tilespmem:s6+$0x0] =	vst v4;
	v3 =	vld [tilespmem:s12+$0x60]  }
0x1ae: {  	v4 =	vld [tilespmem:s20+$0x60];
	[tilespmem:s6+$0x40] =	vst v5  }
0x1af: {  	v5 =	vshll.u32 v16, $0x10;
	v8 =	vshll.u32 v1, $0x10;
	v10 =	vld [tilespmem:s12+$0x10]  }
0x1b0: {  	v11 =	vand.u32 $0xFFFF0000, v16;
	v1 =	vand.u32 $0xFFFF0000, v1;
	v5 =	vadd.f32 v8, v5;
	v8 =	vld [tilespmem:s20+$0x10]  }
0x1b1: {  	v1 =	vadd.f32 v1, v11;
	v11 =	vld [tilespmem:s6+$0xA0]  }
0x1b2: {  	v12 =	vshll.u32 v7, $0x10;
	v7 =	vand.u32 $0xFFFF0000, v7;
	v2 =	vmul.f32 v5, v2;
	v5 =	vld [tilespmem:s6+$0xE0]  }
0x1b3: {  	v1 =	vmul.f32 v9, v1;
	v9 =	vld [tilespmem:s6+$0xFFFFFF90];
	v13 =	vshll.u32 v3, $0x10;
	v14 =	vshll.u32 v4, $0x10  }
0x1b4: {  	v3 =	vand.u32 $0xFFFF0000, v3;
	v4 =	vand.u32 $0xFFFF0000, v4;
	v13 =	vadd.f32 v14, v13;
	[tilespmem:s6+$0xFFFFFF10] =	vst v2;
	v2 =	vld [tilespmem:s6+$0x10]  }
0x1b5: {  	v14 =	vshll.u32 v6, $0x10;
	v3 =	vadd.f32 v4, v3;
	v4 =	vand.u32 $0xFFFF0000, v6;
	[tilespmem:s6+$0xFFFFFF50] =	vst v1;
	v1 =	vld [tilespmem:s6+$0x50]  }
0x1b6: {  	v6 =	vadd.f32 v14, v12;
	v4 =	vadd.f32 v4, v7;
	v12 =	vld [tilespmem:s12+$0xFFFFFFA0];
	v11 =	vmul.f32 v13, v11  }
0x1b7: {  	v7 =	vshll.u32 v10, $0x10;
	v13 =	vld [tilespmem:s20+$0xFFFFFFA0];
	v3 =	vmul.f32 v5, v3  }
0x1b8: {  	v5 =	vshll.u32 v8, $0x10;
	v6 =	vmul.f32 v6, v9;
	v4 =	vmul.f32 v15, v4;
	v15 =	vld [tilespmem:s6+$0x20];
	[tilespmem:s6+$0xA0] =	vst v11  }
0x1b9: {  	v10 =	vand.u32 $0xFFFF0000, v10;
	v8 =	vand.u32 $0xFFFF0000, v8;
	v5 =	vadd.f32 v5, v7;
	v7 =	vld [tilespmem:s6+$0xFFFFFF20];
	[tilespmem:s6+$0xE0] =	vst v3  }
0x1ba: {  	v3 =	vadd.f32 v8, v10;
	[tilespmem:s6+$0xFFFFFF90] =	vst v6;
	v6 =	vld [tilespmem:s12+$0x70]  }
0x1bb: {  	[tilespmem:s6+$0xFFFFFFD0] =	vst v4;
	v2 =	vmul.f32 v5, v2;
	v5 =	vld [tilespmem:s20+$0x70]  }
0x1bc: {  	v1 =	vmul.f32 v1, v3;
	v3 =	vld [tilespmem:s12+$0xFFFFFFE0]  }
0x1bd: {  	v8 =	vshll.u32 v12, $0x10;
	v9 =	vshll.u32 v13, $0x10;
	[tilespmem:s6+$0x10] =	vst v2;
	v2 =	vld [tilespmem:s20+$0xFFFFFFE0]  }
0x1be: {  	v8 =	vadd.f32 v9, v8;
	v9 =	vld [tilespmem:s6+$0xFFFFFF60];
	[tilespmem:s6+$0x50] =	vst v1  }
0x1bf: {  	v4 =	vld [tilespmem:s12+$0x20]  }
0x1c0: {  	v10 =	vld [tilespmem:s20+$0x20]  }
0x1c1: {  	v11 =	vand.u32 $0xFFFF0000, v12;
	v12 =	vand.u32 $0xFFFF0000, v13;
	v13 =	vld [tilespmem:s6+$0xFFFFFFA0]  }
0x1c2: {  	v11 =	vadd.f32 v12, v11;
	v12 =	vld [tilespmem:s6+$0xFFFFFFE0];
	v7 =	vmul.f32 v8, v7;
	v8 =	vshll.u32 v3, $0x10  }
0x1c3: {  	v1 =	vld [tilespmem:s6+$0xF0];
	v3 =	vand.u32 $0xFFFF0000, v3;
	v14 =	vshll.u32 v2, $0x10;
	v2 =	vand.u32 $0xFFFF0000, v2  }
0x1c4: {  	[tilespmem:s6+$0xFFFFFF20] =	vst v7;
	v9 =	vmul.f32 v9, v11;
	v7 =	vadd.f32 v14, v8;
	v8 =	vadd.f32 v2, v3;
	v14 =	vld [tilespmem:s6+$0x60]  }
0x1c5: {  	v3 =	vld [tilespmem:s6+$0xFFFFFF30];
	v2 =	vshll.u32 v4, $0x10;
	v4 =	vand.u32 $0xFFFF0000, v4;
	v16 =	vshll.u32 v10, $0x10  }
0x1c6: {  	v10 =	vand.u32 $0xFFFF0000, v10;
	v11 =	vadd.f32 v16, v2;
	v2 =	vld [tilespmem:s6+$0xFFFFFF70];
	v7 =	vmul.f32 v7, v13  }
0x1c7: {  	[tilespmem:s6+$0xFFFFFF60] =	vst v9;
	v10 =	vadd.f32 v10, v4;
	v8 =	vmul.f32 v12, v8;
	v4 =	vld [tilespmem:s6+$0xFFFFFFB0]  }
0x1c8: {  	v9 =	vld [tilespmem:s12+$0xFFFFFFB0];
	[tilespmem:s6+$0xFFFFFFA0] =	vst v7;
	v7 =	vmul.f32 v11, v15  }
0x1c9: {  	v11 =	vld [tilespmem:s20+$0xFFFFFFB0];
	[tilespmem:s6+$0xFFFFFFE0] =	vst v8;
	v8 =	vmul.f32 v14, v10  }
0x1ca: {  	v12 =	vand.u32 $0xFFFF0000, v5;
	v10 =	vand.u32 $0xFFFF0000, v6;
	v13 =	vld [tilespmem:s12+$0xFFFFFFF0];
	[tilespmem:s6+$0x20] =	vst v7  }
0x1cb: {  	v7 =	vadd.f32 v12, v10;
	v12 =	vld [tilespmem:s20+$0xFFFFFFF0];
	[tilespmem:s6+$0x60] =	vst v8  }
0x1cc: {  	v5 =	vshll.u32 v5, $0x10;
	v6 =	vshll.u32 v6, $0x10;
	v14 =	vld [tilespmem:s12+$0x30]  }
0x1cd: {  	v7 =	vmul.f32 v1, v7;
	v1 =	vadd.f32 v5, v6;
	v6 =	vshll.u32 v9, $0x10;
	v8 =	vld [tilespmem:s20+$0x30]  }
0x1ce: {  	v9 =	vand.u32 $0xFFFF0000, v9;
	v5 =	vld [tilespmem:s6+$0xFFFFFFF0];
	v10 =	vshll.u32 v11, $0x10;
	v11 =	vand.u32 $0xFFFF0000, v11  }
0x1cf: {  	v10 =	vadd.f32 v10, v6;
	v15 =	vshll.u32 v13, $0x10;
	v13 =	vand.u32 $0xFFFF0000, v13;
	v6 =	vld [tilespmem:s6+$0x30]  }
0x1d0: {  	[tilespmem:s6+$0xF0] =	vst v7;
	v11 =	vadd.f32 v11, v9;
	v7 =	vld [tilespmem:s6+$0x70];
	v9 =	vshll.u32 v12, $0x10;
	v16 =	vand.u32 $0xFFFF0000, v12  }
0x1d1: {  	s29 =	simm.s32 $0x1B560;
	s0 =	simm.s32 $0x151E0;
	s12 =	simm.s32 $0x0;
	v12 =	vadd.f32 v9, v15;
	v9 =	vld [tilespmem:s6+$0xB0];
	v15 =	vshll.u32 v14, $0x10;
	v14 =	vand.u32 $0xFFFF0000, v14  }
.LBB2_22:
0x1d2: {  	v17 =	vld [tilespmem:s0+$0x40];
	v13 =	vadd.f32 v16, v13;
	v16 =	vshll.u32 v8, $0x10;
	v8 =	vand.u32 $0xFFFF0000, v8;
	s20 =	sadd.s32 $0x100, s20  }
0x1d3: {  	v3 =	vmul.f32 v10, v3;
	v18 =	vld [tilespmem:s20+$0x40];
	v10 =	vadd.f32 v16, v15;
	v8 =	vadd.f32 v8, v14  }
0x1d4: {  	v2 =	vmul.f32 v2, v11;
	v4 =	vmul.f32 v12, v4;
	v14 =	vld [tilespmem:s20+$0xFFFFFF80]  }
0x1d5: {  	s29 =	sadd.s32 $0x200, s29;
	v11 =	vld [tilespmem:s0+$0xFFFFFFC0];
	[tilespmem:s6+$0xFFFFFF30] =	vst v3;
	v3 =	vmul.f32 v5, v13;
	v5 =	vmul.f32 v10, v6  }
0x1d6: {  	v6 =	vld [tilespmem:s29+$0x80];
	[tilespmem:s6+$0xFFFFFF70] =	vst v2;
	v2 =	vmul.f32 v7, v8;
	v1 =	vmul.f32 v1, v9  }
0x1d7: {  	v7 =	vld [tilespmem:s29+$0xC0];
	[tilespmem:s6+$0xFFFFFFB0] =	vst v4  }
0x1d8: {  	v8 =	vshll.u32 v17, $0x10;
	v4 =	vld [tilespmem:s20+$0xFFFFFFC0];
	v9 =	vshll.u32 v18, $0x10;
	[tilespmem:s6+$0xFFFFFFF0] =	vst v3  }
0x1d9: {  	s12 =	sadd.s32 $0x4, s12;
	v10 =	vand.u32 $0xFFFF0000, v17;
	v12 =	vand.u32 $0xFFFF0000, v18;
	v3 =	vld [tilespmem:s0+$0x0];
	v8 =	vadd.f32 v9, v8;
	[tilespmem:s6+$0x30] =	vst v5  }
0x1da: {  	p5 =	slt.u32 s12, $0x4C;
	v5 =	vshll.u32 v14, $0x10;
	v9 =	vand.u32 $0xFFFF0000, v14;
	v10 =	vadd.f32 v12, v10;
	v13 =	vld [tilespmem:s20+$0x0];
	[tilespmem:s6+$0x70] =	vst v2  }
0x1db: {  	v12 =	vshll.u32 v11, $0x10;
	v11 =	vand.u32 $0xFFFF0000, v11;
	v2 =	vld [tilespmem:s0+$0xFFFFFF80];
	v6 =	vmul.f32 v8, v6;
	[tilespmem:s6+$0xB0] =	vst v1;
	s6 =	smov.u32 s29  }
0x1dc: {  	v1 =	vld [tilespmem:s29+$0xFFFFFF00];
	v7 =	vmul.f32 v7, v10  }
0x1dd: {  	v8 =	vld [tilespmem:s29+$0xFFFFFF40];
	v10 =	vshll.u32 v4, $0x10;
	v4 =	vand.u32 $0xFFFF0000, v4;
	[tilespmem:s29+$0x80] =	vst v6  }
0x1de: {  	v6 =	vadd.f32 v10, v12;
	v10 =	vld [tilespmem:s29+$0xFFFFFF80];
	v12 =	vshll.u32 v3, $0x10;
	v3 =	vand.u32 $0xFFFF0000, v3;
	[tilespmem:s29+$0xC0] =	vst v7  }
0x1df: {  	v4 =	vadd.f32 v4, v11;
	v7 =	vshll.u32 v13, $0x10;
	v11 =	vand.u32 $0xFFFF0000, v13;
	v13 =	vld [tilespmem:s0+$0x50]  }
0x1e0: {  	v14 =	vshll.u32 v2, $0x10;
	v2 =	vand.u32 $0xFFFF0000, v2;
	v7 =	vadd.f32 v7, v12;
	v12 =	vld [tilespmem:s20+$0x50]  }
0x1e1: {  	v5 =	vadd.f32 v5, v14;
	v2 =	vadd.f32 v9, v2;
	v9 =	vld [tilespmem:s29+$0xFFFFFFC0]  }
0x1e2: {  	v3 =	vadd.f32 v11, v3;
	v14 =	vld [tilespmem:s29+$0x0]  }
0x1e3: {  	v1 =	vmul.f32 v5, v1;
	v2 =	vmul.f32 v8, v2;
	v5 =	vld [tilespmem:s29+$0x90]  }
0x1e4: {  	v6 =	vmul.f32 v6, v10;
	v8 =	vld [tilespmem:s29+$0xD0]  }
0x1e5: {  	v10 =	vshll.u32 v13, $0x10;
	[tilespmem:s29+$0xFFFFFF00] =	vst v1;
	v1 =	vld [tilespmem:s29+$0x40];
	v11 =	vshll.u32 v12, $0x10  }
0x1e6: {  	v13 =	vand.u32 $0xFFFF0000, v13;
	v12 =	vand.u32 $0xFFFF0000, v12;
	[tilespmem:s29+$0xFFFFFF40] =	vst v2;
	v2 =	vld [tilespmem:s29+$0xFFFFFF10];
	v10 =	vadd.f32 v11, v10  }
0x1e7: {  	v4 =	vmul.f32 v9, v4;
	v11 =	vld [tilespmem:s0+$0xFFFFFF90];
	[tilespmem:s29+$0xFFFFFF80] =	vst v6;
	v6 =	vmul.f32 v7, v14;
	v7 =	vadd.f32 v12, v13  }
0x1e8: {  	v9 =	vld [tilespmem:s20+$0xFFFFFF90];
	v5 =	vmul.f32 v10, v5  }
0x1e9: {  	v10 =	vld [tilespmem:s29+$0xFFFFFF50];
	[tilespmem:s29+$0xFFFFFFC0] =	vst v4;
	v4 =	vmul.f32 v8, v7  }
0x1ea: {  	v7 =	vld [tilespmem:s0+$0xFFFFFFD0];
	v1 =	vmul.f32 v1, v3;
	[tilespmem:s29+$0x90] =	vst v5  }
0x1eb: {  	v3 =	vld [tilespmem:s20+$0xFFFFFFD0];
	[tilespmem:s29+$0xD0] =	vst v4  }
0x1ec: {  	v4 =	vshll.u32 v11, $0x10;
	v5 =	vand.u32 $0xFFFF0000, v11;
	[tilespmem:s29+$0x0] =	vst v6;
	v6 =	vld [tilespmem:s0+$0x60]  }
0x1ed: {  	v8 =	vshll.u32 v9, $0x10;
	v9 =	vand.u32 $0xFFFF0000, v9;
	[tilespmem:s29+$0x40] =	vst v1;
	v1 =	vld [tilespmem:s20+$0x60]  }
0x1ee: {  	v4 =	vadd.f32 v8, v4;
	v5 =	vadd.f32 v9, v5;
	v8 =	vld [tilespmem:s0+$0x10]  }
0x1ef: {  	v9 =	vshll.u32 v7, $0x10;
	v7 =	vand.u32 $0xFFFF0000, v7;
	v11 =	vld [tilespmem:s20+$0x10]  }
0x1f0: {  	v2 =	vmul.f32 v4, v2;
	v4 =	vshll.u32 v3, $0x10;
	v3 =	vand.u32 $0xFFFF0000, v3;
	v12 =	vld [tilespmem:s29+$0xA0]  }
0x1f1: {  	v5 =	vmul.f32 v10, v5;
	v4 =	vadd.f32 v4, v9;
	v3 =	vadd.f32 v3, v7;
	v7 =	vld [tilespmem:s29+$0xE0]  }
0x1f2: {  	v9 =	vshll.u32 v6, $0x10;
	[tilespmem:s29+$0xFFFFFF10] =	vst v2;
	v2 =	vld [tilespmem:s29+$0xFFFFFF90];
	v10 =	vshll.u32 v1, $0x10  }
0x1f3: {  	v6 =	vand.u32 $0xFFFF0000, v6;
	v1 =	vand.u32 $0xFFFF0000, v1;
	[tilespmem:s29+$0xFFFFFF50] =	vst v5;
	v5 =	vld [tilespmem:s29+$0xFFFFFFD0];
	v9 =	vadd.f32 v10, v9  }
0x1f4: {  	v10 =	vshll.u32 v8, $0x10;
	v1 =	vadd.f32 v1, v6;
	v13 =	vshll.u32 v11, $0x10;
	v14 =	vld [tilespmem:s29+$0x10]  }
0x1f5: {  	v6 =	vand.u32 $0xFFFF0000, v8;
	v8 =	vand.u32 $0xFFFF0000, v11;
	v11 =	vld [tilespmem:s29+$0x50];
	v9 =	vmul.f32 v9, v12  }
0x1f6: {  	v10 =	vadd.f32 v13, v10;
	v6 =	vadd.f32 v8, v6;
	v12 =	vld [tilespmem:s0+$0xFFFFFFA0];
	v1 =	vmul.f32 v7, v1  }
0x1f7: {  	v7 =	vld [tilespmem:s20+$0xFFFFFFA0];
	v2 =	vmul.f32 v4, v2;
	[tilespmem:s29+$0xA0] =	vst v9  }
0x1f8: {  	v4 =	vld [tilespmem:s29+$0xFFFFFF20];
	v3 =	vmul.f32 v5, v3;
	[tilespmem:s29+$0xE0] =	vst v1  }
0x1f9: {  	[tilespmem:s29+$0xFFFFFF90] =	vst v2;
	v1 =	vmul.f32 v10, v14;
	v2 =	vld [tilespmem:s0+$0x70]  }
0x1fa: {  	[tilespmem:s29+$0xFFFFFFD0] =	vst v3;
	v3 =	vmul.f32 v11, v6;
	v5 =	vld [tilespmem:s20+$0x70]  }
0x1fb: {  	v6 =	vshll.u32 v12, $0x10;
	v8 =	vand.u32 $0xFFFF0000, v12;
	v9 =	vld [tilespmem:s0+$0xFFFFFFE0];
	[tilespmem:s29+$0x10] =	vst v1  }
0x1fc: {  	v1 =	vshll.u32 v7, $0x10;
	v7 =	vand.u32 $0xFFFF0000, v7;
	v10 =	vld [tilespmem:s20+$0xFFFFFFE0];
	[tilespmem:s29+$0x50] =	vst v3  }
0x1fd: {  	v1 =	vadd.f32 v1, v6;
	v3 =	vadd.f32 v7, v8;
	v6 =	vld [tilespmem:s29+$0xF0]  }
0x1fe: {  	v7 =	vld [tilespmem:s0+$0x20];
	v8 =	vshll.u32 v2, $0x10  }
0x1ff: {  	v2 =	vand.u32 $0xFFFF0000, v2;
	v1 =	vmul.f32 v1, v4;
	v4 =	vld [tilespmem:s20+$0x20];
	v11 =	vand.u32 $0xFFFF0000, v5  }
0x200: {  	v12 =	vld [tilespmem:s29+$0xFFFFFF60];
	v13 =	vshll.u32 v9, $0x10;
	v9 =	vand.u32 $0xFFFF0000, v9;
	v2 =	vadd.f32 v11, v2  }
0x201: {  	v5 =	vshll.u32 v5, $0x10;
	[tilespmem:s29+$0xFFFFFF20] =	vst v1;
	v1 =	vshll.u32 v10, $0x10;
	v10 =	vand.u32 $0xFFFF0000, v10;
	v11 =	vld [tilespmem:s29+$0xFFFFFFA0]  }
0x202: {  	v13 =	vadd.f32 v1, v13;
	v9 =	vadd.f32 v10, v9;
	v10 =	vld [tilespmem:s29+$0xFFFFFFE0];
	v2 =	vmul.f32 v6, v2  }
0x203: {  	v1 =	vadd.f32 v5, v8;
	v6 =	vshll.u32 v7, $0x10;
	v7 =	vand.u32 $0xFFFF0000, v7;
	v14 =	vld [tilespmem:s29+$0x20]  }
0x204: {  	v5 =	vshll.u32 v4, $0x10;
	v4 =	vand.u32 $0xFFFF0000, v4;
	v8 =	vld [tilespmem:s29+$0x60];
	[tilespmem:s29+$0xF0] =	vst v2  }
0x205: {  	v12 =	vmul.f32 v12, v3;
	v3 =	vld [tilespmem:s29+$0xFFFFFF30];
	v5 =	vadd.f32 v5, v6;
	v6 =	vadd.f32 v4, v7  }
0x206: {  	v2 =	vld [tilespmem:s29+$0xFFFFFF70];
	v7 =	vmul.f32 v13, v11  }
0x207: {  	[tilespmem:s29+$0xFFFFFF60] =	vst v12;
	v9 =	vmul.f32 v10, v9;
	v4 =	vld [tilespmem:s29+$0xFFFFFFB0]  }
0x208: {  	v10 =	vld [tilespmem:s0+$0xFFFFFFB0];
	[tilespmem:s29+$0xFFFFFFA0] =	vst v7;
	v5 =	vmul.f32 v5, v14  }
0x209: {  	v7 =	vld [tilespmem:s20+$0xFFFFFFB0];
	[tilespmem:s29+$0xFFFFFFE0] =	vst v9;
	v6 =	vmul.f32 v8, v6  }
0x20a: {  	v9 =	vld [tilespmem:s0+$0xFFFFFFF0];
	[tilespmem:s29+$0x20] =	vst v5  }
0x20b: {  	v12 =	vld [tilespmem:s20+$0xFFFFFFF0];
	[tilespmem:s29+$0x60] =	vst v6  }
0x20c: {  	v14 =	vld [tilespmem:s0+$0x30]  }
.Ltmp8:
0x20d: {  	v6 =	vshll.u32 v10, $0x10;
	v11 =	vand.u32 $0xFFFF0000, v10;
	v8 =	vld [tilespmem:s20+$0x30];
	(pc) =	sbr.rel @p5 .LBB2_22-.Ltmp8, $4  }
0x20e: {  	v10 =	vshll.u32 v7, $0x10;
	v7 =	vand.u32 $0xFFFF0000, v7;
	v5 =	vld [tilespmem:s29+$0xFFFFFFF0]  }
0x20f: {  	v10 =	vadd.f32 v10, v6;
	v15 =	vshll.u32 v9, $0x10;
	v13 =	vand.u32 $0xFFFF0000, v9;
	v6 =	vld [tilespmem:s29+$0x30]  }
0x210: {  	v11 =	vadd.f32 v7, v11;
	v9 =	vshll.u32 v12, $0x10;
	v16 =	vand.u32 $0xFFFF0000, v12;
	v7 =	vld [tilespmem:s29+$0x70]  }
0x211: {  	s0 =	sadd.s32 $0x100, s0;
	v12 =	vadd.f32 v9, v15;
	v15 =	vshll.u32 v14, $0x10;
	v14 =	vand.u32 $0xFFFF0000, v14;
	v9 =	vld [tilespmem:s29+$0xB0]  }
0x212: {  	v3 =	vmul.f32 v10, v3  }
0x213: {  	v60 =	vadd.f32 v16, v13;
	v61 =	vshll.u32 v8, $0x10;
	v2 =	vmul.f32 v2, v11  }
0x214: {  	v62 =	vand.u32 $0xFFFF0000, v8;
	v63 =	vadd.f32 v61, v15;
	v4 =	vmul.f32 v12, v4;
	[tilespmem:s6+$0xFFFFFF30] =	vst v3  }
0x215: {  	v3 =	vadd.f32 v62, v14;
	v5 =	vmul.f32 v5, v60;
	[tilespmem:s6+$0xFFFFFF70] =	vst v2  }
0x216: {  	v2 =	vmul.f32 v63, v6;
	[tilespmem:s6+$0xFFFFFFB0] =	vst v4  }
0x217: {  	v3 =	vmul.f32 v7, v3;
	[tilespmem:s6+$0xFFFFFFF0] =	vst v5  }
0x218: {  	v1 =	vmul.f32 v1, v9;
	[tilespmem:s6+$0x30] =	vst v2  }
0x219: {  	[tilespmem:s6+$0x70] =	vst v3  }
.Ltmp9:
0x21a: {  	[tilespmem:s6+$0xB0] =	vst v1;
	(pc) =	sbr.rel @p4 .LBB2_25-.Ltmp9, $4  }
0x21b: {  	[spmem:s1] =	stream.indirect.scatter.add.f32 [tilespmem:s24], [sflag:$0x9], $0x80, s22, s26, $0xb8;
	[tilespmem:$0x1DC60] =	vst v63  }
0x21c: {  	_ =	swait.ge [sflag:s30], $0x2800  }
0x21d: {  	[sflag:s30] =	ssyncset.done $0x0  }
0x21e: {  	[sflag:s30] =	ssyncadd.s32 $0xFFFFD800  }
0x21f: {  	s6 =	sld [smem:$0x7F3]  }
0x220: {  	s0 =	smul.u32 $0xA0, s25;
	_ =	sdelay $0x1  }
0x221: {  	s0 =	sadd.s32 s0, s6  }
0x222: {  	s0 =	sshrl.u32 s0, $0x3  }
0x223: {  	s20 =	sadd.s32 s14, s0  }
0x224: {  	[tilespmem:s21], [sflag:$0x2] =	stream.linear.gather [hbm4b:s20+s3], $0x50, $0x38;
	[tilespmem:$0x1DC60] =	vst v63  }
.Ltmp10:
0x225: {  	_ = 	snop;
	(pc) =	sbr.rel .LBB2_19-.Ltmp10, $4  }
0x226: {  	s29 =	sadd.s32 s15, s0  }
0x227: {  	[tilespmem:s22], [sflag:$0x2] =	stream.linear.gather [hbm4b:s29+s3], $0x50, $0x38;
	[tilespmem:$0x1DC60] =	vst v63  }
0x228: {  	s25 =	sadd.s32 $0x1, s25;
	s0 =	sadd.s32 s16, s0  }
0x229: {  	[tilespmem:s23], [sflag:$0x2] =	stream.linear.gather [hbm4b:s0+s3], $0x50, $0x38;
	[tilespmem:$0x1DC60] =	vst v63  }
.LBB2_7:
.Ltmp11:
0x22a: {  	(pc) =	sbr.rel @!p0 .LBB2_8-.Ltmp11, $2  }
0x22b: {  	_ =	sdelay $0x2  }
0x22c: {  	s0 =	sshrl.u32 s2, $0x3  }
0x22d: {  	s6 =	rddreg [dreg:$0x7];
	s12 =	simm.s32 $0x1C09  }
0x22e: {  	[spmem:s0], [sflag:s12] =	dma.local [hbm:s6], $0x400  }
.Ltmp12:
0x22f: {  	_ =	swait.ge [sflag:s30], $0x400;
	(pc) =	sbr.rel .LBB2_18-.Ltmp12, $3  }
0x230: {  	[sflag:s30] =	ssyncset.done $0x0  }
0x231: {  	[sflag:s30] =	ssyncadd.s32 $0xFFFFFC00  }
0x232: {  	[bflag:$0x0] =	sbarrier.arrive $0xFFFF;
	_ =	sdelay $0x1  }
.LBB2_8:
0x233: {  	s6 =	rddreg [dreg:$0x6];
	s12 =	simm.s32 $0x1C09  }
0x234: {  	[spmem:s0], [sflag:s12] =	dma.local [hbm:s6], $0x400  }
0x235: {  	_ =	swait.ge [sflag:s30], $0x400  }
0x236: {  	[sflag:s30] =	ssyncset.done $0x0  }
0x237: {  	[sflag:s30] =	ssyncadd.s32 $0xFFFFFC00  }
0x238: {  	[bflag:$0x0] =	sbarrier.arrive $0xFFFF  }
.LBB2_9:
0x239: {  	s25 =	simm.s32 $0x0;
	s0 =	rddreg [dreg:$0xc];
	s6 =	simm.s32 $0x13A80  }
0x23a: {  	[tilespmem:s6], [sflag:$0x1] =	stream.linear.gather [hbm4b:s0+s25], $0x50, $0x38;
	[tilespmem:$0x1DC60] =	vst v63  }
0x23b: {  	s20 =	rddreg [dreg:$0xd];
	s12 =	simm.s32 $0x13B20  }
0x23c: {  	[tilespmem:s12], [sflag:$0x1] =	stream.linear.gather [hbm4b:s20+s25], $0x50, $0x38;
	[tilespmem:$0x1DC60] =	vst v63  }
0x23d: {  	s29 =	rddreg [dreg:$0xe];
	s20 =	simm.s32 $0x13BC0  }
0x23e: {  	[tilespmem:s20], [sflag:$0x1] =	stream.linear.gather [hbm4b:s29+s25], $0x50, $0x38;
	[tilespmem:$0x1DC60] =	vst v63  }
0x23f: {  	s29 =	rddreg [dreg:$0x12]  }
0x240: {  	[tilespmem:s21], [sflag:$0x2] =	stream.linear.gather [hbm4b:s29+s25], $0x50, $0x38;
	[tilespmem:$0x1DC60] =	vst v63  }
0x241: {  	s29 =	rddreg [dreg:$0x13]  }
0x242: {  	[tilespmem:s22], [sflag:$0x2] =	stream.linear.gather [hbm4b:s29+s25], $0x50, $0x38;
	[tilespmem:$0x1DC60] =	vst v63  }
0x243: {  	s29 =	rddreg [dreg:$0x14]  }
0x244: {  	[tilespmem:s23], [sflag:$0x2] =	stream.linear.gather [hbm4b:s29+s25], $0x50, $0x38;
	[tilespmem:$0x1DC60] =	vst v63  }
0x245: {  	s29 =	simm.s32 $0x1  }
0x246: {  	_ =	swait.ge [sflag:s29], $0x50  }
0x247: {  	[sflag:s29] =	ssyncset.done $0x0  }
0x248: {  	[sflag:s29] =	ssyncadd.s32 $0xFFFFFFB0  }
0x249: {  	_ =	swait.ge [sflag:s29], $0x50  }
0x24a: {  	[sflag:s29] =	ssyncset.done $0x0  }
0x24b: {  	[sflag:s29] =	ssyncadd.s32 $0xFFFFFFB0  }
0x24c: {  	_ =	swait.ge [sflag:s29], $0x50  }
0x24d: {  	[sflag:s29] =	ssyncset.done $0x0  }
0x24e: {  	[sflag:s29] =	ssyncadd.s32 $0xFFFFFFB0;
	s29 =	simm.s32 $0x13C60  }
0x24f: {  	[tilespmem:s29], [sflag:$0x3] =	stream.indirect.gather [hbm4b:s4+s26], $0x40, s6, s26, $0xb8;
	[tilespmem:$0x1DC60] =	vst v63  }
0x250: {  	s29 =	simm.s32 $0x16460  }
0x251: {  	[tilespmem:s29], [sflag:$0x5] =	stream.indirect.gather [hbm4b:s5+s26], $0x40, s12, s26, $0xb8;
	[tilespmem:$0x1DC60] =	vst v63  }
0x252: {  	_ = 	snop  }
0x253: {  	[tilespmem:s19], [sflag:$0x7] =	stream.indirect.gather [spmem:s2], $0x80, s20, s26, $0xb8;
	[tilespmem:$0x1DC60] =	vst v63  }
.LBB2_10:
0x254: {  	_ =	swait.ge [sflag:s28], $0x1400  }
0x255: {  	[sflag:s28] =	ssyncset.done $0x0  }
0x256: {  	[sflag:s28] =	ssyncadd.s32 $0xFFFFEC00  }
0x257: {  	_ =	swait.ge [sflag:s13], $0x1400  }
0x258: {  	[sflag:s13] =	ssyncset.done $0x0  }
0x259: {  	[sflag:s13] =	ssyncadd.s32 $0xFFFFEC00  }
0x25a: {  	_ =	swait.ge [sflag:s17], $0x2800  }
0x25b: {  	[sflag:s17] =	ssyncset.done $0x0  }
0x25c: {  	[sflag:s17] =	ssyncadd.s32 $0xFFFFD800  }
0x25d: {  	_ =	swait.ge [sflag:s31], $0x50  }
0x25e: {  	[sflag:s31] =	ssyncset.done $0x0  }
0x25f: {  	[sflag:s31] =	ssyncadd.s32 $0xFFFFFFB0  }
0x260: {  	_ =	swait.ge [sflag:s31], $0x50  }
0x261: {  	[sflag:s31] =	ssyncset.done $0x0  }
0x262: {  	[sflag:s31] =	ssyncadd.s32 $0xFFFFFFB0  }
0x263: {  	_ =	swait.ge [sflag:s31], $0x50  }
0x264: {  	[sflag:s31] =	ssyncset.done $0x0  }
0x265: {  	s0 =	simm.s32 $0x15060;
	[sflag:s31] =	ssyncadd.s32 $0xFFFFFFB0  }
0x266: {  	[tilespmem:s0], [sflag:$0x4] =	stream.indirect.gather [hbm4b:s4+s26], $0x40, s21, s26, $0xb8;
	[tilespmem:$0x1DC60] =	vst v63  }
0x267: {  	s6 =	simm.s32 $0x17860  }
0x268: {  	[tilespmem:s6], [sflag:$0x6] =	stream.indirect.gather [hbm4b:s5+s26], $0x40, s22, s26, $0xb8;
	[tilespmem:$0x1DC60] =	vst v63  }
0x269: {  	s12 =	simm.s32 $0x13CE0  }
0x26a: {  	[tilespmem:s24], [sflag:$0x8] =	stream.indirect.gather [spmem:s2], $0x80, s23, s26, $0xb8;
	[tilespmem:$0x1DC60] =	vst v63  }
0x26b: {  	s20 =	simm.s32 $0x164E0;
	v1 =	vld [tilespmem:s12+$0x40]  }
0x26c: {  	v2 =	vld [tilespmem:s20+$0x40]  }
0x26d: {  	v3 =	vld [tilespmem:s20+$0xFFFFFF80]  }
0x26e: {  	s6 =	simm.s32 $0x18D60;
	v4 =	vld [tilespmem:s12+$0xFFFFFFC0]  }
0x26f: {  	v5 =	vld [tilespmem:s6+$0x80]  }
0x270: {  	v6 =	vld [tilespmem:s6+$0xC0]  }
0x271: {  	v7 =	vld [tilespmem:s20+$0xFFFFFFC0]  }
0x272: {  	v10 =	vld [tilespmem:s12+$0x0];
	v8 =	vshll.u32 v1, $0x10;
	v9 =	vshll.u32 v2, $0x10  }
0x273: {  	v15 =	vld [tilespmem:s6+$0x0];
	v1 =	vand.u32 $0xFFFF0000, v1;
	v2 =	vand.u32 $0xFFFF0000, v2;
	v8 =	vadd.f32 v9, v8  }
0x274: {  	v1 =	vadd.f32 v2, v1;
	v2 =	vld [tilespmem:s12+$0xFFFFFF80]  }
0x275: {  	v9 =	vld [tilespmem:s20+$0x0];
	v5 =	vmul.f32 v8, v5  }
0x276: {  	v8 =	vld [tilespmem:s6+$0xFFFFFF00];
	v1 =	vmul.f32 v6, v1  }
0x277: {  	v6 =	vld [tilespmem:s6+$0xFFFFFF40];
	[tilespmem:s6+$0x80] =	vst v5  }
0x278: {  	v14 =	vshll.u32 v7, $0x10;
	v5 =	vld [tilespmem:s6+$0xFFFFFF80];
	[tilespmem:s6+$0xC0] =	vst v1  }
0x279: {  	v7 =	vand.u32 $0xFFFF0000, v7;
	v1 =	vshll.u32 v3, $0x10;
	v11 =	vld [tilespmem:s12+$0x50];
	v12 =	vshll.u32 v2, $0x10  }
0x27a: {  	v3 =	vand.u32 $0xFFFF0000, v3;
	v2 =	vand.u32 $0xFFFF0000, v2;
	v13 =	vld [tilespmem:s20+$0x50];
	v1 =	vadd.f32 v1, v12  }
0x27b: {  	v12 =	vshll.u32 v4, $0x10;
	v2 =	vadd.f32 v3, v2;
	v3 =	vld [tilespmem:s6+$0xFFFFFFC0];
	v4 =	vand.u32 $0xFFFF0000, v4  }
0x27c: {  	v4 =	vadd.f32 v7, v4;
	v7 =	vld [tilespmem:s6+$0xD0];
	v1 =	vmul.f32 v1, v8;
	v8 =	vadd.f32 v14, v12  }
0x27d: {  	v2 =	vmul.f32 v6, v2;
	v6 =	vld [tilespmem:s6+$0x90]  }
0x27e: {  	v12 =	vshll.u32 v10, $0x10;
	v10 =	vand.u32 $0xFFFF0000, v10;
	[tilespmem:s6+$0xFFFFFF00] =	vst v1;
	v1 =	vmul.f32 v8, v5;
	v5 =	vld [tilespmem:s6+$0x40]  }
0x27f: {  	v8 =	vshll.u32 v11, $0x10;
	v14 =	vshll.u32 v13, $0x10;
	[tilespmem:s6+$0xFFFFFF40] =	vst v2;
	v2 =	vld [tilespmem:s6+$0xFFFFFF10];
	v11 =	vand.u32 $0xFFFF0000, v11  }
0x280: {  	v13 =	vand.u32 $0xFFFF0000, v13;
	v8 =	vadd.f32 v14, v8;
	v16 =	vld [tilespmem:s12+$0xFFFFFF90];
	v3 =	vmul.f32 v3, v4  }
0x281: {  	v14 =	vshll.u32 v9, $0x10;
	v4 =	vadd.f32 v13, v11;
	v9 =	vand.u32 $0xFFFF0000, v9;
	[tilespmem:s6+$0xFFFFFF80] =	vst v1;
	v1 =	vld [tilespmem:s20+$0xFFFFFF90]  }
0x282: {  	v11 =	vadd.f32 v14, v12;
	v6 =	vmul.f32 v8, v6;
	v8 =	vadd.f32 v9, v10;
	v9 =	vld [tilespmem:s6+$0xFFFFFF50];
	[tilespmem:s6+$0xFFFFFFC0] =	vst v3  }
0x283: {  	v3 =	vmul.f32 v7, v4;
	v7 =	vld [tilespmem:s12+$0xFFFFFFD0]  }
0x284: {  	v4 =	vmul.f32 v11, v15;
	v15 =	vld [tilespmem:s6+$0xFFFFFFD0];
	[tilespmem:s6+$0x90] =	vst v6  }
0x285: {  	v5 =	vmul.f32 v5, v8;
	v6 =	vld [tilespmem:s20+$0xFFFFFFD0];
	[tilespmem:s6+$0xD0] =	vst v3  }
0x286: {  	[tilespmem:s6+$0x0] =	vst v4;
	v3 =	vld [tilespmem:s12+$0x60]  }
0x287: {  	v4 =	vld [tilespmem:s20+$0x60];
	[tilespmem:s6+$0x40] =	vst v5  }
0x288: {  	v5 =	vshll.u32 v16, $0x10;
	v8 =	vshll.u32 v1, $0x10;
	v10 =	vld [tilespmem:s12+$0x10]  }
0x289: {  	v11 =	vand.u32 $0xFFFF0000, v16;
	v1 =	vand.u32 $0xFFFF0000, v1;
	v5 =	vadd.f32 v8, v5;
	v8 =	vld [tilespmem:s20+$0x10]  }
0x28a: {  	v1 =	vadd.f32 v1, v11;
	v11 =	vld [tilespmem:s6+$0xA0]  }
0x28b: {  	v12 =	vshll.u32 v7, $0x10;
	v7 =	vand.u32 $0xFFFF0000, v7;
	v2 =	vmul.f32 v5, v2;
	v5 =	vld [tilespmem:s6+$0xE0]  }
0x28c: {  	v1 =	vmul.f32 v9, v1;
	v9 =	vld [tilespmem:s6+$0xFFFFFF90];
	v13 =	vshll.u32 v3, $0x10;
	v14 =	vshll.u32 v4, $0x10  }
0x28d: {  	v3 =	vand.u32 $0xFFFF0000, v3;
	v4 =	vand.u32 $0xFFFF0000, v4;
	v13 =	vadd.f32 v14, v13;
	[tilespmem:s6+$0xFFFFFF10] =	vst v2;
	v2 =	vld [tilespmem:s6+$0x10]  }
0x28e: {  	v14 =	vshll.u32 v6, $0x10;
	v3 =	vadd.f32 v4, v3;
	v4 =	vand.u32 $0xFFFF0000, v6;
	[tilespmem:s6+$0xFFFFFF50] =	vst v1;
	v1 =	vld [tilespmem:s6+$0x50]  }
0x28f: {  	v6 =	vadd.f32 v14, v12;
	v4 =	vadd.f32 v4, v7;
	v12 =	vld [tilespmem:s12+$0xFFFFFFA0];
	v11 =	vmul.f32 v13, v11  }
0x290: {  	v7 =	vshll.u32 v10, $0x10;
	v13 =	vld [tilespmem:s20+$0xFFFFFFA0];
	v3 =	vmul.f32 v5, v3  }
0x291: {  	v5 =	vshll.u32 v8, $0x10;
	v6 =	vmul.f32 v6, v9;
	v4 =	vmul.f32 v15, v4;
	v15 =	vld [tilespmem:s6+$0x20];
	[tilespmem:s6+$0xA0] =	vst v11  }
0x292: {  	v10 =	vand.u32 $0xFFFF0000, v10;
	v8 =	vand.u32 $0xFFFF0000, v8;
	v5 =	vadd.f32 v5, v7;
	v7 =	vld [tilespmem:s6+$0xFFFFFF20];
	[tilespmem:s6+$0xE0] =	vst v3  }
0x293: {  	v3 =	vadd.f32 v8, v10;
	[tilespmem:s6+$0xFFFFFF90] =	vst v6;
	v6 =	vld [tilespmem:s12+$0x70]  }
0x294: {  	[tilespmem:s6+$0xFFFFFFD0] =	vst v4;
	v2 =	vmul.f32 v5, v2;
	v5 =	vld [tilespmem:s20+$0x70]  }
0x295: {  	v1 =	vmul.f32 v1, v3;
	v3 =	vld [tilespmem:s12+$0xFFFFFFE0]  }
0x296: {  	v8 =	vshll.u32 v12, $0x10;
	v9 =	vshll.u32 v13, $0x10;
	[tilespmem:s6+$0x10] =	vst v2;
	v2 =	vld [tilespmem:s20+$0xFFFFFFE0]  }
0x297: {  	v8 =	vadd.f32 v9, v8;
	v9 =	vld [tilespmem:s6+$0xFFFFFF60];
	[tilespmem:s6+$0x50] =	vst v1  }
0x298: {  	v4 =	vld [tilespmem:s12+$0x20]  }
0x299: {  	v10 =	vld [tilespmem:s20+$0x20]  }
0x29a: {  	v11 =	vand.u32 $0xFFFF0000, v12;
	v12 =	vand.u32 $0xFFFF0000, v13;
	v13 =	vld [tilespmem:s6+$0xFFFFFFA0]  }
0x29b: {  	v11 =	vadd.f32 v12, v11;
	v12 =	vld [tilespmem:s6+$0xFFFFFFE0];
	v7 =	vmul.f32 v8, v7;
	v8 =	vshll.u32 v3, $0x10  }
0x29c: {  	v1 =	vld [tilespmem:s6+$0xF0];
	v3 =	vand.u32 $0xFFFF0000, v3;
	v14 =	vshll.u32 v2, $0x10;
	v2 =	vand.u32 $0xFFFF0000, v2  }
0x29d: {  	[tilespmem:s6+$0xFFFFFF20] =	vst v7;
	v9 =	vmul.f32 v9, v11;
	v7 =	vadd.f32 v14, v8;
	v8 =	vadd.f32 v2, v3;
	v14 =	vld [tilespmem:s6+$0x60]  }
0x29e: {  	v3 =	vld [tilespmem:s6+$0xFFFFFF30];
	v2 =	vshll.u32 v4, $0x10;
	v4 =	vand.u32 $0xFFFF0000, v4;
	v16 =	vshll.u32 v10, $0x10  }
0x29f: {  	v10 =	vand.u32 $0xFFFF0000, v10;
	v11 =	vadd.f32 v16, v2;
	v2 =	vld [tilespmem:s6+$0xFFFFFF70];
	v7 =	vmul.f32 v7, v13  }
0x2a0: {  	[tilespmem:s6+$0xFFFFFF60] =	vst v9;
	v10 =	vadd.f32 v10, v4;
	v8 =	vmul.f32 v12, v8;
	v4 =	vld [tilespmem:s6+$0xFFFFFFB0]  }
0x2a1: {  	v9 =	vld [tilespmem:s12+$0xFFFFFFB0];
	[tilespmem:s6+$0xFFFFFFA0] =	vst v7;
	v7 =	vmul.f32 v11, v15  }
0x2a2: {  	v11 =	vld [tilespmem:s20+$0xFFFFFFB0];
	[tilespmem:s6+$0xFFFFFFE0] =	vst v8;
	v8 =	vmul.f32 v14, v10  }
0x2a3: {  	v12 =	vand.u32 $0xFFFF0000, v5;
	v10 =	vand.u32 $0xFFFF0000, v6;
	v13 =	vld [tilespmem:s12+$0xFFFFFFF0];
	[tilespmem:s6+$0x20] =	vst v7  }
0x2a4: {  	v7 =	vadd.f32 v12, v10;
	v12 =	vld [tilespmem:s20+$0xFFFFFFF0];
	[tilespmem:s6+$0x60] =	vst v8  }
0x2a5: {  	v5 =	vshll.u32 v5, $0x10;
	v6 =	vshll.u32 v6, $0x10;
	v14 =	vld [tilespmem:s12+$0x30]  }
0x2a6: {  	v7 =	vmul.f32 v1, v7;
	v1 =	vadd.f32 v5, v6;
	v6 =	vshll.u32 v9, $0x10;
	v8 =	vld [tilespmem:s20+$0x30]  }
0x2a7: {  	v9 =	vand.u32 $0xFFFF0000, v9;
	v5 =	vld [tilespmem:s6+$0xFFFFFFF0];
	v10 =	vshll.u32 v11, $0x10;
	v11 =	vand.u32 $0xFFFF0000, v11  }
0x2a8: {  	v10 =	vadd.f32 v10, v6;
	v15 =	vshll.u32 v13, $0x10;
	v13 =	vand.u32 $0xFFFF0000, v13;
	v6 =	vld [tilespmem:s6+$0x30]  }
0x2a9: {  	[tilespmem:s6+$0xF0] =	vst v7;
	v11 =	vadd.f32 v11, v9;
	v7 =	vld [tilespmem:s6+$0x70];
	v9 =	vshll.u32 v12, $0x10;
	v16 =	vand.u32 $0xFFFF0000, v12  }
0x2aa: {  	s29 =	simm.s32 $0x18D60;
	s0 =	simm.s32 $0x13DE0;
	s12 =	simm.s32 $0x0;
	v12 =	vadd.f32 v9, v15;
	v9 =	vld [tilespmem:s6+$0xB0];
	v15 =	vshll.u32 v14, $0x10;
	v14 =	vand.u32 $0xFFFF0000, v14  }
.LBB2_11:
0x2ab: {  	v17 =	vld [tilespmem:s0+$0x40];
	v13 =	vadd.f32 v16, v13;
	v16 =	vshll.u32 v8, $0x10;
	v8 =	vand.u32 $0xFFFF0000, v8;
	s20 =	sadd.s32 $0x100, s20  }
0x2ac: {  	v3 =	vmul.f32 v10, v3;
	v18 =	vld [tilespmem:s20+$0x40];
	v10 =	vadd.f32 v16, v15;
	v8 =	vadd.f32 v8, v14  }
0x2ad: {  	v2 =	vmul.f32 v2, v11;
	v4 =	vmul.f32 v12, v4;
	v14 =	vld [tilespmem:s20+$0xFFFFFF80]  }
0x2ae: {  	s29 =	sadd.s32 $0x200, s29;
	v11 =	vld [tilespmem:s0+$0xFFFFFFC0];
	[tilespmem:s6+$0xFFFFFF30] =	vst v3;
	v3 =	vmul.f32 v5, v13;
	v5 =	vmul.f32 v10, v6  }
0x2af: {  	v6 =	vld [tilespmem:s29+$0x80];
	[tilespmem:s6+$0xFFFFFF70] =	vst v2;
	v2 =	vmul.f32 v7, v8;
	v1 =	vmul.f32 v1, v9  }
0x2b0: {  	v7 =	vld [tilespmem:s29+$0xC0];
	[tilespmem:s6+$0xFFFFFFB0] =	vst v4  }
0x2b1: {  	v8 =	vshll.u32 v17, $0x10;
	v4 =	vld [tilespmem:s20+$0xFFFFFFC0];
	v9 =	vshll.u32 v18, $0x10;
	[tilespmem:s6+$0xFFFFFFF0] =	vst v3  }
0x2b2: {  	s12 =	sadd.s32 $0x4, s12;
	v10 =	vand.u32 $0xFFFF0000, v17;
	v12 =	vand.u32 $0xFFFF0000, v18;
	v3 =	vld [tilespmem:s0+$0x0];
	v8 =	vadd.f32 v9, v8;
	[tilespmem:s6+$0x30] =	vst v5  }
0x2b3: {  	p4 =	slt.u32 s12, $0x4C;
	v5 =	vshll.u32 v14, $0x10;
	v9 =	vand.u32 $0xFFFF0000, v14;
	v10 =	vadd.f32 v12, v10;
	v13 =	vld [tilespmem:s20+$0x0];
	[tilespmem:s6+$0x70] =	vst v2  }
0x2b4: {  	v12 =	vshll.u32 v11, $0x10;
	v11 =	vand.u32 $0xFFFF0000, v11;
	v2 =	vld [tilespmem:s0+$0xFFFFFF80];
	v6 =	vmul.f32 v8, v6;
	[tilespmem:s6+$0xB0] =	vst v1;
	s6 =	smov.u32 s29  }
0x2b5: {  	v1 =	vld [tilespmem:s29+$0xFFFFFF00];
	v7 =	vmul.f32 v7, v10  }
0x2b6: {  	v8 =	vld [tilespmem:s29+$0xFFFFFF40];
	v10 =	vshll.u32 v4, $0x10;
	v4 =	vand.u32 $0xFFFF0000, v4;
	[tilespmem:s29+$0x80] =	vst v6  }
0x2b7: {  	v6 =	vadd.f32 v10, v12;
	v10 =	vld [tilespmem:s29+$0xFFFFFF80];
	v12 =	vshll.u32 v3, $0x10;
	v3 =	vand.u32 $0xFFFF0000, v3;
	[tilespmem:s29+$0xC0] =	vst v7  }
0x2b8: {  	v4 =	vadd.f32 v4, v11;
	v7 =	vshll.u32 v13, $0x10;
	v11 =	vand.u32 $0xFFFF0000, v13;
	v13 =	vld [tilespmem:s0+$0x50]  }
0x2b9: {  	v14 =	vshll.u32 v2, $0x10;
	v2 =	vand.u32 $0xFFFF0000, v2;
	v7 =	vadd.f32 v7, v12;
	v12 =	vld [tilespmem:s20+$0x50]  }
0x2ba: {  	v5 =	vadd.f32 v5, v14;
	v2 =	vadd.f32 v9, v2;
	v9 =	vld [tilespmem:s29+$0xFFFFFFC0]  }
0x2bb: {  	v3 =	vadd.f32 v11, v3;
	v14 =	vld [tilespmem:s29+$0x0]  }
0x2bc: {  	v1 =	vmul.f32 v5, v1;
	v2 =	vmul.f32 v8, v2;
	v5 =	vld [tilespmem:s29+$0x90]  }
0x2bd: {  	v6 =	vmul.f32 v6, v10;
	v8 =	vld [tilespmem:s29+$0xD0]  }
0x2be: {  	v10 =	vshll.u32 v13, $0x10;
	[tilespmem:s29+$0xFFFFFF00] =	vst v1;
	v1 =	vld [tilespmem:s29+$0x40];
	v11 =	vshll.u32 v12, $0x10  }
0x2bf: {  	v13 =	vand.u32 $0xFFFF0000, v13;
	v12 =	vand.u32 $0xFFFF0000, v12;
	[tilespmem:s29+$0xFFFFFF40] =	vst v2;
	v2 =	vld [tilespmem:s29+$0xFFFFFF10];
	v10 =	vadd.f32 v11, v10  }
0x2c0: {  	v4 =	vmul.f32 v9, v4;
	v11 =	vld [tilespmem:s0+$0xFFFFFF90];
	[tilespmem:s29+$0xFFFFFF80] =	vst v6;
	v6 =	vmul.f32 v7, v14;
	v7 =	vadd.f32 v12, v13  }
0x2c1: {  	v9 =	vld [tilespmem:s20+$0xFFFFFF90];
	v5 =	vmul.f32 v10, v5  }
0x2c2: {  	v10 =	vld [tilespmem:s29+$0xFFFFFF50];
	[tilespmem:s29+$0xFFFFFFC0] =	vst v4;
	v4 =	vmul.f32 v8, v7  }
0x2c3: {  	v7 =	vld [tilespmem:s0+$0xFFFFFFD0];
	v1 =	vmul.f32 v1, v3;
	[tilespmem:s29+$0x90] =	vst v5  }
0x2c4: {  	v3 =	vld [tilespmem:s20+$0xFFFFFFD0];
	[tilespmem:s29+$0xD0] =	vst v4  }
0x2c5: {  	v4 =	vshll.u32 v11, $0x10;
	v5 =	vand.u32 $0xFFFF0000, v11;
	[tilespmem:s29+$0x0] =	vst v6;
	v6 =	vld [tilespmem:s0+$0x60]  }
0x2c6: {  	v8 =	vshll.u32 v9, $0x10;
	v9 =	vand.u32 $0xFFFF0000, v9;
	[tilespmem:s29+$0x40] =	vst v1;
	v1 =	vld [tilespmem:s20+$0x60]  }
0x2c7: {  	v4 =	vadd.f32 v8, v4;
	v5 =	vadd.f32 v9, v5;
	v8 =	vld [tilespmem:s0+$0x10]  }
0x2c8: {  	v9 =	vshll.u32 v7, $0x10;
	v7 =	vand.u32 $0xFFFF0000, v7;
	v11 =	vld [tilespmem:s20+$0x10]  }
0x2c9: {  	v2 =	vmul.f32 v4, v2;
	v4 =	vshll.u32 v3, $0x10;
	v3 =	vand.u32 $0xFFFF0000, v3;
	v12 =	vld [tilespmem:s29+$0xA0]  }
0x2ca: {  	v5 =	vmul.f32 v10, v5;
	v4 =	vadd.f32 v4, v9;
	v3 =	vadd.f32 v3, v7;
	v7 =	vld [tilespmem:s29+$0xE0]  }
0x2cb: {  	v9 =	vshll.u32 v6, $0x10;
	[tilespmem:s29+$0xFFFFFF10] =	vst v2;
	v2 =	vld [tilespmem:s29+$0xFFFFFF90];
	v10 =	vshll.u32 v1, $0x10  }
0x2cc: {  	v6 =	vand.u32 $0xFFFF0000, v6;
	v1 =	vand.u32 $0xFFFF0000, v1;
	[tilespmem:s29+$0xFFFFFF50] =	vst v5;
	v5 =	vld [tilespmem:s29+$0xFFFFFFD0];
	v9 =	vadd.f32 v10, v9  }
0x2cd: {  	v10 =	vshll.u32 v8, $0x10;
	v1 =	vadd.f32 v1, v6;
	v13 =	vshll.u32 v11, $0x10;
	v14 =	vld [tilespmem:s29+$0x10]  }
0x2ce: {  	v6 =	vand.u32 $0xFFFF0000, v8;
	v8 =	vand.u32 $0xFFFF0000, v11;
	v11 =	vld [tilespmem:s29+$0x50];
	v9 =	vmul.f32 v9, v12  }
0x2cf: {  	v10 =	vadd.f32 v13, v10;
	v6 =	vadd.f32 v8, v6;
	v12 =	vld [tilespmem:s0+$0xFFFFFFA0];
	v1 =	vmul.f32 v7, v1  }
0x2d0: {  	v7 =	vld [tilespmem:s20+$0xFFFFFFA0];
	v2 =	vmul.f32 v4, v2;
	[tilespmem:s29+$0xA0] =	vst v9  }
0x2d1: {  	v4 =	vld [tilespmem:s29+$0xFFFFFF20];
	v3 =	vmul.f32 v5, v3;
	[tilespmem:s29+$0xE0] =	vst v1  }
0x2d2: {  	[tilespmem:s29+$0xFFFFFF90] =	vst v2;
	v1 =	vmul.f32 v10, v14;
	v2 =	vld [tilespmem:s0+$0x70]  }
0x2d3: {  	[tilespmem:s29+$0xFFFFFFD0] =	vst v3;
	v3 =	vmul.f32 v11, v6;
	v5 =	vld [tilespmem:s20+$0x70]  }
0x2d4: {  	v6 =	vshll.u32 v12, $0x10;
	v8 =	vand.u32 $0xFFFF0000, v12;
	v9 =	vld [tilespmem:s0+$0xFFFFFFE0];
	[tilespmem:s29+$0x10] =	vst v1  }
0x2d5: {  	v1 =	vshll.u32 v7, $0x10;
	v7 =	vand.u32 $0xFFFF0000, v7;
	v10 =	vld [tilespmem:s20+$0xFFFFFFE0];
	[tilespmem:s29+$0x50] =	vst v3  }
0x2d6: {  	v1 =	vadd.f32 v1, v6;
	v3 =	vadd.f32 v7, v8;
	v6 =	vld [tilespmem:s29+$0xF0]  }
0x2d7: {  	v7 =	vld [tilespmem:s0+$0x20];
	v8 =	vshll.u32 v2, $0x10  }
0x2d8: {  	v2 =	vand.u32 $0xFFFF0000, v2;
	v1 =	vmul.f32 v1, v4;
	v4 =	vld [tilespmem:s20+$0x20];
	v11 =	vand.u32 $0xFFFF0000, v5  }
0x2d9: {  	v12 =	vld [tilespmem:s29+$0xFFFFFF60];
	v13 =	vshll.u32 v9, $0x10;
	v9 =	vand.u32 $0xFFFF0000, v9;
	v2 =	vadd.f32 v11, v2  }
0x2da: {  	v5 =	vshll.u32 v5, $0x10;
	[tilespmem:s29+$0xFFFFFF20] =	vst v1;
	v1 =	vshll.u32 v10, $0x10;
	v10 =	vand.u32 $0xFFFF0000, v10;
	v11 =	vld [tilespmem:s29+$0xFFFFFFA0]  }
0x2db: {  	v13 =	vadd.f32 v1, v13;
	v9 =	vadd.f32 v10, v9;
	v10 =	vld [tilespmem:s29+$0xFFFFFFE0];
	v2 =	vmul.f32 v6, v2  }
0x2dc: {  	v1 =	vadd.f32 v5, v8;
	v6 =	vshll.u32 v7, $0x10;
	v7 =	vand.u32 $0xFFFF0000, v7;
	v14 =	vld [tilespmem:s29+$0x20]  }
0x2dd: {  	v5 =	vshll.u32 v4, $0x10;
	v4 =	vand.u32 $0xFFFF0000, v4;
	v8 =	vld [tilespmem:s29+$0x60];
	[tilespmem:s29+$0xF0] =	vst v2  }
0x2de: {  	v12 =	vmul.f32 v12, v3;
	v3 =	vld [tilespmem:s29+$0xFFFFFF30];
	v5 =	vadd.f32 v5, v6;
	v6 =	vadd.f32 v4, v7  }
0x2df: {  	v2 =	vld [tilespmem:s29+$0xFFFFFF70];
	v7 =	vmul.f32 v13, v11  }
0x2e0: {  	[tilespmem:s29+$0xFFFFFF60] =	vst v12;
	v9 =	vmul.f32 v10, v9;
	v4 =	vld [tilespmem:s29+$0xFFFFFFB0]  }
0x2e1: {  	v10 =	vld [tilespmem:s0+$0xFFFFFFB0];
	[tilespmem:s29+$0xFFFFFFA0] =	vst v7;
	v5 =	vmul.f32 v5, v14  }
0x2e2: {  	v7 =	vld [tilespmem:s20+$0xFFFFFFB0];
	[tilespmem:s29+$0xFFFFFFE0] =	vst v9;
	v6 =	vmul.f32 v8, v6  }
0x2e3: {  	v9 =	vld [tilespmem:s0+$0xFFFFFFF0];
	[tilespmem:s29+$0x20] =	vst v5  }
0x2e4: {  	v12 =	vld [tilespmem:s20+$0xFFFFFFF0];
	[tilespmem:s29+$0x60] =	vst v6  }
0x2e5: {  	v14 =	vld [tilespmem:s0+$0x30]  }
.Ltmp13:
0x2e6: {  	v6 =	vshll.u32 v10, $0x10;
	v11 =	vand.u32 $0xFFFF0000, v10;
	v8 =	vld [tilespmem:s20+$0x30];
	(pc) =	sbr.rel @p4 .LBB2_11-.Ltmp13, $4  }
0x2e7: {  	v10 =	vshll.u32 v7, $0x10;
	v7 =	vand.u32 $0xFFFF0000, v7;
	v5 =	vld [tilespmem:s29+$0xFFFFFFF0]  }
0x2e8: {  	v10 =	vadd.f32 v10, v6;
	v15 =	vshll.u32 v9, $0x10;
	v13 =	vand.u32 $0xFFFF0000, v9;
	v6 =	vld [tilespmem:s29+$0x30]  }
0x2e9: {  	v11 =	vadd.f32 v7, v11;
	v9 =	vshll.u32 v12, $0x10;
	v16 =	vand.u32 $0xFFFF0000, v12;
	v7 =	vld [tilespmem:s29+$0x70]  }
0x2ea: {  	s0 =	sadd.s32 $0x100, s0;
	v12 =	vadd.f32 v9, v15;
	v15 =	vshll.u32 v14, $0x10;
	v14 =	vand.u32 $0xFFFF0000, v14;
	v9 =	vld [tilespmem:s29+$0xB0]  }
0x2eb: {  	v3 =	vmul.f32 v10, v3  }
0x2ec: {  	v10 =	vadd.f32 v16, v13;
	v13 =	vshll.u32 v8, $0x10;
	v2 =	vmul.f32 v2, v11  }
0x2ed: {  	v8 =	vand.u32 $0xFFFF0000, v8;
	v11 =	vadd.f32 v13, v15;
	v4 =	vmul.f32 v12, v4;
	[tilespmem:s6+$0xFFFFFF30] =	vst v3  }
0x2ee: {  	v3 =	vadd.f32 v8, v14;
	v5 =	vmul.f32 v5, v10;
	[tilespmem:s6+$0xFFFFFF70] =	vst v2  }
0x2ef: {  	v2 =	vmul.f32 v11, v6;
	[tilespmem:s6+$0xFFFFFFB0] =	vst v4  }
0x2f0: {  	v3 =	vmul.f32 v7, v3;
	[tilespmem:s6+$0xFFFFFFF0] =	vst v5  }
0x2f1: {  	v1 =	vmul.f32 v1, v9;
	[tilespmem:s6+$0x30] =	vst v2  }
0x2f2: {  	[tilespmem:s6+$0x70] =	vst v3  }
0x2f3: {  	s0 =	simm.s32 $0x13B20;
	[tilespmem:s6+$0xB0] =	vst v1  }
0x2f4: {  	[spmem:s1] =	stream.indirect.scatter.add.f32 [tilespmem:s19], [sflag:$0x9], $0x80, s0, s26, $0xb8;
	[tilespmem:$0x1DC60] =	vst v63  }
0x2f5: {  	_ =	swait.ge [sflag:s30], $0x2800  }
0x2f6: {  	p4 =	seq.s32 s25, $0x7C;
	[sflag:s30] =	ssyncset.done $0x0  }
0x2f7: {  	s0 =	simm.s32 @p4 $0x4;
	[sflag:s30] =	ssyncadd.s32 $0xFFFFD800  }
0x2f8: {  	_ =	swait.ge @p4 [sflag:s0], $0x1400  }
0x2f9: {  	[sflag:s0] =	ssyncset.done @p4 $0x0  }
0x2fa: {  	[sflag:s0] =	ssyncadd.s32 @p4 $0xFFFFEC00;
	s0 =	simm.s32 @p4 $0x6  }
0x2fb: {  	_ =	swait.ge @p4 [sflag:s0], $0x1400  }
0x2fc: {  	[sflag:s0] =	ssyncset.done @p4 $0x0  }
0x2fd: {  	s6 =	smul.u32 @!p4 $0xA0, s25;
	[sflag:s0] =	ssyncadd.s32 @p4 $0xFFFFEC00;
	s0 =	simm.s32 @p4 $0x8  }
0x2fe: {  	_ =	swait.ge @p4 [sflag:s0], $0x2800  }
0x2ff: {  	s6 =	sadd.s32 @!p4 s6, s18;
	[sflag:s0] =	ssyncset.done @p4 $0x0  }
0x300: {  	[sflag:s0] =	ssyncadd.s32 @p4 $0xFFFFD800;
	s0 =	sshrl.u32 @!p4 s6, $0x3  }
0x301: {  	s12 =	simm.s32 @!p4 $0x0;
	s20 =	simm.s32 @!p4 $0x13A80;
	s6 =	sadd.s32 @!p4 s7, s0  }
0x302: {  	[tilespmem:s20], [sflag:$0x1] =	stream.linear.gather @!p4 [hbm4b:s6+s12], $0x50, $0x38;
	[tilespmem:$0x1DC60] =	vst v63  }
0x303: {  	s29 =	simm.s32 @!p4 $0x13B20;
	s6 =	sadd.s32 @!p4 s8, s0  }
0x304: {  	[tilespmem:s29], [sflag:$0x1] =	stream.linear.gather @!p4 [hbm4b:s6+s12], $0x50, $0x38;
	[tilespmem:$0x1DC60] =	vst v63  }
0x305: {  	s0 =	sadd.s32 @!p4 s9, s0;
	s6 =	simm.s32 @!p4 $0x13BC0  }
0x306: {  	[tilespmem:s6], [sflag:$0x1] =	stream.linear.gather @!p4 [hbm4b:s0+s12], $0x50, $0x38;
	[tilespmem:$0x1DC60] =	vst v63  }
0x307: {  	s0 =	simm.s32 @!p4 $0x4  }
0x308: {  	_ =	swait.ge @!p4 [sflag:s0], $0x1400  }
0x309: {  	[sflag:s0] =	ssyncset.done @!p4 $0x0  }
0x30a: {  	[sflag:s0] =	ssyncadd.s32 @!p4 $0xFFFFEC00;
	s0 =	simm.s32 @!p4 $0x6  }
0x30b: {  	_ =	swait.ge @!p4 [sflag:s0], $0x1400  }
0x30c: {  	[sflag:s0] =	ssyncset.done @!p4 $0x0  }
0x30d: {  	[sflag:s0] =	ssyncadd.s32 @!p4 $0xFFFFEC00;
	s0 =	simm.s32 @!p4 $0x8  }
0x30e: {  	_ =	swait.ge @!p4 [sflag:s0], $0x2800  }
0x30f: {  	[sflag:s0] =	ssyncset.done @!p4 $0x0  }
0x310: {  	[sflag:s0] =	ssyncadd.s32 @!p4 $0xFFFFD800;
	s0 =	simm.s32 @!p4 $0x1  }
0x311: {  	_ =	swait.ge @!p4 [sflag:s0], $0x50  }
0x312: {  	[sflag:s0] =	ssyncset.done @!p4 $0x0  }
0x313: {  	[sflag:s0] =	ssyncadd.s32 @!p4 $0xFFFFFFB0  }
0x314: {  	_ =	swait.ge @!p4 [sflag:s0], $0x50  }
0x315: {  	[sflag:s0] =	ssyncset.done @!p4 $0x0  }
0x316: {  	[sflag:s0] =	ssyncadd.s32 @!p4 $0xFFFFFFB0  }
0x317: {  	_ =	swait.ge @!p4 [sflag:s0], $0x50  }
0x318: {  	[sflag:s0] =	ssyncset.done @!p4 $0x0  }
0x319: {  	s12 =	simm.s32 @!p4 $0x13C60;
	[sflag:s0] =	ssyncadd.s32 @!p4 $0xFFFFFFB0;
	s0 =	simm.s32 @!p4 $0x50  }
0x31a: {  	[tilespmem:s12], [sflag:$0x3] =	stream.indirect.gather @!p4 [hbm4b:s4+s0], $0x40, s20, s0, $0xb8;
	[tilespmem:$0x1DC60] =	vst v63  }
0x31b: {  	s12 =	simm.s32 @!p4 $0x16460  }
0x31c: {  	[tilespmem:s12], [sflag:$0x5] =	stream.indirect.gather @!p4 [hbm4b:s5+s0], $0x40, s29, s0, $0xb8;
	[tilespmem:$0x1DC60] =	vst v63  }
0x31d: {  	s12 =	simm.s32 @!p4 $0x18C60  }
0x31e: {  	[tilespmem:s12], [sflag:$0x7] =	stream.indirect.gather @!p4 [spmem:s2], $0x80, s6, s0, $0xb8;
	[tilespmem:$0x1DC60] =	vst v63  }
0x31f: {  	s12 =	simm.s32 $0x150E0  }
0x320: {  	s20 =	simm.s32 $0x178E0;
	v1 =	vld [tilespmem:s12+$0x40]  }
0x321: {  	v2 =	vld [tilespmem:s20+$0x40]  }
0x322: {  	v3 =	vld [tilespmem:s20+$0xFFFFFF80]  }
0x323: {  	s6 =	simm.s32 $0x1B560;
	v4 =	vld [tilespmem:s12+$0xFFFFFFC0]  }
0x324: {  	v5 =	vld [tilespmem:s6+$0x80]  }
0x325: {  	v6 =	vld [tilespmem:s6+$0xC0]  }
0x326: {  	v7 =	vld [tilespmem:s20+$0xFFFFFFC0]  }
0x327: {  	v10 =	vld [tilespmem:s12+$0x0];
	v8 =	vshll.u32 v1, $0x10;
	v9 =	vshll.u32 v2, $0x10  }
0x328: {  	v15 =	vld [tilespmem:s6+$0x0];
	v1 =	vand.u32 $0xFFFF0000, v1;
	v2 =	vand.u32 $0xFFFF0000, v2;
	v8 =	vadd.f32 v9, v8  }
0x329: {  	v1 =	vadd.f32 v2, v1;
	v2 =	vld [tilespmem:s12+$0xFFFFFF80]  }
0x32a: {  	v9 =	vld [tilespmem:s20+$0x0];
	v5 =	vmul.f32 v8, v5  }
0x32b: {  	v8 =	vld [tilespmem:s6+$0xFFFFFF00];
	v1 =	vmul.f32 v6, v1  }
0x32c: {  	v6 =	vld [tilespmem:s6+$0xFFFFFF40];
	[tilespmem:s6+$0x80] =	vst v5  }
0x32d: {  	v14 =	vshll.u32 v7, $0x10;
	v5 =	vld [tilespmem:s6+$0xFFFFFF80];
	[tilespmem:s6+$0xC0] =	vst v1  }
0x32e: {  	v7 =	vand.u32 $0xFFFF0000, v7;
	v1 =	vshll.u32 v3, $0x10;
	v11 =	vld [tilespmem:s12+$0x50];
	v12 =	vshll.u32 v2, $0x10  }
0x32f: {  	v3 =	vand.u32 $0xFFFF0000, v3;
	v2 =	vand.u32 $0xFFFF0000, v2;
	v13 =	vld [tilespmem:s20+$0x50];
	v1 =	vadd.f32 v1, v12  }
0x330: {  	v12 =	vshll.u32 v4, $0x10;
	v2 =	vadd.f32 v3, v2;
	v3 =	vld [tilespmem:s6+$0xFFFFFFC0];
	v4 =	vand.u32 $0xFFFF0000, v4  }
0x331: {  	v4 =	vadd.f32 v7, v4;
	v7 =	vld [tilespmem:s6+$0xD0];
	v1 =	vmul.f32 v1, v8;
	v8 =	vadd.f32 v14, v12  }
0x332: {  	v2 =	vmul.f32 v6, v2;
	v6 =	vld [tilespmem:s6+$0x90]  }
0x333: {  	v12 =	vshll.u32 v10, $0x10;
	v10 =	vand.u32 $0xFFFF0000, v10;
	[tilespmem:s6+$0xFFFFFF00] =	vst v1;
	v1 =	vmul.f32 v8, v5;
	v5 =	vld [tilespmem:s6+$0x40]  }
0x334: {  	v8 =	vshll.u32 v11, $0x10;
	v14 =	vshll.u32 v13, $0x10;
	[tilespmem:s6+$0xFFFFFF40] =	vst v2;
	v2 =	vld [tilespmem:s6+$0xFFFFFF10];
	v11 =	vand.u32 $0xFFFF0000, v11  }
0x335: {  	v13 =	vand.u32 $0xFFFF0000, v13;
	v8 =	vadd.f32 v14, v8;
	v16 =	vld [tilespmem:s12+$0xFFFFFF90];
	v3 =	vmul.f32 v3, v4  }
0x336: {  	v14 =	vshll.u32 v9, $0x10;
	v4 =	vadd.f32 v13, v11;
	v9 =	vand.u32 $0xFFFF0000, v9;
	[tilespmem:s6+$0xFFFFFF80] =	vst v1;
	v1 =	vld [tilespmem:s20+$0xFFFFFF90]  }
0x337: {  	v11 =	vadd.f32 v14, v12;
	v6 =	vmul.f32 v8, v6;
	v8 =	vadd.f32 v9, v10;
	v9 =	vld [tilespmem:s6+$0xFFFFFF50];
	[tilespmem:s6+$0xFFFFFFC0] =	vst v3  }
0x338: {  	v3 =	vmul.f32 v7, v4;
	v7 =	vld [tilespmem:s12+$0xFFFFFFD0]  }
0x339: {  	v4 =	vmul.f32 v11, v15;
	v15 =	vld [tilespmem:s6+$0xFFFFFFD0];
	[tilespmem:s6+$0x90] =	vst v6  }
0x33a: {  	v5 =	vmul.f32 v5, v8;
	v6 =	vld [tilespmem:s20+$0xFFFFFFD0];
	[tilespmem:s6+$0xD0] =	vst v3  }
0x33b: {  	[tilespmem:s6+$0x0] =	vst v4;
	v3 =	vld [tilespmem:s12+$0x60]  }
0x33c: {  	v4 =	vld [tilespmem:s20+$0x60];
	[tilespmem:s6+$0x40] =	vst v5  }
0x33d: {  	v5 =	vshll.u32 v16, $0x10;
	v8 =	vshll.u32 v1, $0x10;
	v10 =	vld [tilespmem:s12+$0x10]  }
0x33e: {  	v11 =	vand.u32 $0xFFFF0000, v16;
	v1 =	vand.u32 $0xFFFF0000, v1;
	v5 =	vadd.f32 v8, v5;
	v8 =	vld [tilespmem:s20+$0x10]  }
0x33f: {  	v1 =	vadd.f32 v1, v11;
	v11 =	vld [tilespmem:s6+$0xA0]  }
0x340: {  	v12 =	vshll.u32 v7, $0x10;
	v7 =	vand.u32 $0xFFFF0000, v7;
	v2 =	vmul.f32 v5, v2;
	v5 =	vld [tilespmem:s6+$0xE0]  }
0x341: {  	v1 =	vmul.f32 v9, v1;
	v9 =	vld [tilespmem:s6+$0xFFFFFF90];
	v13 =	vshll.u32 v3, $0x10;
	v14 =	vshll.u32 v4, $0x10  }
0x342: {  	v3 =	vand.u32 $0xFFFF0000, v3;
	v4 =	vand.u32 $0xFFFF0000, v4;
	v13 =	vadd.f32 v14, v13;
	[tilespmem:s6+$0xFFFFFF10] =	vst v2;
	v2 =	vld [tilespmem:s6+$0x10]  }
0x343: {  	v14 =	vshll.u32 v6, $0x10;
	v3 =	vadd.f32 v4, v3;
	v4 =	vand.u32 $0xFFFF0000, v6;
	[tilespmem:s6+$0xFFFFFF50] =	vst v1;
	v1 =	vld [tilespmem:s6+$0x50]  }
0x344: {  	v6 =	vadd.f32 v14, v12;
	v4 =	vadd.f32 v4, v7;
	v12 =	vld [tilespmem:s12+$0xFFFFFFA0];
	v11 =	vmul.f32 v13, v11  }
0x345: {  	v7 =	vshll.u32 v10, $0x10;
	v13 =	vld [tilespmem:s20+$0xFFFFFFA0];
	v3 =	vmul.f32 v5, v3  }
0x346: {  	v5 =	vshll.u32 v8, $0x10;
	v6 =	vmul.f32 v6, v9;
	v4 =	vmul.f32 v15, v4;
	v15 =	vld [tilespmem:s6+$0x20];
	[tilespmem:s6+$0xA0] =	vst v11  }
0x347: {  	v10 =	vand.u32 $0xFFFF0000, v10;
	v8 =	vand.u32 $0xFFFF0000, v8;
	v5 =	vadd.f32 v5, v7;
	v7 =	vld [tilespmem:s6+$0xFFFFFF20];
	[tilespmem:s6+$0xE0] =	vst v3  }
0x348: {  	v3 =	vadd.f32 v8, v10;
	[tilespmem:s6+$0xFFFFFF90] =	vst v6;
	v6 =	vld [tilespmem:s12+$0x70]  }
0x349: {  	[tilespmem:s6+$0xFFFFFFD0] =	vst v4;
	v2 =	vmul.f32 v5, v2;
	v5 =	vld [tilespmem:s20+$0x70]  }
0x34a: {  	v1 =	vmul.f32 v1, v3;
	v3 =	vld [tilespmem:s12+$0xFFFFFFE0]  }
0x34b: {  	v8 =	vshll.u32 v12, $0x10;
	v9 =	vshll.u32 v13, $0x10;
	[tilespmem:s6+$0x10] =	vst v2;
	v2 =	vld [tilespmem:s20+$0xFFFFFFE0]  }
0x34c: {  	v8 =	vadd.f32 v9, v8;
	v9 =	vld [tilespmem:s6+$0xFFFFFF60];
	[tilespmem:s6+$0x50] =	vst v1  }
0x34d: {  	v4 =	vld [tilespmem:s12+$0x20]  }
0x34e: {  	v10 =	vld [tilespmem:s20+$0x20]  }
0x34f: {  	v11 =	vand.u32 $0xFFFF0000, v12;
	v12 =	vand.u32 $0xFFFF0000, v13;
	v13 =	vld [tilespmem:s6+$0xFFFFFFA0]  }
0x350: {  	v11 =	vadd.f32 v12, v11;
	v12 =	vld [tilespmem:s6+$0xFFFFFFE0];
	v7 =	vmul.f32 v8, v7;
	v8 =	vshll.u32 v3, $0x10  }
0x351: {  	v1 =	vld [tilespmem:s6+$0xF0];
	v3 =	vand.u32 $0xFFFF0000, v3;
	v14 =	vshll.u32 v2, $0x10;
	v2 =	vand.u32 $0xFFFF0000, v2  }
0x352: {  	[tilespmem:s6+$0xFFFFFF20] =	vst v7;
	v9 =	vmul.f32 v9, v11;
	v7 =	vadd.f32 v14, v8;
	v8 =	vadd.f32 v2, v3;
	v14 =	vld [tilespmem:s6+$0x60]  }
0x353: {  	v3 =	vld [tilespmem:s6+$0xFFFFFF30];
	v2 =	vshll.u32 v4, $0x10;
	v4 =	vand.u32 $0xFFFF0000, v4;
	v16 =	vshll.u32 v10, $0x10  }
0x354: {  	v10 =	vand.u32 $0xFFFF0000, v10;
	v11 =	vadd.f32 v16, v2;
	v2 =	vld [tilespmem:s6+$0xFFFFFF70];
	v7 =	vmul.f32 v7, v13  }
0x355: {  	[tilespmem:s6+$0xFFFFFF60] =	vst v9;
	v10 =	vadd.f32 v10, v4;
	v8 =	vmul.f32 v12, v8;
	v4 =	vld [tilespmem:s6+$0xFFFFFFB0]  }
0x356: {  	v9 =	vld [tilespmem:s12+$0xFFFFFFB0];
	[tilespmem:s6+$0xFFFFFFA0] =	vst v7;
	v7 =	vmul.f32 v11, v15  }
0x357: {  	v11 =	vld [tilespmem:s20+$0xFFFFFFB0];
	[tilespmem:s6+$0xFFFFFFE0] =	vst v8;
	v8 =	vmul.f32 v14, v10  }
0x358: {  	v12 =	vand.u32 $0xFFFF0000, v5;
	v10 =	vand.u32 $0xFFFF0000, v6;
	v13 =	vld [tilespmem:s12+$0xFFFFFFF0];
	[tilespmem:s6+$0x20] =	vst v7  }
0x359: {  	v7 =	vadd.f32 v12, v10;
	v12 =	vld [tilespmem:s20+$0xFFFFFFF0];
	[tilespmem:s6+$0x60] =	vst v8  }
0x35a: {  	v5 =	vshll.u32 v5, $0x10;
	v6 =	vshll.u32 v6, $0x10;
	v14 =	vld [tilespmem:s12+$0x30]  }
0x35b: {  	v7 =	vmul.f32 v1, v7;
	v1 =	vadd.f32 v5, v6;
	v6 =	vshll.u32 v9, $0x10;
	v8 =	vld [tilespmem:s20+$0x30]  }
0x35c: {  	v9 =	vand.u32 $0xFFFF0000, v9;
	v5 =	vld [tilespmem:s6+$0xFFFFFFF0];
	v10 =	vshll.u32 v11, $0x10;
	v11 =	vand.u32 $0xFFFF0000, v11  }
0x35d: {  	v10 =	vadd.f32 v10, v6;
	v15 =	vshll.u32 v13, $0x10;
	v13 =	vand.u32 $0xFFFF0000, v13;
	v6 =	vld [tilespmem:s6+$0x30]  }
0x35e: {  	[tilespmem:s6+$0xF0] =	vst v7;
	v11 =	vadd.f32 v11, v9;
	v7 =	vld [tilespmem:s6+$0x70];
	v9 =	vshll.u32 v12, $0x10;
	v16 =	vand.u32 $0xFFFF0000, v12  }
0x35f: {  	s29 =	simm.s32 $0x1B560;
	s0 =	simm.s32 $0x151E0;
	s12 =	simm.s32 $0x0;
	v12 =	vadd.f32 v9, v15;
	v9 =	vld [tilespmem:s6+$0xB0];
	v15 =	vshll.u32 v14, $0x10;
	v14 =	vand.u32 $0xFFFF0000, v14  }
.LBB2_13:
0x360: {  	v17 =	vld [tilespmem:s0+$0x40];
	v13 =	vadd.f32 v16, v13;
	v16 =	vshll.u32 v8, $0x10;
	v8 =	vand.u32 $0xFFFF0000, v8;
	s20 =	sadd.s32 $0x100, s20  }
0x361: {  	v3 =	vmul.f32 v10, v3;
	v18 =	vld [tilespmem:s20+$0x40];
	v10 =	vadd.f32 v16, v15;
	v8 =	vadd.f32 v8, v14  }
0x362: {  	v2 =	vmul.f32 v2, v11;
	v4 =	vmul.f32 v12, v4;
	v14 =	vld [tilespmem:s20+$0xFFFFFF80]  }
0x363: {  	s29 =	sadd.s32 $0x200, s29;
	v11 =	vld [tilespmem:s0+$0xFFFFFFC0];
	[tilespmem:s6+$0xFFFFFF30] =	vst v3;
	v3 =	vmul.f32 v5, v13;
	v5 =	vmul.f32 v10, v6  }
0x364: {  	v6 =	vld [tilespmem:s29+$0x80];
	[tilespmem:s6+$0xFFFFFF70] =	vst v2;
	v2 =	vmul.f32 v7, v8;
	v1 =	vmul.f32 v1, v9  }
0x365: {  	v7 =	vld [tilespmem:s29+$0xC0];
	[tilespmem:s6+$0xFFFFFFB0] =	vst v4  }
0x366: {  	v8 =	vshll.u32 v17, $0x10;
	v4 =	vld [tilespmem:s20+$0xFFFFFFC0];
	v9 =	vshll.u32 v18, $0x10;
	[tilespmem:s6+$0xFFFFFFF0] =	vst v3  }
0x367: {  	s12 =	sadd.s32 $0x4, s12;
	v10 =	vand.u32 $0xFFFF0000, v17;
	v12 =	vand.u32 $0xFFFF0000, v18;
	v3 =	vld [tilespmem:s0+$0x0];
	v8 =	vadd.f32 v9, v8;
	[tilespmem:s6+$0x30] =	vst v5  }
0x368: {  	p5 =	slt.u32 s12, $0x4C;
	v5 =	vshll.u32 v14, $0x10;
	v9 =	vand.u32 $0xFFFF0000, v14;
	v10 =	vadd.f32 v12, v10;
	v13 =	vld [tilespmem:s20+$0x0];
	[tilespmem:s6+$0x70] =	vst v2  }
0x369: {  	v12 =	vshll.u32 v11, $0x10;
	v11 =	vand.u32 $0xFFFF0000, v11;
	v2 =	vld [tilespmem:s0+$0xFFFFFF80];
	v6 =	vmul.f32 v8, v6;
	[tilespmem:s6+$0xB0] =	vst v1;
	s6 =	smov.u32 s29  }
0x36a: {  	v1 =	vld [tilespmem:s29+$0xFFFFFF00];
	v7 =	vmul.f32 v7, v10  }
0x36b: {  	v8 =	vld [tilespmem:s29+$0xFFFFFF40];
	v10 =	vshll.u32 v4, $0x10;
	v4 =	vand.u32 $0xFFFF0000, v4;
	[tilespmem:s29+$0x80] =	vst v6  }
0x36c: {  	v6 =	vadd.f32 v10, v12;
	v10 =	vld [tilespmem:s29+$0xFFFFFF80];
	v12 =	vshll.u32 v3, $0x10;
	v3 =	vand.u32 $0xFFFF0000, v3;
	[tilespmem:s29+$0xC0] =	vst v7  }
0x36d: {  	v4 =	vadd.f32 v4, v11;
	v7 =	vshll.u32 v13, $0x10;
	v11 =	vand.u32 $0xFFFF0000, v13;
	v13 =	vld [tilespmem:s0+$0x50]  }
0x36e: {  	v14 =	vshll.u32 v2, $0x10;
	v2 =	vand.u32 $0xFFFF0000, v2;
	v7 =	vadd.f32 v7, v12;
	v12 =	vld [tilespmem:s20+$0x50]  }
0x36f: {  	v5 =	vadd.f32 v5, v14;
	v2 =	vadd.f32 v9, v2;
	v9 =	vld [tilespmem:s29+$0xFFFFFFC0]  }
0x370: {  	v3 =	vadd.f32 v11, v3;
	v14 =	vld [tilespmem:s29+$0x0]  }
0x371: {  	v1 =	vmul.f32 v5, v1;
	v2 =	vmul.f32 v8, v2;
	v5 =	vld [tilespmem:s29+$0x90]  }
0x372: {  	v6 =	vmul.f32 v6, v10;
	v8 =	vld [tilespmem:s29+$0xD0]  }
0x373: {  	v10 =	vshll.u32 v13, $0x10;
	[tilespmem:s29+$0xFFFFFF00] =	vst v1;
	v1 =	vld [tilespmem:s29+$0x40];
	v11 =	vshll.u32 v12, $0x10  }
0x374: {  	v13 =	vand.u32 $0xFFFF0000, v13;
	v12 =	vand.u32 $0xFFFF0000, v12;
	[tilespmem:s29+$0xFFFFFF40] =	vst v2;
	v2 =	vld [tilespmem:s29+$0xFFFFFF10];
	v10 =	vadd.f32 v11, v10  }
0x375: {  	v4 =	vmul.f32 v9, v4;
	v11 =	vld [tilespmem:s0+$0xFFFFFF90];
	[tilespmem:s29+$0xFFFFFF80] =	vst v6;
	v6 =	vmul.f32 v7, v14;
	v7 =	vadd.f32 v12, v13  }
0x376: {  	v9 =	vld [tilespmem:s20+$0xFFFFFF90];
	v5 =	vmul.f32 v10, v5  }
0x377: {  	v10 =	vld [tilespmem:s29+$0xFFFFFF50];
	[tilespmem:s29+$0xFFFFFFC0] =	vst v4;
	v4 =	vmul.f32 v8, v7  }
0x378: {  	v7 =	vld [tilespmem:s0+$0xFFFFFFD0];
	v1 =	vmul.f32 v1, v3;
	[tilespmem:s29+$0x90] =	vst v5  }
0x379: {  	v3 =	vld [tilespmem:s20+$0xFFFFFFD0];
	[tilespmem:s29+$0xD0] =	vst v4  }
0x37a: {  	v4 =	vshll.u32 v11, $0x10;
	v5 =	vand.u32 $0xFFFF0000, v11;
	[tilespmem:s29+$0x0] =	vst v6;
	v6 =	vld [tilespmem:s0+$0x60]  }
0x37b: {  	v8 =	vshll.u32 v9, $0x10;
	v9 =	vand.u32 $0xFFFF0000, v9;
	[tilespmem:s29+$0x40] =	vst v1;
	v1 =	vld [tilespmem:s20+$0x60]  }
0x37c: {  	v4 =	vadd.f32 v8, v4;
	v5 =	vadd.f32 v9, v5;
	v8 =	vld [tilespmem:s0+$0x10]  }
0x37d: {  	v9 =	vshll.u32 v7, $0x10;
	v7 =	vand.u32 $0xFFFF0000, v7;
	v11 =	vld [tilespmem:s20+$0x10]  }
0x37e: {  	v2 =	vmul.f32 v4, v2;
	v4 =	vshll.u32 v3, $0x10;
	v3 =	vand.u32 $0xFFFF0000, v3;
	v12 =	vld [tilespmem:s29+$0xA0]  }
0x37f: {  	v5 =	vmul.f32 v10, v5;
	v4 =	vadd.f32 v4, v9;
	v3 =	vadd.f32 v3, v7;
	v7 =	vld [tilespmem:s29+$0xE0]  }
0x380: {  	v9 =	vshll.u32 v6, $0x10;
	[tilespmem:s29+$0xFFFFFF10] =	vst v2;
	v2 =	vld [tilespmem:s29+$0xFFFFFF90];
	v10 =	vshll.u32 v1, $0x10  }
0x381: {  	v6 =	vand.u32 $0xFFFF0000, v6;
	v1 =	vand.u32 $0xFFFF0000, v1;
	[tilespmem:s29+$0xFFFFFF50] =	vst v5;
	v5 =	vld [tilespmem:s29+$0xFFFFFFD0];
	v9 =	vadd.f32 v10, v9  }
0x382: {  	v10 =	vshll.u32 v8, $0x10;
	v1 =	vadd.f32 v1, v6;
	v13 =	vshll.u32 v11, $0x10;
	v14 =	vld [tilespmem:s29+$0x10]  }
0x383: {  	v6 =	vand.u32 $0xFFFF0000, v8;
	v8 =	vand.u32 $0xFFFF0000, v11;
	v11 =	vld [tilespmem:s29+$0x50];
	v9 =	vmul.f32 v9, v12  }
0x384: {  	v10 =	vadd.f32 v13, v10;
	v6 =	vadd.f32 v8, v6;
	v12 =	vld [tilespmem:s0+$0xFFFFFFA0];
	v1 =	vmul.f32 v7, v1  }
0x385: {  	v7 =	vld [tilespmem:s20+$0xFFFFFFA0];
	v2 =	vmul.f32 v4, v2;
	[tilespmem:s29+$0xA0] =	vst v9  }
0x386: {  	v4 =	vld [tilespmem:s29+$0xFFFFFF20];
	v3 =	vmul.f32 v5, v3;
	[tilespmem:s29+$0xE0] =	vst v1  }
0x387: {  	[tilespmem:s29+$0xFFFFFF90] =	vst v2;
	v1 =	vmul.f32 v10, v14;
	v2 =	vld [tilespmem:s0+$0x70]  }
0x388: {  	[tilespmem:s29+$0xFFFFFFD0] =	vst v3;
	v3 =	vmul.f32 v11, v6;
	v5 =	vld [tilespmem:s20+$0x70]  }
0x389: {  	v6 =	vshll.u32 v12, $0x10;
	v8 =	vand.u32 $0xFFFF0000, v12;
	v9 =	vld [tilespmem:s0+$0xFFFFFFE0];
	[tilespmem:s29+$0x10] =	vst v1  }
0x38a: {  	v1 =	vshll.u32 v7, $0x10;
	v7 =	vand.u32 $0xFFFF0000, v7;
	v10 =	vld [tilespmem:s20+$0xFFFFFFE0];
	[tilespmem:s29+$0x50] =	vst v3  }
0x38b: {  	v1 =	vadd.f32 v1, v6;
	v3 =	vadd.f32 v7, v8;
	v6 =	vld [tilespmem:s29+$0xF0]  }
0x38c: {  	v7 =	vld [tilespmem:s0+$0x20];
	v8 =	vshll.u32 v2, $0x10  }
0x38d: {  	v2 =	vand.u32 $0xFFFF0000, v2;
	v1 =	vmul.f32 v1, v4;
	v4 =	vld [tilespmem:s20+$0x20];
	v11 =	vand.u32 $0xFFFF0000, v5  }
0x38e: {  	v12 =	vld [tilespmem:s29+$0xFFFFFF60];
	v13 =	vshll.u32 v9, $0x10;
	v9 =	vand.u32 $0xFFFF0000, v9;
	v2 =	vadd.f32 v11, v2  }
0x38f: {  	v5 =	vshll.u32 v5, $0x10;
	[tilespmem:s29+$0xFFFFFF20] =	vst v1;
	v1 =	vshll.u32 v10, $0x10;
	v10 =	vand.u32 $0xFFFF0000, v10;
	v11 =	vld [tilespmem:s29+$0xFFFFFFA0]  }
0x390: {  	v13 =	vadd.f32 v1, v13;
	v9 =	vadd.f32 v10, v9;
	v10 =	vld [tilespmem:s29+$0xFFFFFFE0];
	v2 =	vmul.f32 v6, v2  }
0x391: {  	v1 =	vadd.f32 v5, v8;
	v6 =	vshll.u32 v7, $0x10;
	v7 =	vand.u32 $0xFFFF0000, v7;
	v14 =	vld [tilespmem:s29+$0x20]  }
0x392: {  	v5 =	vshll.u32 v4, $0x10;
	v4 =	vand.u32 $0xFFFF0000, v4;
	v8 =	vld [tilespmem:s29+$0x60];
	[tilespmem:s29+$0xF0] =	vst v2  }
0x393: {  	v12 =	vmul.f32 v12, v3;
	v3 =	vld [tilespmem:s29+$0xFFFFFF30];
	v5 =	vadd.f32 v5, v6;
	v6 =	vadd.f32 v4, v7  }
0x394: {  	v2 =	vld [tilespmem:s29+$0xFFFFFF70];
	v7 =	vmul.f32 v13, v11  }
0x395: {  	[tilespmem:s29+$0xFFFFFF60] =	vst v12;
	v9 =	vmul.f32 v10, v9;
	v4 =	vld [tilespmem:s29+$0xFFFFFFB0]  }
0x396: {  	v10 =	vld [tilespmem:s0+$0xFFFFFFB0];
	[tilespmem:s29+$0xFFFFFFA0] =	vst v7;
	v5 =	vmul.f32 v5, v14  }
0x397: {  	v7 =	vld [tilespmem:s20+$0xFFFFFFB0];
	[tilespmem:s29+$0xFFFFFFE0] =	vst v9;
	v6 =	vmul.f32 v8, v6  }
0x398: {  	v9 =	vld [tilespmem:s0+$0xFFFFFFF0];
	[tilespmem:s29+$0x20] =	vst v5  }
0x399: {  	v12 =	vld [tilespmem:s20+$0xFFFFFFF0];
	[tilespmem:s29+$0x60] =	vst v6  }
0x39a: {  	v14 =	vld [tilespmem:s0+$0x30]  }
.Ltmp14:
0x39b: {  	v6 =	vshll.u32 v10, $0x10;
	v11 =	vand.u32 $0xFFFF0000, v10;
	v8 =	vld [tilespmem:s20+$0x30];
	(pc) =	sbr.rel @p5 .LBB2_13-.Ltmp14, $4  }
0x39c: {  	v10 =	vshll.u32 v7, $0x10;
	v7 =	vand.u32 $0xFFFF0000, v7;
	v5 =	vld [tilespmem:s29+$0xFFFFFFF0]  }
0x39d: {  	v10 =	vadd.f32 v10, v6;
	v15 =	vshll.u32 v9, $0x10;
	v13 =	vand.u32 $0xFFFF0000, v9;
	v6 =	vld [tilespmem:s29+$0x30]  }
0x39e: {  	v11 =	vadd.f32 v7, v11;
	v9 =	vshll.u32 v12, $0x10;
	v16 =	vand.u32 $0xFFFF0000, v12;
	v7 =	vld [tilespmem:s29+$0x70]  }
0x39f: {  	s0 =	sadd.s32 $0x100, s0;
	v12 =	vadd.f32 v9, v15;
	v15 =	vshll.u32 v14, $0x10;
	v14 =	vand.u32 $0xFFFF0000, v14;
	v9 =	vld [tilespmem:s29+$0xB0]  }
0x3a0: {  	v3 =	vmul.f32 v10, v3  }
0x3a1: {  	v60 =	vadd.f32 v16, v13;
	v61 =	vshll.u32 v8, $0x10;
	v2 =	vmul.f32 v2, v11  }
0x3a2: {  	v62 =	vand.u32 $0xFFFF0000, v8;
	v63 =	vadd.f32 v61, v15;
	v4 =	vmul.f32 v12, v4;
	[tilespmem:s6+$0xFFFFFF30] =	vst v3  }
0x3a3: {  	v3 =	vadd.f32 v62, v14;
	v5 =	vmul.f32 v5, v60;
	[tilespmem:s6+$0xFFFFFF70] =	vst v2  }
0x3a4: {  	v2 =	vmul.f32 v63, v6;
	[tilespmem:s6+$0xFFFFFFB0] =	vst v4  }
0x3a5: {  	v3 =	vmul.f32 v7, v3;
	[tilespmem:s6+$0xFFFFFFF0] =	vst v5  }
0x3a6: {  	v1 =	vmul.f32 v1, v9;
	[tilespmem:s6+$0x30] =	vst v2  }
0x3a7: {  	[tilespmem:s6+$0x70] =	vst v3  }
.Ltmp15:
0x3a8: {  	[tilespmem:s6+$0xB0] =	vst v1;
	(pc) =	sbr.rel @p4 .LBB2_16-.Ltmp15, $4  }
0x3a9: {  	[spmem:s1] =	stream.indirect.scatter.add.f32 [tilespmem:s24], [sflag:$0x9], $0x80, s22, s26, $0xb8;
	[tilespmem:$0x1DC60] =	vst v63  }
0x3aa: {  	_ =	swait.ge [sflag:s30], $0x2800  }
0x3ab: {  	[sflag:s30] =	ssyncset.done $0x0  }
0x3ac: {  	[sflag:s30] =	ssyncadd.s32 $0xFFFFD800  }
0x3ad: {  	s6 =	sld [smem:$0x7F3]  }
0x3ae: {  	s0 =	smul.u32 $0xA0, s25;
	_ =	sdelay $0x1  }
0x3af: {  	s0 =	sadd.s32 s0, s6  }
0x3b0: {  	s0 =	sshrl.u32 s0, $0x3  }
0x3b1: {  	s20 =	sadd.s32 s7, s0  }
0x3b2: {  	[tilespmem:s21], [sflag:$0x2] =	stream.linear.gather [hbm4b:s20+s3], $0x50, $0x38;
	[tilespmem:$0x1DC60] =	vst v63  }
.Ltmp16:
0x3b3: {  	_ = 	snop;
	(pc) =	sbr.rel .LBB2_10-.Ltmp16, $4  }
0x3b4: {  	s29 =	sadd.s32 s8, s0  }
0x3b5: {  	[tilespmem:s22], [sflag:$0x2] =	stream.linear.gather [hbm4b:s29+s3], $0x50, $0x38;
	[tilespmem:$0x1DC60] =	vst v63  }
0x3b6: {  	s25 =	sadd.s32 $0x1, s25;
	s0 =	sadd.s32 s9, s0  }
0x3b7: {  	[tilespmem:s23], [sflag:$0x2] =	stream.linear.gather [hbm4b:s0+s3], $0x50, $0x38;
	[tilespmem:$0x1DC60] =	vst v63  }
.LBB2_16:
0x3b8: {  	[bflag:$0x0] =	sbarrier.arrive $0xFFFF  }
0x3b9: {  	s12 =	sld [smem:$0x7EF];
	_ =	sdelay $0x1  }
0x3ba: {  	s0 =	simm.s32 @p2 $0x1FC9;
	s6 =	rddreg [dreg:$0xb]  }
0x3bb: {  	[hbm:s6], [sflag:s0] =	dma.local @p2 [spmem:s12], $0x2800  }
0x3bc: {  	s0 =	simm.s32 @p2 $0x9  }
0x3bd: {  	_ =	swait.ge @p2 [sflag:s0], $0x2800  }
0x3be: {  	s6 =	sld [smem:$0x7F0]  }
0x3bf: {  	s12 =	sld [smem:$0x7F1]  }
0x3c0: {  	[sflag:s0] =	ssyncset.done @p2 $0x0  }
0x3c1: {  	[sflag:s0] =	ssyncadd.s32 @p2 $0xFFFFD800;
	s0 =	rddreg [dreg:$0xa]  }
0x3c2: {  	[hbm:s0], [sflag:s12] =	dma.local @!p2 [spmem:s6], $0x2700  }
.Ltmp17:
0x3c3: {  	_ = 	snop;
	(pc) =	sbr.rel .LBB2_26-.Ltmp17, $4  }
0x3c4: {  	s0 =	simm.s32 @!p2 $0x9  }
0x3c5: {  	_ =	swait.ge @!p2 [sflag:s0], $0x2700  }
0x3c6: {  	[sflag:s0] =	ssyncset.done @!p2 $0x0  }
0x3c7: {  	s6 =	sld [smem:$0x7F2];
	[sflag:s0] =	ssyncadd.s32 @!p2 $0xFFFFD900  }
.LBB2_27:
0x3c8: {  	_ =	sfence.sel $0x180000  }
0x3c9: {  	[bflag:$0x0] =	sbarrier.arrive $0xFFFF  }
0x3ca: {  	_ =	strace $0x90000047  }
0x3cb: {  	[bflag:$0x2] =	sbarrier.arrive $0xFFFF  }
0x3cc: {  	s0 =	rddreg [dreg:$0x5]  }
0x3cd: {  	s0 =	sadd.s32 @!p3 $0x100000, s0  }
0x3ce: {  	[sflag:s0] =	ssyncadd.tile.s32 @!p3 $0x1;
	_ =	shalt  }
.Lfunc_end2:
_tile_overlayer_lowered:
.L_overlay_start_2:
0x3cf: {  	(tag) =	ssettag $0x2  }
0x3d0: {  	s0 =	rddreg [dreg:$0x0];
	s2 =	stileid.u32  }
0x3d1: {  	s1 =	rddreg [dreg:$0x1];
	p0 =	sne.s32 s2, $0x0  }
0x3d2: {  	s3 =	rddreg [dreg:$0x2];
	[bflag:$0x3] =	sbarrier.arrive $0xFFFF;
	s2 =	simm.s32 @!p0 $0x1C09  }
0x3d3: {  	[timem:s3], [sflag:s2] =	dma.local @!p0 [hbm:s0], s1  }
0x3d4: {  	s0 =	simm.s32 @!p0 $0x9  }
0x3d5: {  	_ =	swait.ge @!p0 [sflag:s0], s1  }
0x3d6: {  	s1 =	ssub.s32 @!p0 $0x0, s1;
	[sflag:s0] =	ssyncset.done @!p0 $0x0  }
0x3d7: {  	[sflag:s0] =	ssyncadd.s32 @!p0 s1  }
0x3d8: {  	[bflag:$0x3] =	sbarrier.arrive $0xFFFF  }
0x3d9: {  	_ =	shalt  }

</sc_bundles>
